<compile_context>
chip_gen: v7x
topology: tpu7x:2x2x1
jax: 0.10.2.dev20260603
libtpu: 0.0.44.dev20260713+nightly
codegen_flags: <defaults>
</compile_context>

<pallas_src>
import functools

import jax
import jax.numpy as jnp
from jax import lax
from jax.experimental import pallas as pl
from jax.experimental.pallas import tpu as pltpu
from jax.experimental.pallas import tpu_sc as plsc

B = 16384
D = 64
W = 128
NC = 2
NS = 16
NW = NC * NS
CHUNK = B // NW
NIDX = 128
NJ = CHUNK // NIDX
LANES = 16
WAVE = 256
NWAVE = CHUNK // WAVE
JPW = WAVE // NIDX


def _mf_body(uid_hbm, iid_hbm, p_hbm, out_hbm,
             idx_u, idx_i, rows_u, rows_i, m_v, out_v, sem):
    c = lax.axis_index("c")
    s = lax.axis_index("s")
    wid = s * NC + c
    base = wid * NJ

    pltpu.sync_copy(uid_hbm.at[pl.ds(base, NJ)], idx_u)
    pltpu.sync_copy(iid_hbm.at[pl.ds(base, NJ)], idx_i)

    last_u = p_hbm.shape[0] - 1
    last_i = p_hbm.shape[0] - 1

    for a in range(NJ):
        for k in range(NIDX // LANES):
            sl = pl.ds(k * LANES, LANES)
            u = idx_u[a, sl]
            idx_u[a, sl] = jnp.where(u == 0, last_u, u - 1)
            v = idx_i[a, sl]
            idx_i[a, sl] = jnp.where(v == 0, last_i, v - 1)

    col0 = lax.iota(jnp.int32, LANES) * LANES

    for w in range(NWAVE):
        cps = []
        for j in range(JPW):
            cj = w * JPW + j
            cps.append(pltpu.async_copy(
                p_hbm.at[idx_u.at[cj]], rows_u.at[pl.ds(j * NIDX, NIDX)], sem))
            cps.append(pltpu.async_copy(
                p_hbm.at[idx_i.at[cj]], rows_i.at[pl.ds(j * NIDX, NIDX)], sem))
        for cp in cps:
            cp.wait()

        def group(g, carry):
            for l in range(LANES):
                r = g * LANES + l
                acc = (rows_u[r, pl.ds(0, LANES)]
                       * rows_i[r, pl.ds(D, LANES)])
                for jj in range(1, D // LANES):
                    acc = acc + (rows_u[r, pl.ds(jj * LANES, LANES)]
                                 * rows_i[r, pl.ds(D + jj * LANES, LANES)])
                m_v[pl.ds(l * LANES, LANES)] = acc
            res = plsc.load_gather(m_v, [col0])
            for l in range(1, LANES):
                res = res + plsc.load_gather(m_v, [col0 + l])
            out_v[pl.ds(w * WAVE + g * LANES, LANES)] = res
            return carry

        lax.fori_loop(0, WAVE // LANES, group, 0)

    pltpu.sync_copy(out_v, out_hbm.at[pl.ds(wid * CHUNK, CHUNK)])


@functools.partial(
    pl.kernel,
    mesh=plsc.VectorSubcoreMesh(core_axis_name="c", subcore_axis_name="s"),
    out_type=jax.ShapeDtypeStruct((B,), jnp.float32),
    compiler_params=pltpu.CompilerParams(
        needs_layout_passes=False, use_tc_tiling_on_sc=True),
    scratch_types=[
        pltpu.VMEM((NJ, NIDX), jnp.int32),
        pltpu.VMEM((NJ, NIDX), jnp.int32),
        pltpu.VMEM((WAVE, W), jnp.float32),
        pltpu.VMEM((WAVE, W), jnp.float32),
        pltpu.VMEM((LANES * LANES,), jnp.float32),
        pltpu.VMEM((CHUNK,), jnp.float32),
        pltpu.SemaphoreType.DMA,
    ],
)
def _mf_sc(uid_hbm, iid_hbm, p_hbm, out_hbm,
           idx_u, idx_i, rows_u, rows_i, m_v, out_v, sem):
    _mf_body(uid_hbm, iid_hbm, p_hbm, out_hbm,
             idx_u, idx_i, rows_u, rows_i, m_v, out_v, sem)


def kernel(avg_score, user_id, item_id, p, q):
    del avg_score
    uid2 = user_id.reshape(B // NIDX, NIDX)
    iid2 = item_id.reshape(B // NIDX, NIDX)
    t = jnp.concatenate([p, q], axis=1)
    out = _mf_sc(uid2, iid2, t)
    return out.reshape(B, 1, 1)

# --- scband reference (transcript-rebuilt; emitter-appended) ---
"""Pipeline reference for scband-mf-layer-51470888075576 (READ-ONLY COPY).

The authoritative reference and input builder live on the scoring server;
editing this copy changes nothing except your own understanding.
"""

import jax, jax.numpy as jnp
import numpy as np

B = 16384
U = 1000000
I = 1000000
D = 64


def setup_inputs(seed: int = 0) -> dict:
    key = jax.random.key(seed)
    k1, k2, k3, k4, k5 = jax.random.split(key, 5)
    avg_score = jax.random.uniform(k1, (B,), dtype=jnp.float32)
    user_id = jax.random.randint(k2, (B, 1), 0, U, dtype=jnp.int32)
    item_id = jax.random.randint(k3, (B, 1), 0, I, dtype=jnp.int32)
    # learned parameters (random_normal_initializer default stddev=0.05)
    p = jax.random.normal(k4, (U, D), dtype=jnp.float32) * 0.05
    q = jax.random.normal(k5, (I, D), dtype=jnp.float32) * 0.05
    return {"avg_score": avg_score, "user_id": user_id, "item_id": item_id, "p": p, "q": q}


def reference(avg_score, user_id, item_id, p, q):
    # use_bias=False path of MF_layer.call
    latent_user = jnp.take(p, user_id - 1, axis=0)  # [B, 1, D] (gather)
    latent_item = jnp.take(q, item_id - 1, axis=0)  # [B, 1, D] (gather)
    # tf.matmul(latent_item, latent_user, transpose_b=True) -> [B, 1, 1]
    outputs = jnp.matmul(latent_item, jnp.swapaxes(latent_user, -1, -2))
    return outputs

if __name__ == "__main__":
    import jax
    _d = setup_inputs()
    print(jax.jit(kernel)(*tuple(_d.values())))

</pallas_src>

<mosaic_0001>
#map = affine_map<(d0, d1) -> (0, 0)>
#map1 = affine_map<(d0, d1) -> (0)>
module attributes {stable_mosaic.version = 14 : i64} {
  func.func @_mf_sc(%arg0: i32, %arg1: i32, %arg2: memref<128x128xi32, #tpu.memory_space<hbm>>, %arg3: memref<128x128xi32, #tpu.memory_space<hbm>>, %arg4: memref<1000000x128xf32, #tpu.memory_space<hbm>>, %arg5: memref<16384xf32, #tpu.memory_space<hbm>>, %arg6: memref<4x128xi32, #tpu.memory_space<vmem>>, %arg7: memref<4x128xi32, #tpu.memory_space<vmem>>, %arg8: memref<256x128xf32, #tpu.memory_space<vmem>>, %arg9: memref<256x128xf32, #tpu.memory_space<vmem>>, %arg10: memref<256xf32, #tpu.memory_space<vmem>>, %arg11: memref<512xf32, #tpu.memory_space<vmem>>, %arg12: memref<!tpu.dma_semaphore, #tpu.memory_space<semaphore_mem>>) attributes {dimension_semantics = [#tpu.dimension_semantics<core_parallel>, #tpu.dimension_semantics<subcore_parallel>], iteration_bounds = array<i64: 2, 16>, scalar_prefetch = 0 : i64, scratch_operands = 7 : i64, tpu.core_type = #tpu.core_type<sc_vector_subcore>, window_params = [{transform_indices = #map}, {transform_indices = #map}, {transform_indices = #map}, {transform_indices = #map1}]} {
    %mul3A = arith.constant 2 : i32
    %mul3A_0 = arith.muli %arg1, %mul3A : i32
    %add3A = arith.addi %mul3A_0, %arg0 : i32
    %mul3A_1 = arith.constant 4 : i32
    %mul3A_2 = arith.muli %add3A, %mul3A_1 : i32
    "tpu.region"() ({
      %run_scoped3A = tpu.sem_alloc : memref<!tpu.dma_semaphore, #tpu.memory_space<semaphore_mem>>
      %dma_start3A_1258 = arith.constant 0 : i32
      %dma_start3A_1259 = tpu.memref_slice %arg2[%mul3A_2, %dma_start3A_1258] : memref<128x128xi32, #tpu.memory_space<hbm>> -> memref<4x128xi32, #tpu.memory_space<hbm>>
      %dma_start3A_1260 = arith.constant 0 : i32
      %dma_start3A_1261 = tpu.memref_slice %arg2[%mul3A_2, %dma_start3A_1260] : memref<128x128xi32, #tpu.memory_space<hbm>> -> memref<4x128xi32, #tpu.memory_space<hbm>>
      tpu.enqueue_dma source(%dma_start3A_1261 : memref<4x128xi32, #tpu.memory_space<hbm>>) target(%arg6 : memref<4x128xi32, #tpu.memory_space<vmem>>) target_semaphore(%run_scoped3A : memref<!tpu.dma_semaphore, #tpu.memory_space<semaphore_mem>>)
      %dma_wait3A_1262 = arith.constant 0 : i32
      %dma_wait3A_1263 = tpu.memref_slice %arg2[%mul3A_2, %dma_wait3A_1262] : memref<128x128xi32, #tpu.memory_space<hbm>> -> memref<4x128xi32, #tpu.memory_space<hbm>>
      %dma_wait3A_1264 = arith.constant 0 : i32
      %dma_wait3A_1265 = tpu.memref_slice %arg2[%mul3A_2, %dma_wait3A_1264] : memref<128x128xi32, #tpu.memory_space<hbm>> -> memref<4x128xi32, #tpu.memory_space<hbm>>
      tpu.wait_dma2 semaphore(%run_scoped3A : memref<!tpu.dma_semaphore, #tpu.memory_space<semaphore_mem>>) src(%dma_wait3A_1265 : memref<4x128xi32, #tpu.memory_space<hbm>>) dst(%arg6 : memref<4x128xi32, #tpu.memory_space<vmem>>)
      tpu.yield
    }) : () -> ()
    "tpu.region"() ({
      %run_scoped3A = tpu.sem_alloc : memref<!tpu.dma_semaphore, #tpu.memory_space<semaphore_mem>>
      %dma_start3A_1258 = arith.constant 0 : i32
      %dma_start3A_1259 = tpu.memref_slice %arg3[%mul3A_2, %dma_start3A_1258] : memref<128x128xi32, #tpu.memory_space<hbm>> -> memref<4x128xi32, #tpu.memory_space<hbm>>
      %dma_start3A_1260 = arith.constant 0 : i32
      %dma_start3A_1261 = tpu.memref_slice %arg3[%mul3A_2, %dma_start3A_1260] : memref<128x128xi32, #tpu.memory_space<hbm>> -> memref<4x128xi32, #tpu.memory_space<hbm>>
      tpu.enqueue_dma source(%dma_start3A_1261 : memref<4x128xi32, #tpu.memory_space<hbm>>) target(%arg7 : memref<4x128xi32, #tpu.memory_space<vmem>>) target_semaphore(%run_scoped3A : memref<!tpu.dma_semaphore, #tpu.memory_space<semaphore_mem>>)
      %dma_wait3A_1262 = arith.constant 0 : i32
      %dma_wait3A_1263 = tpu.memref_slice %arg3[%mul3A_2, %dma_wait3A_1262] : memref<128x128xi32, #tpu.memory_space<hbm>> -> memref<4x128xi32, #tpu.memory_space<hbm>>
      %dma_wait3A_1264 = arith.constant 0 : i32
      %dma_wait3A_1265 = tpu.memref_slice %arg3[%mul3A_2, %dma_wait3A_1264] : memref<128x128xi32, #tpu.memory_space<hbm>> -> memref<4x128xi32, #tpu.memory_space<hbm>>
      tpu.wait_dma2 semaphore(%run_scoped3A : memref<!tpu.dma_semaphore, #tpu.memory_space<semaphore_mem>>) src(%dma_wait3A_1265 : memref<4x128xi32, #tpu.memory_space<hbm>>) dst(%arg7 : memref<4x128xi32, #tpu.memory_space<vmem>>)
      tpu.yield
    }) : () -> ()
    %get3A = arith.constant 0 : i32
    %get3A_3 = arith.index_cast %get3A : i32 to index
    %get3A_4 = arith.constant 0 : index
    %get3A_5 = tpu.vector_load %arg6[%get3A_3, %get3A_4] {strides = array<i32>} : memref<4x128xi32, #tpu.memory_space<vmem>>, vector<16xi32>,
    %eq3A = arith.constant 0 : i32
    %eq3A_6 = vector.broadcast %eq3A : i32 to vector<16xi32>
    %eq3A_7 = arith.cmpi eq, %get3A_5, %eq3A_6 : vector<16xi32>
    %sub3A = arith.constant 1 : i32
    %sub3A_8 = vector.broadcast %sub3A : i32 to vector<16xi32>
    %sub3A_9 = arith.subi %get3A_5, %sub3A_8 : vector<16xi32>
    %jit3A = arith.constant 999999 : i32
    %broadcast_in_dim3A = vector.broadcast %jit3A : i32 to vector<16xi32>
    %select_n3A = arith.select %eq3A_7, %broadcast_in_dim3A, %sub3A_9 : vector<16xi1>, vector<16xi32>
    %swap3A = arith.constant 0 : i32
    %swap3A_10 = arith.index_cast %swap3A : i32 to index
    %swap3A_11 = arith.constant 0 : index
    %swap3A_12 = tpu.vector_load %arg6[%swap3A_10, %swap3A_11] {strides = array<i32>} : memref<4x128xi32, #tpu.memory_space<vmem>>, vector<16xi32>,
    tpu.vector_store %arg6[%swap3A_10, %swap3A_11], %select_n3A {strides = array<i32>} : memref<4x128xi32, #tpu.memory_space<vmem>>, vector<16xi32>,
    %get3A_13 = arith.constant 0 : i32
    %get3A_14 = arith.index_cast %get3A_13 : i32 to index
    %get3A_15 = arith.constant 0 : index
    %get3A_16 = tpu.vector_load %arg7[%get3A_14, %get3A_15] {strides = array<i32>} : memref<4x128xi32, #tpu.memory_space<vmem>>, vector<16xi32>,
    %eq3A_17 = arith.constant 0 : i32
    %eq3A_18 = vector.broadcast %eq3A_17 : i32 to vector<16xi32>
    %eq3A_19 = arith.cmpi eq, %get3A_16, %eq3A_18 : vector<16xi32>
    %sub3A_20 = arith.constant 1 : i32
    %sub3A_21 = vector.broadcast %sub3A_20 : i32 to vector<16xi32>
    %sub3A_22 = arith.subi %get3A_16, %sub3A_21 : vector<16xi32>
    %jit3A_23 = arith.constant 999999 : i32
    %broadcast_in_dim3A_24 = vector.broadcast %jit3A_23 : i32 to vector<16xi32>
    %select_n3A_25 = arith.select %eq3A_19, %broadcast_in_dim3A_24, %sub3A_22 : vector<16xi1>, vector<16xi32>
    %swap3A_26 = arith.constant 0 : i32
    %swap3A_27 = arith.index_cast %swap3A_26 : i32 to index
    %swap3A_28 = arith.constant 0 : index
    %swap3A_29 = tpu.vector_load %arg7[%swap3A_27, %swap3A_28] {strides = array<i32>} : memref<4x128xi32, #tpu.memory_space<vmem>>, vector<16xi32>,
    tpu.vector_store %arg7[%swap3A_27, %swap3A_28], %select_n3A_25 {strides = array<i32>} : memref<4x128xi32, #tpu.memory_space<vmem>>, vector<16xi32>,
    %get3A_30 = arith.constant 0 : i32
    %get3A_31 = arith.index_cast %get3A_30 : i32 to index
    %get3A_32 = arith.constant 16 : index
    %get3A_33 = tpu.vector_load %arg6[%get3A_31, %get3A_32] {strides = array<i32>} : memref<4x128xi32, #tpu.memory_space<vmem>>, vector<16xi32>,
    %eq3A_34 = arith.constant 0 : i32
    %eq3A_35 = vector.broadcast %eq3A_34 : i32 to vector<16xi32>
    %eq3A_36 = arith.cmpi eq, %get3A_33, %eq3A_35 : vector<16xi32>
    %sub3A_37 = arith.constant 1 : i32
    %sub3A_38 = vector.broadcast %sub3A_37 : i32 to vector<16xi32>
    %sub3A_39 = arith.subi %get3A_33, %sub3A_38 : vector<16xi32>
    %jit3A_40 = arith.constant 999999 : i32
    %broadcast_in_dim3A_41 = vector.broadcast %jit3A_40 : i32 to vector<16xi32>
    %select_n3A_42 = arith.select %eq3A_36, %broadcast_in_dim3A_41, %sub3A_39 : vector<16xi1>, vector<16xi32>
    %swap3A_43 = arith.constant 0 : i32
    %swap3A_44 = arith.index_cast %swap3A_43 : i32 to index
    %swap3A_45 = arith.constant 16 : index
    %swap3A_46 = tpu.vector_load %arg6[%swap3A_44, %swap3A_45] {strides = array<i32>} : memref<4x128xi32, #tpu.memory_space<vmem>>, vector<16xi32>,
    tpu.vector_store %arg6[%swap3A_44, %swap3A_45], %select_n3A_42 {strides = array<i32>} : memref<4x128xi32, #tpu.memory_space<vmem>>, vector<16xi32>,
    %get3A_47 = arith.constant 0 : i32
    %get3A_48 = arith.index_cast %get3A_47 : i32 to index
    %get3A_49 = arith.constant 16 : index
    %get3A_50 = tpu.vector_load %arg7[%get3A_48, %get3A_49] {strides = array<i32>} : memref<4x128xi32, #tpu.memory_space<vmem>>, vector<16xi32>,
    %eq3A_51 = arith.constant 0 : i32
    %eq3A_52 = vector.broadcast %eq3A_51 : i32 to vector<16xi32>
    %eq3A_53 = arith.cmpi eq, %get3A_50, %eq3A_52 : vector<16xi32>
    %sub3A_54 = arith.constant 1 : i32
    %sub3A_55 = vector.broadcast %sub3A_54 : i32 to vector<16xi32>
    %sub3A_56 = arith.subi %get3A_50, %sub3A_55 : vector<16xi32>
    %jit3A_57 = arith.constant 999999 : i32
    %broadcast_in_dim3A_58 = vector.broadcast %jit3A_57 : i32 to vector<16xi32>
    %select_n3A_59 = arith.select %eq3A_53, %broadcast_in_dim3A_58, %sub3A_56 : vector<16xi1>, vector<16xi32>
    %swap3A_60 = arith.constant 0 : i32
    %swap3A_61 = arith.index_cast %swap3A_60 : i32 to index
    %swap3A_62 = arith.constant 16 : index
    %swap3A_63 = tpu.vector_load %arg7[%swap3A_61, %swap3A_62] {strides = array<i32>} : memref<4x128xi32, #tpu.memory_space<vmem>>, vector<16xi32>,
    tpu.vector_store %arg7[%swap3A_61, %swap3A_62], %select_n3A_59 {strides = array<i32>} : memref<4x128xi32, #tpu.memory_space<vmem>>, vector<16xi32>,
    %get3A_64 = arith.constant 0 : i32
    %get3A_65 = arith.index_cast %get3A_64 : i32 to index
    %get3A_66 = arith.constant 32 : index
    %get3A_67 = tpu.vector_load %arg6[%get3A_65, %get3A_66] {strides = array<i32>} : memref<4x128xi32, #tpu.memory_space<vmem>>, vector<16xi32>,
    %eq3A_68 = arith.constant 0 : i32
    %eq3A_69 = vector.broadcast %eq3A_68 : i32 to vector<16xi32>
    %eq3A_70 = arith.cmpi eq, %get3A_67, %eq3A_69 : vector<16xi32>
    %sub3A_71 = arith.constant 1 : i32
    %sub3A_72 = vector.broadcast %sub3A_71 : i32 to vector<16xi32>
    %sub3A_73 = arith.subi %get3A_67, %sub3A_72 : vector<16xi32>
    %jit3A_74 = arith.constant 999999 : i32
    %broadcast_in_dim3A_75 = vector.broadcast %jit3A_74 : i32 to vector<16xi32>
    %select_n3A_76 = arith.select %eq3A_70, %broadcast_in_dim3A_75, %sub3A_73 : vector<16xi1>, vector<16xi32>
    %swap3A_77 = arith.constant 0 : i32
    %swap3A_78 = arith.index_cast %swap3A_77 : i32 to index
    %swap3A_79 = arith.constant 32 : index
    %swap3A_80 = tpu.vector_load %arg6[%swap3A_78, %swap3A_79] {strides = array<i32>} : memref<4x128xi32, #tpu.memory_space<vmem>>, vector<16xi32>,
    tpu.vector_store %arg6[%swap3A_78, %swap3A_79], %select_n3A_76 {strides = array<i32>} : memref<4x128xi32, #tpu.memory_space<vmem>>, vector<16xi32>,
    %get3A_81 = arith.constant 0 : i32
    %get3A_82 = arith.index_cast %get3A_81 : i32 to index
    %get3A_83 = arith.constant 32 : index
    %get3A_84 = tpu.vector_load %arg7[%get3A_82, %get3A_83] {strides = array<i32>} : memref<4x128xi32, #tpu.memory_space<vmem>>, vector<16xi32>,
    %eq3A_85 = arith.constant 0 : i32
    %eq3A_86 = vector.broadcast %eq3A_85 : i32 to vector<16xi32>
    %eq3A_87 = arith.cmpi eq, %get3A_84, %eq3A_86 : vector<16xi32>
    %sub3A_88 = arith.constant 1 : i32
    %sub3A_89 = vector.broadcast %sub3A_88 : i32 to vector<16xi32>
    %sub3A_90 = arith.subi %get3A_84, %sub3A_89 : vector<16xi32>
    %jit3A_91 = arith.constant 999999 : i32
    %broadcast_in_dim3A_92 = vector.broadcast %jit3A_91 : i32 to vector<16xi32>
    %select_n3A_93 = arith.select %eq3A_87, %broadcast_in_dim3A_92, %sub3A_90 : vector<16xi1>, vector<16xi32>
    %swap3A_94 = arith.constant 0 : i32
    %swap3A_95 = arith.index_cast %swap3A_94 : i32 to index
    %swap3A_96 = arith.constant 32 : index
    %swap3A_97 = tpu.vector_load %arg7[%swap3A_95, %swap3A_96] {strides = array<i32>} : memref<4x128xi32, #tpu.memory_space<vmem>>, vector<16xi32>,
    tpu.vector_store %arg7[%swap3A_95, %swap3A_96], %select_n3A_93 {strides = array<i32>} : memref<4x128xi32, #tpu.memory_space<vmem>>, vector<16xi32>,
    %get3A_98 = arith.constant 0 : i32
    %get3A_99 = arith.index_cast %get3A_98 : i32 to index
    %get3A_100 = arith.constant 48 : index
    %get3A_101 = tpu.vector_load %arg6[%get3A_99, %get3A_100] {strides = array<i32>} : memref<4x128xi32, #tpu.memory_space<vmem>>, vector<16xi32>,
    %eq3A_102 = arith.constant 0 : i32
    %eq3A_103 = vector.broadcast %eq3A_102 : i32 to vector<16xi32>
    %eq3A_104 = arith.cmpi eq, %get3A_101, %eq3A_103 : vector<16xi32>
    %sub3A_105 = arith.constant 1 : i32
    %sub3A_106 = vector.broadcast %sub3A_105 : i32 to vector<16xi32>
    %sub3A_107 = arith.subi %get3A_101, %sub3A_106 : vector<16xi32>
    %jit3A_108 = arith.constant 999999 : i32
    %broadcast_in_dim3A_109 = vector.broadcast %jit3A_108 : i32 to vector<16xi32>
    %select_n3A_110 = arith.select %eq3A_104, %broadcast_in_dim3A_109, %sub3A_107 : vector<16xi1>, vector<16xi32>
    %swap3A_111 = arith.constant 0 : i32
    %swap3A_112 = arith.index_cast %swap3A_111 : i32 to index
    %swap3A_113 = arith.constant 48 : index
    %swap3A_114 = tpu.vector_load %arg6[%swap3A_112, %swap3A_113] {strides = array<i32>} : memref<4x128xi32, #tpu.memory_space<vmem>>, vector<16xi32>,
    tpu.vector_store %arg6[%swap3A_112, %swap3A_113], %select_n3A_110 {strides = array<i32>} : memref<4x128xi32, #tpu.memory_space<vmem>>, vector<16xi32>,
    %get3A_115 = arith.constant 0 : i32
    %get3A_116 = arith.index_cast %get3A_115 : i32 to index
    %get3A_117 = arith.constant 48 : index
    %get3A_118 = tpu.vector_load %arg7[%get3A_116, %get3A_117] {strides = array<i32>} : memref<4x128xi32, #tpu.memory_space<vmem>>, vector<16xi32>,
    %eq3A_119 = arith.constant 0 : i32
    %eq3A_120 = vector.broadcast %eq3A_119 : i32 to vector<16xi32>
    %eq3A_121 = arith.cmpi eq, %get3A_118, %eq3A_120 : vector<16xi32>
    %sub3A_122 = arith.constant 1 : i32
    %sub3A_123 = vector.broadcast %sub3A_122 : i32 to vector<16xi32>
    %sub3A_124 = arith.subi %get3A_118, %sub3A_123 : vector<16xi32>
    %jit3A_125 = arith.constant 999999 : i32
    %broadcast_in_dim3A_126 = vector.broadcast %jit3A_125 : i32 to vector<16xi32>
    %select_n3A_127 = arith.select %eq3A_121, %broadcast_in_dim3A_126, %sub3A_124 : vector<16xi1>, vector<16xi32>
    %swap3A_128 = arith.constant 0 : i32
    %swap3A_129 = arith.index_cast %swap3A_128 : i32 to index
    %swap3A_130 = arith.constant 48 : index
    %swap3A_131 = tpu.vector_load %arg7[%swap3A_129, %swap3A_130] {strides = array<i32>} : memref<4x128xi32, #tpu.memory_space<vmem>>, vector<16xi32>,
    tpu.vector_store %arg7[%swap3A_129, %swap3A_130], %select_n3A_127 {strides = array<i32>} : memref<4x128xi32, #tpu.memory_space<vmem>>, vector<16xi32>,
    %get3A_132 = arith.constant 0 : i32
    %get3A_133 = arith.index_cast %get3A_132 : i32 to index
    %get3A_134 = arith.constant 64 : index
    %get3A_135 = tpu.vector_load %arg6[%get3A_133, %get3A_134] {strides = array<i32>} : memref<4x128xi32, #tpu.memory_space<vmem>>, vector<16xi32>,
    %eq3A_136 = arith.constant 0 : i32
    %eq3A_137 = vector.broadcast %eq3A_136 : i32 to vector<16xi32>
    %eq3A_138 = arith.cmpi eq, %get3A_135, %eq3A_137 : vector<16xi32>
    %sub3A_139 = arith.constant 1 : i32
    %sub3A_140 = vector.broadcast %sub3A_139 : i32 to vector<16xi32>
    %sub3A_141 = arith.subi %get3A_135, %sub3A_140 : vector<16xi32>
    %jit3A_142 = arith.constant 999999 : i32
    %broadcast_in_dim3A_143 = vector.broadcast %jit3A_142 : i32 to vector<16xi32>
    %select_n3A_144 = arith.select %eq3A_138, %broadcast_in_dim3A_143, %sub3A_141 : vector<16xi1>, vector<16xi32>
    %swap3A_145 = arith.constant 0 : i32
    %swap3A_146 = arith.index_cast %swap3A_145 : i32 to index
    %swap3A_147 = arith.constant 64 : index
    %swap3A_148 = tpu.vector_load %arg6[%swap3A_146, %swap3A_147] {strides = array<i32>} : memref<4x128xi32, #tpu.memory_space<vmem>>, vector<16xi32>,
    tpu.vector_store %arg6[%swap3A_146, %swap3A_147], %select_n3A_144 {strides = array<i32>} : memref<4x128xi32, #tpu.memory_space<vmem>>, vector<16xi32>,
    %get3A_149 = arith.constant 0 : i32
    %get3A_150 = arith.index_cast %get3A_149 : i32 to index
    %get3A_151 = arith.constant 64 : index
    %get3A_152 = tpu.vector_load %arg7[%get3A_150, %get3A_151] {strides = array<i32>} : memref<4x128xi32, #tpu.memory_space<vmem>>, vector<16xi32>,
    %eq3A_153 = arith.constant 0 : i32
    %eq3A_154 = vector.broadcast %eq3A_153 : i32 to vector<16xi32>
    %eq3A_155 = arith.cmpi eq, %get3A_152, %eq3A_154 : vector<16xi32>
    %sub3A_156 = arith.constant 1 : i32
    %sub3A_157 = vector.broadcast %sub3A_156 : i32 to vector<16xi32>
    %sub3A_158 = arith.subi %get3A_152, %sub3A_157 : vector<16xi32>
    %jit3A_159 = arith.constant 999999 : i32
    %broadcast_in_dim3A_160 = vector.broadcast %jit3A_159 : i32 to vector<16xi32>
    %select_n3A_161 = arith.select %eq3A_155, %broadcast_in_dim3A_160, %sub3A_158 : vector<16xi1>, vector<16xi32>
    %swap3A_162 = arith.constant 0 : i32
    %swap3A_163 = arith.index_cast %swap3A_162 : i32 to index
    %swap3A_164 = arith.constant 64 : index
    %swap3A_165 = tpu.vector_load %arg7[%swap3A_163, %swap3A_164] {strides = array<i32>} : memref<4x128xi32, #tpu.memory_space<vmem>>, vector<16xi32>,
    tpu.vector_store %arg7[%swap3A_163, %swap3A_164], %select_n3A_161 {strides = array<i32>} : memref<4x128xi32, #tpu.memory_space<vmem>>, vector<16xi32>,
    %get3A_166 = arith.constant 0 : i32
    %get3A_167 = arith.index_cast %get3A_166 : i32 to index
    %get3A_168 = arith.constant 80 : index
    %get3A_169 = tpu.vector_load %arg6[%get3A_167, %get3A_168] {strides = array<i32>} : memref<4x128xi32, #tpu.memory_space<vmem>>, vector<16xi32>,
    %eq3A_170 = arith.constant 0 : i32
    %eq3A_171 = vector.broadcast %eq3A_170 : i32 to vector<16xi32>
    %eq3A_172 = arith.cmpi eq, %get3A_169, %eq3A_171 : vector<16xi32>
    %sub3A_173 = arith.constant 1 : i32
    %sub3A_174 = vector.broadcast %sub3A_173 : i32 to vector<16xi32>
    %sub3A_175 = arith.subi %get3A_169, %sub3A_174 : vector<16xi32>
    %jit3A_176 = arith.constant 999999 : i32
    %broadcast_in_dim3A_177 = vector.broadcast %jit3A_176 : i32 to vector<16xi32>
    %select_n3A_178 = arith.select %eq3A_172, %broadcast_in_dim3A_177, %sub3A_175 : vector<16xi1>, vector<16xi32>
    %swap3A_179 = arith.constant 0 : i32
    %swap3A_180 = arith.index_cast %swap3A_179 : i32 to index
    %swap3A_181 = arith.constant 80 : index
    %swap3A_182 = tpu.vector_load %arg6[%swap3A_180, %swap3A_181] {strides = array<i32>} : memref<4x128xi32, #tpu.memory_space<vmem>>, vector<16xi32>,
    tpu.vector_store %arg6[%swap3A_180, %swap3A_181], %select_n3A_178 {strides = array<i32>} : memref<4x128xi32, #tpu.memory_space<vmem>>, vector<16xi32>,
    %get3A_183 = arith.constant 0 : i32
    %get3A_184 = arith.index_cast %get3A_183 : i32 to index
    %get3A_185 = arith.constant 80 : index
    %get3A_186 = tpu.vector_load %arg7[%get3A_184, %get3A_185] {strides = array<i32>} : memref<4x128xi32, #tpu.memory_space<vmem>>, vector<16xi32>,
    %eq3A_187 = arith.constant 0 : i32
    %eq3A_188 = vector.broadcast %eq3A_187 : i32 to vector<16xi32>
    %eq3A_189 = arith.cmpi eq, %get3A_186, %eq3A_188 : vector<16xi32>
    %sub3A_190 = arith.constant 1 : i32
    %sub3A_191 = vector.broadcast %sub3A_190 : i32 to vector<16xi32>
    %sub3A_192 = arith.subi %get3A_186, %sub3A_191 : vector<16xi32>
    %jit3A_193 = arith.constant 999999 : i32
    %broadcast_in_dim3A_194 = vector.broadcast %jit3A_193 : i32 to vector<16xi32>
    %select_n3A_195 = arith.select %eq3A_189, %broadcast_in_dim3A_194, %sub3A_192 : vector<16xi1>, vector<16xi32>
    %swap3A_196 = arith.constant 0 : i32
    %swap3A_197 = arith.index_cast %swap3A_196 : i32 to index
    %swap3A_198 = arith.constant 80 : index
    %swap3A_199 = tpu.vector_load %arg7[%swap3A_197, %swap3A_198] {strides = array<i32>} : memref<4x128xi32, #tpu.memory_space<vmem>>, vector<16xi32>,
    tpu.vector_store %arg7[%swap3A_197, %swap3A_198], %select_n3A_195 {strides = array<i32>} : memref<4x128xi32, #tpu.memory_space<vmem>>, vector<16xi32>,
    %get3A_200 = arith.constant 0 : i32
    %get3A_201 = arith.index_cast %get3A_200 : i32 to index
    %get3A_202 = arith.constant 96 : index
    %get3A_203 = tpu.vector_load %arg6[%get3A_201, %get3A_202] {strides = array<i32>} : memref<4x128xi32, #tpu.memory_space<vmem>>, vector<16xi32>,
    %eq3A_204 = arith.constant 0 : i32
    %eq3A_205 = vector.broadcast %eq3A_204 : i32 to vector<16xi32>
    %eq3A_206 = arith.cmpi eq, %get3A_203, %eq3A_205 : vector<16xi32>
    %sub3A_207 = arith.constant 1 : i32
    %sub3A_208 = vector.broadcast %sub3A_207 : i32 to vector<16xi32>
    %sub3A_209 = arith.subi %get3A_203, %sub3A_208 : vector<16xi32>
    %jit3A_210 = arith.constant 999999 : i32
    %broadcast_in_dim3A_211 = vector.broadcast %jit3A_210 : i32 to vector<16xi32>
    %select_n3A_212 = arith.select %eq3A_206, %broadcast_in_dim3A_211, %sub3A_209 : vector<16xi1>, vector<16xi32>
    %swap3A_213 = arith.constant 0 : i32
    %swap3A_214 = arith.index_cast %swap3A_213 : i32 to index
    %swap3A_215 = arith.constant 96 : index
    %swap3A_216 = tpu.vector_load %arg6[%swap3A_214, %swap3A_215] {strides = array<i32>} : memref<4x128xi32, #tpu.memory_space<vmem>>, vector<16xi32>,
    tpu.vector_store %arg6[%swap3A_214, %swap3A_215], %select_n3A_212 {strides = array<i32>} : memref<4x128xi32, #tpu.memory_space<vmem>>, vector<16xi32>,
    %get3A_217 = arith.constant 0 : i32
    %get3A_218 = arith.index_cast %get3A_217 : i32 to index
    %get3A_219 = arith.constant 96 : index
    %get3A_220 = tpu.vector_load %arg7[%get3A_218, %get3A_219] {strides = array<i32>} : memref<4x128xi32, #tpu.memory_space<vmem>>, vector<16xi32>,
    %eq3A_221 = arith.constant 0 : i32
    %eq3A_222 = vector.broadcast %eq3A_221 : i32 to vector<16xi32>
    %eq3A_223 = arith.cmpi eq, %get3A_220, %eq3A_222 : vector<16xi32>
    %sub3A_224 = arith.constant 1 : i32
    %sub3A_225 = vector.broadcast %sub3A_224 : i32 to vector<16xi32>
    %sub3A_226 = arith.subi %get3A_220, %sub3A_225 : vector<16xi32>
    %jit3A_227 = arith.constant 999999 : i32
    %broadcast_in_dim3A_228 = vector.broadcast %jit3A_227 : i32 to vector<16xi32>
    %select_n3A_229 = arith.select %eq3A_223, %broadcast_in_dim3A_228, %sub3A_226 : vector<16xi1>, vector<16xi32>
    %swap3A_230 = arith.constant 0 : i32
    %swap3A_231 = arith.index_cast %swap3A_230 : i32 to index
    %swap3A_232 = arith.constant 96 : index
    %swap3A_233 = tpu.vector_load %arg7[%swap3A_231, %swap3A_232] {strides = array<i32>} : memref<4x128xi32, #tpu.memory_space<vmem>>, vector<16xi32>,
    tpu.vector_store %arg7[%swap3A_231, %swap3A_232], %select_n3A_229 {strides = array<i32>} : memref<4x128xi32, #tpu.memory_space<vmem>>, vector<16xi32>,
    %get3A_234 = arith.constant 0 : i32
    %get3A_235 = arith.index_cast %get3A_234 : i32 to index
    %get3A_236 = arith.constant 112 : index
    %get3A_237 = tpu.vector_load %arg6[%get3A_235, %get3A_236] {strides = array<i32>} : memref<4x128xi32, #tpu.memory_space<vmem>>, vector<16xi32>,
    %eq3A_238 = arith.constant 0 : i32
    %eq3A_239 = vector.broadcast %eq3A_238 : i32 to vector<16xi32>
    %eq3A_240 = arith.cmpi eq, %get3A_237, %eq3A_239 : vector<16xi32>
    %sub3A_241 = arith.constant 1 : i32
    %sub3A_242 = vector.broadcast %sub3A_241 : i32 to vector<16xi32>
    %sub3A_243 = arith.subi %get3A_237, %sub3A_242 : vector<16xi32>
    %jit3A_244 = arith.constant 999999 : i32
    %broadcast_in_dim3A_245 = vector.broadcast %jit3A_244 : i32 to vector<16xi32>
    %select_n3A_246 = arith.select %eq3A_240, %broadcast_in_dim3A_245, %sub3A_243 : vector<16xi1>, vector<16xi32>
    %swap3A_247 = arith.constant 0 : i32
    %swap3A_248 = arith.index_cast %swap3A_247 : i32 to index
    %swap3A_249 = arith.constant 112 : index
    %swap3A_250 = tpu.vector_load %arg6[%swap3A_248, %swap3A_249] {strides = array<i32>} : memref<4x128xi32, #tpu.memory_space<vmem>>, vector<16xi32>,
    tpu.vector_store %arg6[%swap3A_248, %swap3A_249], %select_n3A_246 {strides = array<i32>} : memref<4x128xi32, #tpu.memory_space<vmem>>, vector<16xi32>,
    %get3A_251 = arith.constant 0 : i32
    %get3A_252 = arith.index_cast %get3A_251 : i32 to index
    %get3A_253 = arith.constant 112 : index
    %get3A_254 = tpu.vector_load %arg7[%get3A_252, %get3A_253] {strides = array<i32>} : memref<4x128xi32, #tpu.memory_space<vmem>>, vector<16xi32>,
    %eq3A_255 = arith.constant 0 : i32
    %eq3A_256 = vector.broadcast %eq3A_255 : i32 to vector<16xi32>
    %eq3A_257 = arith.cmpi eq, %get3A_254, %eq3A_256 : vector<16xi32>
    %sub3A_258 = arith.constant 1 : i32
    %sub3A_259 = vector.broadcast %sub3A_258 : i32 to vector<16xi32>
    %sub3A_260 = arith.subi %get3A_254, %sub3A_259 : vector<16xi32>
    %jit3A_261 = arith.constant 999999 : i32
    %broadcast_in_dim3A_262 = vector.broadcast %jit3A_261 : i32 to vector<16xi32>
    %select_n3A_263 = arith.select %eq3A_257, %broadcast_in_dim3A_262, %sub3A_260 : vector<16xi1>, vector<16xi32>
    %swap3A_264 = arith.constant 0 : i32
    %swap3A_265 = arith.index_cast %swap3A_264 : i32 to index
    %swap3A_266 = arith.constant 112 : index
    %swap3A_267 = tpu.vector_load %arg7[%swap3A_265, %swap3A_266] {strides = array<i32>} : memref<4x128xi32, #tpu.memory_space<vmem>>, vector<16xi32>,
    tpu.vector_store %arg7[%swap3A_265, %swap3A_266], %select_n3A_263 {strides = array<i32>} : memref<4x128xi32, #tpu.memory_space<vmem>>, vector<16xi32>,
    %get3A_268 = arith.constant 1 : i32
    %get3A_269 = arith.index_cast %get3A_268 : i32 to index
    %get3A_270 = arith.constant 0 : index
    %get3A_271 = tpu.vector_load %arg6[%get3A_269, %get3A_270] {strides = array<i32>} : memref<4x128xi32, #tpu.memory_space<vmem>>, vector<16xi32>,
    %eq3A_272 = arith.constant 0 : i32
    %eq3A_273 = vector.broadcast %eq3A_272 : i32 to vector<16xi32>
    %eq3A_274 = arith.cmpi eq, %get3A_271, %eq3A_273 : vector<16xi32>
    %sub3A_275 = arith.constant 1 : i32
    %sub3A_276 = vector.broadcast %sub3A_275 : i32 to vector<16xi32>
    %sub3A_277 = arith.subi %get3A_271, %sub3A_276 : vector<16xi32>
    %jit3A_278 = arith.constant 999999 : i32
    %broadcast_in_dim3A_279 = vector.broadcast %jit3A_278 : i32 to vector<16xi32>
    %select_n3A_280 = arith.select %eq3A_274, %broadcast_in_dim3A_279, %sub3A_277 : vector<16xi1>, vector<16xi32>
    %swap3A_281 = arith.constant 1 : i32
    %swap3A_282 = arith.index_cast %swap3A_281 : i32 to index
    %swap3A_283 = arith.constant 0 : index
    %swap3A_284 = tpu.vector_load %arg6[%swap3A_282, %swap3A_283] {strides = array<i32>} : memref<4x128xi32, #tpu.memory_space<vmem>>, vector<16xi32>,
    tpu.vector_store %arg6[%swap3A_282, %swap3A_283], %select_n3A_280 {strides = array<i32>} : memref<4x128xi32, #tpu.memory_space<vmem>>, vector<16xi32>,
    %get3A_285 = arith.constant 1 : i32
    %get3A_286 = arith.index_cast %get3A_285 : i32 to index
    %get3A_287 = arith.constant 0 : index
    %get3A_288 = tpu.vector_load %arg7[%get3A_286, %get3A_287] {strides = array<i32>} : memref<4x128xi32, #tpu.memory_space<vmem>>, vector<16xi32>,
    %eq3A_289 = arith.constant 0 : i32
    %eq3A_290 = vector.broadcast %eq3A_289 : i32 to vector<16xi32>
    %eq3A_291 = arith.cmpi eq, %get3A_288, %eq3A_290 : vector<16xi32>
    %sub3A_292 = arith.constant 1 : i32
    %sub3A_293 = vector.broadcast %sub3A_292 : i32 to vector<16xi32>
    %sub3A_294 = arith.subi %get3A_288, %sub3A_293 : vector<16xi32>
    %jit3A_295 = arith.constant 999999 : i32
    %broadcast_in_dim3A_296 = vector.broadcast %jit3A_295 : i32 to vector<16xi32>
    %select_n3A_297 = arith.select %eq3A_291, %broadcast_in_dim3A_296, %sub3A_294 : vector<16xi1>, vector<16xi32>
    %swap3A_298 = arith.constant 1 : i32
    %swap3A_299 = arith.index_cast %swap3A_298 : i32 to index
    %swap3A_300 = arith.constant 0 : index
    %swap3A_301 = tpu.vector_load %arg7[%swap3A_299, %swap3A_300] {strides = array<i32>} : memref<4x128xi32, #tpu.memory_space<vmem>>, vector<16xi32>,
    tpu.vector_store %arg7[%swap3A_299, %swap3A_300], %select_n3A_297 {strides = array<i32>} : memref<4x128xi32, #tpu.memory_space<vmem>>, vector<16xi32>,
    %get3A_302 = arith.constant 1 : i32
    %get3A_303 = arith.index_cast %get3A_302 : i32 to index
    %get3A_304 = arith.constant 16 : index
    %get3A_305 = tpu.vector_load %arg6[%get3A_303, %get3A_304] {strides = array<i32>} : memref<4x128xi32, #tpu.memory_space<vmem>>, vector<16xi32>,
    %eq3A_306 = arith.constant 0 : i32
    %eq3A_307 = vector.broadcast %eq3A_306 : i32 to vector<16xi32>
    %eq3A_308 = arith.cmpi eq, %get3A_305, %eq3A_307 : vector<16xi32>
    %sub3A_309 = arith.constant 1 : i32
    %sub3A_310 = vector.broadcast %sub3A_309 : i32 to vector<16xi32>
    %sub3A_311 = arith.subi %get3A_305, %sub3A_310 : vector<16xi32>
    %jit3A_312 = arith.constant 999999 : i32
    %broadcast_in_dim3A_313 = vector.broadcast %jit3A_312 : i32 to vector<16xi32>
    %select_n3A_314 = arith.select %eq3A_308, %broadcast_in_dim3A_313, %sub3A_311 : vector<16xi1>, vector<16xi32>
    %swap3A_315 = arith.constant 1 : i32
    %swap3A_316 = arith.index_cast %swap3A_315 : i32 to index
    %swap3A_317 = arith.constant 16 : index
    %swap3A_318 = tpu.vector_load %arg6[%swap3A_316, %swap3A_317] {strides = array<i32>} : memref<4x128xi32, #tpu.memory_space<vmem>>, vector<16xi32>,
    tpu.vector_store %arg6[%swap3A_316, %swap3A_317], %select_n3A_314 {strides = array<i32>} : memref<4x128xi32, #tpu.memory_space<vmem>>, vector<16xi32>,
    %get3A_319 = arith.constant 1 : i32
    %get3A_320 = arith.index_cast %get3A_319 : i32 to index
    %get3A_321 = arith.constant 16 : index
    %get3A_322 = tpu.vector_load %arg7[%get3A_320, %get3A_321] {strides = array<i32>} : memref<4x128xi32, #tpu.memory_space<vmem>>, vector<16xi32>,
    %eq3A_323 = arith.constant 0 : i32
    %eq3A_324 = vector.broadcast %eq3A_323 : i32 to vector<16xi32>
    %eq3A_325 = arith.cmpi eq, %get3A_322, %eq3A_324 : vector<16xi32>
    %sub3A_326 = arith.constant 1 : i32
    %sub3A_327 = vector.broadcast %sub3A_326 : i32 to vector<16xi32>
    %sub3A_328 = arith.subi %get3A_322, %sub3A_327 : vector<16xi32>
    %jit3A_329 = arith.constant 999999 : i32
    %broadcast_in_dim3A_330 = vector.broadcast %jit3A_329 : i32 to vector<16xi32>
    %select_n3A_331 = arith.select %eq3A_325, %broadcast_in_dim3A_330, %sub3A_328 : vector<16xi1>, vector<16xi32>
    %swap3A_332 = arith.constant 1 : i32
    %swap3A_333 = arith.index_cast %swap3A_332 : i32 to index
    %swap3A_334 = arith.constant 16 : index
    %swap3A_335 = tpu.vector_load %arg7[%swap3A_333, %swap3A_334] {strides = array<i32>} : memref<4x128xi32, #tpu.memory_space<vmem>>, vector<16xi32>,
    tpu.vector_store %arg7[%swap3A_333, %swap3A_334], %select_n3A_331 {strides = array<i32>} : memref<4x128xi32, #tpu.memory_space<vmem>>, vector<16xi32>,
    %get3A_336 = arith.constant 1 : i32
    %get3A_337 = arith.index_cast %get3A_336 : i32 to index
    %get3A_338 = arith.constant 32 : index
    %get3A_339 = tpu.vector_load %arg6[%get3A_337, %get3A_338] {strides = array<i32>} : memref<4x128xi32, #tpu.memory_space<vmem>>, vector<16xi32>,
    %eq3A_340 = arith.constant 0 : i32
    %eq3A_341 = vector.broadcast %eq3A_340 : i32 to vector<16xi32>
    %eq3A_342 = arith.cmpi eq, %get3A_339, %eq3A_341 : vector<16xi32>
    %sub3A_343 = arith.constant 1 : i32
    %sub3A_344 = vector.broadcast %sub3A_343 : i32 to vector<16xi32>
    %sub3A_345 = arith.subi %get3A_339, %sub3A_344 : vector<16xi32>
    %jit3A_346 = arith.constant 999999 : i32
    %broadcast_in_dim3A_347 = vector.broadcast %jit3A_346 : i32 to vector<16xi32>
    %select_n3A_348 = arith.select %eq3A_342, %broadcast_in_dim3A_347, %sub3A_345 : vector<16xi1>, vector<16xi32>
    %swap3A_349 = arith.constant 1 : i32
    %swap3A_350 = arith.index_cast %swap3A_349 : i32 to index
    %swap3A_351 = arith.constant 32 : index
    %swap3A_352 = tpu.vector_load %arg6[%swap3A_350, %swap3A_351] {strides = array<i32>} : memref<4x128xi32, #tpu.memory_space<vmem>>, vector<16xi32>,
    tpu.vector_store %arg6[%swap3A_350, %swap3A_351], %select_n3A_348 {strides = array<i32>} : memref<4x128xi32, #tpu.memory_space<vmem>>, vector<16xi32>,
    %get3A_353 = arith.constant 1 : i32
    %get3A_354 = arith.index_cast %get3A_353 : i32 to index
    %get3A_355 = arith.constant 32 : index
    %get3A_356 = tpu.vector_load %arg7[%get3A_354, %get3A_355] {strides = array<i32>} : memref<4x128xi32, #tpu.memory_space<vmem>>, vector<16xi32>,
    %eq3A_357 = arith.constant 0 : i32
    %eq3A_358 = vector.broadcast %eq3A_357 : i32 to vector<16xi32>
    %eq3A_359 = arith.cmpi eq, %get3A_356, %eq3A_358 : vector<16xi32>
    %sub3A_360 = arith.constant 1 : i32
    %sub3A_361 = vector.broadcast %sub3A_360 : i32 to vector<16xi32>
    %sub3A_362 = arith.subi %get3A_356, %sub3A_361 : vector<16xi32>
    %jit3A_363 = arith.constant 999999 : i32
    %broadcast_in_dim3A_364 = vector.broadcast %jit3A_363 : i32 to vector<16xi32>
    %select_n3A_365 = arith.select %eq3A_359, %broadcast_in_dim3A_364, %sub3A_362 : vector<16xi1>, vector<16xi32>
    %swap3A_366 = arith.constant 1 : i32
    %swap3A_367 = arith.index_cast %swap3A_366 : i32 to index
    %swap3A_368 = arith.constant 32 : index
    %swap3A_369 = tpu.vector_load %arg7[%swap3A_367, %swap3A_368] {strides = array<i32>} : memref<4x128xi32, #tpu.memory_space<vmem>>, vector<16xi32>,
    tpu.vector_store %arg7[%swap3A_367, %swap3A_368], %select_n3A_365 {strides = array<i32>} : memref<4x128xi32, #tpu.memory_space<vmem>>, vector<16xi32>,
    %get3A_370 = arith.constant 1 : i32
    %get3A_371 = arith.index_cast %get3A_370 : i32 to index
    %get3A_372 = arith.constant 48 : index
    %get3A_373 = tpu.vector_load %arg6[%get3A_371, %get3A_372] {strides = array<i32>} : memref<4x128xi32, #tpu.memory_space<vmem>>, vector<16xi32>,
    %eq3A_374 = arith.constant 0 : i32
    %eq3A_375 = vector.broadcast %eq3A_374 : i32 to vector<16xi32>
    %eq3A_376 = arith.cmpi eq, %get3A_373, %eq3A_375 : vector<16xi32>
    %sub3A_377 = arith.constant 1 : i32
    %sub3A_378 = vector.broadcast %sub3A_377 : i32 to vector<16xi32>
    %sub3A_379 = arith.subi %get3A_373, %sub3A_378 : vector<16xi32>
    %jit3A_380 = arith.constant 999999 : i32
    %broadcast_in_dim3A_381 = vector.broadcast %jit3A_380 : i32 to vector<16xi32>
    %select_n3A_382 = arith.select %eq3A_376, %broadcast_in_dim3A_381, %sub3A_379 : vector<16xi1>, vector<16xi32>
    %swap3A_383 = arith.constant 1 : i32
    %swap3A_384 = arith.index_cast %swap3A_383 : i32 to index
    %swap3A_385 = arith.constant 48 : index
    %swap3A_386 = tpu.vector_load %arg6[%swap3A_384, %swap3A_385] {strides = array<i32>} : memref<4x128xi32, #tpu.memory_space<vmem>>, vector<16xi32>,
    tpu.vector_store %arg6[%swap3A_384, %swap3A_385], %select_n3A_382 {strides = array<i32>} : memref<4x128xi32, #tpu.memory_space<vmem>>, vector<16xi32>,
    %get3A_387 = arith.constant 1 : i32
    %get3A_388 = arith.index_cast %get3A_387 : i32 to index
    %get3A_389 = arith.constant 48 : index
    %get3A_390 = tpu.vector_load %arg7[%get3A_388, %get3A_389] {strides = array<i32>} : memref<4x128xi32, #tpu.memory_space<vmem>>, vector<16xi32>,
    %eq3A_391 = arith.constant 0 : i32
    %eq3A_392 = vector.broadcast %eq3A_391 : i32 to vector<16xi32>
    %eq3A_393 = arith.cmpi eq, %get3A_390, %eq3A_392 : vector<16xi32>
    %sub3A_394 = arith.constant 1 : i32
    %sub3A_395 = vector.broadcast %sub3A_394 : i32 to vector<16xi32>
    %sub3A_396 = arith.subi %get3A_390, %sub3A_395 : vector<16xi32>
    %jit3A_397 = arith.constant 999999 : i32
    %broadcast_in_dim3A_398 = vector.broadcast %jit3A_397 : i32 to vector<16xi32>
    %select_n3A_399 = arith.select %eq3A_393, %broadcast_in_dim3A_398, %sub3A_396 : vector<16xi1>, vector<16xi32>
    %swap3A_400 = arith.constant 1 : i32
    %swap3A_401 = arith.index_cast %swap3A_400 : i32 to index
    %swap3A_402 = arith.constant 48 : index
    %swap3A_403 = tpu.vector_load %arg7[%swap3A_401, %swap3A_402] {strides = array<i32>} : memref<4x128xi32, #tpu.memory_space<vmem>>, vector<16xi32>,
    tpu.vector_store %arg7[%swap3A_401, %swap3A_402], %select_n3A_399 {strides = array<i32>} : memref<4x128xi32, #tpu.memory_space<vmem>>, vector<16xi32>,
    %get3A_404 = arith.constant 1 : i32
    %get3A_405 = arith.index_cast %get3A_404 : i32 to index
    %get3A_406 = arith.constant 64 : index
    %get3A_407 = tpu.vector_load %arg6[%get3A_405, %get3A_406] {strides = array<i32>} : memref<4x128xi32, #tpu.memory_space<vmem>>, vector<16xi32>,
    %eq3A_408 = arith.constant 0 : i32
    %eq3A_409 = vector.broadcast %eq3A_408 : i32 to vector<16xi32>
    %eq3A_410 = arith.cmpi eq, %get3A_407, %eq3A_409 : vector<16xi32>
    %sub3A_411 = arith.constant 1 : i32
    %sub3A_412 = vector.broadcast %sub3A_411 : i32 to vector<16xi32>
    %sub3A_413 = arith.subi %get3A_407, %sub3A_412 : vector<16xi32>
    %jit3A_414 = arith.constant 999999 : i32
    %broadcast_in_dim3A_415 = vector.broadcast %jit3A_414 : i32 to vector<16xi32>
    %select_n3A_416 = arith.select %eq3A_410, %broadcast_in_dim3A_415, %sub3A_413 : vector<16xi1>, vector<16xi32>
    %swap3A_417 = arith.constant 1 : i32
    %swap3A_418 = arith.index_cast %swap3A_417 : i32 to index
    %swap3A_419 = arith.constant 64 : index
    %swap3A_420 = tpu.vector_load %arg6[%swap3A_418, %swap3A_419] {strides = array<i32>} : memref<4x128xi32, #tpu.memory_space<vmem>>, vector<16xi32>,
    tpu.vector_store %arg6[%swap3A_418, %swap3A_419], %select_n3A_416 {strides = array<i32>} : memref<4x128xi32, #tpu.memory_space<vmem>>, vector<16xi32>,
    %get3A_421 = arith.constant 1 : i32
    %get3A_422 = arith.index_cast %get3A_421 : i32 to index
    %get3A_423 = arith.constant 64 : index
    %get3A_424 = tpu.vector_load %arg7[%get3A_422, %get3A_423] {strides = array<i32>} : memref<4x128xi32, #tpu.memory_space<vmem>>, vector<16xi32>,
    %eq3A_425 = arith.constant 0 : i32
    %eq3A_426 = vector.broadcast %eq3A_425 : i32 to vector<16xi32>
    %eq3A_427 = arith.cmpi eq, %get3A_424, %eq3A_426 : vector<16xi32>
    %sub3A_428 = arith.constant 1 : i32
    %sub3A_429 = vector.broadcast %sub3A_428 : i32 to vector<16xi32>
    %sub3A_430 = arith.subi %get3A_424, %sub3A_429 : vector<16xi32>
    %jit3A_431 = arith.constant 999999 : i32
    %broadcast_in_dim3A_432 = vector.broadcast %jit3A_431 : i32 to vector<16xi32>
    %select_n3A_433 = arith.select %eq3A_427, %broadcast_in_dim3A_432, %sub3A_430 : vector<16xi1>, vector<16xi32>
    %swap3A_434 = arith.constant 1 : i32
    %swap3A_435 = arith.index_cast %swap3A_434 : i32 to index
    %swap3A_436 = arith.constant 64 : index
    %swap3A_437 = tpu.vector_load %arg7[%swap3A_435, %swap3A_436] {strides = array<i32>} : memref<4x128xi32, #tpu.memory_space<vmem>>, vector<16xi32>,
    tpu.vector_store %arg7[%swap3A_435, %swap3A_436], %select_n3A_433 {strides = array<i32>} : memref<4x128xi32, #tpu.memory_space<vmem>>, vector<16xi32>,
    %get3A_438 = arith.constant 1 : i32
    %get3A_439 = arith.index_cast %get3A_438 : i32 to index
    %get3A_440 = arith.constant 80 : index
    %get3A_441 = tpu.vector_load %arg6[%get3A_439, %get3A_440] {strides = array<i32>} : memref<4x128xi32, #tpu.memory_space<vmem>>, vector<16xi32>,
    %eq3A_442 = arith.constant 0 : i32
    %eq3A_443 = vector.broadcast %eq3A_442 : i32 to vector<16xi32>
    %eq3A_444 = arith.cmpi eq, %get3A_441, %eq3A_443 : vector<16xi32>
    %sub3A_445 = arith.constant 1 : i32
    %sub3A_446 = vector.broadcast %sub3A_445 : i32 to vector<16xi32>
    %sub3A_447 = arith.subi %get3A_441, %sub3A_446 : vector<16xi32>
    %jit3A_448 = arith.constant 999999 : i32
    %broadcast_in_dim3A_449 = vector.broadcast %jit3A_448 : i32 to vector<16xi32>
    %select_n3A_450 = arith.select %eq3A_444, %broadcast_in_dim3A_449, %sub3A_447 : vector<16xi1>, vector<16xi32>
    %swap3A_451 = arith.constant 1 : i32
    %swap3A_452 = arith.index_cast %swap3A_451 : i32 to index
    %swap3A_453 = arith.constant 80 : index
    %swap3A_454 = tpu.vector_load %arg6[%swap3A_452, %swap3A_453] {strides = array<i32>} : memref<4x128xi32, #tpu.memory_space<vmem>>, vector<16xi32>,
    tpu.vector_store %arg6[%swap3A_452, %swap3A_453], %select_n3A_450 {strides = array<i32>} : memref<4x128xi32, #tpu.memory_space<vmem>>, vector<16xi32>,
    %get3A_455 = arith.constant 1 : i32
    %get3A_456 = arith.index_cast %get3A_455 : i32 to index
    %get3A_457 = arith.constant 80 : index
    %get3A_458 = tpu.vector_load %arg7[%get3A_456, %get3A_457] {strides = array<i32>} : memref<4x128xi32, #tpu.memory_space<vmem>>, vector<16xi32>,
    %eq3A_459 = arith.constant 0 : i32
    %eq3A_460 = vector.broadcast %eq3A_459 : i32 to vector<16xi32>
    %eq3A_461 = arith.cmpi eq, %get3A_458, %eq3A_460 : vector<16xi32>
    %sub3A_462 = arith.constant 1 : i32
    %sub3A_463 = vector.broadcast %sub3A_462 : i32 to vector<16xi32>
    %sub3A_464 = arith.subi %get3A_458, %sub3A_463 : vector<16xi32>
    %jit3A_465 = arith.constant 999999 : i32
    %broadcast_in_dim3A_466 = vector.broadcast %jit3A_465 : i32 to vector<16xi32>
    %select_n3A_467 = arith.select %eq3A_461, %broadcast_in_dim3A_466, %sub3A_464 : vector<16xi1>, vector<16xi32>
    %swap3A_468 = arith.constant 1 : i32
    %swap3A_469 = arith.index_cast %swap3A_468 : i32 to index
    %swap3A_470 = arith.constant 80 : index
    %swap3A_471 = tpu.vector_load %arg7[%swap3A_469, %swap3A_470] {strides = array<i32>} : memref<4x128xi32, #tpu.memory_space<vmem>>, vector<16xi32>,
    tpu.vector_store %arg7[%swap3A_469, %swap3A_470], %select_n3A_467 {strides = array<i32>} : memref<4x128xi32, #tpu.memory_space<vmem>>, vector<16xi32>,
    %get3A_472 = arith.constant 1 : i32
    %get3A_473 = arith.index_cast %get3A_472 : i32 to index
    %get3A_474 = arith.constant 96 : index
    %get3A_475 = tpu.vector_load %arg6[%get3A_473, %get3A_474] {strides = array<i32>} : memref<4x128xi32, #tpu.memory_space<vmem>>, vector<16xi32>,
    %eq3A_476 = arith.constant 0 : i32
    %eq3A_477 = vector.broadcast %eq3A_476 : i32 to vector<16xi32>
    %eq3A_478 = arith.cmpi eq, %get3A_475, %eq3A_477 : vector<16xi32>
    %sub3A_479 = arith.constant 1 : i32
    %sub3A_480 = vector.broadcast %sub3A_479 : i32 to vector<16xi32>
    %sub3A_481 = arith.subi %get3A_475, %sub3A_480 : vector<16xi32>
    %jit3A_482 = arith.constant 999999 : i32
    %broadcast_in_dim3A_483 = vector.broadcast %jit3A_482 : i32 to vector<16xi32>
    %select_n3A_484 = arith.select %eq3A_478, %broadcast_in_dim3A_483, %sub3A_481 : vector<16xi1>, vector<16xi32>
    %swap3A_485 = arith.constant 1 : i32
    %swap3A_486 = arith.index_cast %swap3A_485 : i32 to index
    %swap3A_487 = arith.constant 96 : index
    %swap3A_488 = tpu.vector_load %arg6[%swap3A_486, %swap3A_487] {strides = array<i32>} : memref<4x128xi32, #tpu.memory_space<vmem>>, vector<16xi32>,
    tpu.vector_store %arg6[%swap3A_486, %swap3A_487], %select_n3A_484 {strides = array<i32>} : memref<4x128xi32, #tpu.memory_space<vmem>>, vector<16xi32>,
    %get3A_489 = arith.constant 1 : i32
    %get3A_490 = arith.index_cast %get3A_489 : i32 to index
    %get3A_491 = arith.constant 96 : index
    %get3A_492 = tpu.vector_load %arg7[%get3A_490, %get3A_491] {strides = array<i32>} : memref<4x128xi32, #tpu.memory_space<vmem>>, vector<16xi32>,
    %eq3A_493 = arith.constant 0 : i32
    %eq3A_494 = vector.broadcast %eq3A_493 : i32 to vector<16xi32>
    %eq3A_495 = arith.cmpi eq, %get3A_492, %eq3A_494 : vector<16xi32>
    %sub3A_496 = arith.constant 1 : i32
    %sub3A_497 = vector.broadcast %sub3A_496 : i32 to vector<16xi32>
    %sub3A_498 = arith.subi %get3A_492, %sub3A_497 : vector<16xi32>
    %jit3A_499 = arith.constant 999999 : i32
    %broadcast_in_dim3A_500 = vector.broadcast %jit3A_499 : i32 to vector<16xi32>
    %select_n3A_501 = arith.select %eq3A_495, %broadcast_in_dim3A_500, %sub3A_498 : vector<16xi1>, vector<16xi32>
    %swap3A_502 = arith.constant 1 : i32
    %swap3A_503 = arith.index_cast %swap3A_502 : i32 to index
    %swap3A_504 = arith.constant 96 : index
    %swap3A_505 = tpu.vector_load %arg7[%swap3A_503, %swap3A_504] {strides = array<i32>} : memref<4x128xi32, #tpu.memory_space<vmem>>, vector<16xi32>,
    tpu.vector_store %arg7[%swap3A_503, %swap3A_504], %select_n3A_501 {strides = array<i32>} : memref<4x128xi32, #tpu.memory_space<vmem>>, vector<16xi32>,
    %get3A_506 = arith.constant 1 : i32
    %get3A_507 = arith.index_cast %get3A_506 : i32 to index
    %get3A_508 = arith.constant 112 : index
    %get3A_509 = tpu.vector_load %arg6[%get3A_507, %get3A_508] {strides = array<i32>} : memref<4x128xi32, #tpu.memory_space<vmem>>, vector<16xi32>,
    %eq3A_510 = arith.constant 0 : i32
    %eq3A_511 = vector.broadcast %eq3A_510 : i32 to vector<16xi32>
    %eq3A_512 = arith.cmpi eq, %get3A_509, %eq3A_511 : vector<16xi32>
    %sub3A_513 = arith.constant 1 : i32
    %sub3A_514 = vector.broadcast %sub3A_513 : i32 to vector<16xi32>
    %sub3A_515 = arith.subi %get3A_509, %sub3A_514 : vector<16xi32>
    %jit3A_516 = arith.constant 999999 : i32
    %broadcast_in_dim3A_517 = vector.broadcast %jit3A_516 : i32 to vector<16xi32>
    %select_n3A_518 = arith.select %eq3A_512, %broadcast_in_dim3A_517, %sub3A_515 : vector<16xi1>, vector<16xi32>
    %swap3A_519 = arith.constant 1 : i32
    %swap3A_520 = arith.index_cast %swap3A_519 : i32 to index
    %swap3A_521 = arith.constant 112 : index
    %swap3A_522 = tpu.vector_load %arg6[%swap3A_520, %swap3A_521] {strides = array<i32>} : memref<4x128xi32, #tpu.memory_space<vmem>>, vector<16xi32>,
    tpu.vector_store %arg6[%swap3A_520, %swap3A_521], %select_n3A_518 {strides = array<i32>} : memref<4x128xi32, #tpu.memory_space<vmem>>, vector<16xi32>,
    %get3A_523 = arith.constant 1 : i32
    %get3A_524 = arith.index_cast %get3A_523 : i32 to index
    %get3A_525 = arith.constant 112 : index
    %get3A_526 = tpu.vector_load %arg7[%get3A_524, %get3A_525] {strides = array<i32>} : memref<4x128xi32, #tpu.memory_space<vmem>>, vector<16xi32>,
    %eq3A_527 = arith.constant 0 : i32
    %eq3A_528 = vector.broadcast %eq3A_527 : i32 to vector<16xi32>
    %eq3A_529 = arith.cmpi eq, %get3A_526, %eq3A_528 : vector<16xi32>
    %sub3A_530 = arith.constant 1 : i32
    %sub3A_531 = vector.broadcast %sub3A_530 : i32 to vector<16xi32>
    %sub3A_532 = arith.subi %get3A_526, %sub3A_531 : vector<16xi32>
    %jit3A_533 = arith.constant 999999 : i32
    %broadcast_in_dim3A_534 = vector.broadcast %jit3A_533 : i32 to vector<16xi32>
    %select_n3A_535 = arith.select %eq3A_529, %broadcast_in_dim3A_534, %sub3A_532 : vector<16xi1>, vector<16xi32>
    %swap3A_536 = arith.constant 1 : i32
    %swap3A_537 = arith.index_cast %swap3A_536 : i32 to index
    %swap3A_538 = arith.constant 112 : index
    %swap3A_539 = tpu.vector_load %arg7[%swap3A_537, %swap3A_538] {strides = array<i32>} : memref<4x128xi32, #tpu.memory_space<vmem>>, vector<16xi32>,
    tpu.vector_store %arg7[%swap3A_537, %swap3A_538], %select_n3A_535 {strides = array<i32>} : memref<4x128xi32, #tpu.memory_space<vmem>>, vector<16xi32>,
    %get3A_540 = arith.constant 2 : i32
    %get3A_541 = arith.index_cast %get3A_540 : i32 to index
    %get3A_542 = arith.constant 0 : index
    %get3A_543 = tpu.vector_load %arg6[%get3A_541, %get3A_542] {strides = array<i32>} : memref<4x128xi32, #tpu.memory_space<vmem>>, vector<16xi32>,
    %eq3A_544 = arith.constant 0 : i32
    %eq3A_545 = vector.broadcast %eq3A_544 : i32 to vector<16xi32>
    %eq3A_546 = arith.cmpi eq, %get3A_543, %eq3A_545 : vector<16xi32>
    %sub3A_547 = arith.constant 1 : i32
    %sub3A_548 = vector.broadcast %sub3A_547 : i32 to vector<16xi32>
    %sub3A_549 = arith.subi %get3A_543, %sub3A_548 : vector<16xi32>
    %jit3A_550 = arith.constant 999999 : i32
    %broadcast_in_dim3A_551 = vector.broadcast %jit3A_550 : i32 to vector<16xi32>
    %select_n3A_552 = arith.select %eq3A_546, %broadcast_in_dim3A_551, %sub3A_549 : vector<16xi1>, vector<16xi32>
    %swap3A_553 = arith.constant 2 : i32
    %swap3A_554 = arith.index_cast %swap3A_553 : i32 to index
    %swap3A_555 = arith.constant 0 : index
    %swap3A_556 = tpu.vector_load %arg6[%swap3A_554, %swap3A_555] {strides = array<i32>} : memref<4x128xi32, #tpu.memory_space<vmem>>, vector<16xi32>,
    tpu.vector_store %arg6[%swap3A_554, %swap3A_555], %select_n3A_552 {strides = array<i32>} : memref<4x128xi32, #tpu.memory_space<vmem>>, vector<16xi32>,
    %get3A_557 = arith.constant 2 : i32
    %get3A_558 = arith.index_cast %get3A_557 : i32 to index
    %get3A_559 = arith.constant 0 : index
    %get3A_560 = tpu.vector_load %arg7[%get3A_558, %get3A_559] {strides = array<i32>} : memref<4x128xi32, #tpu.memory_space<vmem>>, vector<16xi32>,
    %eq3A_561 = arith.constant 0 : i32
    %eq3A_562 = vector.broadcast %eq3A_561 : i32 to vector<16xi32>
    %eq3A_563 = arith.cmpi eq, %get3A_560, %eq3A_562 : vector<16xi32>
    %sub3A_564 = arith.constant 1 : i32
    %sub3A_565 = vector.broadcast %sub3A_564 : i32 to vector<16xi32>
    %sub3A_566 = arith.subi %get3A_560, %sub3A_565 : vector<16xi32>
    %jit3A_567 = arith.constant 999999 : i32
    %broadcast_in_dim3A_568 = vector.broadcast %jit3A_567 : i32 to vector<16xi32>
    %select_n3A_569 = arith.select %eq3A_563, %broadcast_in_dim3A_568, %sub3A_566 : vector<16xi1>, vector<16xi32>
    %swap3A_570 = arith.constant 2 : i32
    %swap3A_571 = arith.index_cast %swap3A_570 : i32 to index
    %swap3A_572 = arith.constant 0 : index
    %swap3A_573 = tpu.vector_load %arg7[%swap3A_571, %swap3A_572] {strides = array<i32>} : memref<4x128xi32, #tpu.memory_space<vmem>>, vector<16xi32>,
    tpu.vector_store %arg7[%swap3A_571, %swap3A_572], %select_n3A_569 {strides = array<i32>} : memref<4x128xi32, #tpu.memory_space<vmem>>, vector<16xi32>,
    %get3A_574 = arith.constant 2 : i32
    %get3A_575 = arith.index_cast %get3A_574 : i32 to index
    %get3A_576 = arith.constant 16 : index
    %get3A_577 = tpu.vector_load %arg6[%get3A_575, %get3A_576] {strides = array<i32>} : memref<4x128xi32, #tpu.memory_space<vmem>>, vector<16xi32>,
    %eq3A_578 = arith.constant 0 : i32
    %eq3A_579 = vector.broadcast %eq3A_578 : i32 to vector<16xi32>
    %eq3A_580 = arith.cmpi eq, %get3A_577, %eq3A_579 : vector<16xi32>
    %sub3A_581 = arith.constant 1 : i32
    %sub3A_582 = vector.broadcast %sub3A_581 : i32 to vector<16xi32>
    %sub3A_583 = arith.subi %get3A_577, %sub3A_582 : vector<16xi32>
    %jit3A_584 = arith.constant 999999 : i32
    %broadcast_in_dim3A_585 = vector.broadcast %jit3A_584 : i32 to vector<16xi32>
    %select_n3A_586 = arith.select %eq3A_580, %broadcast_in_dim3A_585, %sub3A_583 : vector<16xi1>, vector<16xi32>
    %swap3A_587 = arith.constant 2 : i32
    %swap3A_588 = arith.index_cast %swap3A_587 : i32 to index
    %swap3A_589 = arith.constant 16 : index
    %swap3A_590 = tpu.vector_load %arg6[%swap3A_588, %swap3A_589] {strides = array<i32>} : memref<4x128xi32, #tpu.memory_space<vmem>>, vector<16xi32>,
    tpu.vector_store %arg6[%swap3A_588, %swap3A_589], %select_n3A_586 {strides = array<i32>} : memref<4x128xi32, #tpu.memory_space<vmem>>, vector<16xi32>,
    %get3A_591 = arith.constant 2 : i32
    %get3A_592 = arith.index_cast %get3A_591 : i32 to index
    %get3A_593 = arith.constant 16 : index
    %get3A_594 = tpu.vector_load %arg7[%get3A_592, %get3A_593] {strides = array<i32>} : memref<4x128xi32, #tpu.memory_space<vmem>>, vector<16xi32>,
    %eq3A_595 = arith.constant 0 : i32
    %eq3A_596 = vector.broadcast %eq3A_595 : i32 to vector<16xi32>
    %eq3A_597 = arith.cmpi eq, %get3A_594, %eq3A_596 : vector<16xi32>
    %sub3A_598 = arith.constant 1 : i32
    %sub3A_599 = vector.broadcast %sub3A_598 : i32 to vector<16xi32>
    %sub3A_600 = arith.subi %get3A_594, %sub3A_599 : vector<16xi32>
    %jit3A_601 = arith.constant 999999 : i32
    %broadcast_in_dim3A_602 = vector.broadcast %jit3A_601 : i32 to vector<16xi32>
    %select_n3A_603 = arith.select %eq3A_597, %broadcast_in_dim3A_602, %sub3A_600 : vector<16xi1>, vector<16xi32>
    %swap3A_604 = arith.constant 2 : i32
    %swap3A_605 = arith.index_cast %swap3A_604 : i32 to index
    %swap3A_606 = arith.constant 16 : index
    %swap3A_607 = tpu.vector_load %arg7[%swap3A_605, %swap3A_606] {strides = array<i32>} : memref<4x128xi32, #tpu.memory_space<vmem>>, vector<16xi32>,
    tpu.vector_store %arg7[%swap3A_605, %swap3A_606], %select_n3A_603 {strides = array<i32>} : memref<4x128xi32, #tpu.memory_space<vmem>>, vector<16xi32>,
    %get3A_608 = arith.constant 2 : i32
    %get3A_609 = arith.index_cast %get3A_608 : i32 to index
    %get3A_610 = arith.constant 32 : index
    %get3A_611 = tpu.vector_load %arg6[%get3A_609, %get3A_610] {strides = array<i32>} : memref<4x128xi32, #tpu.memory_space<vmem>>, vector<16xi32>,
    %eq3A_612 = arith.constant 0 : i32
    %eq3A_613 = vector.broadcast %eq3A_612 : i32 to vector<16xi32>
    %eq3A_614 = arith.cmpi eq, %get3A_611, %eq3A_613 : vector<16xi32>
    %sub3A_615 = arith.constant 1 : i32
    %sub3A_616 = vector.broadcast %sub3A_615 : i32 to vector<16xi32>
    %sub3A_617 = arith.subi %get3A_611, %sub3A_616 : vector<16xi32>
    %jit3A_618 = arith.constant 999999 : i32
    %broadcast_in_dim3A_619 = vector.broadcast %jit3A_618 : i32 to vector<16xi32>
    %select_n3A_620 = arith.select %eq3A_614, %broadcast_in_dim3A_619, %sub3A_617 : vector<16xi1>, vector<16xi32>
    %swap3A_621 = arith.constant 2 : i32
    %swap3A_622 = arith.index_cast %swap3A_621 : i32 to index
    %swap3A_623 = arith.constant 32 : index
    %swap3A_624 = tpu.vector_load %arg6[%swap3A_622, %swap3A_623] {strides = array<i32>} : memref<4x128xi32, #tpu.memory_space<vmem>>, vector<16xi32>,
    tpu.vector_store %arg6[%swap3A_622, %swap3A_623], %select_n3A_620 {strides = array<i32>} : memref<4x128xi32, #tpu.memory_space<vmem>>, vector<16xi32>,
    %get3A_625 = arith.constant 2 : i32
    %get3A_626 = arith.index_cast %get3A_625 : i32 to index
    %get3A_627 = arith.constant 32 : index
    %get3A_628 = tpu.vector_load %arg7[%get3A_626, %get3A_627] {strides = array<i32>} : memref<4x128xi32, #tpu.memory_space<vmem>>, vector<16xi32>,
    %eq3A_629 = arith.constant 0 : i32
    %eq3A_630 = vector.broadcast %eq3A_629 : i32 to vector<16xi32>
    %eq3A_631 = arith.cmpi eq, %get3A_628, %eq3A_630 : vector<16xi32>
    %sub3A_632 = arith.constant 1 : i32
    %sub3A_633 = vector.broadcast %sub3A_632 : i32 to vector<16xi32>
    %sub3A_634 = arith.subi %get3A_628, %sub3A_633 : vector<16xi32>
    %jit3A_635 = arith.constant 999999 : i32
    %broadcast_in_dim3A_636 = vector.broadcast %jit3A_635 : i32 to vector<16xi32>
    %select_n3A_637 = arith.select %eq3A_631, %broadcast_in_dim3A_636, %sub3A_634 : vector<16xi1>, vector<16xi32>
    %swap3A_638 = arith.constant 2 : i32
    %swap3A_639 = arith.index_cast %swap3A_638 : i32 to index
    %swap3A_640 = arith.constant 32 : index
    %swap3A_641 = tpu.vector_load %arg7[%swap3A_639, %swap3A_640] {strides = array<i32>} : memref<4x128xi32, #tpu.memory_space<vmem>>, vector<16xi32>,
    tpu.vector_store %arg7[%swap3A_639, %swap3A_640], %select_n3A_637 {strides = array<i32>} : memref<4x128xi32, #tpu.memory_space<vmem>>, vector<16xi32>,
    %get3A_642 = arith.constant 2 : i32
    %get3A_643 = arith.index_cast %get3A_642 : i32 to index
    %get3A_644 = arith.constant 48 : index
    %get3A_645 = tpu.vector_load %arg6[%get3A_643, %get3A_644] {strides = array<i32>} : memref<4x128xi32, #tpu.memory_space<vmem>>, vector<16xi32>,
    %eq3A_646 = arith.constant 0 : i32
    %eq3A_647 = vector.broadcast %eq3A_646 : i32 to vector<16xi32>
    %eq3A_648 = arith.cmpi eq, %get3A_645, %eq3A_647 : vector<16xi32>
    %sub3A_649 = arith.constant 1 : i32
    %sub3A_650 = vector.broadcast %sub3A_649 : i32 to vector<16xi32>
    %sub3A_651 = arith.subi %get3A_645, %sub3A_650 : vector<16xi32>
    %jit3A_652 = arith.constant 999999 : i32
    %broadcast_in_dim3A_653 = vector.broadcast %jit3A_652 : i32 to vector<16xi32>
    %select_n3A_654 = arith.select %eq3A_648, %broadcast_in_dim3A_653, %sub3A_651 : vector<16xi1>, vector<16xi32>
    %swap3A_655 = arith.constant 2 : i32
    %swap3A_656 = arith.index_cast %swap3A_655 : i32 to index
    %swap3A_657 = arith.constant 48 : index
    %swap3A_658 = tpu.vector_load %arg6[%swap3A_656, %swap3A_657] {strides = array<i32>} : memref<4x128xi32, #tpu.memory_space<vmem>>, vector<16xi32>,
    tpu.vector_store %arg6[%swap3A_656, %swap3A_657], %select_n3A_654 {strides = array<i32>} : memref<4x128xi32, #tpu.memory_space<vmem>>, vector<16xi32>,
    %get3A_659 = arith.constant 2 : i32
    %get3A_660 = arith.index_cast %get3A_659 : i32 to index
    %get3A_661 = arith.constant 48 : index
    %get3A_662 = tpu.vector_load %arg7[%get3A_660, %get3A_661] {strides = array<i32>} : memref<4x128xi32, #tpu.memory_space<vmem>>, vector<16xi32>,
    %eq3A_663 = arith.constant 0 : i32
    %eq3A_664 = vector.broadcast %eq3A_663 : i32 to vector<16xi32>
    %eq3A_665 = arith.cmpi eq, %get3A_662, %eq3A_664 : vector<16xi32>
    %sub3A_666 = arith.constant 1 : i32
    %sub3A_667 = vector.broadcast %sub3A_666 : i32 to vector<16xi32>
    %sub3A_668 = arith.subi %get3A_662, %sub3A_667 : vector<16xi32>
    %jit3A_669 = arith.constant 999999 : i32
    %broadcast_in_dim3A_670 = vector.broadcast %jit3A_669 : i32 to vector<16xi32>
    %select_n3A_671 = arith.select %eq3A_665, %broadcast_in_dim3A_670, %sub3A_668 : vector<16xi1>, vector<16xi32>
    %swap3A_672 = arith.constant 2 : i32
    %swap3A_673 = arith.index_cast %swap3A_672 : i32 to index
    %swap3A_674 = arith.constant 48 : index
    %swap3A_675 = tpu.vector_load %arg7[%swap3A_673, %swap3A_674] {strides = array<i32>} : memref<4x128xi32, #tpu.memory_space<vmem>>, vector<16xi32>,
    tpu.vector_store %arg7[%swap3A_673, %swap3A_674], %select_n3A_671 {strides = array<i32>} : memref<4x128xi32, #tpu.memory_space<vmem>>, vector<16xi32>,
    %get3A_676 = arith.constant 2 : i32
    %get3A_677 = arith.index_cast %get3A_676 : i32 to index
    %get3A_678 = arith.constant 64 : index
    %get3A_679 = tpu.vector_load %arg6[%get3A_677, %get3A_678] {strides = array<i32>} : memref<4x128xi32, #tpu.memory_space<vmem>>, vector<16xi32>,
    %eq3A_680 = arith.constant 0 : i32
    %eq3A_681 = vector.broadcast %eq3A_680 : i32 to vector<16xi32>
    %eq3A_682 = arith.cmpi eq, %get3A_679, %eq3A_681 : vector<16xi32>
    %sub3A_683 = arith.constant 1 : i32
    %sub3A_684 = vector.broadcast %sub3A_683 : i32 to vector<16xi32>
    %sub3A_685 = arith.subi %get3A_679, %sub3A_684 : vector<16xi32>
    %jit3A_686 = arith.constant 999999 : i32
    %broadcast_in_dim3A_687 = vector.broadcast %jit3A_686 : i32 to vector<16xi32>
    %select_n3A_688 = arith.select %eq3A_682, %broadcast_in_dim3A_687, %sub3A_685 : vector<16xi1>, vector<16xi32>
    %swap3A_689 = arith.constant 2 : i32
    %swap3A_690 = arith.index_cast %swap3A_689 : i32 to index
    %swap3A_691 = arith.constant 64 : index
    %swap3A_692 = tpu.vector_load %arg6[%swap3A_690, %swap3A_691] {strides = array<i32>} : memref<4x128xi32, #tpu.memory_space<vmem>>, vector<16xi32>,
    tpu.vector_store %arg6[%swap3A_690, %swap3A_691], %select_n3A_688 {strides = array<i32>} : memref<4x128xi32, #tpu.memory_space<vmem>>, vector<16xi32>,
    %get3A_693 = arith.constant 2 : i32
    %get3A_694 = arith.index_cast %get3A_693 : i32 to index
    %get3A_695 = arith.constant 64 : index
    %get3A_696 = tpu.vector_load %arg7[%get3A_694, %get3A_695] {strides = array<i32>} : memref<4x128xi32, #tpu.memory_space<vmem>>, vector<16xi32>,
    %eq3A_697 = arith.constant 0 : i32
    %eq3A_698 = vector.broadcast %eq3A_697 : i32 to vector<16xi32>
    %eq3A_699 = arith.cmpi eq, %get3A_696, %eq3A_698 : vector<16xi32>
    %sub3A_700 = arith.constant 1 : i32
    %sub3A_701 = vector.broadcast %sub3A_700 : i32 to vector<16xi32>
    %sub3A_702 = arith.subi %get3A_696, %sub3A_701 : vector<16xi32>
    %jit3A_703 = arith.constant 999999 : i32
    %broadcast_in_dim3A_704 = vector.broadcast %jit3A_703 : i32 to vector<16xi32>
    %select_n3A_705 = arith.select %eq3A_699, %broadcast_in_dim3A_704, %sub3A_702 : vector<16xi1>, vector<16xi32>
    %swap3A_706 = arith.constant 2 : i32
    %swap3A_707 = arith.index_cast %swap3A_706 : i32 to index
    %swap3A_708 = arith.constant 64 : index
    %swap3A_709 = tpu.vector_load %arg7[%swap3A_707, %swap3A_708] {strides = array<i32>} : memref<4x128xi32, #tpu.memory_space<vmem>>, vector<16xi32>,
    tpu.vector_store %arg7[%swap3A_707, %swap3A_708], %select_n3A_705 {strides = array<i32>} : memref<4x128xi32, #tpu.memory_space<vmem>>, vector<16xi32>,
    %get3A_710 = arith.constant 2 : i32
    %get3A_711 = arith.index_cast %get3A_710 : i32 to index
    %get3A_712 = arith.constant 80 : index
    %get3A_713 = tpu.vector_load %arg6[%get3A_711, %get3A_712] {strides = array<i32>} : memref<4x128xi32, #tpu.memory_space<vmem>>, vector<16xi32>,
    %eq3A_714 = arith.constant 0 : i32
    %eq3A_715 = vector.broadcast %eq3A_714 : i32 to vector<16xi32>
    %eq3A_716 = arith.cmpi eq, %get3A_713, %eq3A_715 : vector<16xi32>
    %sub3A_717 = arith.constant 1 : i32
    %sub3A_718 = vector.broadcast %sub3A_717 : i32 to vector<16xi32>
    %sub3A_719 = arith.subi %get3A_713, %sub3A_718 : vector<16xi32>
    %jit3A_720 = arith.constant 999999 : i32
    %broadcast_in_dim3A_721 = vector.broadcast %jit3A_720 : i32 to vector<16xi32>
    %select_n3A_722 = arith.select %eq3A_716, %broadcast_in_dim3A_721, %sub3A_719 : vector<16xi1>, vector<16xi32>
    %swap3A_723 = arith.constant 2 : i32
    %swap3A_724 = arith.index_cast %swap3A_723 : i32 to index
    %swap3A_725 = arith.constant 80 : index
    %swap3A_726 = tpu.vector_load %arg6[%swap3A_724, %swap3A_725] {strides = array<i32>} : memref<4x128xi32, #tpu.memory_space<vmem>>, vector<16xi32>,
    tpu.vector_store %arg6[%swap3A_724, %swap3A_725], %select_n3A_722 {strides = array<i32>} : memref<4x128xi32, #tpu.memory_space<vmem>>, vector<16xi32>,
    %get3A_727 = arith.constant 2 : i32
    %get3A_728 = arith.index_cast %get3A_727 : i32 to index
    %get3A_729 = arith.constant 80 : index
    %get3A_730 = tpu.vector_load %arg7[%get3A_728, %get3A_729] {strides = array<i32>} : memref<4x128xi32, #tpu.memory_space<vmem>>, vector<16xi32>,
    %eq3A_731 = arith.constant 0 : i32
    %eq3A_732 = vector.broadcast %eq3A_731 : i32 to vector<16xi32>
    %eq3A_733 = arith.cmpi eq, %get3A_730, %eq3A_732 : vector<16xi32>
    %sub3A_734 = arith.constant 1 : i32
    %sub3A_735 = vector.broadcast %sub3A_734 : i32 to vector<16xi32>
    %sub3A_736 = arith.subi %get3A_730, %sub3A_735 : vector<16xi32>
    %jit3A_737 = arith.constant 999999 : i32
    %broadcast_in_dim3A_738 = vector.broadcast %jit3A_737 : i32 to vector<16xi32>
    %select_n3A_739 = arith.select %eq3A_733, %broadcast_in_dim3A_738, %sub3A_736 : vector<16xi1>, vector<16xi32>
    %swap3A_740 = arith.constant 2 : i32
    %swap3A_741 = arith.index_cast %swap3A_740 : i32 to index
    %swap3A_742 = arith.constant 80 : index
    %swap3A_743 = tpu.vector_load %arg7[%swap3A_741, %swap3A_742] {strides = array<i32>} : memref<4x128xi32, #tpu.memory_space<vmem>>, vector<16xi32>,
    tpu.vector_store %arg7[%swap3A_741, %swap3A_742], %select_n3A_739 {strides = array<i32>} : memref<4x128xi32, #tpu.memory_space<vmem>>, vector<16xi32>,
    %get3A_744 = arith.constant 2 : i32
    %get3A_745 = arith.index_cast %get3A_744 : i32 to index
    %get3A_746 = arith.constant 96 : index
    %get3A_747 = tpu.vector_load %arg6[%get3A_745, %get3A_746] {strides = array<i32>} : memref<4x128xi32, #tpu.memory_space<vmem>>, vector<16xi32>,
    %eq3A_748 = arith.constant 0 : i32
    %eq3A_749 = vector.broadcast %eq3A_748 : i32 to vector<16xi32>
    %eq3A_750 = arith.cmpi eq, %get3A_747, %eq3A_749 : vector<16xi32>
    %sub3A_751 = arith.constant 1 : i32
    %sub3A_752 = vector.broadcast %sub3A_751 : i32 to vector<16xi32>
    %sub3A_753 = arith.subi %get3A_747, %sub3A_752 : vector<16xi32>
    %jit3A_754 = arith.constant 999999 : i32
    %broadcast_in_dim3A_755 = vector.broadcast %jit3A_754 : i32 to vector<16xi32>
    %select_n3A_756 = arith.select %eq3A_750, %broadcast_in_dim3A_755, %sub3A_753 : vector<16xi1>, vector<16xi32>
    %swap3A_757 = arith.constant 2 : i32
    %swap3A_758 = arith.index_cast %swap3A_757 : i32 to index
    %swap3A_759 = arith.constant 96 : index
    %swap3A_760 = tpu.vector_load %arg6[%swap3A_758, %swap3A_759] {strides = array<i32>} : memref<4x128xi32, #tpu.memory_space<vmem>>, vector<16xi32>,
    tpu.vector_store %arg6[%swap3A_758, %swap3A_759], %select_n3A_756 {strides = array<i32>} : memref<4x128xi32, #tpu.memory_space<vmem>>, vector<16xi32>,
    %get3A_761 = arith.constant 2 : i32
    %get3A_762 = arith.index_cast %get3A_761 : i32 to index
    %get3A_763 = arith.constant 96 : index
    %get3A_764 = tpu.vector_load %arg7[%get3A_762, %get3A_763] {strides = array<i32>} : memref<4x128xi32, #tpu.memory_space<vmem>>, vector<16xi32>,
    %eq3A_765 = arith.constant 0 : i32
    %eq3A_766 = vector.broadcast %eq3A_765 : i32 to vector<16xi32>
    %eq3A_767 = arith.cmpi eq, %get3A_764, %eq3A_766 : vector<16xi32>
    %sub3A_768 = arith.constant 1 : i32
    %sub3A_769 = vector.broadcast %sub3A_768 : i32 to vector<16xi32>
    %sub3A_770 = arith.subi %get3A_764, %sub3A_769 : vector<16xi32>
    %jit3A_771 = arith.constant 999999 : i32
    %broadcast_in_dim3A_772 = vector.broadcast %jit3A_771 : i32 to vector<16xi32>
    %select_n3A_773 = arith.select %eq3A_767, %broadcast_in_dim3A_772, %sub3A_770 : vector<16xi1>, vector<16xi32>
    %swap3A_774 = arith.constant 2 : i32
    %swap3A_775 = arith.index_cast %swap3A_774 : i32 to index
    %swap3A_776 = arith.constant 96 : index
    %swap3A_777 = tpu.vector_load %arg7[%swap3A_775, %swap3A_776] {strides = array<i32>} : memref<4x128xi32, #tpu.memory_space<vmem>>, vector<16xi32>,
    tpu.vector_store %arg7[%swap3A_775, %swap3A_776], %select_n3A_773 {strides = array<i32>} : memref<4x128xi32, #tpu.memory_space<vmem>>, vector<16xi32>,
    %get3A_778 = arith.constant 2 : i32
    %get3A_779 = arith.index_cast %get3A_778 : i32 to index
    %get3A_780 = arith.constant 112 : index
    %get3A_781 = tpu.vector_load %arg6[%get3A_779, %get3A_780] {strides = array<i32>} : memref<4x128xi32, #tpu.memory_space<vmem>>, vector<16xi32>,
    %eq3A_782 = arith.constant 0 : i32
    %eq3A_783 = vector.broadcast %eq3A_782 : i32 to vector<16xi32>
    %eq3A_784 = arith.cmpi eq, %get3A_781, %eq3A_783 : vector<16xi32>
    %sub3A_785 = arith.constant 1 : i32
    %sub3A_786 = vector.broadcast %sub3A_785 : i32 to vector<16xi32>
    %sub3A_787 = arith.subi %get3A_781, %sub3A_786 : vector<16xi32>
    %jit3A_788 = arith.constant 999999 : i32
    %broadcast_in_dim3A_789 = vector.broadcast %jit3A_788 : i32 to vector<16xi32>
    %select_n3A_790 = arith.select %eq3A_784, %broadcast_in_dim3A_789, %sub3A_787 : vector<16xi1>, vector<16xi32>
    %swap3A_791 = arith.constant 2 : i32
    %swap3A_792 = arith.index_cast %swap3A_791 : i32 to index
    %swap3A_793 = arith.constant 112 : index
    %swap3A_794 = tpu.vector_load %arg6[%swap3A_792, %swap3A_793] {strides = array<i32>} : memref<4x128xi32, #tpu.memory_space<vmem>>, vector<16xi32>,
    tpu.vector_store %arg6[%swap3A_792, %swap3A_793], %select_n3A_790 {strides = array<i32>} : memref<4x128xi32, #tpu.memory_space<vmem>>, vector<16xi32>,
    %get3A_795 = arith.constant 2 : i32
    %get3A_796 = arith.index_cast %get3A_795 : i32 to index
    %get3A_797 = arith.constant 112 : index
    %get3A_798 = tpu.vector_load %arg7[%get3A_796, %get3A_797] {strides = array<i32>} : memref<4x128xi32, #tpu.memory_space<vmem>>, vector<16xi32>,
    %eq3A_799 = arith.constant 0 : i32
    %eq3A_800 = vector.broadcast %eq3A_799 : i32 to vector<16xi32>
    %eq3A_801 = arith.cmpi eq, %get3A_798, %eq3A_800 : vector<16xi32>
    %sub3A_802 = arith.constant 1 : i32
    %sub3A_803 = vector.broadcast %sub3A_802 : i32 to vector<16xi32>
    %sub3A_804 = arith.subi %get3A_798, %sub3A_803 : vector<16xi32>
    %jit3A_805 = arith.constant 999999 : i32
    %broadcast_in_dim3A_806 = vector.broadcast %jit3A_805 : i32 to vector<16xi32>
    %select_n3A_807 = arith.select %eq3A_801, %broadcast_in_dim3A_806, %sub3A_804 : vector<16xi1>, vector<16xi32>
    %swap3A_808 = arith.constant 2 : i32
    %swap3A_809 = arith.index_cast %swap3A_808 : i32 to index
    %swap3A_810 = arith.constant 112 : index
    %swap3A_811 = tpu.vector_load %arg7[%swap3A_809, %swap3A_810] {strides = array<i32>} : memref<4x128xi32, #tpu.memory_space<vmem>>, vector<16xi32>,
    tpu.vector_store %arg7[%swap3A_809, %swap3A_810], %select_n3A_807 {strides = array<i32>} : memref<4x128xi32, #tpu.memory_space<vmem>>, vector<16xi32>,
    %get3A_812 = arith.constant 3 : i32
    %get3A_813 = arith.index_cast %get3A_812 : i32 to index
    %get3A_814 = arith.constant 0 : index
    %get3A_815 = tpu.vector_load %arg6[%get3A_813, %get3A_814] {strides = array<i32>} : memref<4x128xi32, #tpu.memory_space<vmem>>, vector<16xi32>,
    %eq3A_816 = arith.constant 0 : i32
    %eq3A_817 = vector.broadcast %eq3A_816 : i32 to vector<16xi32>
    %eq3A_818 = arith.cmpi eq, %get3A_815, %eq3A_817 : vector<16xi32>
    %sub3A_819 = arith.constant 1 : i32
    %sub3A_820 = vector.broadcast %sub3A_819 : i32 to vector<16xi32>
    %sub3A_821 = arith.subi %get3A_815, %sub3A_820 : vector<16xi32>
    %jit3A_822 = arith.constant 999999 : i32
    %broadcast_in_dim3A_823 = vector.broadcast %jit3A_822 : i32 to vector<16xi32>
    %select_n3A_824 = arith.select %eq3A_818, %broadcast_in_dim3A_823, %sub3A_821 : vector<16xi1>, vector<16xi32>
    %swap3A_825 = arith.constant 3 : i32
    %swap3A_826 = arith.index_cast %swap3A_825 : i32 to index
    %swap3A_827 = arith.constant 0 : index
    %swap3A_828 = tpu.vector_load %arg6[%swap3A_826, %swap3A_827] {strides = array<i32>} : memref<4x128xi32, #tpu.memory_space<vmem>>, vector<16xi32>,
    tpu.vector_store %arg6[%swap3A_826, %swap3A_827], %select_n3A_824 {strides = array<i32>} : memref<4x128xi32, #tpu.memory_space<vmem>>, vector<16xi32>,
    %get3A_829 = arith.constant 3 : i32
    %get3A_830 = arith.index_cast %get3A_829 : i32 to index
    %get3A_831 = arith.constant 0 : index
    %get3A_832 = tpu.vector_load %arg7[%get3A_830, %get3A_831] {strides = array<i32>} : memref<4x128xi32, #tpu.memory_space<vmem>>, vector<16xi32>,
    %eq3A_833 = arith.constant 0 : i32
    %eq3A_834 = vector.broadcast %eq3A_833 : i32 to vector<16xi32>
    %eq3A_835 = arith.cmpi eq, %get3A_832, %eq3A_834 : vector<16xi32>
    %sub3A_836 = arith.constant 1 : i32
    %sub3A_837 = vector.broadcast %sub3A_836 : i32 to vector<16xi32>
    %sub3A_838 = arith.subi %get3A_832, %sub3A_837 : vector<16xi32>
    %jit3A_839 = arith.constant 999999 : i32
    %broadcast_in_dim3A_840 = vector.broadcast %jit3A_839 : i32 to vector<16xi32>
    %select_n3A_841 = arith.select %eq3A_835, %broadcast_in_dim3A_840, %sub3A_838 : vector<16xi1>, vector<16xi32>
    %swap3A_842 = arith.constant 3 : i32
    %swap3A_843 = arith.index_cast %swap3A_842 : i32 to index
    %swap3A_844 = arith.constant 0 : index
    %swap3A_845 = tpu.vector_load %arg7[%swap3A_843, %swap3A_844] {strides = array<i32>} : memref<4x128xi32, #tpu.memory_space<vmem>>, vector<16xi32>,
    tpu.vector_store %arg7[%swap3A_843, %swap3A_844], %select_n3A_841 {strides = array<i32>} : memref<4x128xi32, #tpu.memory_space<vmem>>, vector<16xi32>,
    %get3A_846 = arith.constant 3 : i32
    %get3A_847 = arith.index_cast %get3A_846 : i32 to index
    %get3A_848 = arith.constant 16 : index
    %get3A_849 = tpu.vector_load %arg6[%get3A_847, %get3A_848] {strides = array<i32>} : memref<4x128xi32, #tpu.memory_space<vmem>>, vector<16xi32>,
    %eq3A_850 = arith.constant 0 : i32
    %eq3A_851 = vector.broadcast %eq3A_850 : i32 to vector<16xi32>
    %eq3A_852 = arith.cmpi eq, %get3A_849, %eq3A_851 : vector<16xi32>
    %sub3A_853 = arith.constant 1 : i32
    %sub3A_854 = vector.broadcast %sub3A_853 : i32 to vector<16xi32>
    %sub3A_855 = arith.subi %get3A_849, %sub3A_854 : vector<16xi32>
    %jit3A_856 = arith.constant 999999 : i32
    %broadcast_in_dim3A_857 = vector.broadcast %jit3A_856 : i32 to vector<16xi32>
    %select_n3A_858 = arith.select %eq3A_852, %broadcast_in_dim3A_857, %sub3A_855 : vector<16xi1>, vector<16xi32>
    %swap3A_859 = arith.constant 3 : i32
    %swap3A_860 = arith.index_cast %swap3A_859 : i32 to index
    %swap3A_861 = arith.constant 16 : index
    %swap3A_862 = tpu.vector_load %arg6[%swap3A_860, %swap3A_861] {strides = array<i32>} : memref<4x128xi32, #tpu.memory_space<vmem>>, vector<16xi32>,
    tpu.vector_store %arg6[%swap3A_860, %swap3A_861], %select_n3A_858 {strides = array<i32>} : memref<4x128xi32, #tpu.memory_space<vmem>>, vector<16xi32>,
    %get3A_863 = arith.constant 3 : i32
    %get3A_864 = arith.index_cast %get3A_863 : i32 to index
    %get3A_865 = arith.constant 16 : index
    %get3A_866 = tpu.vector_load %arg7[%get3A_864, %get3A_865] {strides = array<i32>} : memref<4x128xi32, #tpu.memory_space<vmem>>, vector<16xi32>,
    %eq3A_867 = arith.constant 0 : i32
    %eq3A_868 = vector.broadcast %eq3A_867 : i32 to vector<16xi32>
    %eq3A_869 = arith.cmpi eq, %get3A_866, %eq3A_868 : vector<16xi32>
    %sub3A_870 = arith.constant 1 : i32
    %sub3A_871 = vector.broadcast %sub3A_870 : i32 to vector<16xi32>
    %sub3A_872 = arith.subi %get3A_866, %sub3A_871 : vector<16xi32>
    %jit3A_873 = arith.constant 999999 : i32
    %broadcast_in_dim3A_874 = vector.broadcast %jit3A_873 : i32 to vector<16xi32>
    %select_n3A_875 = arith.select %eq3A_869, %broadcast_in_dim3A_874, %sub3A_872 : vector<16xi1>, vector<16xi32>
    %swap3A_876 = arith.constant 3 : i32
    %swap3A_877 = arith.index_cast %swap3A_876 : i32 to index
    %swap3A_878 = arith.constant 16 : index
    %swap3A_879 = tpu.vector_load %arg7[%swap3A_877, %swap3A_878] {strides = array<i32>} : memref<4x128xi32, #tpu.memory_space<vmem>>, vector<16xi32>,
    tpu.vector_store %arg7[%swap3A_877, %swap3A_878], %select_n3A_875 {strides = array<i32>} : memref<4x128xi32, #tpu.memory_space<vmem>>, vector<16xi32>,
    %get3A_880 = arith.constant 3 : i32
    %get3A_881 = arith.index_cast %get3A_880 : i32 to index
    %get3A_882 = arith.constant 32 : index
    %get3A_883 = tpu.vector_load %arg6[%get3A_881, %get3A_882] {strides = array<i32>} : memref<4x128xi32, #tpu.memory_space<vmem>>, vector<16xi32>,
    %eq3A_884 = arith.constant 0 : i32
    %eq3A_885 = vector.broadcast %eq3A_884 : i32 to vector<16xi32>
    %eq3A_886 = arith.cmpi eq, %get3A_883, %eq3A_885 : vector<16xi32>
    %sub3A_887 = arith.constant 1 : i32
    %sub3A_888 = vector.broadcast %sub3A_887 : i32 to vector<16xi32>
    %sub3A_889 = arith.subi %get3A_883, %sub3A_888 : vector<16xi32>
    %jit3A_890 = arith.constant 999999 : i32
    %broadcast_in_dim3A_891 = vector.broadcast %jit3A_890 : i32 to vector<16xi32>
    %select_n3A_892 = arith.select %eq3A_886, %broadcast_in_dim3A_891, %sub3A_889 : vector<16xi1>, vector<16xi32>
    %swap3A_893 = arith.constant 3 : i32
    %swap3A_894 = arith.index_cast %swap3A_893 : i32 to index
    %swap3A_895 = arith.constant 32 : index
    %swap3A_896 = tpu.vector_load %arg6[%swap3A_894, %swap3A_895] {strides = array<i32>} : memref<4x128xi32, #tpu.memory_space<vmem>>, vector<16xi32>,
    tpu.vector_store %arg6[%swap3A_894, %swap3A_895], %select_n3A_892 {strides = array<i32>} : memref<4x128xi32, #tpu.memory_space<vmem>>, vector<16xi32>,
    %get3A_897 = arith.constant 3 : i32
    %get3A_898 = arith.index_cast %get3A_897 : i32 to index
    %get3A_899 = arith.constant 32 : index
    %get3A_900 = tpu.vector_load %arg7[%get3A_898, %get3A_899] {strides = array<i32>} : memref<4x128xi32, #tpu.memory_space<vmem>>, vector<16xi32>,
    %eq3A_901 = arith.constant 0 : i32
    %eq3A_902 = vector.broadcast %eq3A_901 : i32 to vector<16xi32>
    %eq3A_903 = arith.cmpi eq, %get3A_900, %eq3A_902 : vector<16xi32>
    %sub3A_904 = arith.constant 1 : i32
    %sub3A_905 = vector.broadcast %sub3A_904 : i32 to vector<16xi32>
    %sub3A_906 = arith.subi %get3A_900, %sub3A_905 : vector<16xi32>
    %jit3A_907 = arith.constant 999999 : i32
    %broadcast_in_dim3A_908 = vector.broadcast %jit3A_907 : i32 to vector<16xi32>
    %select_n3A_909 = arith.select %eq3A_903, %broadcast_in_dim3A_908, %sub3A_906 : vector<16xi1>, vector<16xi32>
    %swap3A_910 = arith.constant 3 : i32
    %swap3A_911 = arith.index_cast %swap3A_910 : i32 to index
    %swap3A_912 = arith.constant 32 : index
    %swap3A_913 = tpu.vector_load %arg7[%swap3A_911, %swap3A_912] {strides = array<i32>} : memref<4x128xi32, #tpu.memory_space<vmem>>, vector<16xi32>,
    tpu.vector_store %arg7[%swap3A_911, %swap3A_912], %select_n3A_909 {strides = array<i32>} : memref<4x128xi32, #tpu.memory_space<vmem>>, vector<16xi32>,
    %get3A_914 = arith.constant 3 : i32
    %get3A_915 = arith.index_cast %get3A_914 : i32 to index
    %get3A_916 = arith.constant 48 : index
    %get3A_917 = tpu.vector_load %arg6[%get3A_915, %get3A_916] {strides = array<i32>} : memref<4x128xi32, #tpu.memory_space<vmem>>, vector<16xi32>,
    %eq3A_918 = arith.constant 0 : i32
    %eq3A_919 = vector.broadcast %eq3A_918 : i32 to vector<16xi32>
    %eq3A_920 = arith.cmpi eq, %get3A_917, %eq3A_919 : vector<16xi32>
    %sub3A_921 = arith.constant 1 : i32
    %sub3A_922 = vector.broadcast %sub3A_921 : i32 to vector<16xi32>
    %sub3A_923 = arith.subi %get3A_917, %sub3A_922 : vector<16xi32>
    %jit3A_924 = arith.constant 999999 : i32
    %broadcast_in_dim3A_925 = vector.broadcast %jit3A_924 : i32 to vector<16xi32>
    %select_n3A_926 = arith.select %eq3A_920, %broadcast_in_dim3A_925, %sub3A_923 : vector<16xi1>, vector<16xi32>
    %swap3A_927 = arith.constant 3 : i32
    %swap3A_928 = arith.index_cast %swap3A_927 : i32 to index
    %swap3A_929 = arith.constant 48 : index
    %swap3A_930 = tpu.vector_load %arg6[%swap3A_928, %swap3A_929] {strides = array<i32>} : memref<4x128xi32, #tpu.memory_space<vmem>>, vector<16xi32>,
    tpu.vector_store %arg6[%swap3A_928, %swap3A_929], %select_n3A_926 {strides = array<i32>} : memref<4x128xi32, #tpu.memory_space<vmem>>, vector<16xi32>,
    %get3A_931 = arith.constant 3 : i32
    %get3A_932 = arith.index_cast %get3A_931 : i32 to index
    %get3A_933 = arith.constant 48 : index
    %get3A_934 = tpu.vector_load %arg7[%get3A_932, %get3A_933] {strides = array<i32>} : memref<4x128xi32, #tpu.memory_space<vmem>>, vector<16xi32>,
    %eq3A_935 = arith.constant 0 : i32
    %eq3A_936 = vector.broadcast %eq3A_935 : i32 to vector<16xi32>
    %eq3A_937 = arith.cmpi eq, %get3A_934, %eq3A_936 : vector<16xi32>
    %sub3A_938 = arith.constant 1 : i32
    %sub3A_939 = vector.broadcast %sub3A_938 : i32 to vector<16xi32>
    %sub3A_940 = arith.subi %get3A_934, %sub3A_939 : vector<16xi32>
    %jit3A_941 = arith.constant 999999 : i32
    %broadcast_in_dim3A_942 = vector.broadcast %jit3A_941 : i32 to vector<16xi32>
    %select_n3A_943 = arith.select %eq3A_937, %broadcast_in_dim3A_942, %sub3A_940 : vector<16xi1>, vector<16xi32>
    %swap3A_944 = arith.constant 3 : i32
    %swap3A_945 = arith.index_cast %swap3A_944 : i32 to index
    %swap3A_946 = arith.constant 48 : index
    %swap3A_947 = tpu.vector_load %arg7[%swap3A_945, %swap3A_946] {strides = array<i32>} : memref<4x128xi32, #tpu.memory_space<vmem>>, vector<16xi32>,
    tpu.vector_store %arg7[%swap3A_945, %swap3A_946], %select_n3A_943 {strides = array<i32>} : memref<4x128xi32, #tpu.memory_space<vmem>>, vector<16xi32>,
    %get3A_948 = arith.constant 3 : i32
    %get3A_949 = arith.index_cast %get3A_948 : i32 to index
    %get3A_950 = arith.constant 64 : index
    %get3A_951 = tpu.vector_load %arg6[%get3A_949, %get3A_950] {strides = array<i32>} : memref<4x128xi32, #tpu.memory_space<vmem>>, vector<16xi32>,
    %eq3A_952 = arith.constant 0 : i32
    %eq3A_953 = vector.broadcast %eq3A_952 : i32 to vector<16xi32>
    %eq3A_954 = arith.cmpi eq, %get3A_951, %eq3A_953 : vector<16xi32>
    %sub3A_955 = arith.constant 1 : i32
    %sub3A_956 = vector.broadcast %sub3A_955 : i32 to vector<16xi32>
    %sub3A_957 = arith.subi %get3A_951, %sub3A_956 : vector<16xi32>
    %jit3A_958 = arith.constant 999999 : i32
    %broadcast_in_dim3A_959 = vector.broadcast %jit3A_958 : i32 to vector<16xi32>
    %select_n3A_960 = arith.select %eq3A_954, %broadcast_in_dim3A_959, %sub3A_957 : vector<16xi1>, vector<16xi32>
    %swap3A_961 = arith.constant 3 : i32
    %swap3A_962 = arith.index_cast %swap3A_961 : i32 to index
    %swap3A_963 = arith.constant 64 : index
    %swap3A_964 = tpu.vector_load %arg6[%swap3A_962, %swap3A_963] {strides = array<i32>} : memref<4x128xi32, #tpu.memory_space<vmem>>, vector<16xi32>,
    tpu.vector_store %arg6[%swap3A_962, %swap3A_963], %select_n3A_960 {strides = array<i32>} : memref<4x128xi32, #tpu.memory_space<vmem>>, vector<16xi32>,
    %get3A_965 = arith.constant 3 : i32
    %get3A_966 = arith.index_cast %get3A_965 : i32 to index
    %get3A_967 = arith.constant 64 : index
    %get3A_968 = tpu.vector_load %arg7[%get3A_966, %get3A_967] {strides = array<i32>} : memref<4x128xi32, #tpu.memory_space<vmem>>, vector<16xi32>,
    %eq3A_969 = arith.constant 0 : i32
    %eq3A_970 = vector.broadcast %eq3A_969 : i32 to vector<16xi32>
    %eq3A_971 = arith.cmpi eq, %get3A_968, %eq3A_970 : vector<16xi32>
    %sub3A_972 = arith.constant 1 : i32
    %sub3A_973 = vector.broadcast %sub3A_972 : i32 to vector<16xi32>
    %sub3A_974 = arith.subi %get3A_968, %sub3A_973 : vector<16xi32>
    %jit3A_975 = arith.constant 999999 : i32
    %broadcast_in_dim3A_976 = vector.broadcast %jit3A_975 : i32 to vector<16xi32>
    %select_n3A_977 = arith.select %eq3A_971, %broadcast_in_dim3A_976, %sub3A_974 : vector<16xi1>, vector<16xi32>
    %swap3A_978 = arith.constant 3 : i32
    %swap3A_979 = arith.index_cast %swap3A_978 : i32 to index
    %swap3A_980 = arith.constant 64 : index
    %swap3A_981 = tpu.vector_load %arg7[%swap3A_979, %swap3A_980] {strides = array<i32>} : memref<4x128xi32, #tpu.memory_space<vmem>>, vector<16xi32>,
    tpu.vector_store %arg7[%swap3A_979, %swap3A_980], %select_n3A_977 {strides = array<i32>} : memref<4x128xi32, #tpu.memory_space<vmem>>, vector<16xi32>,
    %get3A_982 = arith.constant 3 : i32
    %get3A_983 = arith.index_cast %get3A_982 : i32 to index
    %get3A_984 = arith.constant 80 : index
    %get3A_985 = tpu.vector_load %arg6[%get3A_983, %get3A_984] {strides = array<i32>} : memref<4x128xi32, #tpu.memory_space<vmem>>, vector<16xi32>,
    %eq3A_986 = arith.constant 0 : i32
    %eq3A_987 = vector.broadcast %eq3A_986 : i32 to vector<16xi32>
    %eq3A_988 = arith.cmpi eq, %get3A_985, %eq3A_987 : vector<16xi32>
    %sub3A_989 = arith.constant 1 : i32
    %sub3A_990 = vector.broadcast %sub3A_989 : i32 to vector<16xi32>
    %sub3A_991 = arith.subi %get3A_985, %sub3A_990 : vector<16xi32>
    %jit3A_992 = arith.constant 999999 : i32
    %broadcast_in_dim3A_993 = vector.broadcast %jit3A_992 : i32 to vector<16xi32>
    %select_n3A_994 = arith.select %eq3A_988, %broadcast_in_dim3A_993, %sub3A_991 : vector<16xi1>, vector<16xi32>
    %swap3A_995 = arith.constant 3 : i32
    %swap3A_996 = arith.index_cast %swap3A_995 : i32 to index
    %swap3A_997 = arith.constant 80 : index
    %swap3A_998 = tpu.vector_load %arg6[%swap3A_996, %swap3A_997] {strides = array<i32>} : memref<4x128xi32, #tpu.memory_space<vmem>>, vector<16xi32>,
    tpu.vector_store %arg6[%swap3A_996, %swap3A_997], %select_n3A_994 {strides = array<i32>} : memref<4x128xi32, #tpu.memory_space<vmem>>, vector<16xi32>,
    %get3A_999 = arith.constant 3 : i32
    %get3A_1000 = arith.index_cast %get3A_999 : i32 to index
    %get3A_1001 = arith.constant 80 : index
    %get3A_1002 = tpu.vector_load %arg7[%get3A_1000, %get3A_1001] {strides = array<i32>} : memref<4x128xi32, #tpu.memory_space<vmem>>, vector<16xi32>,
    %eq3A_1003 = arith.constant 0 : i32
    %eq3A_1004 = vector.broadcast %eq3A_1003 : i32 to vector<16xi32>
    %eq3A_1005 = arith.cmpi eq, %get3A_1002, %eq3A_1004 : vector<16xi32>
    %sub3A_1006 = arith.constant 1 : i32
    %sub3A_1007 = vector.broadcast %sub3A_1006 : i32 to vector<16xi32>
    %sub3A_1008 = arith.subi %get3A_1002, %sub3A_1007 : vector<16xi32>
    %jit3A_1009 = arith.constant 999999 : i32
    %broadcast_in_dim3A_1010 = vector.broadcast %jit3A_1009 : i32 to vector<16xi32>
    %select_n3A_1011 = arith.select %eq3A_1005, %broadcast_in_dim3A_1010, %sub3A_1008 : vector<16xi1>, vector<16xi32>
    %swap3A_1012 = arith.constant 3 : i32
    %swap3A_1013 = arith.index_cast %swap3A_1012 : i32 to index
    %swap3A_1014 = arith.constant 80 : index
    %swap3A_1015 = tpu.vector_load %arg7[%swap3A_1013, %swap3A_1014] {strides = array<i32>} : memref<4x128xi32, #tpu.memory_space<vmem>>, vector<16xi32>,
    tpu.vector_store %arg7[%swap3A_1013, %swap3A_1014], %select_n3A_1011 {strides = array<i32>} : memref<4x128xi32, #tpu.memory_space<vmem>>, vector<16xi32>,
    %get3A_1016 = arith.constant 3 : i32
    %get3A_1017 = arith.index_cast %get3A_1016 : i32 to index
    %get3A_1018 = arith.constant 96 : index
    %get3A_1019 = tpu.vector_load %arg6[%get3A_1017, %get3A_1018] {strides = array<i32>} : memref<4x128xi32, #tpu.memory_space<vmem>>, vector<16xi32>,
    %eq3A_1020 = arith.constant 0 : i32
    %eq3A_1021 = vector.broadcast %eq3A_1020 : i32 to vector<16xi32>
    %eq3A_1022 = arith.cmpi eq, %get3A_1019, %eq3A_1021 : vector<16xi32>
    %sub3A_1023 = arith.constant 1 : i32
    %sub3A_1024 = vector.broadcast %sub3A_1023 : i32 to vector<16xi32>
    %sub3A_1025 = arith.subi %get3A_1019, %sub3A_1024 : vector<16xi32>
    %jit3A_1026 = arith.constant 999999 : i32
    %broadcast_in_dim3A_1027 = vector.broadcast %jit3A_1026 : i32 to vector<16xi32>
    %select_n3A_1028 = arith.select %eq3A_1022, %broadcast_in_dim3A_1027, %sub3A_1025 : vector<16xi1>, vector<16xi32>
    %swap3A_1029 = arith.constant 3 : i32
    %swap3A_1030 = arith.index_cast %swap3A_1029 : i32 to index
    %swap3A_1031 = arith.constant 96 : index
    %swap3A_1032 = tpu.vector_load %arg6[%swap3A_1030, %swap3A_1031] {strides = array<i32>} : memref<4x128xi32, #tpu.memory_space<vmem>>, vector<16xi32>,
    tpu.vector_store %arg6[%swap3A_1030, %swap3A_1031], %select_n3A_1028 {strides = array<i32>} : memref<4x128xi32, #tpu.memory_space<vmem>>, vector<16xi32>,
    %get3A_1033 = arith.constant 3 : i32
    %get3A_1034 = arith.index_cast %get3A_1033 : i32 to index
    %get3A_1035 = arith.constant 96 : index
    %get3A_1036 = tpu.vector_load %arg7[%get3A_1034, %get3A_1035] {strides = array<i32>} : memref<4x128xi32, #tpu.memory_space<vmem>>, vector<16xi32>,
    %eq3A_1037 = arith.constant 0 : i32
    %eq3A_1038 = vector.broadcast %eq3A_1037 : i32 to vector<16xi32>
    %eq3A_1039 = arith.cmpi eq, %get3A_1036, %eq3A_1038 : vector<16xi32>
    %sub3A_1040 = arith.constant 1 : i32
    %sub3A_1041 = vector.broadcast %sub3A_1040 : i32 to vector<16xi32>
    %sub3A_1042 = arith.subi %get3A_1036, %sub3A_1041 : vector<16xi32>
    %jit3A_1043 = arith.constant 999999 : i32
    %broadcast_in_dim3A_1044 = vector.broadcast %jit3A_1043 : i32 to vector<16xi32>
    %select_n3A_1045 = arith.select %eq3A_1039, %broadcast_in_dim3A_1044, %sub3A_1042 : vector<16xi1>, vector<16xi32>
    %swap3A_1046 = arith.constant 3 : i32
    %swap3A_1047 = arith.index_cast %swap3A_1046 : i32 to index
    %swap3A_1048 = arith.constant 96 : index
    %swap3A_1049 = tpu.vector_load %arg7[%swap3A_1047, %swap3A_1048] {strides = array<i32>} : memref<4x128xi32, #tpu.memory_space<vmem>>, vector<16xi32>,
    tpu.vector_store %arg7[%swap3A_1047, %swap3A_1048], %select_n3A_1045 {strides = array<i32>} : memref<4x128xi32, #tpu.memory_space<vmem>>, vector<16xi32>,
    %get3A_1050 = arith.constant 3 : i32
    %get3A_1051 = arith.index_cast %get3A_1050 : i32 to index
    %get3A_1052 = arith.constant 112 : index
    %get3A_1053 = tpu.vector_load %arg6[%get3A_1051, %get3A_1052] {strides = array<i32>} : memref<4x128xi32, #tpu.memory_space<vmem>>, vector<16xi32>,
    %eq3A_1054 = arith.constant 0 : i32
    %eq3A_1055 = vector.broadcast %eq3A_1054 : i32 to vector<16xi32>
    %eq3A_1056 = arith.cmpi eq, %get3A_1053, %eq3A_1055 : vector<16xi32>
    %sub3A_1057 = arith.constant 1 : i32
    %sub3A_1058 = vector.broadcast %sub3A_1057 : i32 to vector<16xi32>
    %sub3A_1059 = arith.subi %get3A_1053, %sub3A_1058 : vector<16xi32>
    %jit3A_1060 = arith.constant 999999 : i32
    %broadcast_in_dim3A_1061 = vector.broadcast %jit3A_1060 : i32 to vector<16xi32>
    %select_n3A_1062 = arith.select %eq3A_1056, %broadcast_in_dim3A_1061, %sub3A_1059 : vector<16xi1>, vector<16xi32>
    %swap3A_1063 = arith.constant 3 : i32
    %swap3A_1064 = arith.index_cast %swap3A_1063 : i32 to index
    %swap3A_1065 = arith.constant 112 : index
    %swap3A_1066 = tpu.vector_load %arg6[%swap3A_1064, %swap3A_1065] {strides = array<i32>} : memref<4x128xi32, #tpu.memory_space<vmem>>, vector<16xi32>,
    tpu.vector_store %arg6[%swap3A_1064, %swap3A_1065], %select_n3A_1062 {strides = array<i32>} : memref<4x128xi32, #tpu.memory_space<vmem>>, vector<16xi32>,
    %get3A_1067 = arith.constant 3 : i32
    %get3A_1068 = arith.index_cast %get3A_1067 : i32 to index
    %get3A_1069 = arith.constant 112 : index
    %get3A_1070 = tpu.vector_load %arg7[%get3A_1068, %get3A_1069] {strides = array<i32>} : memref<4x128xi32, #tpu.memory_space<vmem>>, vector<16xi32>,
    %eq3A_1071 = arith.constant 0 : i32
    %eq3A_1072 = vector.broadcast %eq3A_1071 : i32 to vector<16xi32>
    %eq3A_1073 = arith.cmpi eq, %get3A_1070, %eq3A_1072 : vector<16xi32>
    %sub3A_1074 = arith.constant 1 : i32
    %sub3A_1075 = vector.broadcast %sub3A_1074 : i32 to vector<16xi32>
    %sub3A_1076 = arith.subi %get3A_1070, %sub3A_1075 : vector<16xi32>
    %jit3A_1077 = arith.constant 999999 : i32
    %broadcast_in_dim3A_1078 = vector.broadcast %jit3A_1077 : i32 to vector<16xi32>
    %select_n3A_1079 = arith.select %eq3A_1073, %broadcast_in_dim3A_1078, %sub3A_1076 : vector<16xi1>, vector<16xi32>
    %swap3A_1080 = arith.constant 3 : i32
    %swap3A_1081 = arith.index_cast %swap3A_1080 : i32 to index
    %swap3A_1082 = arith.constant 112 : index
    %swap3A_1083 = tpu.vector_load %arg7[%swap3A_1081, %swap3A_1082] {strides = array<i32>} : memref<4x128xi32, #tpu.memory_space<vmem>>, vector<16xi32>,
    tpu.vector_store %arg7[%swap3A_1081, %swap3A_1082], %select_n3A_1079 {strides = array<i32>} : memref<4x128xi32, #tpu.memory_space<vmem>>, vector<16xi32>,
    %iota3A = tpu.iota {dimensions = array<i32: 0>} : vector<16xi32>
    %mul3A_1084 = arith.constant 16 : i32
    %mul3A_1085 = vector.broadcast %mul3A_1084 : i32 to vector<16xi32>
    %mul3A_1086 = arith.muli %iota3A, %mul3A_1085 : vector<16xi32>
    %dma_start3A = arith.constant 0 : i32
    %dma_start3A_1087 = arith.constant 0 : i32
    %dma_start3A_1088 = arith.constant 0 : i32
    %dma_start3A_1089 = tpu.memref_slice %arg8[%dma_start3A_1087, %dma_start3A_1088] : memref<256x128xf32, #tpu.memory_space<vmem>> -> memref<128x128xf32, #tpu.memory_space<vmem>>
    %dma_start3A_1090 = arith.constant 0 : i32
    %dma_start3A_1091 = tpu.memref_slice %arg6[%dma_start3A, %dma_start3A_1090] : memref<4x128xi32, #tpu.memory_space<vmem>> -> memref<1x128xi32, #tpu.memory_space<vmem>>
    %dma_start3A_1092 = tpu.memref_squeeze %dma_start3A_1091 : memref<1x128xi32, #tpu.memory_space<vmem>> -> memref<128xi32, #tpu.memory_space<vmem>>
    %dma_start3A_1093 = arith.constant 0 : i32
    %dma_start3A_1094 = arith.constant 0 : i32
    %dma_start3A_1095 = tpu.memref_slice %arg4[%dma_start3A_1093, %dma_start3A_1094] : memref<1000000x128xf32, #tpu.memory_space<hbm>> -> memref<1000000x128xf32, #tpu.memory_space<hbm>>
    tpu.enqueue_indirect_dma source(%dma_start3A_1095 : memref<1000000x128xf32, #tpu.memory_space<hbm>>) target(%dma_start3A_1089 : memref<128x128xf32, #tpu.memory_space<vmem>>) offsets(%dma_start3A_1092 : memref<128xi32, #tpu.memory_space<vmem>>) semaphore(%arg12 : memref<!tpu.dma_semaphore, #tpu.memory_space<semaphore_mem>>)
    %dma_start3A_1096 = arith.constant 0 : i32
    %dma_start3A_1097 = arith.constant 0 : i32
    %dma_start3A_1098 = arith.constant 0 : i32
    %dma_start3A_1099 = tpu.memref_slice %arg9[%dma_start3A_1097, %dma_start3A_1098] : memref<256x128xf32, #tpu.memory_space<vmem>> -> memref<128x128xf32, #tpu.memory_space<vmem>>
    %dma_start3A_1100 = arith.constant 0 : i32
    %dma_start3A_1101 = tpu.memref_slice %arg7[%dma_start3A_1096, %dma_start3A_1100] : memref<4x128xi32, #tpu.memory_space<vmem>> -> memref<1x128xi32, #tpu.memory_space<vmem>>
    %dma_start3A_1102 = tpu.memref_squeeze %dma_start3A_1101 : memref<1x128xi32, #tpu.memory_space<vmem>> -> memref<128xi32, #tpu.memory_space<vmem>>
    %dma_start3A_1103 = arith.constant 0 : i32
    %dma_start3A_1104 = arith.constant 0 : i32
    %dma_start3A_1105 = tpu.memref_slice %arg4[%dma_start3A_1103, %dma_start3A_1104] : memref<1000000x128xf32, #tpu.memory_space<hbm>> -> memref<1000000x128xf32, #tpu.memory_space<hbm>>
    tpu.enqueue_indirect_dma source(%dma_start3A_1105 : memref<1000000x128xf32, #tpu.memory_space<hbm>>) target(%dma_start3A_1099 : memref<128x128xf32, #tpu.memory_space<vmem>>) offsets(%dma_start3A_1102 : memref<128xi32, #tpu.memory_space<vmem>>) semaphore(%arg12 : memref<!tpu.dma_semaphore, #tpu.memory_space<semaphore_mem>>)
    %dma_start3A_1106 = arith.constant 1 : i32
    %dma_start3A_1107 = arith.constant 128 : i32
    %dma_start3A_1108 = arith.constant 0 : i32
    %dma_start3A_1109 = tpu.memref_slice %arg8[%dma_start3A_1107, %dma_start3A_1108] : memref<256x128xf32, #tpu.memory_space<vmem>> -> memref<128x128xf32, #tpu.memory_space<vmem>>
    %dma_start3A_1110 = arith.constant 0 : i32
    %dma_start3A_1111 = tpu.memref_slice %arg6[%dma_start3A_1106, %dma_start3A_1110] : memref<4x128xi32, #tpu.memory_space<vmem>> -> memref<1x128xi32, #tpu.memory_space<vmem>>
    %dma_start3A_1112 = tpu.memref_squeeze %dma_start3A_1111 : memref<1x128xi32, #tpu.memory_space<vmem>> -> memref<128xi32, #tpu.memory_space<vmem>>
    %dma_start3A_1113 = arith.constant 0 : i32
    %dma_start3A_1114 = arith.constant 0 : i32
    %dma_start3A_1115 = tpu.memref_slice %arg4[%dma_start3A_1113, %dma_start3A_1114] : memref<1000000x128xf32, #tpu.memory_space<hbm>> -> memref<1000000x128xf32, #tpu.memory_space<hbm>>
    tpu.enqueue_indirect_dma source(%dma_start3A_1115 : memref<1000000x128xf32, #tpu.memory_space<hbm>>) target(%dma_start3A_1109 : memref<128x128xf32, #tpu.memory_space<vmem>>) offsets(%dma_start3A_1112 : memref<128xi32, #tpu.memory_space<vmem>>) semaphore(%arg12 : memref<!tpu.dma_semaphore, #tpu.memory_space<semaphore_mem>>)
    %dma_start3A_1116 = arith.constant 1 : i32
    %dma_start3A_1117 = arith.constant 128 : i32
    %dma_start3A_1118 = arith.constant 0 : i32
    %dma_start3A_1119 = tpu.memref_slice %arg9[%dma_start3A_1117, %dma_start3A_1118] : memref<256x128xf32, #tpu.memory_space<vmem>> -> memref<128x128xf32, #tpu.memory_space<vmem>>
    %dma_start3A_1120 = arith.constant 0 : i32
    %dma_start3A_1121 = tpu.memref_slice %arg7[%dma_start3A_1116, %dma_start3A_1120] : memref<4x128xi32, #tpu.memory_space<vmem>> -> memref<1x128xi32, #tpu.memory_space<vmem>>
    %dma_start3A_1122 = tpu.memref_squeeze %dma_start3A_1121 : memref<1x128xi32, #tpu.memory_space<vmem>> -> memref<128xi32, #tpu.memory_space<vmem>>
    %dma_start3A_1123 = arith.constant 0 : i32
    %dma_start3A_1124 = arith.constant 0 : i32
    %dma_start3A_1125 = tpu.memref_slice %arg4[%dma_start3A_1123, %dma_start3A_1124] : memref<1000000x128xf32, #tpu.memory_space<hbm>> -> memref<1000000x128xf32, #tpu.memory_space<hbm>>
    tpu.enqueue_indirect_dma source(%dma_start3A_1125 : memref<1000000x128xf32, #tpu.memory_space<hbm>>) target(%dma_start3A_1119 : memref<128x128xf32, #tpu.memory_space<vmem>>) offsets(%dma_start3A_1122 : memref<128xi32, #tpu.memory_space<vmem>>) semaphore(%arg12 : memref<!tpu.dma_semaphore, #tpu.memory_space<semaphore_mem>>)
    %dma_wait3A = arith.constant 0 : i32
    %dma_wait3A_1126 = arith.constant 0 : i32
    %dma_wait3A_1127 = arith.constant 0 : i32
    %dma_wait3A_1128 = tpu.memref_slice %arg8[%dma_wait3A_1126, %dma_wait3A_1127] : memref<256x128xf32, #tpu.memory_space<vmem>> -> memref<128x128xf32, #tpu.memory_space<vmem>>
    %dma_wait3A_1129 = arith.constant 0 : i32
    %dma_wait3A_1130 = tpu.memref_slice %arg6[%dma_wait3A, %dma_wait3A_1129] : memref<4x128xi32, #tpu.memory_space<vmem>> -> memref<1x128xi32, #tpu.memory_space<vmem>>
    %dma_wait3A_1131 = tpu.memref_squeeze %dma_wait3A_1130 : memref<1x128xi32, #tpu.memory_space<vmem>> -> memref<128xi32, #tpu.memory_space<vmem>>
    %dma_wait3A_1132 = arith.constant 0 : i32
    %dma_wait3A_1133 = arith.constant 0 : i32
    %dma_wait3A_1134 = tpu.memref_slice %arg4[%dma_wait3A_1132, %dma_wait3A_1133] : memref<1000000x128xf32, #tpu.memory_space<hbm>> -> memref<1000000x128xf32, #tpu.memory_space<hbm>>
    tpu.wait_indirect_dma semaphore(%arg12 : memref<!tpu.dma_semaphore, #tpu.memory_space<semaphore_mem>>) src(%dma_wait3A_1134 : memref<1000000x128xf32, #tpu.memory_space<hbm>>) dst(%dma_wait3A_1128 : memref<128x128xf32, #tpu.memory_space<vmem>>)
    %dma_wait3A_1135 = arith.constant 0 : i32
    %dma_wait3A_1136 = arith.constant 0 : i32
    %dma_wait3A_1137 = arith.constant 0 : i32
    %dma_wait3A_1138 = tpu.memref_slice %arg9[%dma_wait3A_1136, %dma_wait3A_1137] : memref<256x128xf32, #tpu.memory_space<vmem>> -> memref<128x128xf32, #tpu.memory_space<vmem>>
    %dma_wait3A_1139 = arith.constant 0 : i32
    %dma_wait3A_1140 = tpu.memref_slice %arg7[%dma_wait3A_1135, %dma_wait3A_1139] : memref<4x128xi32, #tpu.memory_space<vmem>> -> memref<1x128xi32, #tpu.memory_space<vmem>>
    %dma_wait3A_1141 = tpu.memref_squeeze %dma_wait3A_1140 : memref<1x128xi32, #tpu.memory_space<vmem>> -> memref<128xi32, #tpu.memory_space<vmem>>
    %dma_wait3A_1142 = arith.constant 0 : i32
    %dma_wait3A_1143 = arith.constant 0 : i32
    %dma_wait3A_1144 = tpu.memref_slice %arg4[%dma_wait3A_1142, %dma_wait3A_1143] : memref<1000000x128xf32, #tpu.memory_space<hbm>> -> memref<1000000x128xf32, #tpu.memory_space<hbm>>
    tpu.wait_indirect_dma semaphore(%arg12 : memref<!tpu.dma_semaphore, #tpu.memory_space<semaphore_mem>>) src(%dma_wait3A_1144 : memref<1000000x128xf32, #tpu.memory_space<hbm>>) dst(%dma_wait3A_1138 : memref<128x128xf32, #tpu.memory_space<vmem>>)
    %dma_wait3A_1145 = arith.constant 1 : i32
    %dma_wait3A_1146 = arith.constant 128 : i32
    %dma_wait3A_1147 = arith.constant 0 : i32
    %dma_wait3A_1148 = tpu.memref_slice %arg8[%dma_wait3A_1146, %dma_wait3A_1147] : memref<256x128xf32, #tpu.memory_space<vmem>> -> memref<128x128xf32, #tpu.memory_space<vmem>>
    %dma_wait3A_1149 = arith.constant 0 : i32
    %dma_wait3A_1150 = tpu.memref_slice %arg6[%dma_wait3A_1145, %dma_wait3A_1149] : memref<4x128xi32, #tpu.memory_space<vmem>> -> memref<1x128xi32, #tpu.memory_space<vmem>>
    %dma_wait3A_1151 = tpu.memref_squeeze %dma_wait3A_1150 : memref<1x128xi32, #tpu.memory_space<vmem>> -> memref<128xi32, #tpu.memory_space<vmem>>
    %dma_wait3A_1152 = arith.constant 0 : i32
    %dma_wait3A_1153 = arith.constant 0 : i32
    %dma_wait3A_1154 = tpu.memref_slice %arg4[%dma_wait3A_1152, %dma_wait3A_1153] : memref<1000000x128xf32, #tpu.memory_space<hbm>> -> memref<1000000x128xf32, #tpu.memory_space<hbm>>
    tpu.wait_indirect_dma semaphore(%arg12 : memref<!tpu.dma_semaphore, #tpu.memory_space<semaphore_mem>>) src(%dma_wait3A_1154 : memref<1000000x128xf32, #tpu.memory_space<hbm>>) dst(%dma_wait3A_1148 : memref<128x128xf32, #tpu.memory_space<vmem>>)
    %dma_wait3A_1155 = arith.constant 1 : i32
    %dma_wait3A_1156 = arith.constant 128 : i32
    %dma_wait3A_1157 = arith.constant 0 : i32
    %dma_wait3A_1158 = tpu.memref_slice %arg9[%dma_wait3A_1156, %dma_wait3A_1157] : memref<256x128xf32, #tpu.memory_space<vmem>> -> memref<128x128xf32, #tpu.memory_space<vmem>>
    %dma_wait3A_1159 = arith.constant 0 : i32
    %dma_wait3A_1160 = tpu.memref_slice %arg7[%dma_wait3A_1155, %dma_wait3A_1159] : memref<4x128xi32, #tpu.memory_space<vmem>> -> memref<1x128xi32, #tpu.memory_space<vmem>>
    %dma_wait3A_1161 = tpu.memref_squeeze %dma_wait3A_1160 : memref<1x128xi32, #tpu.memory_space<vmem>> -> memref<128xi32, #tpu.memory_space<vmem>>
    %dma_wait3A_1162 = arith.constant 0 : i32
    %dma_wait3A_1163 = arith.constant 0 : i32
    %dma_wait3A_1164 = tpu.memref_slice %arg4[%dma_wait3A_1162, %dma_wait3A_1163] : memref<1000000x128xf32, #tpu.memory_space<hbm>> -> memref<1000000x128xf32, #tpu.memory_space<hbm>>
    tpu.wait_indirect_dma semaphore(%arg12 : memref<!tpu.dma_semaphore, #tpu.memory_space<semaphore_mem>>) src(%dma_wait3A_1164 : memref<1000000x128xf32, #tpu.memory_space<hbm>>) dst(%dma_wait3A_1158 : memref<128x128xf32, #tpu.memory_space<vmem>>)
    %scan3A = arith.constant 0 : i32
    %scan3A_1165 = arith.constant 0 : i32
    %scan3A_1166 = arith.constant 16 : i32
    %scan3A_1167 = arith.addi %scan3A_1165, %scan3A_1166 : i32
    %scan3A_1168 = arith.constant 1 : i32
    scf.for %scan3A_1258 = %scan3A_1165 to %scan3A_1167 step %scan3A_1168  : i32 {
      %mul3A_1259 = arith.constant 16 : i32
      %mul3A_1260 = arith.muli %scan3A_1258, %mul3A_1259 : i32
      %add3A_1261 = arith.constant 0 : i32
      %add3A_1262 = arith.addi %mul3A_1260, %add3A_1261 : i32
      %get3A_1263 = arith.index_cast %add3A_1262 : i32 to index
      %get3A_1264 = arith.constant 0 : index
      %get3A_1265 = tpu.vector_load %arg8[%get3A_1263, %get3A_1264] {strides = array<i32>} : memref<256x128xf32, #tpu.memory_space<vmem>>, vector<16xf32>,
      %get3A_1266 = arith.index_cast %add3A_1262 : i32 to index
      %get3A_1267 = arith.constant 64 : index
      %get3A_1268 = tpu.vector_load %arg9[%get3A_1266, %get3A_1267] {strides = array<i32>} : memref<256x128xf32, #tpu.memory_space<vmem>>, vector<16xf32>,
      %mul3A_1269 = arith.mulf %get3A_1265, %get3A_1268 : vector<16xf32>
      %get3A_1270 = arith.index_cast %add3A_1262 : i32 to index
      %get3A_1271 = arith.constant 16 : index
      %get3A_1272 = tpu.vector_load %arg8[%get3A_1270, %get3A_1271] {strides = array<i32>} : memref<256x128xf32, #tpu.memory_space<vmem>>, vector<16xf32>,
      %get3A_1273 = arith.index_cast %add3A_1262 : i32 to index
      %get3A_1274 = arith.constant 80 : index
      %get3A_1275 = tpu.vector_load %arg9[%get3A_1273, %get3A_1274] {strides = array<i32>} : memref<256x128xf32, #tpu.memory_space<vmem>>, vector<16xf32>,
      %mul3A_1276 = arith.mulf %get3A_1272, %get3A_1275 : vector<16xf32>
      %add3A_1277 = arith.addf %mul3A_1269, %mul3A_1276 : vector<16xf32>
      %get3A_1278 = arith.index_cast %add3A_1262 : i32 to index
      %get3A_1279 = arith.constant 32 : index
      %get3A_1280 = tpu.vector_load %arg8[%get3A_1278, %get3A_1279] {strides = array<i32>} : memref<256x128xf32, #tpu.memory_space<vmem>>, vector<16xf32>,
      %get3A_1281 = arith.index_cast %add3A_1262 : i32 to index
      %get3A_1282 = arith.constant 96 : index
      %get3A_1283 = tpu.vector_load %arg9[%get3A_1281, %get3A_1282] {strides = array<i32>} : memref<256x128xf32, #tpu.memory_space<vmem>>, vector<16xf32>,
      %mul3A_1284 = arith.mulf %get3A_1280, %get3A_1283 : vector<16xf32>
      %add3A_1285 = arith.addf %add3A_1277, %mul3A_1284 : vector<16xf32>
      %get3A_1286 = arith.index_cast %add3A_1262 : i32 to index
      %get3A_1287 = arith.constant 48 : index
      %get3A_1288 = tpu.vector_load %arg8[%get3A_1286, %get3A_1287] {strides = array<i32>} : memref<256x128xf32, #tpu.memory_space<vmem>>, vector<16xf32>,
      %get3A_1289 = arith.index_cast %add3A_1262 : i32 to index
      %get3A_1290 = arith.constant 112 : index
      %get3A_1291 = tpu.vector_load %arg9[%get3A_1289, %get3A_1290] {strides = array<i32>} : memref<256x128xf32, #tpu.memory_space<vmem>>, vector<16xf32>,
      %mul3A_1292 = arith.mulf %get3A_1288, %get3A_1291 : vector<16xf32>
      %add3A_1293 = arith.addf %add3A_1285, %mul3A_1292 : vector<16xf32>
      %swap3A_1294 = arith.constant 0 : index
      %swap3A_1295 = tpu.vector_load %arg10[%swap3A_1294] {strides = array<i32>} : memref<256xf32, #tpu.memory_space<vmem>>, vector<16xf32>,
      tpu.vector_store %arg10[%swap3A_1294], %add3A_1293 {strides = array<i32>} : memref<256xf32, #tpu.memory_space<vmem>>, vector<16xf32>,
      %mul3A_1296 = arith.constant 16 : i32
      %mul3A_1297 = arith.muli %scan3A_1258, %mul3A_1296 : i32
      %add3A_1298 = arith.constant 1 : i32
      %add3A_1299 = arith.addi %mul3A_1297, %add3A_1298 : i32
      %get3A_1300 = arith.index_cast %add3A_1299 : i32 to index
      %get3A_1301 = arith.constant 0 : index
      %get3A_1302 = tpu.vector_load %arg8[%get3A_1300, %get3A_1301] {strides = array<i32>} : memref<256x128xf32, #tpu.memory_space<vmem>>, vector<16xf32>,
      %get3A_1303 = arith.index_cast %add3A_1299 : i32 to index
      %get3A_1304 = arith.constant 64 : index
      %get3A_1305 = tpu.vector_load %arg9[%get3A_1303, %get3A_1304] {strides = array<i32>} : memref<256x128xf32, #tpu.memory_space<vmem>>, vector<16xf32>,
      %mul3A_1306 = arith.mulf %get3A_1302, %get3A_1305 : vector<16xf32>
      %get3A_1307 = arith.index_cast %add3A_1299 : i32 to index
      %get3A_1308 = arith.constant 16 : index
      %get3A_1309 = tpu.vector_load %arg8[%get3A_1307, %get3A_1308] {strides = array<i32>} : memref<256x128xf32, #tpu.memory_space<vmem>>, vector<16xf32>,
      %get3A_1310 = arith.index_cast %add3A_1299 : i32 to index
      %get3A_1311 = arith.constant 80 : index
      %get3A_1312 = tpu.vector_load %arg9[%get3A_1310, %get3A_1311] {strides = array<i32>} : memref<256x128xf32, #tpu.memory_space<vmem>>, vector<16xf32>,
      %mul3A_1313 = arith.mulf %get3A_1309, %get3A_1312 : vector<16xf32>
      %add3A_1314 = arith.addf %mul3A_1306, %mul3A_1313 : vector<16xf32>
      %get3A_1315 = arith.index_cast %add3A_1299 : i32 to index
      %get3A_1316 = arith.constant 32 : index
      %get3A_1317 = tpu.vector_load %arg8[%get3A_1315, %get3A_1316] {strides = array<i32>} : memref<256x128xf32, #tpu.memory_space<vmem>>, vector<16xf32>,
      %get3A_1318 = arith.index_cast %add3A_1299 : i32 to index
      %get3A_1319 = arith.constant 96 : index
      %get3A_1320 = tpu.vector_load %arg9[%get3A_1318, %get3A_1319] {strides = array<i32>} : memref<256x128xf32, #tpu.memory_space<vmem>>, vector<16xf32>,
      %mul3A_1321 = arith.mulf %get3A_1317, %get3A_1320 : vector<16xf32>
      %add3A_1322 = arith.addf %add3A_1314, %mul3A_1321 : vector<16xf32>
      %get3A_1323 = arith.index_cast %add3A_1299 : i32 to index
      %get3A_1324 = arith.constant 48 : index
      %get3A_1325 = tpu.vector_load %arg8[%get3A_1323, %get3A_1324] {strides = array<i32>} : memref<256x128xf32, #tpu.memory_space<vmem>>, vector<16xf32>,
      %get3A_1326 = arith.index_cast %add3A_1299 : i32 to index
      %get3A_1327 = arith.constant 112 : index
      %get3A_1328 = tpu.vector_load %arg9[%get3A_1326, %get3A_1327] {strides = array<i32>} : memref<256x128xf32, #tpu.memory_space<vmem>>, vector<16xf32>,
      %mul3A_1329 = arith.mulf %get3A_1325, %get3A_1328 : vector<16xf32>
      %add3A_1330 = arith.addf %add3A_1322, %mul3A_1329 : vector<16xf32>
      %swap3A_1331 = arith.constant 16 : index
      %swap3A_1332 = tpu.vector_load %arg10[%swap3A_1331] {strides = array<i32>} : memref<256xf32, #tpu.memory_space<vmem>>, vector<16xf32>,
      tpu.vector_store %arg10[%swap3A_1331], %add3A_1330 {strides = array<i32>} : memref<256xf32, #tpu.memory_space<vmem>>, vector<16xf32>,
      %mul3A_1333 = arith.constant 16 : i32
      %mul3A_1334 = arith.muli %scan3A_1258, %mul3A_1333 : i32
      %add3A_1335 = arith.constant 2 : i32
      %add3A_1336 = arith.addi %mul3A_1334, %add3A_1335 : i32
      %get3A_1337 = arith.index_cast %add3A_1336 : i32 to index
      %get3A_1338 = arith.constant 0 : index
      %get3A_1339 = tpu.vector_load %arg8[%get3A_1337, %get3A_1338] {strides = array<i32>} : memref<256x128xf32, #tpu.memory_space<vmem>>, vector<16xf32>,
      %get3A_1340 = arith.index_cast %add3A_1336 : i32 to index
      %get3A_1341 = arith.constant 64 : index
      %get3A_1342 = tpu.vector_load %arg9[%get3A_1340, %get3A_1341] {strides = array<i32>} : memref<256x128xf32, #tpu.memory_space<vmem>>, vector<16xf32>,
      %mul3A_1343 = arith.mulf %get3A_1339, %get3A_1342 : vector<16xf32>
      %get3A_1344 = arith.index_cast %add3A_1336 : i32 to index
      %get3A_1345 = arith.constant 16 : index
      %get3A_1346 = tpu.vector_load %arg8[%get3A_1344, %get3A_1345] {strides = array<i32>} : memref<256x128xf32, #tpu.memory_space<vmem>>, vector<16xf32>,
      %get3A_1347 = arith.index_cast %add3A_1336 : i32 to index
      %get3A_1348 = arith.constant 80 : index
      %get3A_1349 = tpu.vector_load %arg9[%get3A_1347, %get3A_1348] {strides = array<i32>} : memref<256x128xf32, #tpu.memory_space<vmem>>, vector<16xf32>,
      %mul3A_1350 = arith.mulf %get3A_1346, %get3A_1349 : vector<16xf32>
      %add3A_1351 = arith.addf %mul3A_1343, %mul3A_1350 : vector<16xf32>
      %get3A_1352 = arith.index_cast %add3A_1336 : i32 to index
      %get3A_1353 = arith.constant 32 : index
      %get3A_1354 = tpu.vector_load %arg8[%get3A_1352, %get3A_1353] {strides = array<i32>} : memref<256x128xf32, #tpu.memory_space<vmem>>, vector<16xf32>,
      %get3A_1355 = arith.index_cast %add3A_1336 : i32 to index
      %get3A_1356 = arith.constant 96 : index
      %get3A_1357 = tpu.vector_load %arg9[%get3A_1355, %get3A_1356] {strides = array<i32>} : memref<256x128xf32, #tpu.memory_space<vmem>>, vector<16xf32>,
      %mul3A_1358 = arith.mulf %get3A_1354, %get3A_1357 : vector<16xf32>
      %add3A_1359 = arith.addf %add3A_1351, %mul3A_1358 : vector<16xf32>
      %get3A_1360 = arith.index_cast %add3A_1336 : i32 to index
      %get3A_1361 = arith.constant 48 : index
      %get3A_1362 = tpu.vector_load %arg8[%get3A_1360, %get3A_1361] {strides = array<i32>} : memref<256x128xf32, #tpu.memory_space<vmem>>, vector<16xf32>,
      %get3A_1363 = arith.index_cast %add3A_1336 : i32 to index
      %get3A_1364 = arith.constant 112 : index
      %get3A_1365 = tpu.vector_load %arg9[%get3A_1363, %get3A_1364] {strides = array<i32>} : memref<256x128xf32, #tpu.memory_space<vmem>>, vector<16xf32>,
      %mul3A_1366 = arith.mulf %get3A_1362, %get3A_1365 : vector<16xf32>
      %add3A_1367 = arith.addf %add3A_1359, %mul3A_1366 : vector<16xf32>
      %swap3A_1368 = arith.constant 32 : index
      %swap3A_1369 = tpu.vector_load %arg10[%swap3A_1368] {strides = array<i32>} : memref<256xf32, #tpu.memory_space<vmem>>, vector<16xf32>,
      tpu.vector_store %arg10[%swap3A_1368], %add3A_1367 {strides = array<i32>} : memref<256xf32, #tpu.memory_space<vmem>>, vector<16xf32>,
      %mul3A_1370 = arith.constant 16 : i32
      %mul3A_1371 = arith.muli %scan3A_1258, %mul3A_1370 : i32
      %add3A_1372 = arith.constant 3 : i32
      %add3A_1373 = arith.addi %mul3A_1371, %add3A_1372 : i32
      %get3A_1374 = arith.index_cast %add3A_1373 : i32 to index
      %get3A_1375 = arith.constant 0 : index
      %get3A_1376 = tpu.vector_load %arg8[%get3A_1374, %get3A_1375] {strides = array<i32>} : memref<256x128xf32, #tpu.memory_space<vmem>>, vector<16xf32>,
      %get3A_1377 = arith.index_cast %add3A_1373 : i32 to index
      %get3A_1378 = arith.constant 64 : index
      %get3A_1379 = tpu.vector_load %arg9[%get3A_1377, %get3A_1378] {strides = array<i32>} : memref<256x128xf32, #tpu.memory_space<vmem>>, vector<16xf32>,
      %mul3A_1380 = arith.mulf %get3A_1376, %get3A_1379 : vector<16xf32>
      %get3A_1381 = arith.index_cast %add3A_1373 : i32 to index
      %get3A_1382 = arith.constant 16 : index
      %get3A_1383 = tpu.vector_load %arg8[%get3A_1381, %get3A_1382] {strides = array<i32>} : memref<256x128xf32, #tpu.memory_space<vmem>>, vector<16xf32>,
      %get3A_1384 = arith.index_cast %add3A_1373 : i32 to index
      %get3A_1385 = arith.constant 80 : index
      %get3A_1386 = tpu.vector_load %arg9[%get3A_1384, %get3A_1385] {strides = array<i32>} : memref<256x128xf32, #tpu.memory_space<vmem>>, vector<16xf32>,
      %mul3A_1387 = arith.mulf %get3A_1383, %get3A_1386 : vector<16xf32>
      %add3A_1388 = arith.addf %mul3A_1380, %mul3A_1387 : vector<16xf32>
      %get3A_1389 = arith.index_cast %add3A_1373 : i32 to index
      %get3A_1390 = arith.constant 32 : index
      %get3A_1391 = tpu.vector_load %arg8[%get3A_1389, %get3A_1390] {strides = array<i32>} : memref<256x128xf32, #tpu.memory_space<vmem>>, vector<16xf32>,
      %get3A_1392 = arith.index_cast %add3A_1373 : i32 to index
      %get3A_1393 = arith.constant 96 : index
      %get3A_1394 = tpu.vector_load %arg9[%get3A_1392, %get3A_1393] {strides = array<i32>} : memref<256x128xf32, #tpu.memory_space<vmem>>, vector<16xf32>,
      %mul3A_1395 = arith.mulf %get3A_1391, %get3A_1394 : vector<16xf32>
      %add3A_1396 = arith.addf %add3A_1388, %mul3A_1395 : vector<16xf32>
      %get3A_1397 = arith.index_cast %add3A_1373 : i32 to index
      %get3A_1398 = arith.constant 48 : index
      %get3A_1399 = tpu.vector_load %arg8[%get3A_1397, %get3A_1398] {strides = array<i32>} : memref<256x128xf32, #tpu.memory_space<vmem>>, vector<16xf32>,
      %get3A_1400 = arith.index_cast %add3A_1373 : i32 to index
      %get3A_1401 = arith.constant 112 : index
      %get3A_1402 = tpu.vector_load %arg9[%get3A_1400, %get3A_1401] {strides = array<i32>} : memref<256x128xf32, #tpu.memory_space<vmem>>, vector<16xf32>,
      %mul3A_1403 = arith.mulf %get3A_1399, %get3A_1402 : vector<16xf32>
      %add3A_1404 = arith.addf %add3A_1396, %mul3A_1403 : vector<16xf32>
      %swap3A_1405 = arith.constant 48 : index
      %swap3A_1406 = tpu.vector_load %arg10[%swap3A_1405] {strides = array<i32>} : memref<256xf32, #tpu.memory_space<vmem>>, vector<16xf32>,
      tpu.vector_store %arg10[%swap3A_1405], %add3A_1404 {strides = array<i32>} : memref<256xf32, #tpu.memory_space<vmem>>, vector<16xf32>,
      %mul3A_1407 = arith.constant 16 : i32
      %mul3A_1408 = arith.muli %scan3A_1258, %mul3A_1407 : i32
      %add3A_1409 = arith.constant 4 : i32
      %add3A_1410 = arith.addi %mul3A_1408, %add3A_1409 : i32
      %get3A_1411 = arith.index_cast %add3A_1410 : i32 to index
      %get3A_1412 = arith.constant 0 : index
      %get3A_1413 = tpu.vector_load %arg8[%get3A_1411, %get3A_1412] {strides = array<i32>} : memref<256x128xf32, #tpu.memory_space<vmem>>, vector<16xf32>,
      %get3A_1414 = arith.index_cast %add3A_1410 : i32 to index
      %get3A_1415 = arith.constant 64 : index
      %get3A_1416 = tpu.vector_load %arg9[%get3A_1414, %get3A_1415] {strides = array<i32>} : memref<256x128xf32, #tpu.memory_space<vmem>>, vector<16xf32>,
      %mul3A_1417 = arith.mulf %get3A_1413, %get3A_1416 : vector<16xf32>
      %get3A_1418 = arith.index_cast %add3A_1410 : i32 to index
      %get3A_1419 = arith.constant 16 : index
      %get3A_1420 = tpu.vector_load %arg8[%get3A_1418, %get3A_1419] {strides = array<i32>} : memref<256x128xf32, #tpu.memory_space<vmem>>, vector<16xf32>,
      %get3A_1421 = arith.index_cast %add3A_1410 : i32 to index
      %get3A_1422 = arith.constant 80 : index
      %get3A_1423 = tpu.vector_load %arg9[%get3A_1421, %get3A_1422] {strides = array<i32>} : memref<256x128xf32, #tpu.memory_space<vmem>>, vector<16xf32>,
      %mul3A_1424 = arith.mulf %get3A_1420, %get3A_1423 : vector<16xf32>
      %add3A_1425 = arith.addf %mul3A_1417, %mul3A_1424 : vector<16xf32>
      %get3A_1426 = arith.index_cast %add3A_1410 : i32 to index
      %get3A_1427 = arith.constant 32 : index
      %get3A_1428 = tpu.vector_load %arg8[%get3A_1426, %get3A_1427] {strides = array<i32>} : memref<256x128xf32, #tpu.memory_space<vmem>>, vector<16xf32>,
      %get3A_1429 = arith.index_cast %add3A_1410 : i32 to index
      %get3A_1430 = arith.constant 96 : index
      %get3A_1431 = tpu.vector_load %arg9[%get3A_1429, %get3A_1430] {strides = array<i32>} : memref<256x128xf32, #tpu.memory_space<vmem>>, vector<16xf32>,
      %mul3A_1432 = arith.mulf %get3A_1428, %get3A_1431 : vector<16xf32>
      %add3A_1433 = arith.addf %add3A_1425, %mul3A_1432 : vector<16xf32>
      %get3A_1434 = arith.index_cast %add3A_1410 : i32 to index
      %get3A_1435 = arith.constant 48 : index
      %get3A_1436 = tpu.vector_load %arg8[%get3A_1434, %get3A_1435] {strides = array<i32>} : memref<256x128xf32, #tpu.memory_space<vmem>>, vector<16xf32>,
      %get3A_1437 = arith.index_cast %add3A_1410 : i32 to index
      %get3A_1438 = arith.constant 112 : index
      %get3A_1439 = tpu.vector_load %arg9[%get3A_1437, %get3A_1438] {strides = array<i32>} : memref<256x128xf32, #tpu.memory_space<vmem>>, vector<16xf32>,
      %mul3A_1440 = arith.mulf %get3A_1436, %get3A_1439 : vector<16xf32>
      %add3A_1441 = arith.addf %add3A_1433, %mul3A_1440 : vector<16xf32>
      %swap3A_1442 = arith.constant 64 : index
      %swap3A_1443 = tpu.vector_load %arg10[%swap3A_1442] {strides = array<i32>} : memref<256xf32, #tpu.memory_space<vmem>>, vector<16xf32>,
      tpu.vector_store %arg10[%swap3A_1442], %add3A_1441 {strides = array<i32>} : memref<256xf32, #tpu.memory_space<vmem>>, vector<16xf32>,
      %mul3A_1444 = arith.constant 16 : i32
      %mul3A_1445 = arith.muli %scan3A_1258, %mul3A_1444 : i32
      %add3A_1446 = arith.constant 5 : i32
      %add3A_1447 = arith.addi %mul3A_1445, %add3A_1446 : i32
      %get3A_1448 = arith.index_cast %add3A_1447 : i32 to index
      %get3A_1449 = arith.constant 0 : index
      %get3A_1450 = tpu.vector_load %arg8[%get3A_1448, %get3A_1449] {strides = array<i32>} : memref<256x128xf32, #tpu.memory_space<vmem>>, vector<16xf32>,
      %get3A_1451 = arith.index_cast %add3A_1447 : i32 to index
      %get3A_1452 = arith.constant 64 : index
      %get3A_1453 = tpu.vector_load %arg9[%get3A_1451, %get3A_1452] {strides = array<i32>} : memref<256x128xf32, #tpu.memory_space<vmem>>, vector<16xf32>,
      %mul3A_1454 = arith.mulf %get3A_1450, %get3A_1453 : vector<16xf32>
      %get3A_1455 = arith.index_cast %add3A_1447 : i32 to index
      %get3A_1456 = arith.constant 16 : index
      %get3A_1457 = tpu.vector_load %arg8[%get3A_1455, %get3A_1456] {strides = array<i32>} : memref<256x128xf32, #tpu.memory_space<vmem>>, vector<16xf32>,
      %get3A_1458 = arith.index_cast %add3A_1447 : i32 to index
      %get3A_1459 = arith.constant 80 : index
      %get3A_1460 = tpu.vector_load %arg9[%get3A_1458, %get3A_1459] {strides = array<i32>} : memref<256x128xf32, #tpu.memory_space<vmem>>, vector<16xf32>,
      %mul3A_1461 = arith.mulf %get3A_1457, %get3A_1460 : vector<16xf32>
      %add3A_1462 = arith.addf %mul3A_1454, %mul3A_1461 : vector<16xf32>
      %get3A_1463 = arith.index_cast %add3A_1447 : i32 to index
      %get3A_1464 = arith.constant 32 : index
      %get3A_1465 = tpu.vector_load %arg8[%get3A_1463, %get3A_1464] {strides = array<i32>} : memref<256x128xf32, #tpu.memory_space<vmem>>, vector<16xf32>,
      %get3A_1466 = arith.index_cast %add3A_1447 : i32 to index
      %get3A_1467 = arith.constant 96 : index
      %get3A_1468 = tpu.vector_load %arg9[%get3A_1466, %get3A_1467] {strides = array<i32>} : memref<256x128xf32, #tpu.memory_space<vmem>>, vector<16xf32>,
      %mul3A_1469 = arith.mulf %get3A_1465, %get3A_1468 : vector<16xf32>
      %add3A_1470 = arith.addf %add3A_1462, %mul3A_1469 : vector<16xf32>
      %get3A_1471 = arith.index_cast %add3A_1447 : i32 to index
      %get3A_1472 = arith.constant 48 : index
      %get3A_1473 = tpu.vector_load %arg8[%get3A_1471, %get3A_1472] {strides = array<i32>} : memref<256x128xf32, #tpu.memory_space<vmem>>, vector<16xf32>,
      %get3A_1474 = arith.index_cast %add3A_1447 : i32 to index
      %get3A_1475 = arith.constant 112 : index
      %get3A_1476 = tpu.vector_load %arg9[%get3A_1474, %get3A_1475] {strides = array<i32>} : memref<256x128xf32, #tpu.memory_space<vmem>>, vector<16xf32>,
      %mul3A_1477 = arith.mulf %get3A_1473, %get3A_1476 : vector<16xf32>
      %add3A_1478 = arith.addf %add3A_1470, %mul3A_1477 : vector<16xf32>
      %swap3A_1479 = arith.constant 80 : index
      %swap3A_1480 = tpu.vector_load %arg10[%swap3A_1479] {strides = array<i32>} : memref<256xf32, #tpu.memory_space<vmem>>, vector<16xf32>,
      tpu.vector_store %arg10[%swap3A_1479], %add3A_1478 {strides = array<i32>} : memref<256xf32, #tpu.memory_space<vmem>>, vector<16xf32>,
      %mul3A_1481 = arith.constant 16 : i32
      %mul3A_1482 = arith.muli %scan3A_1258, %mul3A_1481 : i32
      %add3A_1483 = arith.constant 6 : i32
      %add3A_1484 = arith.addi %mul3A_1482, %add3A_1483 : i32
      %get3A_1485 = arith.index_cast %add3A_1484 : i32 to index
      %get3A_1486 = arith.constant 0 : index
      %get3A_1487 = tpu.vector_load %arg8[%get3A_1485, %get3A_1486] {strides = array<i32>} : memref<256x128xf32, #tpu.memory_space<vmem>>, vector<16xf32>,
      %get3A_1488 = arith.index_cast %add3A_1484 : i32 to index
      %get3A_1489 = arith.constant 64 : index
      %get3A_1490 = tpu.vector_load %arg9[%get3A_1488, %get3A_1489] {strides = array<i32>} : memref<256x128xf32, #tpu.memory_space<vmem>>, vector<16xf32>,
      %mul3A_1491 = arith.mulf %get3A_1487, %get3A_1490 : vector<16xf32>
      %get3A_1492 = arith.index_cast %add3A_1484 : i32 to index
      %get3A_1493 = arith.constant 16 : index
      %get3A_1494 = tpu.vector_load %arg8[%get3A_1492, %get3A_1493] {strides = array<i32>} : memref<256x128xf32, #tpu.memory_space<vmem>>, vector<16xf32>,
      %get3A_1495 = arith.index_cast %add3A_1484 : i32 to index
      %get3A_1496 = arith.constant 80 : index
      %get3A_1497 = tpu.vector_load %arg9[%get3A_1495, %get3A_1496] {strides = array<i32>} : memref<256x128xf32, #tpu.memory_space<vmem>>, vector<16xf32>,
      %mul3A_1498 = arith.mulf %get3A_1494, %get3A_1497 : vector<16xf32>
      %add3A_1499 = arith.addf %mul3A_1491, %mul3A_1498 : vector<16xf32>
      %get3A_1500 = arith.index_cast %add3A_1484 : i32 to index
      %get3A_1501 = arith.constant 32 : index
      %get3A_1502 = tpu.vector_load %arg8[%get3A_1500, %get3A_1501] {strides = array<i32>} : memref<256x128xf32, #tpu.memory_space<vmem>>, vector<16xf32>,
      %get3A_1503 = arith.index_cast %add3A_1484 : i32 to index
      %get3A_1504 = arith.constant 96 : index
      %get3A_1505 = tpu.vector_load %arg9[%get3A_1503, %get3A_1504] {strides = array<i32>} : memref<256x128xf32, #tpu.memory_space<vmem>>, vector<16xf32>,
      %mul3A_1506 = arith.mulf %get3A_1502, %get3A_1505 : vector<16xf32>
      %add3A_1507 = arith.addf %add3A_1499, %mul3A_1506 : vector<16xf32>
      %get3A_1508 = arith.index_cast %add3A_1484 : i32 to index
      %get3A_1509 = arith.constant 48 : index
      %get3A_1510 = tpu.vector_load %arg8[%get3A_1508, %get3A_1509] {strides = array<i32>} : memref<256x128xf32, #tpu.memory_space<vmem>>, vector<16xf32>,
      %get3A_1511 = arith.index_cast %add3A_1484 : i32 to index
      %get3A_1512 = arith.constant 112 : index
      %get3A_1513 = tpu.vector_load %arg9[%get3A_1511, %get3A_1512] {strides = array<i32>} : memref<256x128xf32, #tpu.memory_space<vmem>>, vector<16xf32>,
      %mul3A_1514 = arith.mulf %get3A_1510, %get3A_1513 : vector<16xf32>
      %add3A_1515 = arith.addf %add3A_1507, %mul3A_1514 : vector<16xf32>
      %swap3A_1516 = arith.constant 96 : index
      %swap3A_1517 = tpu.vector_load %arg10[%swap3A_1516] {strides = array<i32>} : memref<256xf32, #tpu.memory_space<vmem>>, vector<16xf32>,
      tpu.vector_store %arg10[%swap3A_1516], %add3A_1515 {strides = array<i32>} : memref<256xf32, #tpu.memory_space<vmem>>, vector<16xf32>,
      %mul3A_1518 = arith.constant 16 : i32
      %mul3A_1519 = arith.muli %scan3A_1258, %mul3A_1518 : i32
      %add3A_1520 = arith.constant 7 : i32
      %add3A_1521 = arith.addi %mul3A_1519, %add3A_1520 : i32
      %get3A_1522 = arith.index_cast %add3A_1521 : i32 to index
      %get3A_1523 = arith.constant 0 : index
      %get3A_1524 = tpu.vector_load %arg8[%get3A_1522, %get3A_1523] {strides = array<i32>} : memref<256x128xf32, #tpu.memory_space<vmem>>, vector<16xf32>,
      %get3A_1525 = arith.index_cast %add3A_1521 : i32 to index
      %get3A_1526 = arith.constant 64 : index
      %get3A_1527 = tpu.vector_load %arg9[%get3A_1525, %get3A_1526] {strides = array<i32>} : memref<256x128xf32, #tpu.memory_space<vmem>>, vector<16xf32>,
      %mul3A_1528 = arith.mulf %get3A_1524, %get3A_1527 : vector<16xf32>
      %get3A_1529 = arith.index_cast %add3A_1521 : i32 to index
      %get3A_1530 = arith.constant 16 : index
      %get3A_1531 = tpu.vector_load %arg8[%get3A_1529, %get3A_1530] {strides = array<i32>} : memref<256x128xf32, #tpu.memory_space<vmem>>, vector<16xf32>,
      %get3A_1532 = arith.index_cast %add3A_1521 : i32 to index
      %get3A_1533 = arith.constant 80 : index
      %get3A_1534 = tpu.vector_load %arg9[%get3A_1532, %get3A_1533] {strides = array<i32>} : memref<256x128xf32, #tpu.memory_space<vmem>>, vector<16xf32>,
      %mul3A_1535 = arith.mulf %get3A_1531, %get3A_1534 : vector<16xf32>
      %add3A_1536 = arith.addf %mul3A_1528, %mul3A_1535 : vector<16xf32>
      %get3A_1537 = arith.index_cast %add3A_1521 : i32 to index
      %get3A_1538 = arith.constant 32 : index
      %get3A_1539 = tpu.vector_load %arg8[%get3A_1537, %get3A_1538] {strides = array<i32>} : memref<256x128xf32, #tpu.memory_space<vmem>>, vector<16xf32>,
      %get3A_1540 = arith.index_cast %add3A_1521 : i32 to index
      %get3A_1541 = arith.constant 96 : index
      %get3A_1542 = tpu.vector_load %arg9[%get3A_1540, %get3A_1541] {strides = array<i32>} : memref<256x128xf32, #tpu.memory_space<vmem>>, vector<16xf32>,
      %mul3A_1543 = arith.mulf %get3A_1539, %get3A_1542 : vector<16xf32>
      %add3A_1544 = arith.addf %add3A_1536, %mul3A_1543 : vector<16xf32>
      %get3A_1545 = arith.index_cast %add3A_1521 : i32 to index
      %get3A_1546 = arith.constant 48 : index
      %get3A_1547 = tpu.vector_load %arg8[%get3A_1545, %get3A_1546] {strides = array<i32>} : memref<256x128xf32, #tpu.memory_space<vmem>>, vector<16xf32>,
      %get3A_1548 = arith.index_cast %add3A_1521 : i32 to index
      %get3A_1549 = arith.constant 112 : index
      %get3A_1550 = tpu.vector_load %arg9[%get3A_1548, %get3A_1549] {strides = array<i32>} : memref<256x128xf32, #tpu.memory_space<vmem>>, vector<16xf32>,
      %mul3A_1551 = arith.mulf %get3A_1547, %get3A_1550 : vector<16xf32>
      %add3A_1552 = arith.addf %add3A_1544, %mul3A_1551 : vector<16xf32>
      %swap3A_1553 = arith.constant 112 : index
      %swap3A_1554 = tpu.vector_load %arg10[%swap3A_1553] {strides = array<i32>} : memref<256xf32, #tpu.memory_space<vmem>>, vector<16xf32>,
      tpu.vector_store %arg10[%swap3A_1553], %add3A_1552 {strides = array<i32>} : memref<256xf32, #tpu.memory_space<vmem>>, vector<16xf32>,
      %mul3A_1555 = arith.constant 16 : i32
      %mul3A_1556 = arith.muli %scan3A_1258, %mul3A_1555 : i32
      %add3A_1557 = arith.constant 8 : i32
      %add3A_1558 = arith.addi %mul3A_1556, %add3A_1557 : i32
      %get3A_1559 = arith.index_cast %add3A_1558 : i32 to index
      %get3A_1560 = arith.constant 0 : index
      %get3A_1561 = tpu.vector_load %arg8[%get3A_1559, %get3A_1560] {strides = array<i32>} : memref<256x128xf32, #tpu.memory_space<vmem>>, vector<16xf32>,
      %get3A_1562 = arith.index_cast %add3A_1558 : i32 to index
      %get3A_1563 = arith.constant 64 : index
      %get3A_1564 = tpu.vector_load %arg9[%get3A_1562, %get3A_1563] {strides = array<i32>} : memref<256x128xf32, #tpu.memory_space<vmem>>, vector<16xf32>,
      %mul3A_1565 = arith.mulf %get3A_1561, %get3A_1564 : vector<16xf32>
      %get3A_1566 = arith.index_cast %add3A_1558 : i32 to index
      %get3A_1567 = arith.constant 16 : index
      %get3A_1568 = tpu.vector_load %arg8[%get3A_1566, %get3A_1567] {strides = array<i32>} : memref<256x128xf32, #tpu.memory_space<vmem>>, vector<16xf32>,
      %get3A_1569 = arith.index_cast %add3A_1558 : i32 to index
      %get3A_1570 = arith.constant 80 : index
      %get3A_1571 = tpu.vector_load %arg9[%get3A_1569, %get3A_1570] {strides = array<i32>} : memref<256x128xf32, #tpu.memory_space<vmem>>, vector<16xf32>,
      %mul3A_1572 = arith.mulf %get3A_1568, %get3A_1571 : vector<16xf32>
      %add3A_1573 = arith.addf %mul3A_1565, %mul3A_1572 : vector<16xf32>
      %get3A_1574 = arith.index_cast %add3A_1558 : i32 to index
      %get3A_1575 = arith.constant 32 : index
      %get3A_1576 = tpu.vector_load %arg8[%get3A_1574, %get3A_1575] {strides = array<i32>} : memref<256x128xf32, #tpu.memory_space<vmem>>, vector<16xf32>,
      %get3A_1577 = arith.index_cast %add3A_1558 : i32 to index
      %get3A_1578 = arith.constant 96 : index
      %get3A_1579 = tpu.vector_load %arg9[%get3A_1577, %get3A_1578] {strides = array<i32>} : memref<256x128xf32, #tpu.memory_space<vmem>>, vector<16xf32>,
      %mul3A_1580 = arith.mulf %get3A_1576, %get3A_1579 : vector<16xf32>
      %add3A_1581 = arith.addf %add3A_1573, %mul3A_1580 : vector<16xf32>
      %get3A_1582 = arith.index_cast %add3A_1558 : i32 to index
      %get3A_1583 = arith.constant 48 : index
      %get3A_1584 = tpu.vector_load %arg8[%get3A_1582, %get3A_1583] {strides = array<i32>} : memref<256x128xf32, #tpu.memory_space<vmem>>, vector<16xf32>,
      %get3A_1585 = arith.index_cast %add3A_1558 : i32 to index
      %get3A_1586 = arith.constant 112 : index
      %get3A_1587 = tpu.vector_load %arg9[%get3A_1585, %get3A_1586] {strides = array<i32>} : memref<256x128xf32, #tpu.memory_space<vmem>>, vector<16xf32>,
      %mul3A_1588 = arith.mulf %get3A_1584, %get3A_1587 : vector<16xf32>
      %add3A_1589 = arith.addf %add3A_1581, %mul3A_1588 : vector<16xf32>
      %swap3A_1590 = arith.constant 128 : index
      %swap3A_1591 = tpu.vector_load %arg10[%swap3A_1590] {strides = array<i32>} : memref<256xf32, #tpu.memory_space<vmem>>, vector<16xf32>,
      tpu.vector_store %arg10[%swap3A_1590], %add3A_1589 {strides = array<i32>} : memref<256xf32, #tpu.memory_space<vmem>>, vector<16xf32>,
      %mul3A_1592 = arith.constant 16 : i32
      %mul3A_1593 = arith.muli %scan3A_1258, %mul3A_1592 : i32
      %add3A_1594 = arith.constant 9 : i32
      %add3A_1595 = arith.addi %mul3A_1593, %add3A_1594 : i32
      %get3A_1596 = arith.index_cast %add3A_1595 : i32 to index
      %get3A_1597 = arith.constant 0 : index
      %get3A_1598 = tpu.vector_load %arg8[%get3A_1596, %get3A_1597] {strides = array<i32>} : memref<256x128xf32, #tpu.memory_space<vmem>>, vector<16xf32>,
      %get3A_1599 = arith.index_cast %add3A_1595 : i32 to index
      %get3A_1600 = arith.constant 64 : index
      %get3A_1601 = tpu.vector_load %arg9[%get3A_1599, %get3A_1600] {strides = array<i32>} : memref<256x128xf32, #tpu.memory_space<vmem>>, vector<16xf32>,
      %mul3A_1602 = arith.mulf %get3A_1598, %get3A_1601 : vector<16xf32>
      %get3A_1603 = arith.index_cast %add3A_1595 : i32 to index
      %get3A_1604 = arith.constant 16 : index
      %get3A_1605 = tpu.vector_load %arg8[%get3A_1603, %get3A_1604] {strides = array<i32>} : memref<256x128xf32, #tpu.memory_space<vmem>>, vector<16xf32>,
      %get3A_1606 = arith.index_cast %add3A_1595 : i32 to index
      %get3A_1607 = arith.constant 80 : index
      %get3A_1608 = tpu.vector_load %arg9[%get3A_1606, %get3A_1607] {strides = array<i32>} : memref<256x128xf32, #tpu.memory_space<vmem>>, vector<16xf32>,
      %mul3A_1609 = arith.mulf %get3A_1605, %get3A_1608 : vector<16xf32>
      %add3A_1610 = arith.addf %mul3A_1602, %mul3A_1609 : vector<16xf32>
      %get3A_1611 = arith.index_cast %add3A_1595 : i32 to index
      %get3A_1612 = arith.constant 32 : index
      %get3A_1613 = tpu.vector_load %arg8[%get3A_1611, %get3A_1612] {strides = array<i32>} : memref<256x128xf32, #tpu.memory_space<vmem>>, vector<16xf32>,
      %get3A_1614 = arith.index_cast %add3A_1595 : i32 to index
      %get3A_1615 = arith.constant 96 : index
      %get3A_1616 = tpu.vector_load %arg9[%get3A_1614, %get3A_1615] {strides = array<i32>} : memref<256x128xf32, #tpu.memory_space<vmem>>, vector<16xf32>,
      %mul3A_1617 = arith.mulf %get3A_1613, %get3A_1616 : vector<16xf32>
      %add3A_1618 = arith.addf %add3A_1610, %mul3A_1617 : vector<16xf32>
      %get3A_1619 = arith.index_cast %add3A_1595 : i32 to index
      %get3A_1620 = arith.constant 48 : index
      %get3A_1621 = tpu.vector_load %arg8[%get3A_1619, %get3A_1620] {strides = array<i32>} : memref<256x128xf32, #tpu.memory_space<vmem>>, vector<16xf32>,
      %get3A_1622 = arith.index_cast %add3A_1595 : i32 to index
      %get3A_1623 = arith.constant 112 : index
      %get3A_1624 = tpu.vector_load %arg9[%get3A_1622, %get3A_1623] {strides = array<i32>} : memref<256x128xf32, #tpu.memory_space<vmem>>, vector<16xf32>,
      %mul3A_1625 = arith.mulf %get3A_1621, %get3A_1624 : vector<16xf32>
      %add3A_1626 = arith.addf %add3A_1618, %mul3A_1625 : vector<16xf32>
      %swap3A_1627 = arith.constant 144 : index
      %swap3A_1628 = tpu.vector_load %arg10[%swap3A_1627] {strides = array<i32>} : memref<256xf32, #tpu.memory_space<vmem>>, vector<16xf32>,
      tpu.vector_store %arg10[%swap3A_1627], %add3A_1626 {strides = array<i32>} : memref<256xf32, #tpu.memory_space<vmem>>, vector<16xf32>,
      %mul3A_1629 = arith.constant 16 : i32
      %mul3A_1630 = arith.muli %scan3A_1258, %mul3A_1629 : i32
      %add3A_1631 = arith.constant 10 : i32
      %add3A_1632 = arith.addi %mul3A_1630, %add3A_1631 : i32
      %get3A_1633 = arith.index_cast %add3A_1632 : i32 to index
      %get3A_1634 = arith.constant 0 : index
      %get3A_1635 = tpu.vector_load %arg8[%get3A_1633, %get3A_1634] {strides = array<i32>} : memref<256x128xf32, #tpu.memory_space<vmem>>, vector<16xf32>,
      %get3A_1636 = arith.index_cast %add3A_1632 : i32 to index
      %get3A_1637 = arith.constant 64 : index
      %get3A_1638 = tpu.vector_load %arg9[%get3A_1636, %get3A_1637] {strides = array<i32>} : memref<256x128xf32, #tpu.memory_space<vmem>>, vector<16xf32>,
      %mul3A_1639 = arith.mulf %get3A_1635, %get3A_1638 : vector<16xf32>
      %get3A_1640 = arith.index_cast %add3A_1632 : i32 to index
      %get3A_1641 = arith.constant 16 : index
      %get3A_1642 = tpu.vector_load %arg8[%get3A_1640, %get3A_1641] {strides = array<i32>} : memref<256x128xf32, #tpu.memory_space<vmem>>, vector<16xf32>,
      %get3A_1643 = arith.index_cast %add3A_1632 : i32 to index
      %get3A_1644 = arith.constant 80 : index
      %get3A_1645 = tpu.vector_load %arg9[%get3A_1643, %get3A_1644] {strides = array<i32>} : memref<256x128xf32, #tpu.memory_space<vmem>>, vector<16xf32>,
      %mul3A_1646 = arith.mulf %get3A_1642, %get3A_1645 : vector<16xf32>
      %add3A_1647 = arith.addf %mul3A_1639, %mul3A_1646 : vector<16xf32>
      %get3A_1648 = arith.index_cast %add3A_1632 : i32 to index
      %get3A_1649 = arith.constant 32 : index
      %get3A_1650 = tpu.vector_load %arg8[%get3A_1648, %get3A_1649] {strides = array<i32>} : memref<256x128xf32, #tpu.memory_space<vmem>>, vector<16xf32>,
      %get3A_1651 = arith.index_cast %add3A_1632 : i32 to index
      %get3A_1652 = arith.constant 96 : index
      %get3A_1653 = tpu.vector_load %arg9[%get3A_1651, %get3A_1652] {strides = array<i32>} : memref<256x128xf32, #tpu.memory_space<vmem>>, vector<16xf32>,
      %mul3A_1654 = arith.mulf %get3A_1650, %get3A_1653 : vector<16xf32>
      %add3A_1655 = arith.addf %add3A_1647, %mul3A_1654 : vector<16xf32>
      %get3A_1656 = arith.index_cast %add3A_1632 : i32 to index
      %get3A_1657 = arith.constant 48 : index
      %get3A_1658 = tpu.vector_load %arg8[%get3A_1656, %get3A_1657] {strides = array<i32>} : memref<256x128xf32, #tpu.memory_space<vmem>>, vector<16xf32>,
      %get3A_1659 = arith.index_cast %add3A_1632 : i32 to index
      %get3A_1660 = arith.constant 112 : index
      %get3A_1661 = tpu.vector_load %arg9[%get3A_1659, %get3A_1660] {strides = array<i32>} : memref<256x128xf32, #tpu.memory_space<vmem>>, vector<16xf32>,
      %mul3A_1662 = arith.mulf %get3A_1658, %get3A_1661 : vector<16xf32>
      %add3A_1663 = arith.addf %add3A_1655, %mul3A_1662 : vector<16xf32>
      %swap3A_1664 = arith.constant 160 : index
      %swap3A_1665 = tpu.vector_load %arg10[%swap3A_1664] {strides = array<i32>} : memref<256xf32, #tpu.memory_space<vmem>>, vector<16xf32>,
      tpu.vector_store %arg10[%swap3A_1664], %add3A_1663 {strides = array<i32>} : memref<256xf32, #tpu.memory_space<vmem>>, vector<16xf32>,
      %mul3A_1666 = arith.constant 16 : i32
      %mul3A_1667 = arith.muli %scan3A_1258, %mul3A_1666 : i32
      %add3A_1668 = arith.constant 11 : i32
      %add3A_1669 = arith.addi %mul3A_1667, %add3A_1668 : i32
      %get3A_1670 = arith.index_cast %add3A_1669 : i32 to index
      %get3A_1671 = arith.constant 0 : index
      %get3A_1672 = tpu.vector_load %arg8[%get3A_1670, %get3A_1671] {strides = array<i32>} : memref<256x128xf32, #tpu.memory_space<vmem>>, vector<16xf32>,
      %get3A_1673 = arith.index_cast %add3A_1669 : i32 to index
      %get3A_1674 = arith.constant 64 : index
      %get3A_1675 = tpu.vector_load %arg9[%get3A_1673, %get3A_1674] {strides = array<i32>} : memref<256x128xf32, #tpu.memory_space<vmem>>, vector<16xf32>,
      %mul3A_1676 = arith.mulf %get3A_1672, %get3A_1675 : vector<16xf32>
      %get3A_1677 = arith.index_cast %add3A_1669 : i32 to index
      %get3A_1678 = arith.constant 16 : index
      %get3A_1679 = tpu.vector_load %arg8[%get3A_1677, %get3A_1678] {strides = array<i32>} : memref<256x128xf32, #tpu.memory_space<vmem>>, vector<16xf32>,
      %get3A_1680 = arith.index_cast %add3A_1669 : i32 to index
      %get3A_1681 = arith.constant 80 : index
      %get3A_1682 = tpu.vector_load %arg9[%get3A_1680, %get3A_1681] {strides = array<i32>} : memref<256x128xf32, #tpu.memory_space<vmem>>, vector<16xf32>,
      %mul3A_1683 = arith.mulf %get3A_1679, %get3A_1682 : vector<16xf32>
      %add3A_1684 = arith.addf %mul3A_1676, %mul3A_1683 : vector<16xf32>
      %get3A_1685 = arith.index_cast %add3A_1669 : i32 to index
      %get3A_1686 = arith.constant 32 : index
      %get3A_1687 = tpu.vector_load %arg8[%get3A_1685, %get3A_1686] {strides = array<i32>} : memref<256x128xf32, #tpu.memory_space<vmem>>, vector<16xf32>,
      %get3A_1688 = arith.index_cast %add3A_1669 : i32 to index
      %get3A_1689 = arith.constant 96 : index
      %get3A_1690 = tpu.vector_load %arg9[%get3A_1688, %get3A_1689] {strides = array<i32>} : memref<256x128xf32, #tpu.memory_space<vmem>>, vector<16xf32>,
      %mul3A_1691 = arith.mulf %get3A_1687, %get3A_1690 : vector<16xf32>
      %add3A_1692 = arith.addf %add3A_1684, %mul3A_1691 : vector<16xf32>
      %get3A_1693 = arith.index_cast %add3A_1669 : i32 to index
      %get3A_1694 = arith.constant 48 : index
      %get3A_1695 = tpu.vector_load %arg8[%get3A_1693, %get3A_1694] {strides = array<i32>} : memref<256x128xf32, #tpu.memory_space<vmem>>, vector<16xf32>,
      %get3A_1696 = arith.index_cast %add3A_1669 : i32 to index
      %get3A_1697 = arith.constant 112 : index
      %get3A_1698 = tpu.vector_load %arg9[%get3A_1696, %get3A_1697] {strides = array<i32>} : memref<256x128xf32, #tpu.memory_space<vmem>>, vector<16xf32>,
      %mul3A_1699 = arith.mulf %get3A_1695, %get3A_1698 : vector<16xf32>
      %add3A_1700 = arith.addf %add3A_1692, %mul3A_1699 : vector<16xf32>
      %swap3A_1701 = arith.constant 176 : index
      %swap3A_1702 = tpu.vector_load %arg10[%swap3A_1701] {strides = array<i32>} : memref<256xf32, #tpu.memory_space<vmem>>, vector<16xf32>,
      tpu.vector_store %arg10[%swap3A_1701], %add3A_1700 {strides = array<i32>} : memref<256xf32, #tpu.memory_space<vmem>>, vector<16xf32>,
      %mul3A_1703 = arith.constant 16 : i32
      %mul3A_1704 = arith.muli %scan3A_1258, %mul3A_1703 : i32
      %add3A_1705 = arith.constant 12 : i32
      %add3A_1706 = arith.addi %mul3A_1704, %add3A_1705 : i32
      %get3A_1707 = arith.index_cast %add3A_1706 : i32 to index
      %get3A_1708 = arith.constant 0 : index
      %get3A_1709 = tpu.vector_load %arg8[%get3A_1707, %get3A_1708] {strides = array<i32>} : memref<256x128xf32, #tpu.memory_space<vmem>>, vector<16xf32>,
      %get3A_1710 = arith.index_cast %add3A_1706 : i32 to index
      %get3A_1711 = arith.constant 64 : index
      %get3A_1712 = tpu.vector_load %arg9[%get3A_1710, %get3A_1711] {strides = array<i32>} : memref<256x128xf32, #tpu.memory_space<vmem>>, vector<16xf32>,
      %mul3A_1713 = arith.mulf %get3A_1709, %get3A_1712 : vector<16xf32>
      %get3A_1714 = arith.index_cast %add3A_1706 : i32 to index
      %get3A_1715 = arith.constant 16 : index
      %get3A_1716 = tpu.vector_load %arg8[%get3A_1714, %get3A_1715] {strides = array<i32>} : memref<256x128xf32, #tpu.memory_space<vmem>>, vector<16xf32>,
      %get3A_1717 = arith.index_cast %add3A_1706 : i32 to index
      %get3A_1718 = arith.constant 80 : index
      %get3A_1719 = tpu.vector_load %arg9[%get3A_1717, %get3A_1718] {strides = array<i32>} : memref<256x128xf32, #tpu.memory_space<vmem>>, vector<16xf32>,
      %mul3A_1720 = arith.mulf %get3A_1716, %get3A_1719 : vector<16xf32>
      %add3A_1721 = arith.addf %mul3A_1713, %mul3A_1720 : vector<16xf32>
      %get3A_1722 = arith.index_cast %add3A_1706 : i32 to index
      %get3A_1723 = arith.constant 32 : index
      %get3A_1724 = tpu.vector_load %arg8[%get3A_1722, %get3A_1723] {strides = array<i32>} : memref<256x128xf32, #tpu.memory_space<vmem>>, vector<16xf32>,
      %get3A_1725 = arith.index_cast %add3A_1706 : i32 to index
      %get3A_1726 = arith.constant 96 : index
      %get3A_1727 = tpu.vector_load %arg9[%get3A_1725, %get3A_1726] {strides = array<i32>} : memref<256x128xf32, #tpu.memory_space<vmem>>, vector<16xf32>,
      %mul3A_1728 = arith.mulf %get3A_1724, %get3A_1727 : vector<16xf32>
      %add3A_1729 = arith.addf %add3A_1721, %mul3A_1728 : vector<16xf32>
      %get3A_1730 = arith.index_cast %add3A_1706 : i32 to index
      %get3A_1731 = arith.constant 48 : index
      %get3A_1732 = tpu.vector_load %arg8[%get3A_1730, %get3A_1731] {strides = array<i32>} : memref<256x128xf32, #tpu.memory_space<vmem>>, vector<16xf32>,
      %get3A_1733 = arith.index_cast %add3A_1706 : i32 to index
      %get3A_1734 = arith.constant 112 : index
      %get3A_1735 = tpu.vector_load %arg9[%get3A_1733, %get3A_1734] {strides = array<i32>} : memref<256x128xf32, #tpu.memory_space<vmem>>, vector<16xf32>,
      %mul3A_1736 = arith.mulf %get3A_1732, %get3A_1735 : vector<16xf32>
      %add3A_1737 = arith.addf %add3A_1729, %mul3A_1736 : vector<16xf32>
      %swap3A_1738 = arith.constant 192 : index
      %swap3A_1739 = tpu.vector_load %arg10[%swap3A_1738] {strides = array<i32>} : memref<256xf32, #tpu.memory_space<vmem>>, vector<16xf32>,
      tpu.vector_store %arg10[%swap3A_1738], %add3A_1737 {strides = array<i32>} : memref<256xf32, #tpu.memory_space<vmem>>, vector<16xf32>,
      %mul3A_1740 = arith.constant 16 : i32
      %mul3A_1741 = arith.muli %scan3A_1258, %mul3A_1740 : i32
      %add3A_1742 = arith.constant 13 : i32
      %add3A_1743 = arith.addi %mul3A_1741, %add3A_1742 : i32
      %get3A_1744 = arith.index_cast %add3A_1743 : i32 to index
      %get3A_1745 = arith.constant 0 : index
      %get3A_1746 = tpu.vector_load %arg8[%get3A_1744, %get3A_1745] {strides = array<i32>} : memref<256x128xf32, #tpu.memory_space<vmem>>, vector<16xf32>,
      %get3A_1747 = arith.index_cast %add3A_1743 : i32 to index
      %get3A_1748 = arith.constant 64 : index
      %get3A_1749 = tpu.vector_load %arg9[%get3A_1747, %get3A_1748] {strides = array<i32>} : memref<256x128xf32, #tpu.memory_space<vmem>>, vector<16xf32>,
      %mul3A_1750 = arith.mulf %get3A_1746, %get3A_1749 : vector<16xf32>
      %get3A_1751 = arith.index_cast %add3A_1743 : i32 to index
      %get3A_1752 = arith.constant 16 : index
      %get3A_1753 = tpu.vector_load %arg8[%get3A_1751, %get3A_1752] {strides = array<i32>} : memref<256x128xf32, #tpu.memory_space<vmem>>, vector<16xf32>,
      %get3A_1754 = arith.index_cast %add3A_1743 : i32 to index
      %get3A_1755 = arith.constant 80 : index
      %get3A_1756 = tpu.vector_load %arg9[%get3A_1754, %get3A_1755] {strides = array<i32>} : memref<256x128xf32, #tpu.memory_space<vmem>>, vector<16xf32>,
      %mul3A_1757 = arith.mulf %get3A_1753, %get3A_1756 : vector<16xf32>
      %add3A_1758 = arith.addf %mul3A_1750, %mul3A_1757 : vector<16xf32>
      %get3A_1759 = arith.index_cast %add3A_1743 : i32 to index
      %get3A_1760 = arith.constant 32 : index
      %get3A_1761 = tpu.vector_load %arg8[%get3A_1759, %get3A_1760] {strides = array<i32>} : memref<256x128xf32, #tpu.memory_space<vmem>>, vector<16xf32>,
      %get3A_1762 = arith.index_cast %add3A_1743 : i32 to index
      %get3A_1763 = arith.constant 96 : index
      %get3A_1764 = tpu.vector_load %arg9[%get3A_1762, %get3A_1763] {strides = array<i32>} : memref<256x128xf32, #tpu.memory_space<vmem>>, vector<16xf32>,
      %mul3A_1765 = arith.mulf %get3A_1761, %get3A_1764 : vector<16xf32>
      %add3A_1766 = arith.addf %add3A_1758, %mul3A_1765 : vector<16xf32>
      %get3A_1767 = arith.index_cast %add3A_1743 : i32 to index
      %get3A_1768 = arith.constant 48 : index
      %get3A_1769 = tpu.vector_load %arg8[%get3A_1767, %get3A_1768] {strides = array<i32>} : memref<256x128xf32, #tpu.memory_space<vmem>>, vector<16xf32>,
      %get3A_1770 = arith.index_cast %add3A_1743 : i32 to index
      %get3A_1771 = arith.constant 112 : index
      %get3A_1772 = tpu.vector_load %arg9[%get3A_1770, %get3A_1771] {strides = array<i32>} : memref<256x128xf32, #tpu.memory_space<vmem>>, vector<16xf32>,
      %mul3A_1773 = arith.mulf %get3A_1769, %get3A_1772 : vector<16xf32>
      %add3A_1774 = arith.addf %add3A_1766, %mul3A_1773 : vector<16xf32>
      %swap3A_1775 = arith.constant 208 : index
      %swap3A_1776 = tpu.vector_load %arg10[%swap3A_1775] {strides = array<i32>} : memref<256xf32, #tpu.memory_space<vmem>>, vector<16xf32>,
      tpu.vector_store %arg10[%swap3A_1775], %add3A_1774 {strides = array<i32>} : memref<256xf32, #tpu.memory_space<vmem>>, vector<16xf32>,
      %mul3A_1777 = arith.constant 16 : i32
      %mul3A_1778 = arith.muli %scan3A_1258, %mul3A_1777 : i32
      %add3A_1779 = arith.constant 14 : i32
      %add3A_1780 = arith.addi %mul3A_1778, %add3A_1779 : i32
      %get3A_1781 = arith.index_cast %add3A_1780 : i32 to index
      %get3A_1782 = arith.constant 0 : index
      %get3A_1783 = tpu.vector_load %arg8[%get3A_1781, %get3A_1782] {strides = array<i32>} : memref<256x128xf32, #tpu.memory_space<vmem>>, vector<16xf32>,
      %get3A_1784 = arith.index_cast %add3A_1780 : i32 to index
      %get3A_1785 = arith.constant 64 : index
      %get3A_1786 = tpu.vector_load %arg9[%get3A_1784, %get3A_1785] {strides = array<i32>} : memref<256x128xf32, #tpu.memory_space<vmem>>, vector<16xf32>,
      %mul3A_1787 = arith.mulf %get3A_1783, %get3A_1786 : vector<16xf32>
      %get3A_1788 = arith.index_cast %add3A_1780 : i32 to index
      %get3A_1789 = arith.constant 16 : index
      %get3A_1790 = tpu.vector_load %arg8[%get3A_1788, %get3A_1789] {strides = array<i32>} : memref<256x128xf32, #tpu.memory_space<vmem>>, vector<16xf32>,
      %get3A_1791 = arith.index_cast %add3A_1780 : i32 to index
      %get3A_1792 = arith.constant 80 : index
      %get3A_1793 = tpu.vector_load %arg9[%get3A_1791, %get3A_1792] {strides = array<i32>} : memref<256x128xf32, #tpu.memory_space<vmem>>, vector<16xf32>,
      %mul3A_1794 = arith.mulf %get3A_1790, %get3A_1793 : vector<16xf32>
      %add3A_1795 = arith.addf %mul3A_1787, %mul3A_1794 : vector<16xf32>
      %get3A_1796 = arith.index_cast %add3A_1780 : i32 to index
      %get3A_1797 = arith.constant 32 : index
      %get3A_1798 = tpu.vector_load %arg8[%get3A_1796, %get3A_1797] {strides = array<i32>} : memref<256x128xf32, #tpu.memory_space<vmem>>, vector<16xf32>,
      %get3A_1799 = arith.index_cast %add3A_1780 : i32 to index
      %get3A_1800 = arith.constant 96 : index
      %get3A_1801 = tpu.vector_load %arg9[%get3A_1799, %get3A_1800] {strides = array<i32>} : memref<256x128xf32, #tpu.memory_space<vmem>>, vector<16xf32>,
      %mul3A_1802 = arith.mulf %get3A_1798, %get3A_1801 : vector<16xf32>
      %add3A_1803 = arith.addf %add3A_1795, %mul3A_1802 : vector<16xf32>
      %get3A_1804 = arith.index_cast %add3A_1780 : i32 to index
      %get3A_1805 = arith.constant 48 : index
      %get3A_1806 = tpu.vector_load %arg8[%get3A_1804, %get3A_1805] {strides = array<i32>} : memref<256x128xf32, #tpu.memory_space<vmem>>, vector<16xf32>,
      %get3A_1807 = arith.index_cast %add3A_1780 : i32 to index
      %get3A_1808 = arith.constant 112 : index
      %get3A_1809 = tpu.vector_load %arg9[%get3A_1807, %get3A_1808] {strides = array<i32>} : memref<256x128xf32, #tpu.memory_space<vmem>>, vector<16xf32>,
      %mul3A_1810 = arith.mulf %get3A_1806, %get3A_1809 : vector<16xf32>
      %add3A_1811 = arith.addf %add3A_1803, %mul3A_1810 : vector<16xf32>
      %swap3A_1812 = arith.constant 224 : index
      %swap3A_1813 = tpu.vector_load %arg10[%swap3A_1812] {strides = array<i32>} : memref<256xf32, #tpu.memory_space<vmem>>, vector<16xf32>,
      tpu.vector_store %arg10[%swap3A_1812], %add3A_1811 {strides = array<i32>} : memref<256xf32, #tpu.memory_space<vmem>>, vector<16xf32>,
      %mul3A_1814 = arith.constant 16 : i32
      %mul3A_1815 = arith.muli %scan3A_1258, %mul3A_1814 : i32
      %add3A_1816 = arith.constant 15 : i32
      %add3A_1817 = arith.addi %mul3A_1815, %add3A_1816 : i32
      %get3A_1818 = arith.index_cast %add3A_1817 : i32 to index
      %get3A_1819 = arith.constant 0 : index
      %get3A_1820 = tpu.vector_load %arg8[%get3A_1818, %get3A_1819] {strides = array<i32>} : memref<256x128xf32, #tpu.memory_space<vmem>>, vector<16xf32>,
      %get3A_1821 = arith.index_cast %add3A_1817 : i32 to index
      %get3A_1822 = arith.constant 64 : index
      %get3A_1823 = tpu.vector_load %arg9[%get3A_1821, %get3A_1822] {strides = array<i32>} : memref<256x128xf32, #tpu.memory_space<vmem>>, vector<16xf32>,
      %mul3A_1824 = arith.mulf %get3A_1820, %get3A_1823 : vector<16xf32>
      %get3A_1825 = arith.index_cast %add3A_1817 : i32 to index
      %get3A_1826 = arith.constant 16 : index
      %get3A_1827 = tpu.vector_load %arg8[%get3A_1825, %get3A_1826] {strides = array<i32>} : memref<256x128xf32, #tpu.memory_space<vmem>>, vector<16xf32>,
      %get3A_1828 = arith.index_cast %add3A_1817 : i32 to index
      %get3A_1829 = arith.constant 80 : index
      %get3A_1830 = tpu.vector_load %arg9[%get3A_1828, %get3A_1829] {strides = array<i32>} : memref<256x128xf32, #tpu.memory_space<vmem>>, vector<16xf32>,
      %mul3A_1831 = arith.mulf %get3A_1827, %get3A_1830 : vector<16xf32>
      %add3A_1832 = arith.addf %mul3A_1824, %mul3A_1831 : vector<16xf32>
      %get3A_1833 = arith.index_cast %add3A_1817 : i32 to index
      %get3A_1834 = arith.constant 32 : index
      %get3A_1835 = tpu.vector_load %arg8[%get3A_1833, %get3A_1834] {strides = array<i32>} : memref<256x128xf32, #tpu.memory_space<vmem>>, vector<16xf32>,
      %get3A_1836 = arith.index_cast %add3A_1817 : i32 to index
      %get3A_1837 = arith.constant 96 : index
      %get3A_1838 = tpu.vector_load %arg9[%get3A_1836, %get3A_1837] {strides = array<i32>} : memref<256x128xf32, #tpu.memory_space<vmem>>, vector<16xf32>,
      %mul3A_1839 = arith.mulf %get3A_1835, %get3A_1838 : vector<16xf32>
      %add3A_1840 = arith.addf %add3A_1832, %mul3A_1839 : vector<16xf32>
      %get3A_1841 = arith.index_cast %add3A_1817 : i32 to index
      %get3A_1842 = arith.constant 48 : index
      %get3A_1843 = tpu.vector_load %arg8[%get3A_1841, %get3A_1842] {strides = array<i32>} : memref<256x128xf32, #tpu.memory_space<vmem>>, vector<16xf32>,
      %get3A_1844 = arith.index_cast %add3A_1817 : i32 to index
      %get3A_1845 = arith.constant 112 : index
      %get3A_1846 = tpu.vector_load %arg9[%get3A_1844, %get3A_1845] {strides = array<i32>} : memref<256x128xf32, #tpu.memory_space<vmem>>, vector<16xf32>,
      %mul3A_1847 = arith.mulf %get3A_1843, %get3A_1846 : vector<16xf32>
      %add3A_1848 = arith.addf %add3A_1840, %mul3A_1847 : vector<16xf32>
      %swap3A_1849 = arith.constant 240 : index
      %swap3A_1850 = tpu.vector_load %arg10[%swap3A_1849] {strides = array<i32>} : memref<256xf32, #tpu.memory_space<vmem>>, vector<16xf32>,
      tpu.vector_store %arg10[%swap3A_1849], %add3A_1848 {strides = array<i32>} : memref<256xf32, #tpu.memory_space<vmem>>, vector<16xf32>,
      %gather3A = tpu.vector_load_idx %arg10[%mul3A_1086] : memref<256xf32, #tpu.memory_space<vmem>>[vector<16xi32>], vector<16xf32>,
      %add3A_1851 = arith.constant 1 : i32
      %add3A_1852 = vector.broadcast %add3A_1851 : i32 to vector<16xi32>
      %add3A_1853 = arith.addi %mul3A_1086, %add3A_1852 : vector<16xi32>
      %gather3A_1854 = tpu.vector_load_idx %arg10[%add3A_1853] : memref<256xf32, #tpu.memory_space<vmem>>[vector<16xi32>], vector<16xf32>,
      %add3A_1855 = arith.addf %gather3A, %gather3A_1854 : vector<16xf32>
      %add3A_1856 = arith.constant 2 : i32
      %add3A_1857 = vector.broadcast %add3A_1856 : i32 to vector<16xi32>
      %add3A_1858 = arith.addi %mul3A_1086, %add3A_1857 : vector<16xi32>
      %gather3A_1859 = tpu.vector_load_idx %arg10[%add3A_1858] : memref<256xf32, #tpu.memory_space<vmem>>[vector<16xi32>], vector<16xf32>,
      %add3A_1860 = arith.addf %add3A_1855, %gather3A_1859 : vector<16xf32>
      %add3A_1861 = arith.constant 3 : i32
      %add3A_1862 = vector.broadcast %add3A_1861 : i32 to vector<16xi32>
      %add3A_1863 = arith.addi %mul3A_1086, %add3A_1862 : vector<16xi32>
      %gather3A_1864 = tpu.vector_load_idx %arg10[%add3A_1863] : memref<256xf32, #tpu.memory_space<vmem>>[vector<16xi32>], vector<16xf32>,
      %add3A_1865 = arith.addf %add3A_1860, %gather3A_1864 : vector<16xf32>
      %add3A_1866 = arith.constant 4 : i32
      %add3A_1867 = vector.broadcast %add3A_1866 : i32 to vector<16xi32>
      %add3A_1868 = arith.addi %mul3A_1086, %add3A_1867 : vector<16xi32>
      %gather3A_1869 = tpu.vector_load_idx %arg10[%add3A_1868] : memref<256xf32, #tpu.memory_space<vmem>>[vector<16xi32>], vector<16xf32>,
      %add3A_1870 = arith.addf %add3A_1865, %gather3A_1869 : vector<16xf32>
      %add3A_1871 = arith.constant 5 : i32
      %add3A_1872 = vector.broadcast %add3A_1871 : i32 to vector<16xi32>
      %add3A_1873 = arith.addi %mul3A_1086, %add3A_1872 : vector<16xi32>
      %gather3A_1874 = tpu.vector_load_idx %arg10[%add3A_1873] : memref<256xf32, #tpu.memory_space<vmem>>[vector<16xi32>], vector<16xf32>,
      %add3A_1875 = arith.addf %add3A_1870, %gather3A_1874 : vector<16xf32>
      %add3A_1876 = arith.constant 6 : i32
      %add3A_1877 = vector.broadcast %add3A_1876 : i32 to vector<16xi32>
      %add3A_1878 = arith.addi %mul3A_1086, %add3A_1877 : vector<16xi32>
      %gather3A_1879 = tpu.vector_load_idx %arg10[%add3A_1878] : memref<256xf32, #tpu.memory_space<vmem>>[vector<16xi32>], vector<16xf32>,
      %add3A_1880 = arith.addf %add3A_1875, %gather3A_1879 : vector<16xf32>
      %add3A_1881 = arith.constant 7 : i32
      %add3A_1882 = vector.broadcast %add3A_1881 : i32 to vector<16xi32>
      %add3A_1883 = arith.addi %mul3A_1086, %add3A_1882 : vector<16xi32>
      %gather3A_1884 = tpu.vector_load_idx %arg10[%add3A_1883] : memref<256xf32, #tpu.memory_space<vmem>>[vector<16xi32>], vector<16xf32>,
      %add3A_1885 = arith.addf %add3A_1880, %gather3A_1884 : vector<16xf32>
      %add3A_1886 = arith.constant 8 : i32
      %add3A_1887 = vector.broadcast %add3A_1886 : i32 to vector<16xi32>
      %add3A_1888 = arith.addi %mul3A_1086, %add3A_1887 : vector<16xi32>
      %gather3A_1889 = tpu.vector_load_idx %arg10[%add3A_1888] : memref<256xf32, #tpu.memory_space<vmem>>[vector<16xi32>], vector<16xf32>,
      %add3A_1890 = arith.addf %add3A_1885, %gather3A_1889 : vector<16xf32>
      %add3A_1891 = arith.constant 9 : i32
      %add3A_1892 = vector.broadcast %add3A_1891 : i32 to vector<16xi32>
      %add3A_1893 = arith.addi %mul3A_1086, %add3A_1892 : vector<16xi32>
      %gather3A_1894 = tpu.vector_load_idx %arg10[%add3A_1893] : memref<256xf32, #tpu.memory_space<vmem>>[vector<16xi32>], vector<16xf32>,
      %add3A_1895 = arith.addf %add3A_1890, %gather3A_1894 : vector<16xf32>
      %add3A_1896 = arith.constant 10 : i32
      %add3A_1897 = vector.broadcast %add3A_1896 : i32 to vector<16xi32>
      %add3A_1898 = arith.addi %mul3A_1086, %add3A_1897 : vector<16xi32>
      %gather3A_1899 = tpu.vector_load_idx %arg10[%add3A_1898] : memref<256xf32, #tpu.memory_space<vmem>>[vector<16xi32>], vector<16xf32>,
      %add3A_1900 = arith.addf %add3A_1895, %gather3A_1899 : vector<16xf32>
      %add3A_1901 = arith.constant 11 : i32
      %add3A_1902 = vector.broadcast %add3A_1901 : i32 to vector<16xi32>
      %add3A_1903 = arith.addi %mul3A_1086, %add3A_1902 : vector<16xi32>
      %gather3A_1904 = tpu.vector_load_idx %arg10[%add3A_1903] : memref<256xf32, #tpu.memory_space<vmem>>[vector<16xi32>], vector<16xf32>,
      %add3A_1905 = arith.addf %add3A_1900, %gather3A_1904 : vector<16xf32>
      %add3A_1906 = arith.constant 12 : i32
      %add3A_1907 = vector.broadcast %add3A_1906 : i32 to vector<16xi32>
      %add3A_1908 = arith.addi %mul3A_1086, %add3A_1907 : vector<16xi32>
      %gather3A_1909 = tpu.vector_load_idx %arg10[%add3A_1908] : memref<256xf32, #tpu.memory_space<vmem>>[vector<16xi32>], vector<16xf32>,
      %add3A_1910 = arith.addf %add3A_1905, %gather3A_1909 : vector<16xf32>
      %add3A_1911 = arith.constant 13 : i32
      %add3A_1912 = vector.broadcast %add3A_1911 : i32 to vector<16xi32>
      %add3A_1913 = arith.addi %mul3A_1086, %add3A_1912 : vector<16xi32>
      %gather3A_1914 = tpu.vector_load_idx %arg10[%add3A_1913] : memref<256xf32, #tpu.memory_space<vmem>>[vector<16xi32>], vector<16xf32>,
      %add3A_1915 = arith.addf %add3A_1910, %gather3A_1914 : vector<16xf32>
      %add3A_1916 = arith.constant 14 : i32
      %add3A_1917 = vector.broadcast %add3A_1916 : i32 to vector<16xi32>
      %add3A_1918 = arith.addi %mul3A_1086, %add3A_1917 : vector<16xi32>
      %gather3A_1919 = tpu.vector_load_idx %arg10[%add3A_1918] : memref<256xf32, #tpu.memory_space<vmem>>[vector<16xi32>], vector<16xf32>,
      %add3A_1920 = arith.addf %add3A_1915, %gather3A_1919 : vector<16xf32>
      %add3A_1921 = arith.constant 15 : i32
      %add3A_1922 = vector.broadcast %add3A_1921 : i32 to vector<16xi32>
      %add3A_1923 = arith.addi %mul3A_1086, %add3A_1922 : vector<16xi32>
      %gather3A_1924 = tpu.vector_load_idx %arg10[%add3A_1923] : memref<256xf32, #tpu.memory_space<vmem>>[vector<16xi32>], vector<16xf32>,
      %add3A_1925 = arith.addf %add3A_1920, %gather3A_1924 : vector<16xf32>
      %mul3A_1926 = arith.constant 16 : i32
      %mul3A_1927 = arith.muli %scan3A_1258, %mul3A_1926 : i32
      %add3A_1928 = arith.constant 0 : i32
      %add3A_1929 = arith.addi %add3A_1928, %mul3A_1927 : i32
      %swap3A_1930 = arith.index_cast %add3A_1929 : i32 to index
      %swap3A_1931 = tpu.vector_load %arg11[%swap3A_1930] {strides = array<i32>} : memref<512xf32, #tpu.memory_space<vmem>>, vector<16xf32>,
      tpu.vector_store %arg11[%swap3A_1930], %add3A_1925 {strides = array<i32>} : memref<512xf32, #tpu.memory_space<vmem>>, vector<16xf32>,
    }
    %scan3A_1169 = arith.constant 16 : i32
    %dma_start3A_1170 = arith.constant 2 : i32
    %dma_start3A_1171 = arith.constant 0 : i32
    %dma_start3A_1172 = arith.constant 0 : i32
    %dma_start3A_1173 = tpu.memref_slice %arg8[%dma_start3A_1171, %dma_start3A_1172] : memref<256x128xf32, #tpu.memory_space<vmem>> -> memref<128x128xf32, #tpu.memory_space<vmem>>
    %dma_start3A_1174 = arith.constant 0 : i32
    %dma_start3A_1175 = tpu.memref_slice %arg6[%dma_start3A_1170, %dma_start3A_1174] : memref<4x128xi32, #tpu.memory_space<vmem>> -> memref<1x128xi32, #tpu.memory_space<vmem>>
    %dma_start3A_1176 = tpu.memref_squeeze %dma_start3A_1175 : memref<1x128xi32, #tpu.memory_space<vmem>> -> memref<128xi32, #tpu.memory_space<vmem>>
    %dma_start3A_1177 = arith.constant 0 : i32
    %dma_start3A_1178 = arith.constant 0 : i32
    %dma_start3A_1179 = tpu.memref_slice %arg4[%dma_start3A_1177, %dma_start3A_1178] : memref<1000000x128xf32, #tpu.memory_space<hbm>> -> memref<1000000x128xf32, #tpu.memory_space<hbm>>
    tpu.enqueue_indirect_dma source(%dma_start3A_1179 : memref<1000000x128xf32, #tpu.memory_space<hbm>>) target(%dma_start3A_1173 : memref<128x128xf32, #tpu.memory_space<vmem>>) offsets(%dma_start3A_1176 : memref<128xi32, #tpu.memory_space<vmem>>) semaphore(%arg12 : memref<!tpu.dma_semaphore, #tpu.memory_space<semaphore_mem>>)
    %dma_start3A_1180 = arith.constant 2 : i32
    %dma_start3A_1181 = arith.constant 0 : i32
    %dma_start3A_1182 = arith.constant 0 : i32
    %dma_start3A_1183 = tpu.memref_slice %arg9[%dma_start3A_1181, %dma_start3A_1182] : memref<256x128xf32, #tpu.memory_space<vmem>> -> memref<128x128xf32, #tpu.memory_space<vmem>>
    %dma_start3A_1184 = arith.constant 0 : i32
    %dma_start3A_1185 = tpu.memref_slice %arg7[%dma_start3A_1180, %dma_start3A_1184] : memref<4x128xi32, #tpu.memory_space<vmem>> -> memref<1x128xi32, #tpu.memory_space<vmem>>
    %dma_start3A_1186 = tpu.memref_squeeze %dma_start3A_1185 : memref<1x128xi32, #tpu.memory_space<vmem>> -> memref<128xi32, #tpu.memory_space<vmem>>
    %dma_start3A_1187 = arith.constant 0 : i32
    %dma_start3A_1188 = arith.constant 0 : i32
    %dma_start3A_1189 = tpu.memref_slice %arg4[%dma_start3A_1187, %dma_start3A_1188] : memref<1000000x128xf32, #tpu.memory_space<hbm>> -> memref<1000000x128xf32, #tpu.memory_space<hbm>>
    tpu.enqueue_indirect_dma source(%dma_start3A_1189 : memref<1000000x128xf32, #tpu.memory_space<hbm>>) target(%dma_start3A_1183 : memref<128x128xf32, #tpu.memory_space<vmem>>) offsets(%dma_start3A_1186 : memref<128xi32, #tpu.memory_space<vmem>>) semaphore(%arg12 : memref<!tpu.dma_semaphore, #tpu.memory_space<semaphore_mem>>)
    %dma_start3A_1190 = arith.constant 3 : i32
    %dma_start3A_1191 = arith.constant 128 : i32
    %dma_start3A_1192 = arith.constant 0 : i32
    %dma_start3A_1193 = tpu.memref_slice %arg8[%dma_start3A_1191, %dma_start3A_1192] : memref<256x128xf32, #tpu.memory_space<vmem>> -> memref<128x128xf32, #tpu.memory_space<vmem>>
    %dma_start3A_1194 = arith.constant 0 : i32
    %dma_start3A_1195 = tpu.memref_slice %arg6[%dma_start3A_1190, %dma_start3A_1194] : memref<4x128xi32, #tpu.memory_space<vmem>> -> memref<1x128xi32, #tpu.memory_space<vmem>>
    %dma_start3A_1196 = tpu.memref_squeeze %dma_start3A_1195 : memref<1x128xi32, #tpu.memory_space<vmem>> -> memref<128xi32, #tpu.memory_space<vmem>>
    %dma_start3A_1197 = arith.constant 0 : i32
    %dma_start3A_1198 = arith.constant 0 : i32
    %dma_start3A_1199 = tpu.memref_slice %arg4[%dma_start3A_1197, %dma_start3A_1198] : memref<1000000x128xf32, #tpu.memory_space<hbm>> -> memref<1000000x128xf32, #tpu.memory_space<hbm>>
    tpu.enqueue_indirect_dma source(%dma_start3A_1199 : memref<1000000x128xf32, #tpu.memory_space<hbm>>) target(%dma_start3A_1193 : memref<128x128xf32, #tpu.memory_space<vmem>>) offsets(%dma_start3A_1196 : memref<128xi32, #tpu.memory_space<vmem>>) semaphore(%arg12 : memref<!tpu.dma_semaphore, #tpu.memory_space<semaphore_mem>>)
    %dma_start3A_1200 = arith.constant 3 : i32
    %dma_start3A_1201 = arith.constant 128 : i32
    %dma_start3A_1202 = arith.constant 0 : i32
    %dma_start3A_1203 = tpu.memref_slice %arg9[%dma_start3A_1201, %dma_start3A_1202] : memref<256x128xf32, #tpu.memory_space<vmem>> -> memref<128x128xf32, #tpu.memory_space<vmem>>
    %dma_start3A_1204 = arith.constant 0 : i32
    %dma_start3A_1205 = tpu.memref_slice %arg7[%dma_start3A_1200, %dma_start3A_1204] : memref<4x128xi32, #tpu.memory_space<vmem>> -> memref<1x128xi32, #tpu.memory_space<vmem>>
    %dma_start3A_1206 = tpu.memref_squeeze %dma_start3A_1205 : memref<1x128xi32, #tpu.memory_space<vmem>> -> memref<128xi32, #tpu.memory_space<vmem>>
    %dma_start3A_1207 = arith.constant 0 : i32
    %dma_start3A_1208 = arith.constant 0 : i32
    %dma_start3A_1209 = tpu.memref_slice %arg4[%dma_start3A_1207, %dma_start3A_1208] : memref<1000000x128xf32, #tpu.memory_space<hbm>> -> memref<1000000x128xf32, #tpu.memory_space<hbm>>
    tpu.enqueue_indirect_dma source(%dma_start3A_1209 : memref<1000000x128xf32, #tpu.memory_space<hbm>>) target(%dma_start3A_1203 : memref<128x128xf32, #tpu.memory_space<vmem>>) offsets(%dma_start3A_1206 : memref<128xi32, #tpu.memory_space<vmem>>) semaphore(%arg12 : memref<!tpu.dma_semaphore, #tpu.memory_space<semaphore_mem>>)
    %dma_wait3A_1210 = arith.constant 2 : i32
    %dma_wait3A_1211 = arith.constant 0 : i32
    %dma_wait3A_1212 = arith.constant 0 : i32
    %dma_wait3A_1213 = tpu.memref_slice %arg8[%dma_wait3A_1211, %dma_wait3A_1212] : memref<256x128xf32, #tpu.memory_space<vmem>> -> memref<128x128xf32, #tpu.memory_space<vmem>>
    %dma_wait3A_1214 = arith.constant 0 : i32
    %dma_wait3A_1215 = tpu.memref_slice %arg6[%dma_wait3A_1210, %dma_wait3A_1214] : memref<4x128xi32, #tpu.memory_space<vmem>> -> memref<1x128xi32, #tpu.memory_space<vmem>>
    %dma_wait3A_1216 = tpu.memref_squeeze %dma_wait3A_1215 : memref<1x128xi32, #tpu.memory_space<vmem>> -> memref<128xi32, #tpu.memory_space<vmem>>
    %dma_wait3A_1217 = arith.constant 0 : i32
    %dma_wait3A_1218 = arith.constant 0 : i32
    %dma_wait3A_1219 = tpu.memref_slice %arg4[%dma_wait3A_1217, %dma_wait3A_1218] : memref<1000000x128xf32, #tpu.memory_space<hbm>> -> memref<1000000x128xf32, #tpu.memory_space<hbm>>
    tpu.wait_indirect_dma semaphore(%arg12 : memref<!tpu.dma_semaphore, #tpu.memory_space<semaphore_mem>>) src(%dma_wait3A_1219 : memref<1000000x128xf32, #tpu.memory_space<hbm>>) dst(%dma_wait3A_1213 : memref<128x128xf32, #tpu.memory_space<vmem>>)
    %dma_wait3A_1220 = arith.constant 2 : i32
    %dma_wait3A_1221 = arith.constant 0 : i32
    %dma_wait3A_1222 = arith.constant 0 : i32
    %dma_wait3A_1223 = tpu.memref_slice %arg9[%dma_wait3A_1221, %dma_wait3A_1222] : memref<256x128xf32, #tpu.memory_space<vmem>> -> memref<128x128xf32, #tpu.memory_space<vmem>>
    %dma_wait3A_1224 = arith.constant 0 : i32
    %dma_wait3A_1225 = tpu.memref_slice %arg7[%dma_wait3A_1220, %dma_wait3A_1224] : memref<4x128xi32, #tpu.memory_space<vmem>> -> memref<1x128xi32, #tpu.memory_space<vmem>>
    %dma_wait3A_1226 = tpu.memref_squeeze %dma_wait3A_1225 : memref<1x128xi32, #tpu.memory_space<vmem>> -> memref<128xi32, #tpu.memory_space<vmem>>
    %dma_wait3A_1227 = arith.constant 0 : i32
    %dma_wait3A_1228 = arith.constant 0 : i32
    %dma_wait3A_1229 = tpu.memref_slice %arg4[%dma_wait3A_1227, %dma_wait3A_1228] : memref<1000000x128xf32, #tpu.memory_space<hbm>> -> memref<1000000x128xf32, #tpu.memory_space<hbm>>
    tpu.wait_indirect_dma semaphore(%arg12 : memref<!tpu.dma_semaphore, #tpu.memory_space<semaphore_mem>>) src(%dma_wait3A_1229 : memref<1000000x128xf32, #tpu.memory_space<hbm>>) dst(%dma_wait3A_1223 : memref<128x128xf32, #tpu.memory_space<vmem>>)
    %dma_wait3A_1230 = arith.constant 3 : i32
    %dma_wait3A_1231 = arith.constant 128 : i32
    %dma_wait3A_1232 = arith.constant 0 : i32
    %dma_wait3A_1233 = tpu.memref_slice %arg8[%dma_wait3A_1231, %dma_wait3A_1232] : memref<256x128xf32, #tpu.memory_space<vmem>> -> memref<128x128xf32, #tpu.memory_space<vmem>>
    %dma_wait3A_1234 = arith.constant 0 : i32
    %dma_wait3A_1235 = tpu.memref_slice %arg6[%dma_wait3A_1230, %dma_wait3A_1234] : memref<4x128xi32, #tpu.memory_space<vmem>> -> memref<1x128xi32, #tpu.memory_space<vmem>>
    %dma_wait3A_1236 = tpu.memref_squeeze %dma_wait3A_1235 : memref<1x128xi32, #tpu.memory_space<vmem>> -> memref<128xi32, #tpu.memory_space<vmem>>
    %dma_wait3A_1237 = arith.constant 0 : i32
    %dma_wait3A_1238 = arith.constant 0 : i32
    %dma_wait3A_1239 = tpu.memref_slice %arg4[%dma_wait3A_1237, %dma_wait3A_1238] : memref<1000000x128xf32, #tpu.memory_space<hbm>> -> memref<1000000x128xf32, #tpu.memory_space<hbm>>
    tpu.wait_indirect_dma semaphore(%arg12 : memref<!tpu.dma_semaphore, #tpu.memory_space<semaphore_mem>>) src(%dma_wait3A_1239 : memref<1000000x128xf32, #tpu.memory_space<hbm>>) dst(%dma_wait3A_1233 : memref<128x128xf32, #tpu.memory_space<vmem>>)
    %dma_wait3A_1240 = arith.constant 3 : i32
    %dma_wait3A_1241 = arith.constant 128 : i32
    %dma_wait3A_1242 = arith.constant 0 : i32
    %dma_wait3A_1243 = tpu.memref_slice %arg9[%dma_wait3A_1241, %dma_wait3A_1242] : memref<256x128xf32, #tpu.memory_space<vmem>> -> memref<128x128xf32, #tpu.memory_space<vmem>>
    %dma_wait3A_1244 = arith.constant 0 : i32
    %dma_wait3A_1245 = tpu.memref_slice %arg7[%dma_wait3A_1240, %dma_wait3A_1244] : memref<4x128xi32, #tpu.memory_space<vmem>> -> memref<1x128xi32, #tpu.memory_space<vmem>>
    %dma_wait3A_1246 = tpu.memref_squeeze %dma_wait3A_1245 : memref<1x128xi32, #tpu.memory_space<vmem>> -> memref<128xi32, #tpu.memory_space<vmem>>
    %dma_wait3A_1247 = arith.constant 0 : i32
    %dma_wait3A_1248 = arith.constant 0 : i32
    %dma_wait3A_1249 = tpu.memref_slice %arg4[%dma_wait3A_1247, %dma_wait3A_1248] : memref<1000000x128xf32, #tpu.memory_space<hbm>> -> memref<1000000x128xf32, #tpu.memory_space<hbm>>
    tpu.wait_indirect_dma semaphore(%arg12 : memref<!tpu.dma_semaphore, #tpu.memory_space<semaphore_mem>>) src(%dma_wait3A_1249 : memref<1000000x128xf32, #tpu.memory_space<hbm>>) dst(%dma_wait3A_1243 : memref<128x128xf32, #tpu.memory_space<vmem>>)
    %scan3A_1250 = arith.constant 0 : i32
    %scan3A_1251 = arith.constant 0 : i32
    %scan3A_1252 = arith.constant 16 : i32
    %scan3A_1253 = arith.addi %scan3A_1251, %scan3A_1252 : i32
    %scan3A_1254 = arith.constant 1 : i32
    scf.for %scan3A_1258 = %scan3A_1251 to %scan3A_1253 step %scan3A_1254  : i32 {
      %mul3A_1259 = arith.constant 16 : i32
      %mul3A_1260 = arith.muli %scan3A_1258, %mul3A_1259 : i32
      %add3A_1261 = arith.constant 0 : i32
      %add3A_1262 = arith.addi %mul3A_1260, %add3A_1261 : i32
      %get3A_1263 = arith.index_cast %add3A_1262 : i32 to index
      %get3A_1264 = arith.constant 0 : index
      %get3A_1265 = tpu.vector_load %arg8[%get3A_1263, %get3A_1264] {strides = array<i32>} : memref<256x128xf32, #tpu.memory_space<vmem>>, vector<16xf32>,
      %get3A_1266 = arith.index_cast %add3A_1262 : i32 to index
      %get3A_1267 = arith.constant 64 : index
      %get3A_1268 = tpu.vector_load %arg9[%get3A_1266, %get3A_1267] {strides = array<i32>} : memref<256x128xf32, #tpu.memory_space<vmem>>, vector<16xf32>,
      %mul3A_1269 = arith.mulf %get3A_1265, %get3A_1268 : vector<16xf32>
      %get3A_1270 = arith.index_cast %add3A_1262 : i32 to index
      %get3A_1271 = arith.constant 16 : index
      %get3A_1272 = tpu.vector_load %arg8[%get3A_1270, %get3A_1271] {strides = array<i32>} : memref<256x128xf32, #tpu.memory_space<vmem>>, vector<16xf32>,
      %get3A_1273 = arith.index_cast %add3A_1262 : i32 to index
      %get3A_1274 = arith.constant 80 : index
      %get3A_1275 = tpu.vector_load %arg9[%get3A_1273, %get3A_1274] {strides = array<i32>} : memref<256x128xf32, #tpu.memory_space<vmem>>, vector<16xf32>,
      %mul3A_1276 = arith.mulf %get3A_1272, %get3A_1275 : vector<16xf32>
      %add3A_1277 = arith.addf %mul3A_1269, %mul3A_1276 : vector<16xf32>
      %get3A_1278 = arith.index_cast %add3A_1262 : i32 to index
      %get3A_1279 = arith.constant 32 : index
      %get3A_1280 = tpu.vector_load %arg8[%get3A_1278, %get3A_1279] {strides = array<i32>} : memref<256x128xf32, #tpu.memory_space<vmem>>, vector<16xf32>,
      %get3A_1281 = arith.index_cast %add3A_1262 : i32 to index
      %get3A_1282 = arith.constant 96 : index
      %get3A_1283 = tpu.vector_load %arg9[%get3A_1281, %get3A_1282] {strides = array<i32>} : memref<256x128xf32, #tpu.memory_space<vmem>>, vector<16xf32>,
      %mul3A_1284 = arith.mulf %get3A_1280, %get3A_1283 : vector<16xf32>
      %add3A_1285 = arith.addf %add3A_1277, %mul3A_1284 : vector<16xf32>
      %get3A_1286 = arith.index_cast %add3A_1262 : i32 to index
      %get3A_1287 = arith.constant 48 : index
      %get3A_1288 = tpu.vector_load %arg8[%get3A_1286, %get3A_1287] {strides = array<i32>} : memref<256x128xf32, #tpu.memory_space<vmem>>, vector<16xf32>,
      %get3A_1289 = arith.index_cast %add3A_1262 : i32 to index
      %get3A_1290 = arith.constant 112 : index
      %get3A_1291 = tpu.vector_load %arg9[%get3A_1289, %get3A_1290] {strides = array<i32>} : memref<256x128xf32, #tpu.memory_space<vmem>>, vector<16xf32>,
      %mul3A_1292 = arith.mulf %get3A_1288, %get3A_1291 : vector<16xf32>
      %add3A_1293 = arith.addf %add3A_1285, %mul3A_1292 : vector<16xf32>
      %swap3A_1294 = arith.constant 0 : index
      %swap3A_1295 = tpu.vector_load %arg10[%swap3A_1294] {strides = array<i32>} : memref<256xf32, #tpu.memory_space<vmem>>, vector<16xf32>,
      tpu.vector_store %arg10[%swap3A_1294], %add3A_1293 {strides = array<i32>} : memref<256xf32, #tpu.memory_space<vmem>>, vector<16xf32>,
      %mul3A_1296 = arith.constant 16 : i32
      %mul3A_1297 = arith.muli %scan3A_1258, %mul3A_1296 : i32
      %add3A_1298 = arith.constant 1 : i32
      %add3A_1299 = arith.addi %mul3A_1297, %add3A_1298 : i32
      %get3A_1300 = arith.index_cast %add3A_1299 : i32 to index
      %get3A_1301 = arith.constant 0 : index
      %get3A_1302 = tpu.vector_load %arg8[%get3A_1300, %get3A_1301] {strides = array<i32>} : memref<256x128xf32, #tpu.memory_space<vmem>>, vector<16xf32>,
      %get3A_1303 = arith.index_cast %add3A_1299 : i32 to index
      %get3A_1304 = arith.constant 64 : index
      %get3A_1305 = tpu.vector_load %arg9[%get3A_1303, %get3A_1304] {strides = array<i32>} : memref<256x128xf32, #tpu.memory_space<vmem>>, vector<16xf32>,
      %mul3A_1306 = arith.mulf %get3A_1302, %get3A_1305 : vector<16xf32>
      %get3A_1307 = arith.index_cast %add3A_1299 : i32 to index
      %get3A_1308 = arith.constant 16 : index
      %get3A_1309 = tpu.vector_load %arg8[%get3A_1307, %get3A_1308] {strides = array<i32>} : memref<256x128xf32, #tpu.memory_space<vmem>>, vector<16xf32>,
      %get3A_1310 = arith.index_cast %add3A_1299 : i32 to index
      %get3A_1311 = arith.constant 80 : index
      %get3A_1312 = tpu.vector_load %arg9[%get3A_1310, %get3A_1311] {strides = array<i32>} : memref<256x128xf32, #tpu.memory_space<vmem>>, vector<16xf32>,
      %mul3A_1313 = arith.mulf %get3A_1309, %get3A_1312 : vector<16xf32>
      %add3A_1314 = arith.addf %mul3A_1306, %mul3A_1313 : vector<16xf32>
      %get3A_1315 = arith.index_cast %add3A_1299 : i32 to index
      %get3A_1316 = arith.constant 32 : index
      %get3A_1317 = tpu.vector_load %arg8[%get3A_1315, %get3A_1316] {strides = array<i32>} : memref<256x128xf32, #tpu.memory_space<vmem>>, vector<16xf32>,
      %get3A_1318 = arith.index_cast %add3A_1299 : i32 to index
      %get3A_1319 = arith.constant 96 : index
      %get3A_1320 = tpu.vector_load %arg9[%get3A_1318, %get3A_1319] {strides = array<i32>} : memref<256x128xf32, #tpu.memory_space<vmem>>, vector<16xf32>,
      %mul3A_1321 = arith.mulf %get3A_1317, %get3A_1320 : vector<16xf32>
      %add3A_1322 = arith.addf %add3A_1314, %mul3A_1321 : vector<16xf32>
      %get3A_1323 = arith.index_cast %add3A_1299 : i32 to index
      %get3A_1324 = arith.constant 48 : index
      %get3A_1325 = tpu.vector_load %arg8[%get3A_1323, %get3A_1324] {strides = array<i32>} : memref<256x128xf32, #tpu.memory_space<vmem>>, vector<16xf32>,
      %get3A_1326 = arith.index_cast %add3A_1299 : i32 to index
      %get3A_1327 = arith.constant 112 : index
      %get3A_1328 = tpu.vector_load %arg9[%get3A_1326, %get3A_1327] {strides = array<i32>} : memref<256x128xf32, #tpu.memory_space<vmem>>, vector<16xf32>,
      %mul3A_1329 = arith.mulf %get3A_1325, %get3A_1328 : vector<16xf32>
      %add3A_1330 = arith.addf %add3A_1322, %mul3A_1329 : vector<16xf32>
      %swap3A_1331 = arith.constant 16 : index
      %swap3A_1332 = tpu.vector_load %arg10[%swap3A_1331] {strides = array<i32>} : memref<256xf32, #tpu.memory_space<vmem>>, vector<16xf32>,
      tpu.vector_store %arg10[%swap3A_1331], %add3A_1330 {strides = array<i32>} : memref<256xf32, #tpu.memory_space<vmem>>, vector<16xf32>,
      %mul3A_1333 = arith.constant 16 : i32
      %mul3A_1334 = arith.muli %scan3A_1258, %mul3A_1333 : i32
      %add3A_1335 = arith.constant 2 : i32
      %add3A_1336 = arith.addi %mul3A_1334, %add3A_1335 : i32
      %get3A_1337 = arith.index_cast %add3A_1336 : i32 to index
      %get3A_1338 = arith.constant 0 : index
      %get3A_1339 = tpu.vector_load %arg8[%get3A_1337, %get3A_1338] {strides = array<i32>} : memref<256x128xf32, #tpu.memory_space<vmem>>, vector<16xf32>,
      %get3A_1340 = arith.index_cast %add3A_1336 : i32 to index
      %get3A_1341 = arith.constant 64 : index
      %get3A_1342 = tpu.vector_load %arg9[%get3A_1340, %get3A_1341] {strides = array<i32>} : memref<256x128xf32, #tpu.memory_space<vmem>>, vector<16xf32>,
      %mul3A_1343 = arith.mulf %get3A_1339, %get3A_1342 : vector<16xf32>
      %get3A_1344 = arith.index_cast %add3A_1336 : i32 to index
      %get3A_1345 = arith.constant 16 : index
      %get3A_1346 = tpu.vector_load %arg8[%get3A_1344, %get3A_1345] {strides = array<i32>} : memref<256x128xf32, #tpu.memory_space<vmem>>, vector<16xf32>,
      %get3A_1347 = arith.index_cast %add3A_1336 : i32 to index
      %get3A_1348 = arith.constant 80 : index
      %get3A_1349 = tpu.vector_load %arg9[%get3A_1347, %get3A_1348] {strides = array<i32>} : memref<256x128xf32, #tpu.memory_space<vmem>>, vector<16xf32>,
      %mul3A_1350 = arith.mulf %get3A_1346, %get3A_1349 : vector<16xf32>
      %add3A_1351 = arith.addf %mul3A_1343, %mul3A_1350 : vector<16xf32>
      %get3A_1352 = arith.index_cast %add3A_1336 : i32 to index
      %get3A_1353 = arith.constant 32 : index
      %get3A_1354 = tpu.vector_load %arg8[%get3A_1352, %get3A_1353] {strides = array<i32>} : memref<256x128xf32, #tpu.memory_space<vmem>>, vector<16xf32>,
      %get3A_1355 = arith.index_cast %add3A_1336 : i32 to index
      %get3A_1356 = arith.constant 96 : index
      %get3A_1357 = tpu.vector_load %arg9[%get3A_1355, %get3A_1356] {strides = array<i32>} : memref<256x128xf32, #tpu.memory_space<vmem>>, vector<16xf32>,
      %mul3A_1358 = arith.mulf %get3A_1354, %get3A_1357 : vector<16xf32>
      %add3A_1359 = arith.addf %add3A_1351, %mul3A_1358 : vector<16xf32>
      %get3A_1360 = arith.index_cast %add3A_1336 : i32 to index
      %get3A_1361 = arith.constant 48 : index
      %get3A_1362 = tpu.vector_load %arg8[%get3A_1360, %get3A_1361] {strides = array<i32>} : memref<256x128xf32, #tpu.memory_space<vmem>>, vector<16xf32>,
      %get3A_1363 = arith.index_cast %add3A_1336 : i32 to index
      %get3A_1364 = arith.constant 112 : index
      %get3A_1365 = tpu.vector_load %arg9[%get3A_1363, %get3A_1364] {strides = array<i32>} : memref<256x128xf32, #tpu.memory_space<vmem>>, vector<16xf32>,
      %mul3A_1366 = arith.mulf %get3A_1362, %get3A_1365 : vector<16xf32>
      %add3A_1367 = arith.addf %add3A_1359, %mul3A_1366 : vector<16xf32>
      %swap3A_1368 = arith.constant 32 : index
      %swap3A_1369 = tpu.vector_load %arg10[%swap3A_1368] {strides = array<i32>} : memref<256xf32, #tpu.memory_space<vmem>>, vector<16xf32>,
      tpu.vector_store %arg10[%swap3A_1368], %add3A_1367 {strides = array<i32>} : memref<256xf32, #tpu.memory_space<vmem>>, vector<16xf32>,
      %mul3A_1370 = arith.constant 16 : i32
      %mul3A_1371 = arith.muli %scan3A_1258, %mul3A_1370 : i32
      %add3A_1372 = arith.constant 3 : i32
      %add3A_1373 = arith.addi %mul3A_1371, %add3A_1372 : i32
      %get3A_1374 = arith.index_cast %add3A_1373 : i32 to index
      %get3A_1375 = arith.constant 0 : index
      %get3A_1376 = tpu.vector_load %arg8[%get3A_1374, %get3A_1375] {strides = array<i32>} : memref<256x128xf32, #tpu.memory_space<vmem>>, vector<16xf32>,
      %get3A_1377 = arith.index_cast %add3A_1373 : i32 to index
      %get3A_1378 = arith.constant 64 : index
      %get3A_1379 = tpu.vector_load %arg9[%get3A_1377, %get3A_1378] {strides = array<i32>} : memref<256x128xf32, #tpu.memory_space<vmem>>, vector<16xf32>,
      %mul3A_1380 = arith.mulf %get3A_1376, %get3A_1379 : vector<16xf32>
      %get3A_1381 = arith.index_cast %add3A_1373 : i32 to index
      %get3A_1382 = arith.constant 16 : index
      %get3A_1383 = tpu.vector_load %arg8[%get3A_1381, %get3A_1382] {strides = array<i32>} : memref<256x128xf32, #tpu.memory_space<vmem>>, vector<16xf32>,
      %get3A_1384 = arith.index_cast %add3A_1373 : i32 to index
      %get3A_1385 = arith.constant 80 : index
      %get3A_1386 = tpu.vector_load %arg9[%get3A_1384, %get3A_1385] {strides = array<i32>} : memref<256x128xf32, #tpu.memory_space<vmem>>, vector<16xf32>,
      %mul3A_1387 = arith.mulf %get3A_1383, %get3A_1386 : vector<16xf32>
      %add3A_1388 = arith.addf %mul3A_1380, %mul3A_1387 : vector<16xf32>
      %get3A_1389 = arith.index_cast %add3A_1373 : i32 to index
      %get3A_1390 = arith.constant 32 : index
      %get3A_1391 = tpu.vector_load %arg8[%get3A_1389, %get3A_1390] {strides = array<i32>} : memref<256x128xf32, #tpu.memory_space<vmem>>, vector<16xf32>,
      %get3A_1392 = arith.index_cast %add3A_1373 : i32 to index
      %get3A_1393 = arith.constant 96 : index
      %get3A_1394 = tpu.vector_load %arg9[%get3A_1392, %get3A_1393] {strides = array<i32>} : memref<256x128xf32, #tpu.memory_space<vmem>>, vector<16xf32>,
      %mul3A_1395 = arith.mulf %get3A_1391, %get3A_1394 : vector<16xf32>
      %add3A_1396 = arith.addf %add3A_1388, %mul3A_1395 : vector<16xf32>
      %get3A_1397 = arith.index_cast %add3A_1373 : i32 to index
      %get3A_1398 = arith.constant 48 : index
      %get3A_1399 = tpu.vector_load %arg8[%get3A_1397, %get3A_1398] {strides = array<i32>} : memref<256x128xf32, #tpu.memory_space<vmem>>, vector<16xf32>,
      %get3A_1400 = arith.index_cast %add3A_1373 : i32 to index
      %get3A_1401 = arith.constant 112 : index
      %get3A_1402 = tpu.vector_load %arg9[%get3A_1400, %get3A_1401] {strides = array<i32>} : memref<256x128xf32, #tpu.memory_space<vmem>>, vector<16xf32>,
      %mul3A_1403 = arith.mulf %get3A_1399, %get3A_1402 : vector<16xf32>
      %add3A_1404 = arith.addf %add3A_1396, %mul3A_1403 : vector<16xf32>
      %swap3A_1405 = arith.constant 48 : index
      %swap3A_1406 = tpu.vector_load %arg10[%swap3A_1405] {strides = array<i32>} : memref<256xf32, #tpu.memory_space<vmem>>, vector<16xf32>,
      tpu.vector_store %arg10[%swap3A_1405], %add3A_1404 {strides = array<i32>} : memref<256xf32, #tpu.memory_space<vmem>>, vector<16xf32>,
      %mul3A_1407 = arith.constant 16 : i32
      %mul3A_1408 = arith.muli %scan3A_1258, %mul3A_1407 : i32
      %add3A_1409 = arith.constant 4 : i32
      %add3A_1410 = arith.addi %mul3A_1408, %add3A_1409 : i32
      %get3A_1411 = arith.index_cast %add3A_1410 : i32 to index
      %get3A_1412 = arith.constant 0 : index
      %get3A_1413 = tpu.vector_load %arg8[%get3A_1411, %get3A_1412] {strides = array<i32>} : memref<256x128xf32, #tpu.memory_space<vmem>>, vector<16xf32>,
      %get3A_1414 = arith.index_cast %add3A_1410 : i32 to index
      %get3A_1415 = arith.constant 64 : index
      %get3A_1416 = tpu.vector_load %arg9[%get3A_1414, %get3A_1415] {strides = array<i32>} : memref<256x128xf32, #tpu.memory_space<vmem>>, vector<16xf32>,
      %mul3A_1417 = arith.mulf %get3A_1413, %get3A_1416 : vector<16xf32>
      %get3A_1418 = arith.index_cast %add3A_1410 : i32 to index
      %get3A_1419 = arith.constant 16 : index
      %get3A_1420 = tpu.vector_load %arg8[%get3A_1418, %get3A_1419] {strides = array<i32>} : memref<256x128xf32, #tpu.memory_space<vmem>>, vector<16xf32>,
      %get3A_1421 = arith.index_cast %add3A_1410 : i32 to index
      %get3A_1422 = arith.constant 80 : index
      %get3A_1423 = tpu.vector_load %arg9[%get3A_1421, %get3A_1422] {strides = array<i32>} : memref<256x128xf32, #tpu.memory_space<vmem>>, vector<16xf32>,
      %mul3A_1424 = arith.mulf %get3A_1420, %get3A_1423 : vector<16xf32>
      %add3A_1425 = arith.addf %mul3A_1417, %mul3A_1424 : vector<16xf32>
      %get3A_1426 = arith.index_cast %add3A_1410 : i32 to index
      %get3A_1427 = arith.constant 32 : index
      %get3A_1428 = tpu.vector_load %arg8[%get3A_1426, %get3A_1427] {strides = array<i32>} : memref<256x128xf32, #tpu.memory_space<vmem>>, vector<16xf32>,
      %get3A_1429 = arith.index_cast %add3A_1410 : i32 to index
      %get3A_1430 = arith.constant 96 : index
      %get3A_1431 = tpu.vector_load %arg9[%get3A_1429, %get3A_1430] {strides = array<i32>} : memref<256x128xf32, #tpu.memory_space<vmem>>, vector<16xf32>,
      %mul3A_1432 = arith.mulf %get3A_1428, %get3A_1431 : vector<16xf32>
      %add3A_1433 = arith.addf %add3A_1425, %mul3A_1432 : vector<16xf32>
      %get3A_1434 = arith.index_cast %add3A_1410 : i32 to index
      %get3A_1435 = arith.constant 48 : index
      %get3A_1436 = tpu.vector_load %arg8[%get3A_1434, %get3A_1435] {strides = array<i32>} : memref<256x128xf32, #tpu.memory_space<vmem>>, vector<16xf32>,
      %get3A_1437 = arith.index_cast %add3A_1410 : i32 to index
      %get3A_1438 = arith.constant 112 : index
      %get3A_1439 = tpu.vector_load %arg9[%get3A_1437, %get3A_1438] {strides = array<i32>} : memref<256x128xf32, #tpu.memory_space<vmem>>, vector<16xf32>,
      %mul3A_1440 = arith.mulf %get3A_1436, %get3A_1439 : vector<16xf32>
      %add3A_1441 = arith.addf %add3A_1433, %mul3A_1440 : vector<16xf32>
      %swap3A_1442 = arith.constant 64 : index
      %swap3A_1443 = tpu.vector_load %arg10[%swap3A_1442] {strides = array<i32>} : memref<256xf32, #tpu.memory_space<vmem>>, vector<16xf32>,
      tpu.vector_store %arg10[%swap3A_1442], %add3A_1441 {strides = array<i32>} : memref<256xf32, #tpu.memory_space<vmem>>, vector<16xf32>,
      %mul3A_1444 = arith.constant 16 : i32
      %mul3A_1445 = arith.muli %scan3A_1258, %mul3A_1444 : i32
      %add3A_1446 = arith.constant 5 : i32
      %add3A_1447 = arith.addi %mul3A_1445, %add3A_1446 : i32
      %get3A_1448 = arith.index_cast %add3A_1447 : i32 to index
      %get3A_1449 = arith.constant 0 : index
      %get3A_1450 = tpu.vector_load %arg8[%get3A_1448, %get3A_1449] {strides = array<i32>} : memref<256x128xf32, #tpu.memory_space<vmem>>, vector<16xf32>,
      %get3A_1451 = arith.index_cast %add3A_1447 : i32 to index
      %get3A_1452 = arith.constant 64 : index
      %get3A_1453 = tpu.vector_load %arg9[%get3A_1451, %get3A_1452] {strides = array<i32>} : memref<256x128xf32, #tpu.memory_space<vmem>>, vector<16xf32>,
      %mul3A_1454 = arith.mulf %get3A_1450, %get3A_1453 : vector<16xf32>
      %get3A_1455 = arith.index_cast %add3A_1447 : i32 to index
      %get3A_1456 = arith.constant 16 : index
      %get3A_1457 = tpu.vector_load %arg8[%get3A_1455, %get3A_1456] {strides = array<i32>} : memref<256x128xf32, #tpu.memory_space<vmem>>, vector<16xf32>,
      %get3A_1458 = arith.index_cast %add3A_1447 : i32 to index
      %get3A_1459 = arith.constant 80 : index
      %get3A_1460 = tpu.vector_load %arg9[%get3A_1458, %get3A_1459] {strides = array<i32>} : memref<256x128xf32, #tpu.memory_space<vmem>>, vector<16xf32>,
      %mul3A_1461 = arith.mulf %get3A_1457, %get3A_1460 : vector<16xf32>
      %add3A_1462 = arith.addf %mul3A_1454, %mul3A_1461 : vector<16xf32>
      %get3A_1463 = arith.index_cast %add3A_1447 : i32 to index
      %get3A_1464 = arith.constant 32 : index
      %get3A_1465 = tpu.vector_load %arg8[%get3A_1463, %get3A_1464] {strides = array<i32>} : memref<256x128xf32, #tpu.memory_space<vmem>>, vector<16xf32>,
      %get3A_1466 = arith.index_cast %add3A_1447 : i32 to index
      %get3A_1467 = arith.constant 96 : index
      %get3A_1468 = tpu.vector_load %arg9[%get3A_1466, %get3A_1467] {strides = array<i32>} : memref<256x128xf32, #tpu.memory_space<vmem>>, vector<16xf32>,
      %mul3A_1469 = arith.mulf %get3A_1465, %get3A_1468 : vector<16xf32>
      %add3A_1470 = arith.addf %add3A_1462, %mul3A_1469 : vector<16xf32>
      %get3A_1471 = arith.index_cast %add3A_1447 : i32 to index
      %get3A_1472 = arith.constant 48 : index
      %get3A_1473 = tpu.vector_load %arg8[%get3A_1471, %get3A_1472] {strides = array<i32>} : memref<256x128xf32, #tpu.memory_space<vmem>>, vector<16xf32>,
      %get3A_1474 = arith.index_cast %add3A_1447 : i32 to index
      %get3A_1475 = arith.constant 112 : index
      %get3A_1476 = tpu.vector_load %arg9[%get3A_1474, %get3A_1475] {strides = array<i32>} : memref<256x128xf32, #tpu.memory_space<vmem>>, vector<16xf32>,
      %mul3A_1477 = arith.mulf %get3A_1473, %get3A_1476 : vector<16xf32>
      %add3A_1478 = arith.addf %add3A_1470, %mul3A_1477 : vector<16xf32>
      %swap3A_1479 = arith.constant 80 : index
      %swap3A_1480 = tpu.vector_load %arg10[%swap3A_1479] {strides = array<i32>} : memref<256xf32, #tpu.memory_space<vmem>>, vector<16xf32>,
      tpu.vector_store %arg10[%swap3A_1479], %add3A_1478 {strides = array<i32>} : memref<256xf32, #tpu.memory_space<vmem>>, vector<16xf32>,
      %mul3A_1481 = arith.constant 16 : i32
      %mul3A_1482 = arith.muli %scan3A_1258, %mul3A_1481 : i32
      %add3A_1483 = arith.constant 6 : i32
      %add3A_1484 = arith.addi %mul3A_1482, %add3A_1483 : i32
      %get3A_1485 = arith.index_cast %add3A_1484 : i32 to index
      %get3A_1486 = arith.constant 0 : index
      %get3A_1487 = tpu.vector_load %arg8[%get3A_1485, %get3A_1486] {strides = array<i32>} : memref<256x128xf32, #tpu.memory_space<vmem>>, vector<16xf32>,
      %get3A_1488 = arith.index_cast %add3A_1484 : i32 to index
      %get3A_1489 = arith.constant 64 : index
      %get3A_1490 = tpu.vector_load %arg9[%get3A_1488, %get3A_1489] {strides = array<i32>} : memref<256x128xf32, #tpu.memory_space<vmem>>, vector<16xf32>,
      %mul3A_1491 = arith.mulf %get3A_1487, %get3A_1490 : vector<16xf32>
      %get3A_1492 = arith.index_cast %add3A_1484 : i32 to index
      %get3A_1493 = arith.constant 16 : index
      %get3A_1494 = tpu.vector_load %arg8[%get3A_1492, %get3A_1493] {strides = array<i32>} : memref<256x128xf32, #tpu.memory_space<vmem>>, vector<16xf32>,
      %get3A_1495 = arith.index_cast %add3A_1484 : i32 to index
      %get3A_1496 = arith.constant 80 : index
      %get3A_1497 = tpu.vector_load %arg9[%get3A_1495, %get3A_1496] {strides = array<i32>} : memref<256x128xf32, #tpu.memory_space<vmem>>, vector<16xf32>,
      %mul3A_1498 = arith.mulf %get3A_1494, %get3A_1497 : vector<16xf32>
      %add3A_1499 = arith.addf %mul3A_1491, %mul3A_1498 : vector<16xf32>
      %get3A_1500 = arith.index_cast %add3A_1484 : i32 to index
      %get3A_1501 = arith.constant 32 : index
      %get3A_1502 = tpu.vector_load %arg8[%get3A_1500, %get3A_1501] {strides = array<i32>} : memref<256x128xf32, #tpu.memory_space<vmem>>, vector<16xf32>,
      %get3A_1503 = arith.index_cast %add3A_1484 : i32 to index
      %get3A_1504 = arith.constant 96 : index
      %get3A_1505 = tpu.vector_load %arg9[%get3A_1503, %get3A_1504] {strides = array<i32>} : memref<256x128xf32, #tpu.memory_space<vmem>>, vector<16xf32>,
      %mul3A_1506 = arith.mulf %get3A_1502, %get3A_1505 : vector<16xf32>
      %add3A_1507 = arith.addf %add3A_1499, %mul3A_1506 : vector<16xf32>
      %get3A_1508 = arith.index_cast %add3A_1484 : i32 to index
      %get3A_1509 = arith.constant 48 : index
      %get3A_1510 = tpu.vector_load %arg8[%get3A_1508, %get3A_1509] {strides = array<i32>} : memref<256x128xf32, #tpu.memory_space<vmem>>, vector<16xf32>,
      %get3A_1511 = arith.index_cast %add3A_1484 : i32 to index
      %get3A_1512 = arith.constant 112 : index
      %get3A_1513 = tpu.vector_load %arg9[%get3A_1511, %get3A_1512] {strides = array<i32>} : memref<256x128xf32, #tpu.memory_space<vmem>>, vector<16xf32>,
      %mul3A_1514 = arith.mulf %get3A_1510, %get3A_1513 : vector<16xf32>
      %add3A_1515 = arith.addf %add3A_1507, %mul3A_1514 : vector<16xf32>
      %swap3A_1516 = arith.constant 96 : index
      %swap3A_1517 = tpu.vector_load %arg10[%swap3A_1516] {strides = array<i32>} : memref<256xf32, #tpu.memory_space<vmem>>, vector<16xf32>,
      tpu.vector_store %arg10[%swap3A_1516], %add3A_1515 {strides = array<i32>} : memref<256xf32, #tpu.memory_space<vmem>>, vector<16xf32>,
      %mul3A_1518 = arith.constant 16 : i32
      %mul3A_1519 = arith.muli %scan3A_1258, %mul3A_1518 : i32
      %add3A_1520 = arith.constant 7 : i32
      %add3A_1521 = arith.addi %mul3A_1519, %add3A_1520 : i32
      %get3A_1522 = arith.index_cast %add3A_1521 : i32 to index
      %get3A_1523 = arith.constant 0 : index
      %get3A_1524 = tpu.vector_load %arg8[%get3A_1522, %get3A_1523] {strides = array<i32>} : memref<256x128xf32, #tpu.memory_space<vmem>>, vector<16xf32>,
      %get3A_1525 = arith.index_cast %add3A_1521 : i32 to index
      %get3A_1526 = arith.constant 64 : index
      %get3A_1527 = tpu.vector_load %arg9[%get3A_1525, %get3A_1526] {strides = array<i32>} : memref<256x128xf32, #tpu.memory_space<vmem>>, vector<16xf32>,
      %mul3A_1528 = arith.mulf %get3A_1524, %get3A_1527 : vector<16xf32>
      %get3A_1529 = arith.index_cast %add3A_1521 : i32 to index
      %get3A_1530 = arith.constant 16 : index
      %get3A_1531 = tpu.vector_load %arg8[%get3A_1529, %get3A_1530] {strides = array<i32>} : memref<256x128xf32, #tpu.memory_space<vmem>>, vector<16xf32>,
      %get3A_1532 = arith.index_cast %add3A_1521 : i32 to index
      %get3A_1533 = arith.constant 80 : index
      %get3A_1534 = tpu.vector_load %arg9[%get3A_1532, %get3A_1533] {strides = array<i32>} : memref<256x128xf32, #tpu.memory_space<vmem>>, vector<16xf32>,
      %mul3A_1535 = arith.mulf %get3A_1531, %get3A_1534 : vector<16xf32>
      %add3A_1536 = arith.addf %mul3A_1528, %mul3A_1535 : vector<16xf32>
      %get3A_1537 = arith.index_cast %add3A_1521 : i32 to index
      %get3A_1538 = arith.constant 32 : index
      %get3A_1539 = tpu.vector_load %arg8[%get3A_1537, %get3A_1538] {strides = array<i32>} : memref<256x128xf32, #tpu.memory_space<vmem>>, vector<16xf32>,
      %get3A_1540 = arith.index_cast %add3A_1521 : i32 to index
      %get3A_1541 = arith.constant 96 : index
      %get3A_1542 = tpu.vector_load %arg9[%get3A_1540, %get3A_1541] {strides = array<i32>} : memref<256x128xf32, #tpu.memory_space<vmem>>, vector<16xf32>,
      %mul3A_1543 = arith.mulf %get3A_1539, %get3A_1542 : vector<16xf32>
      %add3A_1544 = arith.addf %add3A_1536, %mul3A_1543 : vector<16xf32>
      %get3A_1545 = arith.index_cast %add3A_1521 : i32 to index
      %get3A_1546 = arith.constant 48 : index
      %get3A_1547 = tpu.vector_load %arg8[%get3A_1545, %get3A_1546] {strides = array<i32>} : memref<256x128xf32, #tpu.memory_space<vmem>>, vector<16xf32>,
      %get3A_1548 = arith.index_cast %add3A_1521 : i32 to index
      %get3A_1549 = arith.constant 112 : index
      %get3A_1550 = tpu.vector_load %arg9[%get3A_1548, %get3A_1549] {strides = array<i32>} : memref<256x128xf32, #tpu.memory_space<vmem>>, vector<16xf32>,
      %mul3A_1551 = arith.mulf %get3A_1547, %get3A_1550 : vector<16xf32>
      %add3A_1552 = arith.addf %add3A_1544, %mul3A_1551 : vector<16xf32>
      %swap3A_1553 = arith.constant 112 : index
      %swap3A_1554 = tpu.vector_load %arg10[%swap3A_1553] {strides = array<i32>} : memref<256xf32, #tpu.memory_space<vmem>>, vector<16xf32>,
      tpu.vector_store %arg10[%swap3A_1553], %add3A_1552 {strides = array<i32>} : memref<256xf32, #tpu.memory_space<vmem>>, vector<16xf32>,
      %mul3A_1555 = arith.constant 16 : i32
      %mul3A_1556 = arith.muli %scan3A_1258, %mul3A_1555 : i32
      %add3A_1557 = arith.constant 8 : i32
      %add3A_1558 = arith.addi %mul3A_1556, %add3A_1557 : i32
      %get3A_1559 = arith.index_cast %add3A_1558 : i32 to index
      %get3A_1560 = arith.constant 0 : index
      %get3A_1561 = tpu.vector_load %arg8[%get3A_1559, %get3A_1560] {strides = array<i32>} : memref<256x128xf32, #tpu.memory_space<vmem>>, vector<16xf32>,
      %get3A_1562 = arith.index_cast %add3A_1558 : i32 to index
      %get3A_1563 = arith.constant 64 : index
      %get3A_1564 = tpu.vector_load %arg9[%get3A_1562, %get3A_1563] {strides = array<i32>} : memref<256x128xf32, #tpu.memory_space<vmem>>, vector<16xf32>,
      %mul3A_1565 = arith.mulf %get3A_1561, %get3A_1564 : vector<16xf32>
      %get3A_1566 = arith.index_cast %add3A_1558 : i32 to index
      %get3A_1567 = arith.constant 16 : index
      %get3A_1568 = tpu.vector_load %arg8[%get3A_1566, %get3A_1567] {strides = array<i32>} : memref<256x128xf32, #tpu.memory_space<vmem>>, vector<16xf32>,
      %get3A_1569 = arith.index_cast %add3A_1558 : i32 to index
      %get3A_1570 = arith.constant 80 : index
      %get3A_1571 = tpu.vector_load %arg9[%get3A_1569, %get3A_1570] {strides = array<i32>} : memref<256x128xf32, #tpu.memory_space<vmem>>, vector<16xf32>,
      %mul3A_1572 = arith.mulf %get3A_1568, %get3A_1571 : vector<16xf32>
      %add3A_1573 = arith.addf %mul3A_1565, %mul3A_1572 : vector<16xf32>
      %get3A_1574 = arith.index_cast %add3A_1558 : i32 to index
      %get3A_1575 = arith.constant 32 : index
      %get3A_1576 = tpu.vector_load %arg8[%get3A_1574, %get3A_1575] {strides = array<i32>} : memref<256x128xf32, #tpu.memory_space<vmem>>, vector<16xf32>,
      %get3A_1577 = arith.index_cast %add3A_1558 : i32 to index
      %get3A_1578 = arith.constant 96 : index
      %get3A_1579 = tpu.vector_load %arg9[%get3A_1577, %get3A_1578] {strides = array<i32>} : memref<256x128xf32, #tpu.memory_space<vmem>>, vector<16xf32>,
      %mul3A_1580 = arith.mulf %get3A_1576, %get3A_1579 : vector<16xf32>
      %add3A_1581 = arith.addf %add3A_1573, %mul3A_1580 : vector<16xf32>
      %get3A_1582 = arith.index_cast %add3A_1558 : i32 to index
      %get3A_1583 = arith.constant 48 : index
      %get3A_1584 = tpu.vector_load %arg8[%get3A_1582, %get3A_1583] {strides = array<i32>} : memref<256x128xf32, #tpu.memory_space<vmem>>, vector<16xf32>,
      %get3A_1585 = arith.index_cast %add3A_1558 : i32 to index
      %get3A_1586 = arith.constant 112 : index
      %get3A_1587 = tpu.vector_load %arg9[%get3A_1585, %get3A_1586] {strides = array<i32>} : memref<256x128xf32, #tpu.memory_space<vmem>>, vector<16xf32>,
      %mul3A_1588 = arith.mulf %get3A_1584, %get3A_1587 : vector<16xf32>
      %add3A_1589 = arith.addf %add3A_1581, %mul3A_1588 : vector<16xf32>
      %swap3A_1590 = arith.constant 128 : index
      %swap3A_1591 = tpu.vector_load %arg10[%swap3A_1590] {strides = array<i32>} : memref<256xf32, #tpu.memory_space<vmem>>, vector<16xf32>,
      tpu.vector_store %arg10[%swap3A_1590], %add3A_1589 {strides = array<i32>} : memref<256xf32, #tpu.memory_space<vmem>>, vector<16xf32>,
      %mul3A_1592 = arith.constant 16 : i32
      %mul3A_1593 = arith.muli %scan3A_1258, %mul3A_1592 : i32
      %add3A_1594 = arith.constant 9 : i32
      %add3A_1595 = arith.addi %mul3A_1593, %add3A_1594 : i32
      %get3A_1596 = arith.index_cast %add3A_1595 : i32 to index
      %get3A_1597 = arith.constant 0 : index
      %get3A_1598 = tpu.vector_load %arg8[%get3A_1596, %get3A_1597] {strides = array<i32>} : memref<256x128xf32, #tpu.memory_space<vmem>>, vector<16xf32>,
      %get3A_1599 = arith.index_cast %add3A_1595 : i32 to index
      %get3A_1600 = arith.constant 64 : index
      %get3A_1601 = tpu.vector_load %arg9[%get3A_1599, %get3A_1600] {strides = array<i32>} : memref<256x128xf32, #tpu.memory_space<vmem>>, vector<16xf32>,
      %mul3A_1602 = arith.mulf %get3A_1598, %get3A_1601 : vector<16xf32>
      %get3A_1603 = arith.index_cast %add3A_1595 : i32 to index
      %get3A_1604 = arith.constant 16 : index
      %get3A_1605 = tpu.vector_load %arg8[%get3A_1603, %get3A_1604] {strides = array<i32>} : memref<256x128xf32, #tpu.memory_space<vmem>>, vector<16xf32>,
      %get3A_1606 = arith.index_cast %add3A_1595 : i32 to index
      %get3A_1607 = arith.constant 80 : index
      %get3A_1608 = tpu.vector_load %arg9[%get3A_1606, %get3A_1607] {strides = array<i32>} : memref<256x128xf32, #tpu.memory_space<vmem>>, vector<16xf32>,
      %mul3A_1609 = arith.mulf %get3A_1605, %get3A_1608 : vector<16xf32>
      %add3A_1610 = arith.addf %mul3A_1602, %mul3A_1609 : vector<16xf32>
      %get3A_1611 = arith.index_cast %add3A_1595 : i32 to index
      %get3A_1612 = arith.constant 32 : index
      %get3A_1613 = tpu.vector_load %arg8[%get3A_1611, %get3A_1612] {strides = array<i32>} : memref<256x128xf32, #tpu.memory_space<vmem>>, vector<16xf32>,
      %get3A_1614 = arith.index_cast %add3A_1595 : i32 to index
      %get3A_1615 = arith.constant 96 : index
      %get3A_1616 = tpu.vector_load %arg9[%get3A_1614, %get3A_1615] {strides = array<i32>} : memref<256x128xf32, #tpu.memory_space<vmem>>, vector<16xf32>,
      %mul3A_1617 = arith.mulf %get3A_1613, %get3A_1616 : vector<16xf32>
      %add3A_1618 = arith.addf %add3A_1610, %mul3A_1617 : vector<16xf32>
      %get3A_1619 = arith.index_cast %add3A_1595 : i32 to index
      %get3A_1620 = arith.constant 48 : index
      %get3A_1621 = tpu.vector_load %arg8[%get3A_1619, %get3A_1620] {strides = array<i32>} : memref<256x128xf32, #tpu.memory_space<vmem>>, vector<16xf32>,
      %get3A_1622 = arith.index_cast %add3A_1595 : i32 to index
      %get3A_1623 = arith.constant 112 : index
      %get3A_1624 = tpu.vector_load %arg9[%get3A_1622, %get3A_1623] {strides = array<i32>} : memref<256x128xf32, #tpu.memory_space<vmem>>, vector<16xf32>,
      %mul3A_1625 = arith.mulf %get3A_1621, %get3A_1624 : vector<16xf32>
      %add3A_1626 = arith.addf %add3A_1618, %mul3A_1625 : vector<16xf32>
      %swap3A_1627 = arith.constant 144 : index
      %swap3A_1628 = tpu.vector_load %arg10[%swap3A_1627] {strides = array<i32>} : memref<256xf32, #tpu.memory_space<vmem>>, vector<16xf32>,
      tpu.vector_store %arg10[%swap3A_1627], %add3A_1626 {strides = array<i32>} : memref<256xf32, #tpu.memory_space<vmem>>, vector<16xf32>,
      %mul3A_1629 = arith.constant 16 : i32
      %mul3A_1630 = arith.muli %scan3A_1258, %mul3A_1629 : i32
      %add3A_1631 = arith.constant 10 : i32
      %add3A_1632 = arith.addi %mul3A_1630, %add3A_1631 : i32
      %get3A_1633 = arith.index_cast %add3A_1632 : i32 to index
      %get3A_1634 = arith.constant 0 : index
      %get3A_1635 = tpu.vector_load %arg8[%get3A_1633, %get3A_1634] {strides = array<i32>} : memref<256x128xf32, #tpu.memory_space<vmem>>, vector<16xf32>,
      %get3A_1636 = arith.index_cast %add3A_1632 : i32 to index
      %get3A_1637 = arith.constant 64 : index
      %get3A_1638 = tpu.vector_load %arg9[%get3A_1636, %get3A_1637] {strides = array<i32>} : memref<256x128xf32, #tpu.memory_space<vmem>>, vector<16xf32>,
      %mul3A_1639 = arith.mulf %get3A_1635, %get3A_1638 : vector<16xf32>
      %get3A_1640 = arith.index_cast %add3A_1632 : i32 to index
      %get3A_1641 = arith.constant 16 : index
      %get3A_1642 = tpu.vector_load %arg8[%get3A_1640, %get3A_1641] {strides = array<i32>} : memref<256x128xf32, #tpu.memory_space<vmem>>, vector<16xf32>,
      %get3A_1643 = arith.index_cast %add3A_1632 : i32 to index
      %get3A_1644 = arith.constant 80 : index
      %get3A_1645 = tpu.vector_load %arg9[%get3A_1643, %get3A_1644] {strides = array<i32>} : memref<256x128xf32, #tpu.memory_space<vmem>>, vector<16xf32>,
      %mul3A_1646 = arith.mulf %get3A_1642, %get3A_1645 : vector<16xf32>
      %add3A_1647 = arith.addf %mul3A_1639, %mul3A_1646 : vector<16xf32>
      %get3A_1648 = arith.index_cast %add3A_1632 : i32 to index
      %get3A_1649 = arith.constant 32 : index
      %get3A_1650 = tpu.vector_load %arg8[%get3A_1648, %get3A_1649] {strides = array<i32>} : memref<256x128xf32, #tpu.memory_space<vmem>>, vector<16xf32>,
      %get3A_1651 = arith.index_cast %add3A_1632 : i32 to index
      %get3A_1652 = arith.constant 96 : index
      %get3A_1653 = tpu.vector_load %arg9[%get3A_1651, %get3A_1652] {strides = array<i32>} : memref<256x128xf32, #tpu.memory_space<vmem>>, vector<16xf32>,
      %mul3A_1654 = arith.mulf %get3A_1650, %get3A_1653 : vector<16xf32>
      %add3A_1655 = arith.addf %add3A_1647, %mul3A_1654 : vector<16xf32>
      %get3A_1656 = arith.index_cast %add3A_1632 : i32 to index
      %get3A_1657 = arith.constant 48 : index
      %get3A_1658 = tpu.vector_load %arg8[%get3A_1656, %get3A_1657] {strides = array<i32>} : memref<256x128xf32, #tpu.memory_space<vmem>>, vector<16xf32>,
      %get3A_1659 = arith.index_cast %add3A_1632 : i32 to index
      %get3A_1660 = arith.constant 112 : index
      %get3A_1661 = tpu.vector_load %arg9[%get3A_1659, %get3A_1660] {strides = array<i32>} : memref<256x128xf32, #tpu.memory_space<vmem>>, vector<16xf32>,
      %mul3A_1662 = arith.mulf %get3A_1658, %get3A_1661 : vector<16xf32>
      %add3A_1663 = arith.addf %add3A_1655, %mul3A_1662 : vector<16xf32>
      %swap3A_1664 = arith.constant 160 : index
      %swap3A_1665 = tpu.vector_load %arg10[%swap3A_1664] {strides = array<i32>} : memref<256xf32, #tpu.memory_space<vmem>>, vector<16xf32>,
      tpu.vector_store %arg10[%swap3A_1664], %add3A_1663 {strides = array<i32>} : memref<256xf32, #tpu.memory_space<vmem>>, vector<16xf32>,
      %mul3A_1666 = arith.constant 16 : i32
      %mul3A_1667 = arith.muli %scan3A_1258, %mul3A_1666 : i32
      %add3A_1668 = arith.constant 11 : i32
      %add3A_1669 = arith.addi %mul3A_1667, %add3A_1668 : i32
      %get3A_1670 = arith.index_cast %add3A_1669 : i32 to index
      %get3A_1671 = arith.constant 0 : index
      %get3A_1672 = tpu.vector_load %arg8[%get3A_1670, %get3A_1671] {strides = array<i32>} : memref<256x128xf32, #tpu.memory_space<vmem>>, vector<16xf32>,
      %get3A_1673 = arith.index_cast %add3A_1669 : i32 to index
      %get3A_1674 = arith.constant 64 : index
      %get3A_1675 = tpu.vector_load %arg9[%get3A_1673, %get3A_1674] {strides = array<i32>} : memref<256x128xf32, #tpu.memory_space<vmem>>, vector<16xf32>,
      %mul3A_1676 = arith.mulf %get3A_1672, %get3A_1675 : vector<16xf32>
      %get3A_1677 = arith.index_cast %add3A_1669 : i32 to index
      %get3A_1678 = arith.constant 16 : index
      %get3A_1679 = tpu.vector_load %arg8[%get3A_1677, %get3A_1678] {strides = array<i32>} : memref<256x128xf32, #tpu.memory_space<vmem>>, vector<16xf32>,
      %get3A_1680 = arith.index_cast %add3A_1669 : i32 to index
      %get3A_1681 = arith.constant 80 : index
      %get3A_1682 = tpu.vector_load %arg9[%get3A_1680, %get3A_1681] {strides = array<i32>} : memref<256x128xf32, #tpu.memory_space<vmem>>, vector<16xf32>,
      %mul3A_1683 = arith.mulf %get3A_1679, %get3A_1682 : vector<16xf32>
      %add3A_1684 = arith.addf %mul3A_1676, %mul3A_1683 : vector<16xf32>
      %get3A_1685 = arith.index_cast %add3A_1669 : i32 to index
      %get3A_1686 = arith.constant 32 : index
      %get3A_1687 = tpu.vector_load %arg8[%get3A_1685, %get3A_1686] {strides = array<i32>} : memref<256x128xf32, #tpu.memory_space<vmem>>, vector<16xf32>,
      %get3A_1688 = arith.index_cast %add3A_1669 : i32 to index
      %get3A_1689 = arith.constant 96 : index
      %get3A_1690 = tpu.vector_load %arg9[%get3A_1688, %get3A_1689] {strides = array<i32>} : memref<256x128xf32, #tpu.memory_space<vmem>>, vector<16xf32>,
      %mul3A_1691 = arith.mulf %get3A_1687, %get3A_1690 : vector<16xf32>
      %add3A_1692 = arith.addf %add3A_1684, %mul3A_1691 : vector<16xf32>
      %get3A_1693 = arith.index_cast %add3A_1669 : i32 to index
      %get3A_1694 = arith.constant 48 : index
      %get3A_1695 = tpu.vector_load %arg8[%get3A_1693, %get3A_1694] {strides = array<i32>} : memref<256x128xf32, #tpu.memory_space<vmem>>, vector<16xf32>,
      %get3A_1696 = arith.index_cast %add3A_1669 : i32 to index
      %get3A_1697 = arith.constant 112 : index
      %get3A_1698 = tpu.vector_load %arg9[%get3A_1696, %get3A_1697] {strides = array<i32>} : memref<256x128xf32, #tpu.memory_space<vmem>>, vector<16xf32>,
      %mul3A_1699 = arith.mulf %get3A_1695, %get3A_1698 : vector<16xf32>
      %add3A_1700 = arith.addf %add3A_1692, %mul3A_1699 : vector<16xf32>
      %swap3A_1701 = arith.constant 176 : index
      %swap3A_1702 = tpu.vector_load %arg10[%swap3A_1701] {strides = array<i32>} : memref<256xf32, #tpu.memory_space<vmem>>, vector<16xf32>,
      tpu.vector_store %arg10[%swap3A_1701], %add3A_1700 {strides = array<i32>} : memref<256xf32, #tpu.memory_space<vmem>>, vector<16xf32>,
      %mul3A_1703 = arith.constant 16 : i32
      %mul3A_1704 = arith.muli %scan3A_1258, %mul3A_1703 : i32
      %add3A_1705 = arith.constant 12 : i32
      %add3A_1706 = arith.addi %mul3A_1704, %add3A_1705 : i32
      %get3A_1707 = arith.index_cast %add3A_1706 : i32 to index
      %get3A_1708 = arith.constant 0 : index
      %get3A_1709 = tpu.vector_load %arg8[%get3A_1707, %get3A_1708] {strides = array<i32>} : memref<256x128xf32, #tpu.memory_space<vmem>>, vector<16xf32>,
      %get3A_1710 = arith.index_cast %add3A_1706 : i32 to index
      %get3A_1711 = arith.constant 64 : index
      %get3A_1712 = tpu.vector_load %arg9[%get3A_1710, %get3A_1711] {strides = array<i32>} : memref<256x128xf32, #tpu.memory_space<vmem>>, vector<16xf32>,
      %mul3A_1713 = arith.mulf %get3A_1709, %get3A_1712 : vector<16xf32>
      %get3A_1714 = arith.index_cast %add3A_1706 : i32 to index
      %get3A_1715 = arith.constant 16 : index
      %get3A_1716 = tpu.vector_load %arg8[%get3A_1714, %get3A_1715] {strides = array<i32>} : memref<256x128xf32, #tpu.memory_space<vmem>>, vector<16xf32>,
      %get3A_1717 = arith.index_cast %add3A_1706 : i32 to index
      %get3A_1718 = arith.constant 80 : index
      %get3A_1719 = tpu.vector_load %arg9[%get3A_1717, %get3A_1718] {strides = array<i32>} : memref<256x128xf32, #tpu.memory_space<vmem>>, vector<16xf32>,
      %mul3A_1720 = arith.mulf %get3A_1716, %get3A_1719 : vector<16xf32>
      %add3A_1721 = arith.addf %mul3A_1713, %mul3A_1720 : vector<16xf32>
      %get3A_1722 = arith.index_cast %add3A_1706 : i32 to index
      %get3A_1723 = arith.constant 32 : index
      %get3A_1724 = tpu.vector_load %arg8[%get3A_1722, %get3A_1723] {strides = array<i32>} : memref<256x128xf32, #tpu.memory_space<vmem>>, vector<16xf32>,
      %get3A_1725 = arith.index_cast %add3A_1706 : i32 to index
      %get3A_1726 = arith.constant 96 : index
      %get3A_1727 = tpu.vector_load %arg9[%get3A_1725, %get3A_1726] {strides = array<i32>} : memref<256x128xf32, #tpu.memory_space<vmem>>, vector<16xf32>,
      %mul3A_1728 = arith.mulf %get3A_1724, %get3A_1727 : vector<16xf32>
      %add3A_1729 = arith.addf %add3A_1721, %mul3A_1728 : vector<16xf32>
      %get3A_1730 = arith.index_cast %add3A_1706 : i32 to index
      %get3A_1731 = arith.constant 48 : index
      %get3A_1732 = tpu.vector_load %arg8[%get3A_1730, %get3A_1731] {strides = array<i32>} : memref<256x128xf32, #tpu.memory_space<vmem>>, vector<16xf32>,
      %get3A_1733 = arith.index_cast %add3A_1706 : i32 to index
      %get3A_1734 = arith.constant 112 : index
      %get3A_1735 = tpu.vector_load %arg9[%get3A_1733, %get3A_1734] {strides = array<i32>} : memref<256x128xf32, #tpu.memory_space<vmem>>, vector<16xf32>,
      %mul3A_1736 = arith.mulf %get3A_1732, %get3A_1735 : vector<16xf32>
      %add3A_1737 = arith.addf %add3A_1729, %mul3A_1736 : vector<16xf32>
      %swap3A_1738 = arith.constant 192 : index
      %swap3A_1739 = tpu.vector_load %arg10[%swap3A_1738] {strides = array<i32>} : memref<256xf32, #tpu.memory_space<vmem>>, vector<16xf32>,
      tpu.vector_store %arg10[%swap3A_1738], %add3A_1737 {strides = array<i32>} : memref<256xf32, #tpu.memory_space<vmem>>, vector<16xf32>,
      %mul3A_1740 = arith.constant 16 : i32
      %mul3A_1741 = arith.muli %scan3A_1258, %mul3A_1740 : i32
      %add3A_1742 = arith.constant 13 : i32
      %add3A_1743 = arith.addi %mul3A_1741, %add3A_1742 : i32
      %get3A_1744 = arith.index_cast %add3A_1743 : i32 to index
      %get3A_1745 = arith.constant 0 : index
      %get3A_1746 = tpu.vector_load %arg8[%get3A_1744, %get3A_1745] {strides = array<i32>} : memref<256x128xf32, #tpu.memory_space<vmem>>, vector<16xf32>,
      %get3A_1747 = arith.index_cast %add3A_1743 : i32 to index
      %get3A_1748 = arith.constant 64 : index
      %get3A_1749 = tpu.vector_load %arg9[%get3A_1747, %get3A_1748] {strides = array<i32>} : memref<256x128xf32, #tpu.memory_space<vmem>>, vector<16xf32>,
      %mul3A_1750 = arith.mulf %get3A_1746, %get3A_1749 : vector<16xf32>
      %get3A_1751 = arith.index_cast %add3A_1743 : i32 to index
      %get3A_1752 = arith.constant 16 : index
      %get3A_1753 = tpu.vector_load %arg8[%get3A_1751, %get3A_1752] {strides = array<i32>} : memref<256x128xf32, #tpu.memory_space<vmem>>, vector<16xf32>,
      %get3A_1754 = arith.index_cast %add3A_1743 : i32 to index
      %get3A_1755 = arith.constant 80 : index
      %get3A_1756 = tpu.vector_load %arg9[%get3A_1754, %get3A_1755] {strides = array<i32>} : memref<256x128xf32, #tpu.memory_space<vmem>>, vector<16xf32>,
      %mul3A_1757 = arith.mulf %get3A_1753, %get3A_1756 : vector<16xf32>
      %add3A_1758 = arith.addf %mul3A_1750, %mul3A_1757 : vector<16xf32>
      %get3A_1759 = arith.index_cast %add3A_1743 : i32 to index
      %get3A_1760 = arith.constant 32 : index
      %get3A_1761 = tpu.vector_load %arg8[%get3A_1759, %get3A_1760] {strides = array<i32>} : memref<256x128xf32, #tpu.memory_space<vmem>>, vector<16xf32>,
      %get3A_1762 = arith.index_cast %add3A_1743 : i32 to index
      %get3A_1763 = arith.constant 96 : index
      %get3A_1764 = tpu.vector_load %arg9[%get3A_1762, %get3A_1763] {strides = array<i32>} : memref<256x128xf32, #tpu.memory_space<vmem>>, vector<16xf32>,
      %mul3A_1765 = arith.mulf %get3A_1761, %get3A_1764 : vector<16xf32>
      %add3A_1766 = arith.addf %add3A_1758, %mul3A_1765 : vector<16xf32>
      %get3A_1767 = arith.index_cast %add3A_1743 : i32 to index
      %get3A_1768 = arith.constant 48 : index
      %get3A_1769 = tpu.vector_load %arg8[%get3A_1767, %get3A_1768] {strides = array<i32>} : memref<256x128xf32, #tpu.memory_space<vmem>>, vector<16xf32>,
      %get3A_1770 = arith.index_cast %add3A_1743 : i32 to index
      %get3A_1771 = arith.constant 112 : index
      %get3A_1772 = tpu.vector_load %arg9[%get3A_1770, %get3A_1771] {strides = array<i32>} : memref<256x128xf32, #tpu.memory_space<vmem>>, vector<16xf32>,
      %mul3A_1773 = arith.mulf %get3A_1769, %get3A_1772 : vector<16xf32>
      %add3A_1774 = arith.addf %add3A_1766, %mul3A_1773 : vector<16xf32>
      %swap3A_1775 = arith.constant 208 : index
      %swap3A_1776 = tpu.vector_load %arg10[%swap3A_1775] {strides = array<i32>} : memref<256xf32, #tpu.memory_space<vmem>>, vector<16xf32>,
      tpu.vector_store %arg10[%swap3A_1775], %add3A_1774 {strides = array<i32>} : memref<256xf32, #tpu.memory_space<vmem>>, vector<16xf32>,
      %mul3A_1777 = arith.constant 16 : i32
      %mul3A_1778 = arith.muli %scan3A_1258, %mul3A_1777 : i32
      %add3A_1779 = arith.constant 14 : i32
      %add3A_1780 = arith.addi %mul3A_1778, %add3A_1779 : i32
      %get3A_1781 = arith.index_cast %add3A_1780 : i32 to index
      %get3A_1782 = arith.constant 0 : index
      %get3A_1783 = tpu.vector_load %arg8[%get3A_1781, %get3A_1782] {strides = array<i32>} : memref<256x128xf32, #tpu.memory_space<vmem>>, vector<16xf32>,
      %get3A_1784 = arith.index_cast %add3A_1780 : i32 to index
      %get3A_1785 = arith.constant 64 : index
      %get3A_1786 = tpu.vector_load %arg9[%get3A_1784, %get3A_1785] {strides = array<i32>} : memref<256x128xf32, #tpu.memory_space<vmem>>, vector<16xf32>,
      %mul3A_1787 = arith.mulf %get3A_1783, %get3A_1786 : vector<16xf32>
      %get3A_1788 = arith.index_cast %add3A_1780 : i32 to index
      %get3A_1789 = arith.constant 16 : index
      %get3A_1790 = tpu.vector_load %arg8[%get3A_1788, %get3A_1789] {strides = array<i32>} : memref<256x128xf32, #tpu.memory_space<vmem>>, vector<16xf32>,
      %get3A_1791 = arith.index_cast %add3A_1780 : i32 to index
      %get3A_1792 = arith.constant 80 : index
      %get3A_1793 = tpu.vector_load %arg9[%get3A_1791, %get3A_1792] {strides = array<i32>} : memref<256x128xf32, #tpu.memory_space<vmem>>, vector<16xf32>,
      %mul3A_1794 = arith.mulf %get3A_1790, %get3A_1793 : vector<16xf32>
      %add3A_1795 = arith.addf %mul3A_1787, %mul3A_1794 : vector<16xf32>
      %get3A_1796 = arith.index_cast %add3A_1780 : i32 to index
      %get3A_1797 = arith.constant 32 : index
      %get3A_1798 = tpu.vector_load %arg8[%get3A_1796, %get3A_1797] {strides = array<i32>} : memref<256x128xf32, #tpu.memory_space<vmem>>, vector<16xf32>,
      %get3A_1799 = arith.index_cast %add3A_1780 : i32 to index
      %get3A_1800 = arith.constant 96 : index
      %get3A_1801 = tpu.vector_load %arg9[%get3A_1799, %get3A_1800] {strides = array<i32>} : memref<256x128xf32, #tpu.memory_space<vmem>>, vector<16xf32>,
      %mul3A_1802 = arith.mulf %get3A_1798, %get3A_1801 : vector<16xf32>
      %add3A_1803 = arith.addf %add3A_1795, %mul3A_1802 : vector<16xf32>
      %get3A_1804 = arith.index_cast %add3A_1780 : i32 to index
      %get3A_1805 = arith.constant 48 : index
      %get3A_1806 = tpu.vector_load %arg8[%get3A_1804, %get3A_1805] {strides = array<i32>} : memref<256x128xf32, #tpu.memory_space<vmem>>, vector<16xf32>,
      %get3A_1807 = arith.index_cast %add3A_1780 : i32 to index
      %get3A_1808 = arith.constant 112 : index
      %get3A_1809 = tpu.vector_load %arg9[%get3A_1807, %get3A_1808] {strides = array<i32>} : memref<256x128xf32, #tpu.memory_space<vmem>>, vector<16xf32>,
      %mul3A_1810 = arith.mulf %get3A_1806, %get3A_1809 : vector<16xf32>
      %add3A_1811 = arith.addf %add3A_1803, %mul3A_1810 : vector<16xf32>
      %swap3A_1812 = arith.constant 224 : index
      %swap3A_1813 = tpu.vector_load %arg10[%swap3A_1812] {strides = array<i32>} : memref<256xf32, #tpu.memory_space<vmem>>, vector<16xf32>,
      tpu.vector_store %arg10[%swap3A_1812], %add3A_1811 {strides = array<i32>} : memref<256xf32, #tpu.memory_space<vmem>>, vector<16xf32>,
      %mul3A_1814 = arith.constant 16 : i32
      %mul3A_1815 = arith.muli %scan3A_1258, %mul3A_1814 : i32
      %add3A_1816 = arith.constant 15 : i32
      %add3A_1817 = arith.addi %mul3A_1815, %add3A_1816 : i32
      %get3A_1818 = arith.index_cast %add3A_1817 : i32 to index
      %get3A_1819 = arith.constant 0 : index
      %get3A_1820 = tpu.vector_load %arg8[%get3A_1818, %get3A_1819] {strides = array<i32>} : memref<256x128xf32, #tpu.memory_space<vmem>>, vector<16xf32>,
      %get3A_1821 = arith.index_cast %add3A_1817 : i32 to index
      %get3A_1822 = arith.constant 64 : index
      %get3A_1823 = tpu.vector_load %arg9[%get3A_1821, %get3A_1822] {strides = array<i32>} : memref<256x128xf32, #tpu.memory_space<vmem>>, vector<16xf32>,
      %mul3A_1824 = arith.mulf %get3A_1820, %get3A_1823 : vector<16xf32>
      %get3A_1825 = arith.index_cast %add3A_1817 : i32 to index
      %get3A_1826 = arith.constant 16 : index
      %get3A_1827 = tpu.vector_load %arg8[%get3A_1825, %get3A_1826] {strides = array<i32>} : memref<256x128xf32, #tpu.memory_space<vmem>>, vector<16xf32>,
      %get3A_1828 = arith.index_cast %add3A_1817 : i32 to index
      %get3A_1829 = arith.constant 80 : index
      %get3A_1830 = tpu.vector_load %arg9[%get3A_1828, %get3A_1829] {strides = array<i32>} : memref<256x128xf32, #tpu.memory_space<vmem>>, vector<16xf32>,
      %mul3A_1831 = arith.mulf %get3A_1827, %get3A_1830 : vector<16xf32>
      %add3A_1832 = arith.addf %mul3A_1824, %mul3A_1831 : vector<16xf32>
      %get3A_1833 = arith.index_cast %add3A_1817 : i32 to index
      %get3A_1834 = arith.constant 32 : index
      %get3A_1835 = tpu.vector_load %arg8[%get3A_1833, %get3A_1834] {strides = array<i32>} : memref<256x128xf32, #tpu.memory_space<vmem>>, vector<16xf32>,
      %get3A_1836 = arith.index_cast %add3A_1817 : i32 to index
      %get3A_1837 = arith.constant 96 : index
      %get3A_1838 = tpu.vector_load %arg9[%get3A_1836, %get3A_1837] {strides = array<i32>} : memref<256x128xf32, #tpu.memory_space<vmem>>, vector<16xf32>,
      %mul3A_1839 = arith.mulf %get3A_1835, %get3A_1838 : vector<16xf32>
      %add3A_1840 = arith.addf %add3A_1832, %mul3A_1839 : vector<16xf32>
      %get3A_1841 = arith.index_cast %add3A_1817 : i32 to index
      %get3A_1842 = arith.constant 48 : index
      %get3A_1843 = tpu.vector_load %arg8[%get3A_1841, %get3A_1842] {strides = array<i32>} : memref<256x128xf32, #tpu.memory_space<vmem>>, vector<16xf32>,
      %get3A_1844 = arith.index_cast %add3A_1817 : i32 to index
      %get3A_1845 = arith.constant 112 : index
      %get3A_1846 = tpu.vector_load %arg9[%get3A_1844, %get3A_1845] {strides = array<i32>} : memref<256x128xf32, #tpu.memory_space<vmem>>, vector<16xf32>,
      %mul3A_1847 = arith.mulf %get3A_1843, %get3A_1846 : vector<16xf32>
      %add3A_1848 = arith.addf %add3A_1840, %mul3A_1847 : vector<16xf32>
      %swap3A_1849 = arith.constant 240 : index
      %swap3A_1850 = tpu.vector_load %arg10[%swap3A_1849] {strides = array<i32>} : memref<256xf32, #tpu.memory_space<vmem>>, vector<16xf32>,
      tpu.vector_store %arg10[%swap3A_1849], %add3A_1848 {strides = array<i32>} : memref<256xf32, #tpu.memory_space<vmem>>, vector<16xf32>,
      %gather3A = tpu.vector_load_idx %arg10[%mul3A_1086] : memref<256xf32, #tpu.memory_space<vmem>>[vector<16xi32>], vector<16xf32>,
      %add3A_1851 = arith.constant 1 : i32
      %add3A_1852 = vector.broadcast %add3A_1851 : i32 to vector<16xi32>
      %add3A_1853 = arith.addi %mul3A_1086, %add3A_1852 : vector<16xi32>
      %gather3A_1854 = tpu.vector_load_idx %arg10[%add3A_1853] : memref<256xf32, #tpu.memory_space<vmem>>[vector<16xi32>], vector<16xf32>,
      %add3A_1855 = arith.addf %gather3A, %gather3A_1854 : vector<16xf32>
      %add3A_1856 = arith.constant 2 : i32
      %add3A_1857 = vector.broadcast %add3A_1856 : i32 to vector<16xi32>
      %add3A_1858 = arith.addi %mul3A_1086, %add3A_1857 : vector<16xi32>
      %gather3A_1859 = tpu.vector_load_idx %arg10[%add3A_1858] : memref<256xf32, #tpu.memory_space<vmem>>[vector<16xi32>], vector<16xf32>,
      %add3A_1860 = arith.addf %add3A_1855, %gather3A_1859 : vector<16xf32>
      %add3A_1861 = arith.constant 3 : i32
      %add3A_1862 = vector.broadcast %add3A_1861 : i32 to vector<16xi32>
      %add3A_1863 = arith.addi %mul3A_1086, %add3A_1862 : vector<16xi32>
      %gather3A_1864 = tpu.vector_load_idx %arg10[%add3A_1863] : memref<256xf32, #tpu.memory_space<vmem>>[vector<16xi32>], vector<16xf32>,
      %add3A_1865 = arith.addf %add3A_1860, %gather3A_1864 : vector<16xf32>
      %add3A_1866 = arith.constant 4 : i32
      %add3A_1867 = vector.broadcast %add3A_1866 : i32 to vector<16xi32>
      %add3A_1868 = arith.addi %mul3A_1086, %add3A_1867 : vector<16xi32>
      %gather3A_1869 = tpu.vector_load_idx %arg10[%add3A_1868] : memref<256xf32, #tpu.memory_space<vmem>>[vector<16xi32>], vector<16xf32>,
      %add3A_1870 = arith.addf %add3A_1865, %gather3A_1869 : vector<16xf32>
      %add3A_1871 = arith.constant 5 : i32
      %add3A_1872 = vector.broadcast %add3A_1871 : i32 to vector<16xi32>
      %add3A_1873 = arith.addi %mul3A_1086, %add3A_1872 : vector<16xi32>
      %gather3A_1874 = tpu.vector_load_idx %arg10[%add3A_1873] : memref<256xf32, #tpu.memory_space<vmem>>[vector<16xi32>], vector<16xf32>,
      %add3A_1875 = arith.addf %add3A_1870, %gather3A_1874 : vector<16xf32>
      %add3A_1876 = arith.constant 6 : i32
      %add3A_1877 = vector.broadcast %add3A_1876 : i32 to vector<16xi32>
      %add3A_1878 = arith.addi %mul3A_1086, %add3A_1877 : vector<16xi32>
      %gather3A_1879 = tpu.vector_load_idx %arg10[%add3A_1878] : memref<256xf32, #tpu.memory_space<vmem>>[vector<16xi32>], vector<16xf32>,
      %add3A_1880 = arith.addf %add3A_1875, %gather3A_1879 : vector<16xf32>
      %add3A_1881 = arith.constant 7 : i32
      %add3A_1882 = vector.broadcast %add3A_1881 : i32 to vector<16xi32>
      %add3A_1883 = arith.addi %mul3A_1086, %add3A_1882 : vector<16xi32>
      %gather3A_1884 = tpu.vector_load_idx %arg10[%add3A_1883] : memref<256xf32, #tpu.memory_space<vmem>>[vector<16xi32>], vector<16xf32>,
      %add3A_1885 = arith.addf %add3A_1880, %gather3A_1884 : vector<16xf32>
      %add3A_1886 = arith.constant 8 : i32
      %add3A_1887 = vector.broadcast %add3A_1886 : i32 to vector<16xi32>
      %add3A_1888 = arith.addi %mul3A_1086, %add3A_1887 : vector<16xi32>
      %gather3A_1889 = tpu.vector_load_idx %arg10[%add3A_1888] : memref<256xf32, #tpu.memory_space<vmem>>[vector<16xi32>], vector<16xf32>,
      %add3A_1890 = arith.addf %add3A_1885, %gather3A_1889 : vector<16xf32>
      %add3A_1891 = arith.constant 9 : i32
      %add3A_1892 = vector.broadcast %add3A_1891 : i32 to vector<16xi32>
      %add3A_1893 = arith.addi %mul3A_1086, %add3A_1892 : vector<16xi32>
      %gather3A_1894 = tpu.vector_load_idx %arg10[%add3A_1893] : memref<256xf32, #tpu.memory_space<vmem>>[vector<16xi32>], vector<16xf32>,
      %add3A_1895 = arith.addf %add3A_1890, %gather3A_1894 : vector<16xf32>
      %add3A_1896 = arith.constant 10 : i32
      %add3A_1897 = vector.broadcast %add3A_1896 : i32 to vector<16xi32>
      %add3A_1898 = arith.addi %mul3A_1086, %add3A_1897 : vector<16xi32>
      %gather3A_1899 = tpu.vector_load_idx %arg10[%add3A_1898] : memref<256xf32, #tpu.memory_space<vmem>>[vector<16xi32>], vector<16xf32>,
      %add3A_1900 = arith.addf %add3A_1895, %gather3A_1899 : vector<16xf32>
      %add3A_1901 = arith.constant 11 : i32
      %add3A_1902 = vector.broadcast %add3A_1901 : i32 to vector<16xi32>
      %add3A_1903 = arith.addi %mul3A_1086, %add3A_1902 : vector<16xi32>
      %gather3A_1904 = tpu.vector_load_idx %arg10[%add3A_1903] : memref<256xf32, #tpu.memory_space<vmem>>[vector<16xi32>], vector<16xf32>,
      %add3A_1905 = arith.addf %add3A_1900, %gather3A_1904 : vector<16xf32>
      %add3A_1906 = arith.constant 12 : i32
      %add3A_1907 = vector.broadcast %add3A_1906 : i32 to vector<16xi32>
      %add3A_1908 = arith.addi %mul3A_1086, %add3A_1907 : vector<16xi32>
      %gather3A_1909 = tpu.vector_load_idx %arg10[%add3A_1908] : memref<256xf32, #tpu.memory_space<vmem>>[vector<16xi32>], vector<16xf32>,
      %add3A_1910 = arith.addf %add3A_1905, %gather3A_1909 : vector<16xf32>
      %add3A_1911 = arith.constant 13 : i32
      %add3A_1912 = vector.broadcast %add3A_1911 : i32 to vector<16xi32>
      %add3A_1913 = arith.addi %mul3A_1086, %add3A_1912 : vector<16xi32>
      %gather3A_1914 = tpu.vector_load_idx %arg10[%add3A_1913] : memref<256xf32, #tpu.memory_space<vmem>>[vector<16xi32>], vector<16xf32>,
      %add3A_1915 = arith.addf %add3A_1910, %gather3A_1914 : vector<16xf32>
      %add3A_1916 = arith.constant 14 : i32
      %add3A_1917 = vector.broadcast %add3A_1916 : i32 to vector<16xi32>
      %add3A_1918 = arith.addi %mul3A_1086, %add3A_1917 : vector<16xi32>
      %gather3A_1919 = tpu.vector_load_idx %arg10[%add3A_1918] : memref<256xf32, #tpu.memory_space<vmem>>[vector<16xi32>], vector<16xf32>,
      %add3A_1920 = arith.addf %add3A_1915, %gather3A_1919 : vector<16xf32>
      %add3A_1921 = arith.constant 15 : i32
      %add3A_1922 = vector.broadcast %add3A_1921 : i32 to vector<16xi32>
      %add3A_1923 = arith.addi %mul3A_1086, %add3A_1922 : vector<16xi32>
      %gather3A_1924 = tpu.vector_load_idx %arg10[%add3A_1923] : memref<256xf32, #tpu.memory_space<vmem>>[vector<16xi32>], vector<16xf32>,
      %add3A_1925 = arith.addf %add3A_1920, %gather3A_1924 : vector<16xf32>
      %mul3A_1926 = arith.constant 16 : i32
      %mul3A_1927 = arith.muli %scan3A_1258, %mul3A_1926 : i32
      %add3A_1928 = arith.constant 256 : i32
      %add3A_1929 = arith.addi %add3A_1928, %mul3A_1927 : i32
      %swap3A_1930 = arith.index_cast %add3A_1929 : i32 to index
      %swap3A_1931 = tpu.vector_load %arg11[%swap3A_1930] {strides = array<i32>} : memref<512xf32, #tpu.memory_space<vmem>>, vector<16xf32>,
      tpu.vector_store %arg11[%swap3A_1930], %add3A_1925 {strides = array<i32>} : memref<512xf32, #tpu.memory_space<vmem>>, vector<16xf32>,
    }
    %scan3A_1255 = arith.constant 16 : i32
    %mul3A_1256 = arith.constant 512 : i32
    %mul3A_1257 = arith.muli %add3A, %mul3A_1256 : i32
    "tpu.region"() ({
      %run_scoped3A = tpu.sem_alloc : memref<!tpu.dma_semaphore, #tpu.memory_space<semaphore_mem>>
      %dma_start3A_1258 = tpu.memref_slice %arg5[%mul3A_1257] : memref<16384xf32, #tpu.memory_space<hbm>> -> memref<512xf32, #tpu.memory_space<hbm>>
      %dma_start3A_1259 = tpu.memref_slice %arg5[%mul3A_1257] : memref<16384xf32, #tpu.memory_space<hbm>> -> memref<512xf32, #tpu.memory_space<hbm>>
      tpu.enqueue_dma source(%arg11 : memref<512xf32, #tpu.memory_space<vmem>>) target(%dma_start3A_1259 : memref<512xf32, #tpu.memory_space<hbm>>) target_semaphore(%run_scoped3A : memref<!tpu.dma_semaphore, #tpu.memory_space<semaphore_mem>>)
      %dma_wait3A_1260 = tpu.memref_slice %arg5[%mul3A_1257] : memref<16384xf32, #tpu.memory_space<hbm>> -> memref<512xf32, #tpu.memory_space<hbm>>
      %dma_wait3A_1261 = tpu.memref_slice %arg5[%mul3A_1257] : memref<16384xf32, #tpu.memory_space<hbm>> -> memref<512xf32, #tpu.memory_space<hbm>>
      tpu.wait_dma2 semaphore(%run_scoped3A : memref<!tpu.dma_semaphore, #tpu.memory_space<semaphore_mem>>) src(%arg11 : memref<512xf32, #tpu.memory_space<vmem>>) dst(%dma_wait3A_1261 : memref<512xf32, #tpu.memory_space<hbm>>)
      tpu.yield
    }) : () -> ()
    return
  }
}

</mosaic_0001>

<sc_bundles>
// kernel: kernel.3.cloned.1.call-start
scs
__scs_entry_jumppad:
0x0: {  	(pc) =	sbr.rel $0x88, $3  }
0x1: {  	(tag) =	ssettag $0x0;
	lr =	simm.s32 $0x1  }
0x2: {  	[smem:$0x3F9D] =	sst lr;
	_ =	strace $0xD0000000  }
0x3: {  	_ = 	snop  }
0x4: {  	_ = 	snop  }
0x5: {  	_ = 	snop  }
0x6: {  	_ = 	snop  }
0x7: {  	_ = 	snop  }
__scs_overlays_trampoline_lowered:
0x8: {  	[smem:$0x3FAC] =	sst s0  }
0x9: {  	[smem:$0x3FAD] =	sst s1  }
0xa: {  	[smem:$0x3FAE] =	sst s2  }
0xb: {  	[smem:$0x3FAF] =	sst s3  }
0xc: {  	[smem:$0x3FB0] =	sst s4  }
0xd: {  	[smem:$0x3FB1] =	sst s5  }
0xe: {  	[smem:$0x3FB2] =	sst s6  }
0xf: {  	[smem:$0x3FB3] =	sst s7  }
0x10: {  	[smem:$0x3FB4] =	sst s8  }
0x11: {  	[smem:$0x3FB5] =	sst s9;
	s0 =	simm.s32 @!p0 $0x0  }
0x12: {  	s1 =	sld [smem:$0x3F9B];
	s0 =	simm.s32 @p0 $0x1  }
0x13: {  	[smem:$0x3FB6] =	sst s0;
	s0 =	simm.s32 @!p1 $0x0  }
0x14: {  	s2 =	sld [smem:$0x3F9A];
	s0 =	simm.s32 @p1 $0x1  }
0x15: {  	[smem:$0x3FB7] =	sst s0;
	s0 =	simm.s32 @!p2 $0x0  }
0x16: {  	s3 =	sld [smem:$0x3FDB];
	s0 =	simm.s32 @p2 $0x1  }
0x17: {  	s4 =	simm.s32 $0x1BF5;
	[smem:$0x3FB9] =	sst s0  }
0x18: {  	s0 =	sld [smem:$0x3F9C];
	_ =	swait.ge [sflag:s4], $0x0  }
0x19: {  	s7 =	sld [smem:$0x3F9D]  }
0x1a: {  	s8 =	sadd.s32 $0xFFFFE003, lr  }
0x1b: {  	s9 =	sadd.s32 $0xFFFFFEF7, lr;
	s5 =	simm.s32 $0xFFFFFFFF;
	p2 =	slt.u32 s8, $0xFFFFF086  }
0x1c: {  	p1 =	slt.u32 s9, $0xF7A;
	s5 =	simm.s32 @!p2 $0x0  }
0x1d: {  	s5 =	simm.s32 @p1 $0x1;
	p0 =	seq.s32 s7, s2  }
0x1e: {  	s7 =	smul.u32 @!p0 $0xF7A, s2;
	p2 =	seq.s32 @!p0 s5, $0x0  }
0x1f: {  	s9 =	smul.u32 $0xF7A, s1;
	s8 =	simm.s32 @!p0 $0x1BF5;
	p2 =	por !p2, p0  }
0x20: {  	[sflag:s8] =	ssyncset.s32 @!p0 $0xFFFFF086;
	s6 =	sadd.s32 @!p0 s3, s7;
	s7 =	simm.s32 @!p0 $0x108  }
0x21: {  	s3 =	sadd.s32 s3, s9;
	s6 =	sadd.s32 @!p0 $0x88, s6;
	s7 =	simm.s32 @p2 $0x1082  }
0x22: {  	[simem:s7], [sflag:s8] =	dma.local @!p0 [hbm:s6], $0xF7A  }
0x23: {  	s9 =	sor.u32 $0xD0000000, s2;
	s6 =	simm.s32 $0x108;
	_ =	swait.ge @!p0 [sflag:s8], $0x0  }
0x24: {  	s3 =	sadd.s32 $0x88, s3;
	s6 =	simm.s32 @!p1 $0x1082;
	[sflag:s4] =	ssyncset.s32 $0xFFFFF086  }
0x25: {  	[simem:s6], [sflag:s4] =	dma.local [hbm:s3], $0xF7A  }
0x26: {  	[smem:$0x3F9D] =	sst s1;
	(tag) =	ssettag s2;
	_ =	strace s9  }
0x27: {  	s1 =	sld [smem:$0x3FAD]  }
0x28: {  	s2 =	sld [smem:$0x3FAE]  }
0x29: {  	s4 =	sld [smem:$0x3FB0]  }
0x2a: {  	p0 =	seq.s32 s5, $0x0;
	s5 =	sld [smem:$0x3FB1]  }
0x2b: {  	s6 =	sld [smem:$0x3FB2]  }
0x2c: {  	s7 =	sld [smem:$0x3FB3]  }
0x2d: {  	s3 =	simm.s32 $0x108;
	s8 =	sld [smem:$0x3FB4]  }
0x2e: {  	s3 =	simm.s32 @!p0 $0x1082;
	s9 =	sld [smem:$0x3FB5]  }
0x2f: {  	lr =	sadd.s32 s0, s3;
	s0 =	sld [smem:$0x3FAC]  }
0x30: {  	s3 =	sld [smem:$0x3FAF]  }
0x31: {  	[smem:$0x3FB8] =	sst s10  }
0x32: {  	s10 =	sld [smem:$0x3FB6];
	_ =	sdelay $0x3  }
0x33: {  	p0 =	seq.s32 s10, $0x1;
	s10 =	sld [smem:$0x3FB8];
	_ =	sdelay $0x3  }
0x34: {  	[smem:$0x3FB8] =	sst s10  }
0x35: {  	s10 =	sld [smem:$0x3FB7];
	_ =	sdelay $0x3  }
0x36: {  	p1 =	seq.s32 s10, $0x1;
	s10 =	sld [smem:$0x3FB8];
	_ =	sdelay $0x3  }
0x37: {  	[smem:$0x3FB8] =	sst s10  }
0x38: {  	s10 =	sld [smem:$0x3FB9]  }
0x39: {  	_ = 	snop;
	(pc) =	sbr.ind lr, $3  }
0x3a: {  	_ = 	snop  }
0x3b: {  	_ = 	snop  }
0x3c: {  	p2 =	seq.s32 s10, $0x1;
	s10 =	sld [smem:$0x3FB8]  }
0x3d: {  	_ =	shalt  }
0x3e: {  	_ =	shalt  }
0x3f: {  	_ =	shalt  }
0x40: {  	_ =	shalt  }
0x41: {  	_ =	shalt  }
0x42: {  	_ =	shalt  }
0x43: {  	_ =	shalt  }
0x44: {  	_ =	shalt  }
0x45: {  	_ =	shalt  }
0x46: {  	_ =	shalt  }
0x47: {  	_ =	shalt  }
0x48: {  	_ =	shalt  }
0x49: {  	_ =	shalt  }
0x4a: {  	_ =	shalt  }
0x4b: {  	_ =	shalt  }
0x4c: {  	_ =	shalt  }
0x4d: {  	_ =	shalt  }
0x4e: {  	_ =	shalt  }
0x4f: {  	_ =	shalt  }
0x50: {  	_ =	shalt  }
0x51: {  	_ =	shalt  }
0x52: {  	_ =	shalt  }
0x53: {  	_ =	shalt  }
0x54: {  	_ =	shalt  }
0x55: {  	_ =	shalt  }
0x56: {  	_ =	shalt  }
0x57: {  	_ =	shalt  }
0x58: {  	_ =	shalt  }
0x59: {  	_ =	shalt  }
0x5a: {  	_ =	shalt  }
0x5b: {  	_ =	shalt  }
0x5c: {  	_ =	shalt  }
0x5d: {  	_ =	shalt  }
0x5e: {  	_ =	shalt  }
0x5f: {  	_ =	shalt  }
0x60: {  	_ =	shalt  }
0x61: {  	_ =	shalt  }
0x62: {  	_ =	shalt  }
0x63: {  	_ =	shalt  }
0x64: {  	_ =	shalt  }
0x65: {  	_ =	shalt  }
0x66: {  	_ =	shalt  }
0x67: {  	_ =	shalt  }
0x68: {  	_ =	shalt  }
0x69: {  	_ =	shalt  }
0x6a: {  	_ =	shalt  }
0x6b: {  	_ =	shalt  }
0x6c: {  	_ =	shalt  }
0x6d: {  	_ =	shalt  }
0x6e: {  	_ =	shalt  }
0x6f: {  	_ =	shalt  }
0x70: {  	_ =	shalt  }
0x71: {  	_ =	shalt  }
0x72: {  	_ =	shalt  }
0x73: {  	_ =	shalt  }
0x74: {  	_ =	shalt  }
0x75: {  	_ =	shalt  }
0x76: {  	_ =	shalt  }
0x77: {  	_ =	shalt  }
0x78: {  	_ =	shalt  }
0x79: {  	_ =	shalt  }
0x7a: {  	_ =	shalt  }
0x7b: {  	_ =	shalt  }
0x7c: {  	_ =	shalt  }
0x7d: {  	_ =	shalt  }
0x7e: {  	_ =	shalt  }
0x7f: {  	_ =	shalt  }
0x80: {  	_ =	shalt  }
0x81: {  	_ =	shalt  }
0x82: {  	_ =	shalt  }
0x83: {  	_ =	shalt  }
0x84: {  	_ =	shalt  }
0x85: {  	_ =	shalt  }
0x86: {  	_ =	shalt  }
0x87: {  	_ =	shalt  }
.Lfunc_end0:
.L_simem_size_0:
called_computation_lowered:
.L_overlay_start_0:
0x88: {  	s2 =	sld [smem:$0x3FD9]  }
0x89: {  	s3 =	sld [smem:$0x3FFE];
	_ =	sdelay $0x1  }
0x8a: {  	s1 =	srdreg.scid  }
0x8b: {  	s0 =	sand.u32 $0x1, s1  }
0x8c: {  	s17 =	sshll.u32 s0, $0xA;
	s2 =	sadd.s32 s3, s2  }
0x8d: {  	s2 =	sadd.s32 s2, s17  }
0x8e: {  	[smem:$0x3FC4] =	sst s2  }
0x8f: {  	_ = 	snop  }
0x90: {  	s2 =	sld [smem:$0x3FC9]  }
0x91: {  	s18 =	sld [smem:$0x3FC8]  }
0x92: {  	s4 =	sld [smem:$0x3FD0];
	(tm) =	ssettm $0x1  }
0x93: {  	s5 =	sld [smem:$0x3FFB];
	_ =	sdelay $0x3  }
0x94: {  	_ =	strace s5  }
0x95: {  	s5 =	sld [smem:$0x3FFC];
	_ =	sdelay $0x3  }
0x96: {  	_ =	strace s5  }
0x97: {  	s5 =	sld [smem:$0x3FFD];
	_ =	sdelay $0x3  }
0x98: {  	_ =	strace s5  }
0x99: {  	_ =	strace $0x8FFFFFFF  }
0x9a: {  	s19 =	sld [smem:$0x3FDB];
	_ =	sdelay $0x1  }
0x9b: {  	s6 =	simm.s32 $_scs_section_size  }
0x9c: {  	s7 =	simm.s32 $_size__tile_overlayer_lowered;
	s8 =	simm.s32 $_tile_overlayer_lowered  }
0x9d: {  	s22 =	simm.s32 $0x1BFF;
	s21 =	sshll.u32 s8, $0x1;
	s5 =	sadd.s32 s6, s19  }
0x9e: {  	s9 =	simm.s32 $0x0;
	s20 =	sshll.u32 s7, $0x1;
	s7 =	sadd.s32 s21, s5  }
0x9f: {  	[timem:s9], [sflag:s22] =	dma.local [hbm:s7], s20  }
0xa0: {  	_ =	swait.ge [sflag:s22], s20  }
0xa1: {  	s6 =	ssub.s32 $0x0, s20;
	[sflag:s22] =	ssyncset.done $0x0  }
0xa2: {  	[sflag:s22] =	ssyncadd.s32 s6;
	_ =	sdelay $0x1  }
0xa3: {  	s23 =	simm.s32 $0x1B8B  }
0xa4: {  	_ =	swait.ge [sflag:s23], $0x1  }
0xa5: {  	[sflag:s23] =	ssyncset.done $0x0  }
0xa6: {  	s25 =	simm.s32 $0x1B8E;
	s24 =	sld [smem:$0x3FFE];
	[sflag:s23] =	ssyncadd.s32 $0xFFFFFFFF  }
0xa7: {  	s26 =	simm.s32 $execute0_lowered;
	[smem:$0x3FD2] =	sst s25  }
0xa8: {  	s7 =	sshll.u32 s26, $0x1;
	_ =	strace $0x80000046;
	[dreg:$0x1] =	wrdreg $0xFFFFFFFF  }
0xa9: {  	s28 =	simm.s32 $_size_execute0_lowered;
	s5 =	sadd.s32 s5, s7;
	[dreg:$0x0] =	wrdreg $0x0  }
0xaa: {  	s7 =	sshll.u32 s28, $0x1;
	[dreg:$0x2] =	wrdreg s5  }
0xab: {  	[dreg:$0x3] =	wrdreg s7  }
0xac: {  	[dreg:$0x4] =	wrdreg $0xC0  }
0xad: {  	_ =	task [dreg:s9], $0x5FFFF  }
0xae: {  	[dreg:$0x1] =	wrdreg $0xFFFFFFFF  }
0xaf: {  	[dreg:$0x0] =	wrdreg $0x60  }
0xb0: {  	[dreg:$0x2] =	wrdreg s2  }
0xb1: {  	[dreg:$0x3] =	wrdreg s18  }
0xb2: {  	[dreg:$0x4] =	wrdreg s24  }
0xb3: {  	[dreg:$0x5] =	wrdreg s4  }
0xb4: {  	[dreg:$0x6] =	wrdreg $0x9  }
0xb5: {  	_ =	task.clear_ibuf [dreg:s9], $0x7FFFF;
	_ =	strace $0x90000046  }
0xb6: {  	s29 =	simm.s32 $0x9;
	_ =	strace $0x80000048  }
0xb7: {  	_ =	swait.ge [sflag:s29], $0x1  }
0xb8: {  	[sflag:s29] =	ssyncadd.s32 $0xFFFFFFFF  }
0xb9: {  	_ =	strace $0x90000048  }
0xba: {  	_ =	sfence  }
0xbb: {  	s30 =	sld [smem:$0x0];
	_ =	sdelay $0x2  }
0xbc: {  	s31 =	sshll.u32 s1, $0xD;
	s1 =	sshrl.u32 s1, $0x2  }
0xbd: {  	s3 =	sand.u32 $0x4000, s31;
	s1 =	sadd.s32 s1, s30  }
0xbe: {  	s0 =	sor.u32 s3, s0;
	s1 =	sshll.u32 s1, $0x11  }
0xbf: {  	s0 =	sor.u32 s1, s0  }
0xc0: {  	s0 =	sadd.s32 $0x8F2B, s0  }
0xc1: {  	[sflag:s0] =	ssyncadd.remote.s32 $0x1  }
0xc2: {  	_ =	sfence.sel $0xFFFF  }
0xc3: {  	[dreg:$0x0] =	wrdreg $0xFFFFFFFF;
	(pc) =	sbr.abs _section_cstart, $3  }
0xc4: {  	[dreg:$0x1] =	wrdreg $0xFFFFFFFF  }
0xc5: {  	_ =	task.clear_ibuf [dreg:s9], $0x2FFFF;
	_ =	strace $0x9FFFFFFF  }
0xc6: {  	(tm) =	ssettm $0x7FFFFFFF  }
0xc7: {  	_ =	shalt  }
tec
execute0_lowered:
.L_overlay_start_1:
0x0: {  	(tag) =	ssettag $0x1  }
0x1: {  	s4 =	rddreg [dreg:$0x0]  }
0x2: {  	s5 =	rddreg [dreg:$0x1]  }
0x3: {  	s3 =	rddreg [dreg:$0x2]  }
0x4: {  	s6 =	rddreg [dreg:$0x3]  }
0x5: {  	s0 =	rddreg [dreg:$0x4];
	s1 =	simm.s32 $0x0  }
0x6: {  	s2 =	srdreg.scid;
	s11 =	simm.s32 $0x400;
	s12 =	simm.s32 $0x8400  }
0x7: {  	s13 =	simm.s32 $0x4400;
	s14 =	simm.s32 $0x280;
	s15 =	simm.s32 $0xC400  }
0x8: {  	s16 =	simm.s32 $0x1;
	s17 =	simm.s32 $0x10400;
	s18 =	simm.s32 $0x100  }
0x9: {  	s19 =	simm.s32 $0x300;
	s20 =	simm.s32 $0x180;
	s21 =	simm.s32 $0x380  }
0xa: {  	s22 =	simm.s32 $0x10500;
	s23 =	simm.s32 $0x0;
	[smem:$0x7FF] =	sst s1  }
0xb: {  	s7 =	sand.u32 $0x1, s2;
	s2 =	stileid.u32;
	s3 =	sadd.s32 $0x1E84C00, s3  }
0xc: {  	s8 =	ssub.s32 $0x2, s7;
	s10 =	sshll.u32 s2, $0x7;
	s7 =	sshll.u32 s7, $0x6  }
0xd: {  	_ =	strace $0x80000047;
	s9 =	sshrl.u32 s8, $0x1;
	s31 =	sor.u32 s7, s10  }
0xe: {  	s6 =	sadd.s32 s6, s7;
	s8 =	ssub.s32 s8, s9;
	s4 =	sadd.s32 s4, s31  }
0xf: {  	v0 =	vlaneseq.u32;
	s5 =	sadd.s32 s5, s31;
	s6 =	sadd.s32 s10, s6;
	s9 =	simm.s32 $0x200  }
0x10: {  	v0 =	vmul.u32 $0x10, v0;
	s10 =	simm.s32 $0x80;
	s7 =	smax.u32 s8, $0x1;
	s8 =	simm.s32 $0x2  }
.LBB2_1:
0x11: {  	[tilespmem:s1], [sflag:$0x2] =	stream.linear.gather [hbm4b:s4+s1], $0x200, $0x38;
	[tilespmem:$0x10700] =	vst v63  }
0x12: {  	_ =	swait.ge [sflag:s8], $0x200  }
0x13: {  	[sflag:s8] =	ssyncset.done $0x0  }
0x14: {  	[sflag:s8] =	ssyncadd.s32 $0xFFFFFE00  }
0x15: {  	[tilespmem:s9], [sflag:$0x2] =	stream.linear.gather [hbm4b:s5+s1], $0x200, $0x38;
	[tilespmem:$0x10700] =	vst v63  }
0x16: {  	_ =	swait.ge [sflag:s8], $0x200  }
0x17: {  	[sflag:s8] =	ssyncset.done $0x0  }
0x18: {  	[sflag:s8] =	ssyncadd.s32 $0xFFFFFE00  }
0x19: {  	v1 =	vld [tilespmem:$0x0]  }
0x1a: {  	v2 =	vld [tilespmem:$0x200]  }
0x1b: {  	v3 =	vld [tilespmem:$0x10]  }
0x1c: {  	v4 =	vld [tilespmem:$0x210]  }
0x1d: {  	v5 =	vld [tilespmem:$0x20]  }
0x1e: {  	v6 =	vld [tilespmem:$0x220];
	vm0 =	veq.s32 v1, $0x0;
	v1 =	vadd.s32 $0xFFFFFFFF, v1  }
0x1f: {  	v7 =	vld [tilespmem:$0x30];
	vm13 =	veq.s32 v2, $0x0;
	v2 =	vadd.s32 $0xFFFFFFFF, v2;
	v1 =	vsel vm0, $0xF423F, v1  }
0x20: {  	vm14 =	veq.s32 v3, $0x0;
	[tilespmem:$0x0] =	vst v1;
	v1 =	vsel vm13, $0xF423F, v2;
	v2 =	vadd.s32 $0xFFFFFFFF, v3;
	v3 =	vld [tilespmem:$0x230]  }
0x21: {  	v34 =	vld [tilespmem:$0x40];
	vm15 =	veq.s32 v4, $0x0;
	[tilespmem:$0x200] =	vst v1;
	v1 =	vsel vm14, $0xF423F, v2;
	v2 =	vadd.s32 $0xFFFFFFFF, v4  }
0x22: {  	v35 =	vld [tilespmem:$0x240];
	vm4 =	veq.s32 v5, $0x0;
	[tilespmem:$0x10] =	vst v1;
	v1 =	vsel vm15, $0xF423F, v2;
	v2 =	vadd.s32 $0xFFFFFFFF, v5  }
0x23: {  	v36 =	vld [tilespmem:$0x50];
	vm5 =	veq.s32 v6, $0x0;
	[tilespmem:$0x210] =	vst v1;
	v1 =	vsel vm4, $0xF423F, v2;
	v2 =	vadd.s32 $0xFFFFFFFF, v6  }
0x24: {  	v37 =	vld [tilespmem:$0x250];
	vm6 =	veq.s32 v7, $0x0;
	[tilespmem:$0x20] =	vst v1;
	v1 =	vsel vm5, $0xF423F, v2;
	v2 =	vadd.s32 $0xFFFFFFFF, v7  }
0x25: {  	[tilespmem:$0x220] =	vst v1;
	v1 =	vsel vm6, $0xF423F, v2;
	vm7 =	veq.s32 v3, $0x0;
	v2 =	vadd.s32 $0xFFFFFFFF, v3;
	v3 =	vld [tilespmem:$0x60]  }
0x26: {  	v38 =	vld [tilespmem:$0x260];
	vm8 =	veq.s32 v34, $0x0;
	[tilespmem:$0x30] =	vst v1;
	v1 =	vsel vm7, $0xF423F, v2;
	v2 =	vadd.s32 $0xFFFFFFFF, v34  }
0x27: {  	v39 =	vld [tilespmem:$0x70];
	vm9 =	veq.s32 v35, $0x0;
	[tilespmem:$0x230] =	vst v1;
	v1 =	vsel vm8, $0xF423F, v2;
	v2 =	vadd.s32 $0xFFFFFFFF, v35  }
0x28: {  	v40 =	vld [tilespmem:$0x270];
	vm10 =	veq.s32 v36, $0x0;
	[tilespmem:$0x40] =	vst v1;
	v1 =	vsel vm9, $0xF423F, v2;
	v2 =	vadd.s32 $0xFFFFFFFF, v36  }
0x29: {  	v41 =	vld [tilespmem:$0x80];
	vm11 =	veq.s32 v37, $0x0;
	[tilespmem:$0x240] =	vst v1;
	v1 =	vsel vm10, $0xF423F, v2;
	v2 =	vadd.s32 $0xFFFFFFFF, v37  }
0x2a: {  	[tilespmem:$0x50] =	vst v1;
	v1 =	vsel vm11, $0xF423F, v2;
	vm12 =	veq.s32 v3, $0x0;
	v2 =	vadd.s32 $0xFFFFFFFF, v3;
	v3 =	vld [tilespmem:$0x280]  }
0x2b: {  	v42 =	vld [tilespmem:$0x90];
	vm13 =	veq.s32 v38, $0x0;
	[tilespmem:$0x250] =	vst v1;
	v1 =	vsel vm12, $0xF423F, v2;
	v2 =	vadd.s32 $0xFFFFFFFF, v38  }
0x2c: {  	v43 =	vld [tilespmem:$0x290];
	vm14 =	veq.s32 v39, $0x0;
	[tilespmem:$0x60] =	vst v1;
	v1 =	vsel vm13, $0xF423F, v2;
	v2 =	vadd.s32 $0xFFFFFFFF, v39  }
0x2d: {  	v44 =	vld [tilespmem:$0xA0];
	vm15 =	veq.s32 v40, $0x0;
	[tilespmem:$0x260] =	vst v1;
	v1 =	vsel vm14, $0xF423F, v2;
	v2 =	vadd.s32 $0xFFFFFFFF, v40  }
0x2e: {  	v45 =	vld [tilespmem:$0x2A0];
	vm4 =	veq.s32 v41, $0x0;
	[tilespmem:$0x70] =	vst v1;
	v1 =	vsel vm15, $0xF423F, v2;
	v2 =	vadd.s32 $0xFFFFFFFF, v41  }
0x2f: {  	[tilespmem:$0x270] =	vst v1;
	v1 =	vsel vm4, $0xF423F, v2;
	vm5 =	veq.s32 v3, $0x0;
	v2 =	vadd.s32 $0xFFFFFFFF, v3;
	v3 =	vld [tilespmem:$0xB0]  }
0x30: {  	v46 =	vld [tilespmem:$0x2B0];
	vm6 =	veq.s32 v42, $0x0;
	[tilespmem:$0x80] =	vst v1;
	v1 =	vsel vm5, $0xF423F, v2;
	v2 =	vadd.s32 $0xFFFFFFFF, v42  }
0x31: {  	v47 =	vld [tilespmem:$0xC0];
	vm7 =	veq.s32 v43, $0x0;
	[tilespmem:$0x280] =	vst v1;
	v1 =	vsel vm6, $0xF423F, v2;
	v2 =	vadd.s32 $0xFFFFFFFF, v43  }
0x32: {  	v48 =	vld [tilespmem:$0x2C0];
	vm8 =	veq.s32 v44, $0x0;
	[tilespmem:$0x90] =	vst v1;
	v1 =	vsel vm7, $0xF423F, v2;
	v2 =	vadd.s32 $0xFFFFFFFF, v44  }
0x33: {  	v49 =	vld [tilespmem:$0xD0];
	vm9 =	veq.s32 v45, $0x0;
	[tilespmem:$0x290] =	vst v1;
	v1 =	vsel vm8, $0xF423F, v2;
	v2 =	vadd.s32 $0xFFFFFFFF, v45  }
0x34: {  	[tilespmem:$0xA0] =	vst v1;
	v1 =	vsel vm9, $0xF423F, v2;
	vm10 =	veq.s32 v3, $0x0;
	v2 =	vadd.s32 $0xFFFFFFFF, v3;
	v3 =	vld [tilespmem:$0x2D0]  }
0x35: {  	v50 =	vld [tilespmem:$0xE0];
	vm11 =	veq.s32 v46, $0x0;
	[tilespmem:$0x2A0] =	vst v1;
	v1 =	vsel vm10, $0xF423F, v2;
	v2 =	vadd.s32 $0xFFFFFFFF, v46  }
0x36: {  	v51 =	vld [tilespmem:$0x2E0];
	vm12 =	veq.s32 v47, $0x0;
	[tilespmem:$0xB0] =	vst v1;
	v1 =	vsel vm11, $0xF423F, v2;
	v2 =	vadd.s32 $0xFFFFFFFF, v47  }
0x37: {  	v52 =	vld [tilespmem:$0xF0];
	vm13 =	veq.s32 v48, $0x0;
	[tilespmem:$0x2B0] =	vst v1;
	v1 =	vsel vm12, $0xF423F, v2;
	v2 =	vadd.s32 $0xFFFFFFFF, v48  }
0x38: {  	v53 =	vld [tilespmem:$0x2F0];
	vm14 =	veq.s32 v49, $0x0;
	[tilespmem:$0xC0] =	vst v1;
	v1 =	vsel vm13, $0xF423F, v2;
	v2 =	vadd.s32 $0xFFFFFFFF, v49  }
0x39: {  	[tilespmem:$0x2C0] =	vst v1;
	v1 =	vsel vm14, $0xF423F, v2;
	vm15 =	veq.s32 v3, $0x0;
	v2 =	vadd.s32 $0xFFFFFFFF, v3;
	v3 =	vld [tilespmem:$0x100]  }
0x3a: {  	v54 =	vld [tilespmem:$0x300];
	vm4 =	veq.s32 v50, $0x0;
	[tilespmem:$0xD0] =	vst v1;
	v1 =	vsel vm15, $0xF423F, v2;
	v2 =	vadd.s32 $0xFFFFFFFF, v50  }
0x3b: {  	v55 =	vld [tilespmem:$0x110];
	vm5 =	veq.s32 v51, $0x0;
	[tilespmem:$0x2D0] =	vst v1;
	v1 =	vsel vm4, $0xF423F, v2;
	v2 =	vadd.s32 $0xFFFFFFFF, v51  }
0x3c: {  	v56 =	vld [tilespmem:$0x310];
	vm6 =	veq.s32 v52, $0x0;
	[tilespmem:$0xE0] =	vst v1;
	v1 =	vsel vm5, $0xF423F, v2;
	v2 =	vadd.s32 $0xFFFFFFFF, v52  }
0x3d: {  	v57 =	vld [tilespmem:$0x120];
	vm7 =	veq.s32 v53, $0x0;
	[tilespmem:$0x2E0] =	vst v1;
	v1 =	vsel vm6, $0xF423F, v2;
	v2 =	vadd.s32 $0xFFFFFFFF, v53  }
0x3e: {  	[tilespmem:$0xF0] =	vst v1;
	v1 =	vsel vm7, $0xF423F, v2;
	vm8 =	veq.s32 v3, $0x0;
	v2 =	vadd.s32 $0xFFFFFFFF, v3;
	v3 =	vld [tilespmem:$0x320]  }
0x3f: {  	v58 =	vld [tilespmem:$0x130];
	vm9 =	veq.s32 v54, $0x0;
	[tilespmem:$0x2F0] =	vst v1;
	v1 =	vsel vm8, $0xF423F, v2;
	v2 =	vadd.s32 $0xFFFFFFFF, v54  }
0x40: {  	v59 =	vld [tilespmem:$0x330];
	vm10 =	veq.s32 v55, $0x0;
	[tilespmem:$0x100] =	vst v1;
	v1 =	vsel vm9, $0xF423F, v2;
	v2 =	vadd.s32 $0xFFFFFFFF, v55  }
0x41: {  	v60 =	vld [tilespmem:$0x140];
	vm11 =	veq.s32 v56, $0x0;
	[tilespmem:$0x300] =	vst v1;
	v1 =	vsel vm10, $0xF423F, v2;
	v2 =	vadd.s32 $0xFFFFFFFF, v56  }
0x42: {  	v61 =	vld [tilespmem:$0x340];
	vm12 =	veq.s32 v57, $0x0;
	[tilespmem:$0x110] =	vst v1;
	v1 =	vsel vm11, $0xF423F, v2;
	v2 =	vadd.s32 $0xFFFFFFFF, v57  }
0x43: {  	[tilespmem:$0x310] =	vst v1;
	v1 =	vsel vm12, $0xF423F, v2;
	vm13 =	veq.s32 v3, $0x0;
	v2 =	vadd.s32 $0xFFFFFFFF, v3;
	v3 =	vld [tilespmem:$0x150]  }
0x44: {  	v62 =	vld [tilespmem:$0x350];
	vm14 =	veq.s32 v58, $0x0;
	[tilespmem:$0x120] =	vst v1;
	v1 =	vsel vm13, $0xF423F, v2;
	v2 =	vadd.s32 $0xFFFFFFFF, v58  }
0x45: {  	v63 =	vld [tilespmem:$0x160];
	vm15 =	veq.s32 v59, $0x0;
	[tilespmem:$0x320] =	vst v1;
	v1 =	vsel vm14, $0xF423F, v2;
	v2 =	vadd.s32 $0xFFFFFFFF, v59  }
0x46: {  	v9 =	vld [tilespmem:$0x360];
	vm4 =	veq.s32 v60, $0x0;
	[tilespmem:$0x130] =	vst v1;
	v1 =	vsel vm15, $0xF423F, v2;
	v2 =	vadd.s32 $0xFFFFFFFF, v60  }
0x47: {  	v10 =	vld [tilespmem:$0x170];
	vm5 =	veq.s32 v61, $0x0;
	[tilespmem:$0x330] =	vst v1;
	v1 =	vsel vm4, $0xF423F, v2;
	v2 =	vadd.s32 $0xFFFFFFFF, v61  }
0x48: {  	[tilespmem:$0x140] =	vst v1;
	v1 =	vsel vm5, $0xF423F, v2;
	vm6 =	veq.s32 v3, $0x0;
	v2 =	vadd.s32 $0xFFFFFFFF, v3;
	v3 =	vld [tilespmem:$0x370]  }
0x49: {  	v11 =	vld [tilespmem:$0x180];
	vm7 =	veq.s32 v62, $0x0;
	[tilespmem:$0x340] =	vst v1;
	v1 =	vsel vm6, $0xF423F, v2;
	v2 =	vadd.s32 $0xFFFFFFFF, v62  }
0x4a: {  	v12 =	vld [tilespmem:$0x380];
	vm8 =	veq.s32 v63, $0x0;
	[tilespmem:$0x150] =	vst v1;
	v1 =	vsel vm7, $0xF423F, v2;
	v2 =	vadd.s32 $0xFFFFFFFF, v63  }
0x4b: {  	v13 =	vld [tilespmem:$0x190];
	vm9 =	veq.s32 v9, $0x0;
	[tilespmem:$0x350] =	vst v1;
	v1 =	vsel vm8, $0xF423F, v2;
	v2 =	vadd.s32 $0xFFFFFFFF, v9  }
0x4c: {  	v14 =	vld [tilespmem:$0x390];
	vm10 =	veq.s32 v10, $0x0;
	[tilespmem:$0x160] =	vst v1;
	v1 =	vsel vm9, $0xF423F, v2;
	v2 =	vadd.s32 $0xFFFFFFFF, v10  }
0x4d: {  	[tilespmem:$0x360] =	vst v1;
	v1 =	vsel vm10, $0xF423F, v2;
	vm11 =	veq.s32 v3, $0x0;
	v2 =	vadd.s32 $0xFFFFFFFF, v3;
	v3 =	vld [tilespmem:$0x1A0]  }
0x4e: {  	v24 =	vld [tilespmem:$0x3A0];
	vm12 =	veq.s32 v11, $0x0;
	[tilespmem:$0x170] =	vst v1;
	v1 =	vsel vm11, $0xF423F, v2;
	v2 =	vadd.s32 $0xFFFFFFFF, v11  }
0x4f: {  	v25 =	vld [tilespmem:$0x1B0];
	vm13 =	veq.s32 v12, $0x0;
	[tilespmem:$0x370] =	vst v1;
	v1 =	vsel vm12, $0xF423F, v2;
	v2 =	vadd.s32 $0xFFFFFFFF, v12  }
0x50: {  	v26 =	vld [tilespmem:$0x3B0];
	vm14 =	veq.s32 v13, $0x0;
	[tilespmem:$0x180] =	vst v1;
	v1 =	vsel vm13, $0xF423F, v2;
	v2 =	vadd.s32 $0xFFFFFFFF, v13  }
0x51: {  	v27 =	vld [tilespmem:$0x1C0];
	vm15 =	veq.s32 v14, $0x0;
	[tilespmem:$0x380] =	vst v1;
	v1 =	vsel vm14, $0xF423F, v2;
	v2 =	vadd.s32 $0xFFFFFFFF, v14  }
0x52: {  	[tilespmem:$0x190] =	vst v1;
	v1 =	vsel vm15, $0xF423F, v2;
	vm4 =	veq.s32 v3, $0x0;
	v2 =	vadd.s32 $0xFFFFFFFF, v3;
	v3 =	vld [tilespmem:$0x3C0]  }
0x53: {  	v28 =	vld [tilespmem:$0x1D0];
	vm5 =	veq.s32 v24, $0x0;
	[tilespmem:$0x390] =	vst v1;
	v1 =	vsel vm4, $0xF423F, v2;
	v2 =	vadd.s32 $0xFFFFFFFF, v24  }
0x54: {  	v29 =	vld [tilespmem:$0x3D0];
	vm6 =	veq.s32 v25, $0x0;
	[tilespmem:$0x1A0] =	vst v1;
	v1 =	vsel vm5, $0xF423F, v2;
	v2 =	vadd.s32 $0xFFFFFFFF, v25  }
0x55: {  	v30 =	vld [tilespmem:$0x1E0];
	vm7 =	veq.s32 v26, $0x0;
	[tilespmem:$0x3A0] =	vst v1;
	v1 =	vsel vm6, $0xF423F, v2;
	v2 =	vadd.s32 $0xFFFFFFFF, v26  }
0x56: {  	v31 =	vld [tilespmem:$0x3E0];
	vm8 =	veq.s32 v27, $0x0;
	[tilespmem:$0x1B0] =	vst v1;
	v1 =	vsel vm7, $0xF423F, v2;
	v2 =	vadd.s32 $0xFFFFFFFF, v27  }
0x57: {  	[tilespmem:$0x3B0] =	vst v1;
	v1 =	vsel vm8, $0xF423F, v2;
	vm9 =	veq.s32 v3, $0x0;
	v2 =	vadd.s32 $0xFFFFFFFF, v3;
	v3 =	vld [tilespmem:$0x1F0]  }
0x58: {  	v32 =	vld [tilespmem:$0x3F0];
	vm10 =	veq.s32 v28, $0x0;
	[tilespmem:$0x1C0] =	vst v1;
	v1 =	vsel vm9, $0xF423F, v2;
	v2 =	vadd.s32 $0xFFFFFFFF, v28  }
0x59: {  	vm11 =	veq.s32 v29, $0x0;
	[tilespmem:$0x3C0] =	vst v1;
	v1 =	vsel vm10, $0xF423F, v2;
	v2 =	vadd.s32 $0xFFFFFFFF, v29  }
0x5a: {  	vm12 =	veq.s32 v30, $0x0;
	[tilespmem:$0x1D0] =	vst v1;
	v1 =	vsel vm11, $0xF423F, v2;
	v2 =	vadd.s32 $0xFFFFFFFF, v30  }
0x5b: {  	vm13 =	veq.s32 v31, $0x0;
	[tilespmem:$0x3D0] =	vst v1;
	v1 =	vsel vm12, $0xF423F, v2;
	v2 =	vadd.s32 $0xFFFFFFFF, v31  }
0x5c: {  	[tilespmem:$0x1E0] =	vst v1;
	v1 =	vsel vm13, $0xF423F, v2;
	vm14 =	veq.s32 v3, $0x0;
	v2 =	vadd.s32 $0xFFFFFFFF, v3  }
0x5d: {  	vm15 =	veq.s32 v32, $0x0;
	[tilespmem:$0x3E0] =	vst v1;
	v1 =	vsel vm14, $0xF423F, v2;
	v2 =	vadd.s32 $0xFFFFFFFF, v32  }
0x5e: {  	[tilespmem:$0x1F0] =	vst v1;
	v1 =	vsel vm15, $0xF423F, v2  }
0x5f: {  	[tilespmem:$0x3F0] =	vst v1  }
0x60: {  	[tilespmem:s11], [sflag:$0x1] =	stream.indirect.gather [hbm4b:s3+s10], $0x80, s1, s10, $0xb8;
	[tilespmem:$0x10700] =	vst v63  }
0x61: {  	_ = 	snop  }
0x62: {  	[tilespmem:s12], [sflag:$0x1] =	stream.indirect.gather [hbm4b:s3+s10], $0x80, s9, s10, $0xb8;
	[tilespmem:$0x10700] =	vst v63  }
0x63: {  	_ = 	snop  }
0x64: {  	[tilespmem:s13], [sflag:$0x1] =	stream.indirect.gather [hbm4b:s3+s10], $0x80, s10, s10, $0xb8;
	[tilespmem:$0x10700] =	vst v63  }
0x65: {  	_ = 	snop  }
0x66: {  	[tilespmem:s15], [sflag:$0x1] =	stream.indirect.gather [hbm4b:s3+s10], $0x80, s14, s10, $0xb8;
	[tilespmem:$0x10700] =	vst v63  }
0x67: {  	_ =	swait.ge [sflag:s16], $0x4000  }
0x68: {  	[sflag:s16] =	ssyncset.done $0x0  }
0x69: {  	[sflag:s16] =	ssyncadd.s32 $0xFFFFC000  }
0x6a: {  	_ =	swait.ge [sflag:s16], $0x4000  }
0x6b: {  	[sflag:s16] =	ssyncset.done $0x0  }
0x6c: {  	[sflag:s16] =	ssyncadd.s32 $0xFFFFC000  }
0x6d: {  	_ =	swait.ge [sflag:s16], $0x4000  }
0x6e: {  	[sflag:s16] =	ssyncset.done $0x0  }
0x6f: {  	[sflag:s16] =	ssyncadd.s32 $0xFFFFC000  }
0x70: {  	_ =	swait.ge [sflag:s16], $0x4000  }
0x71: {  	[sflag:s16] =	ssyncset.done $0x0  }
0x72: {  	s24 =	simm.s32 $0x0;
	[sflag:s16] =	ssyncadd.s32 $0xFFFFC000  }
0x73: {  	v1 =	vld [tilespmem:s24+$0x8450]  }
0x74: {  	v2 =	vld [tilespmem:s24+$0x400]  }
0x75: {  	v3 =	vld [tilespmem:s24+$0x410]  }
0x76: {  	v33 =	vld [tilespmem:s24+$0x8440]  }
0x77: {  	v34 =	vld [tilespmem:s24+$0x8460]  }
0x78: {  	v35 =	vld [tilespmem:s24+$0x420]  }
0x79: {  	v36 =	vld [tilespmem:s24+$0x8470]  }
0x7a: {  	v8 =	vld [tilespmem:s24+$0x430]  }
0x7b: {  	v1 =	vmul.f32 v1, v3;
	v2 =	vmul.f32 v33, v2;
	_ =	sdelay $0x1  }
0x7c: {  	v1 =	vadd.f32 v1, v2;
	v2 =	vmul.f32 v34, v35;
	_ =	sdelay $0x1  }
0x7d: {  	v1 =	vadd.f32 v2, v1;
	v2 =	vmul.f32 v36, v8;
	_ =	sdelay $0x1  }
0x7e: {  	v1 =	vadd.f32 v2, v1;
	_ =	sdelay $0x1  }
0x7f: {  	[tilespmem:$0x10400] =	vst v1  }
0x80: {  	v1 =	vld [tilespmem:s24+$0x480]  }
0x81: {  	v2 =	vld [tilespmem:s24+$0x84C0]  }
0x82: {  	v3 =	vld [tilespmem:s24+$0x490]  }
0x83: {  	v37 =	vld [tilespmem:s24+$0x84D0]  }
0x84: {  	v38 =	vld [tilespmem:s24+$0x84E0]  }
0x85: {  	v39 =	vld [tilespmem:s24+$0x4A0]  }
0x86: {  	v40 =	vld [tilespmem:s24+$0x84F0]  }
0x87: {  	v41 =	vld [tilespmem:s24+$0x4B0]  }
0x88: {  	v1 =	vmul.f32 v2, v1;
	v2 =	vmul.f32 v37, v3;
	_ =	sdelay $0x1  }
0x89: {  	v1 =	vadd.f32 v2, v1;
	v2 =	vmul.f32 v38, v39;
	_ =	sdelay $0x1  }
0x8a: {  	v1 =	vadd.f32 v2, v1;
	v2 =	vmul.f32 v40, v41;
	_ =	sdelay $0x1  }
0x8b: {  	v1 =	vadd.f32 v2, v1;
	_ =	sdelay $0x1  }
0x8c: {  	[tilespmem:$0x10410] =	vst v1  }
0x8d: {  	v1 =	vld [tilespmem:s24+$0x8550]  }
0x8e: {  	v2 =	vld [tilespmem:s24+$0x500]  }
0x8f: {  	v3 =	vld [tilespmem:s24+$0x8540]  }
0x90: {  	v42 =	vld [tilespmem:s24+$0x510]  }
0x91: {  	v43 =	vld [tilespmem:s24+$0x8560]  }
0x92: {  	v44 =	vld [tilespmem:s24+$0x520]  }
0x93: {  	v45 =	vld [tilespmem:s24+$0x8570]  }
0x94: {  	v46 =	vld [tilespmem:s24+$0x530]  }
0x95: {  	v2 =	vmul.f32 v3, v2;
	v1 =	vmul.f32 v1, v42;
	_ =	sdelay $0x1  }
0x96: {  	v1 =	vadd.f32 v1, v2;
	v2 =	vmul.f32 v43, v44;
	_ =	sdelay $0x1  }
0x97: {  	v1 =	vadd.f32 v2, v1;
	v2 =	vmul.f32 v45, v46;
	_ =	sdelay $0x1  }
0x98: {  	v1 =	vadd.f32 v2, v1;
	_ =	sdelay $0x1  }
0x99: {  	[tilespmem:$0x10420] =	vst v1  }
0x9a: {  	v1 =	vld [tilespmem:s24+$0x85D0]  }
0x9b: {  	v2 =	vld [tilespmem:s24+$0x580]  }
0x9c: {  	v3 =	vld [tilespmem:s24+$0x85C0]  }
0x9d: {  	v47 =	vld [tilespmem:s24+$0x590]  }
0x9e: {  	v48 =	vld [tilespmem:s24+$0x5A0]  }
0x9f: {  	v49 =	vld [tilespmem:s24+$0x85E0]  }
0xa0: {  	v50 =	vld [tilespmem:s24+$0x85F0]  }
0xa1: {  	v51 =	vld [tilespmem:s24+$0x5B0]  }
0xa2: {  	v2 =	vmul.f32 v3, v2;
	v1 =	vmul.f32 v1, v47;
	_ =	sdelay $0x1  }
0xa3: {  	v1 =	vadd.f32 v1, v2;
	v2 =	vmul.f32 v49, v48;
	_ =	sdelay $0x1  }
0xa4: {  	v1 =	vadd.f32 v2, v1;
	v2 =	vmul.f32 v50, v51;
	_ =	sdelay $0x1  }
0xa5: {  	v1 =	vadd.f32 v2, v1;
	_ =	sdelay $0x1  }
0xa6: {  	[tilespmem:$0x10430] =	vst v1  }
0xa7: {  	v1 =	vld [tilespmem:s24+$0x8640]  }
0xa8: {  	v2 =	vld [tilespmem:s24+$0x8650]  }
0xa9: {  	v3 =	vld [tilespmem:s24+$0x600]  }
0xaa: {  	v52 =	vld [tilespmem:s24+$0x610]  }
0xab: {  	v53 =	vld [tilespmem:s24+$0x620]  }
0xac: {  	v54 =	vld [tilespmem:s24+$0x8660]  }
0xad: {  	v55 =	vld [tilespmem:s24+$0x8670]  }
0xae: {  	v56 =	vld [tilespmem:s24+$0x630]  }
0xaf: {  	v1 =	vmul.f32 v1, v3;
	v2 =	vmul.f32 v2, v52;
	_ =	sdelay $0x1  }
0xb0: {  	v1 =	vadd.f32 v2, v1;
	v2 =	vmul.f32 v54, v53;
	_ =	sdelay $0x1  }
0xb1: {  	v1 =	vadd.f32 v2, v1;
	v2 =	vmul.f32 v55, v56;
	_ =	sdelay $0x1  }
0xb2: {  	v1 =	vadd.f32 v2, v1;
	_ =	sdelay $0x1  }
0xb3: {  	[tilespmem:$0x10440] =	vst v1  }
0xb4: {  	v1 =	vld [tilespmem:s24+$0x86C0]  }
0xb5: {  	v2 =	vld [tilespmem:s24+$0x86D0]  }
0xb6: {  	v3 =	vld [tilespmem:s24+$0x680]  }
0xb7: {  	v57 =	vld [tilespmem:s24+$0x690]  }
0xb8: {  	v58 =	vld [tilespmem:s24+$0x6A0]  }
0xb9: {  	v59 =	vld [tilespmem:s24+$0x86E0]  }
0xba: {  	v60 =	vld [tilespmem:s24+$0x86F0]  }
0xbb: {  	v61 =	vld [tilespmem:s24+$0x6B0]  }
0xbc: {  	v1 =	vmul.f32 v1, v3;
	v2 =	vmul.f32 v2, v57;
	_ =	sdelay $0x1  }
0xbd: {  	v1 =	vadd.f32 v2, v1;
	v2 =	vmul.f32 v59, v58;
	_ =	sdelay $0x1  }
0xbe: {  	v1 =	vadd.f32 v2, v1;
	v2 =	vmul.f32 v60, v61;
	_ =	sdelay $0x1  }
0xbf: {  	v1 =	vadd.f32 v2, v1;
	_ =	sdelay $0x1  }
0xc0: {  	[tilespmem:$0x10450] =	vst v1  }
0xc1: {  	v1 =	vld [tilespmem:s24+$0x8740]  }
0xc2: {  	v2 =	vld [tilespmem:s24+$0x8750]  }
0xc3: {  	v3 =	vld [tilespmem:s24+$0x710]  }
0xc4: {  	v62 =	vld [tilespmem:s24+$0x700]  }
0xc5: {  	v63 =	vld [tilespmem:s24+$0x720]  }
0xc6: {  	v12 =	vld [tilespmem:s24+$0x8760]  }
0xc7: {  	v13 =	vld [tilespmem:s24+$0x8770]  }
0xc8: {  	v14 =	vld [tilespmem:s24+$0x730]  }
0xc9: {  	v2 =	vmul.f32 v2, v3;
	v1 =	vmul.f32 v1, v62;
	_ =	sdelay $0x1  }
0xca: {  	v1 =	vadd.f32 v2, v1;
	v2 =	vmul.f32 v12, v63;
	_ =	sdelay $0x1  }
0xcb: {  	v1 =	vadd.f32 v2, v1;
	v2 =	vmul.f32 v13, v14;
	_ =	sdelay $0x1  }
0xcc: {  	v1 =	vadd.f32 v2, v1;
	_ =	sdelay $0x1  }
0xcd: {  	[tilespmem:$0x10460] =	vst v1  }
0xce: {  	v1 =	vld [tilespmem:s24+$0x780]  }
0xcf: {  	v2 =	vld [tilespmem:s24+$0x87C0]  }
0xd0: {  	v3 =	vld [tilespmem:s24+$0x87D0]  }
0xd1: {  	v24 =	vld [tilespmem:s24+$0x790]  }
0xd2: {  	v25 =	vld [tilespmem:s24+$0x7A0]  }
0xd3: {  	v26 =	vld [tilespmem:s24+$0x87E0]  }
0xd4: {  	v27 =	vld [tilespmem:s24+$0x87F0]  }
0xd5: {  	v28 =	vld [tilespmem:s24+$0x7B0]  }
0xd6: {  	v1 =	vmul.f32 v2, v1;
	v2 =	vmul.f32 v3, v24;
	_ =	sdelay $0x1  }
0xd7: {  	v1 =	vadd.f32 v2, v1;
	v2 =	vmul.f32 v26, v25;
	_ =	sdelay $0x1  }
0xd8: {  	v1 =	vadd.f32 v2, v1;
	v2 =	vmul.f32 v27, v28;
	_ =	sdelay $0x1  }
0xd9: {  	v1 =	vadd.f32 v2, v1;
	_ =	sdelay $0x1  }
0xda: {  	[tilespmem:$0x10470] =	vst v1  }
0xdb: {  	v1 =	vld [tilespmem:s24+$0x8840]  }
0xdc: {  	v2 =	vld [tilespmem:s24+$0x8850]  }
0xdd: {  	v3 =	vld [tilespmem:s24+$0x800]  }
0xde: {  	v29 =	vld [tilespmem:s24+$0x810]  }
0xdf: {  	v30 =	vld [tilespmem:s24+$0x820]  }
0xe0: {  	v31 =	vld [tilespmem:s24+$0x8860]  }
0xe1: {  	v32 =	vld [tilespmem:s24+$0x8870]  }
0xe2: {  	v33 =	vld [tilespmem:s24+$0x830]  }
0xe3: {  	v1 =	vmul.f32 v1, v3;
	v2 =	vmul.f32 v2, v29;
	_ =	sdelay $0x1  }
0xe4: {  	v1 =	vadd.f32 v2, v1;
	v2 =	vmul.f32 v31, v30;
	_ =	sdelay $0x1  }
0xe5: {  	v1 =	vadd.f32 v2, v1;
	v2 =	vmul.f32 v32, v33;
	_ =	sdelay $0x1  }
0xe6: {  	v1 =	vadd.f32 v2, v1;
	_ =	sdelay $0x1  }
0xe7: {  	[tilespmem:$0x10480] =	vst v1  }
0xe8: {  	v1 =	vld [tilespmem:s24+$0x88C0]  }
0xe9: {  	v2 =	vld [tilespmem:s24+$0x88D0]  }
0xea: {  	v3 =	vld [tilespmem:s24+$0x890]  }
0xeb: {  	v34 =	vld [tilespmem:s24+$0x880]  }
0xec: {  	v35 =	vld [tilespmem:s24+$0x8A0]  }
0xed: {  	v36 =	vld [tilespmem:s24+$0x88E0]  }
0xee: {  	v37 =	vld [tilespmem:s24+$0x8B0]  }
0xef: {  	v38 =	vld [tilespmem:s24+$0x88F0]  }
0xf0: {  	v2 =	vmul.f32 v2, v3;
	v1 =	vmul.f32 v1, v34;
	_ =	sdelay $0x1  }
0xf1: {  	v1 =	vadd.f32 v2, v1;
	v2 =	vmul.f32 v36, v35;
	_ =	sdelay $0x1  }
0xf2: {  	v1 =	vadd.f32 v2, v1;
	v2 =	vmul.f32 v38, v37;
	_ =	sdelay $0x1  }
0xf3: {  	v1 =	vadd.f32 v2, v1;
	_ =	sdelay $0x1  }
0xf4: {  	[tilespmem:$0x10490] =	vst v1  }
0xf5: {  	v1 =	vld [tilespmem:s24+$0x900]  }
0xf6: {  	v2 =	vld [tilespmem:s24+$0x8940]  }
0xf7: {  	v3 =	vld [tilespmem:s24+$0x8950]  }
0xf8: {  	v39 =	vld [tilespmem:s24+$0x910]  }
0xf9: {  	v40 =	vld [tilespmem:s24+$0x920]  }
0xfa: {  	v41 =	vld [tilespmem:s24+$0x8960]  }
0xfb: {  	v42 =	vld [tilespmem:s24+$0x930]  }
0xfc: {  	v43 =	vld [tilespmem:s24+$0x8970]  }
0xfd: {  	v1 =	vmul.f32 v2, v1;
	v2 =	vmul.f32 v3, v39;
	_ =	sdelay $0x1  }
0xfe: {  	v1 =	vadd.f32 v2, v1;
	v2 =	vmul.f32 v41, v40;
	_ =	sdelay $0x1  }
0xff: {  	v1 =	vadd.f32 v2, v1;
	v2 =	vmul.f32 v43, v42;
	_ =	sdelay $0x1  }
0x100: {  	v1 =	vadd.f32 v2, v1;
	_ =	sdelay $0x1  }
0x101: {  	[tilespmem:$0x104A0] =	vst v1  }
0x102: {  	v1 =	vld [tilespmem:s24+$0x89C0]  }
0x103: {  	v2 =	vld [tilespmem:s24+$0x89D0]  }
0x104: {  	v3 =	vld [tilespmem:s24+$0x980]  }
0x105: {  	v44 =	vld [tilespmem:s24+$0x990]  }
0x106: {  	v45 =	vld [tilespmem:s24+$0x9A0]  }
0x107: {  	v46 =	vld [tilespmem:s24+$0x89E0]  }
0x108: {  	v47 =	vld [tilespmem:s24+$0x9B0]  }
0x109: {  	v48 =	vld [tilespmem:s24+$0x89F0]  }
0x10a: {  	v1 =	vmul.f32 v1, v3;
	v2 =	vmul.f32 v2, v44;
	_ =	sdelay $0x1  }
0x10b: {  	v1 =	vadd.f32 v2, v1;
	v2 =	vmul.f32 v46, v45;
	_ =	sdelay $0x1  }
0x10c: {  	v1 =	vadd.f32 v2, v1;
	v2 =	vmul.f32 v48, v47;
	_ =	sdelay $0x1  }
0x10d: {  	v1 =	vadd.f32 v2, v1;
	_ =	sdelay $0x1  }
0x10e: {  	[tilespmem:$0x104B0] =	vst v1  }
0x10f: {  	v1 =	vld [tilespmem:s24+$0x8A40]  }
0x110: {  	v2 =	vld [tilespmem:s24+$0x8A50]  }
0x111: {  	v3 =	vld [tilespmem:s24+$0xA00]  }
0x112: {  	v49 =	vld [tilespmem:s24+$0xA10]  }
0x113: {  	v50 =	vld [tilespmem:s24+$0xA20]  }
0x114: {  	v51 =	vld [tilespmem:s24+$0x8A60]  }
0x115: {  	v52 =	vld [tilespmem:s24+$0xA30]  }
0x116: {  	v53 =	vld [tilespmem:s24+$0x8A70]  }
0x117: {  	v1 =	vmul.f32 v1, v3;
	v2 =	vmul.f32 v2, v49;
	_ =	sdelay $0x1  }
0x118: {  	v1 =	vadd.f32 v2, v1;
	v2 =	vmul.f32 v51, v50;
	_ =	sdelay $0x1  }
0x119: {  	v1 =	vadd.f32 v2, v1;
	v2 =	vmul.f32 v53, v52;
	_ =	sdelay $0x1  }
0x11a: {  	v1 =	vadd.f32 v2, v1;
	_ =	sdelay $0x1  }
0x11b: {  	[tilespmem:$0x104C0] =	vst v1  }
0x11c: {  	v1 =	vld [tilespmem:s24+$0x8AC0]  }
0x11d: {  	v2 =	vld [tilespmem:s24+$0x8AD0]  }
0x11e: {  	v3 =	vld [tilespmem:s24+$0xA80]  }
0x11f: {  	v54 =	vld [tilespmem:s24+$0xA90]  }
0x120: {  	v55 =	vld [tilespmem:s24+$0xAA0]  }
0x121: {  	v56 =	vld [tilespmem:s24+$0x8AE0]  }
0x122: {  	v57 =	vld [tilespmem:s24+$0xAB0]  }
0x123: {  	v58 =	vld [tilespmem:s24+$0x8AF0]  }
0x124: {  	v1 =	vmul.f32 v1, v3;
	v2 =	vmul.f32 v2, v54;
	_ =	sdelay $0x1  }
0x125: {  	v1 =	vadd.f32 v2, v1;
	v2 =	vmul.f32 v56, v55;
	_ =	sdelay $0x1  }
0x126: {  	v1 =	vadd.f32 v2, v1;
	v2 =	vmul.f32 v58, v57;
	_ =	sdelay $0x1  }
0x127: {  	v1 =	vadd.f32 v2, v1;
	_ =	sdelay $0x1  }
0x128: {  	[tilespmem:$0x104D0] =	vst v1  }
0x129: {  	v1 =	vld [tilespmem:s24+$0x8B40]  }
0x12a: {  	v2 =	vld [tilespmem:s24+$0x8B50]  }
0x12b: {  	v3 =	vld [tilespmem:s24+$0xB00]  }
0x12c: {  	v59 =	vld [tilespmem:s24+$0xB10]  }
0x12d: {  	v60 =	vld [tilespmem:s24+$0xB20]  }
0x12e: {  	v61 =	vld [tilespmem:s24+$0x8B60]  }
0x12f: {  	v62 =	vld [tilespmem:s24+$0xB30]  }
0x130: {  	v63 =	vld [tilespmem:s24+$0x8B70]  }
0x131: {  	v1 =	vmul.f32 v1, v3;
	v2 =	vmul.f32 v2, v59;
	_ =	sdelay $0x1  }
0x132: {  	v1 =	vadd.f32 v2, v1;
	v2 =	vmul.f32 v61, v60;
	_ =	sdelay $0x1  }
0x133: {  	v1 =	vadd.f32 v2, v1;
	v2 =	vmul.f32 v63, v62;
	_ =	sdelay $0x1  }
0x134: {  	v1 =	vadd.f32 v2, v1;
	_ =	sdelay $0x1  }
0x135: {  	[tilespmem:$0x104E0] =	vst v1  }
0x136: {  	v16 =	vld [tilespmem:s24+$0x8BC0]  }
0x137: {  	v19 =	vld [tilespmem:s24+$0xB80]  }
0x138: {  	v17 =	vld [tilespmem:s24+$0x8BD0]  }
0x139: {  	v20 =	vld [tilespmem:s24+$0xB90]  }
0x13a: {  	s26 =	simm.s32 $0x2000;
	s28 =	simm.s32 $0x10500;
	s25 =	simm.s32 $0x10500;
	v18 =	vld [tilespmem:s24+$0xBA0]  }
.LBB2_2:
0x13b: {  	p0 =	sne.s32 s26, $0x1E000  }
0x13c: {  	v1 =	vld [tilespmem:s24+$0x8BE0];
	s28 =	sadd.s32 $0x10, s28;
	s29 =	smov.u32 s26;
	s26 =	sadd.s32 $0x2000, s26  }
0x13d: {  	v2 =	vmul.f32 v16, v19;
	v3 =	vld [tilespmem:s24+$0xBB0]  }
0x13e: {  	v4 =	vld [tilespmem:s24+$0x8BF0]  }
0x13f: {  	v5 =	vmul.f32 v17, v20;
	_ =	sdelay $0x1  }
0x140: {  	v2 =	vadd.f32 v5, v2;
	v1 =	vmul.f32 v1, v18;
	_ =	sdelay $0x1  }
0x141: {  	v2 =	vadd.f32 v1, v2;
	v3 =	vmul.f32 v4, v3;
	v1 =	vor.u32 $0x1, v0;
	_ =	sdelay $0x1  }
0x142: {  	v4 =	vadd.f32 v3, v2;
	v2 =	vor.u32 $0x2, v0  }
0x143: {  	v3 =	vor.u32 $0x3, v0  }
0x144: {  	[tilespmem:$0x104F0] =	vst v4;
	v4 =	vor.u32 $0x4, v0  }
0x145: {  	v5 =	vor.u32 $0x5, v0;
	v12 =	vld.idx.msk [tilespmem:v0+s17+$0x0], $0xffff  }
0x146: {  	v6 =	vor.u32 $0x6, v0;
	v13 =	vld.idx.msk [tilespmem:v1+s17+$0x0], $0xffff  }
0x147: {  	v7 =	vor.u32 $0x7, v0;
	v14 =	vld.idx.msk [tilespmem:v2+s17+$0x0], $0xffff  }
0x148: {  	v8 =	vor.u32 $0x8, v0;
	v16 =	vld.idx.msk [tilespmem:v3+s17+$0x0], $0xffff  }
0x149: {  	v9 =	vor.u32 $0x9, v0;
	v17 =	vld.idx.msk [tilespmem:v4+s17+$0x0], $0xffff  }
0x14a: {  	v10 =	vor.u32 $0xA, v0;
	v18 =	vld.idx.msk [tilespmem:v5+s17+$0x0], $0xffff  }
0x14b: {  	v11 =	vor.u32 $0xB, v0;
	v19 =	vld.idx.msk [tilespmem:v6+s17+$0x0], $0xffff  }
0x14c: {  	v15 =	vadd.f32 v13, v12;
	v12 =	vor.u32 $0xC, v0;
	v20 =	vld.idx.msk [tilespmem:v7+s17+$0x0], $0xffff  }
0x14d: {  	v13 =	vor.u32 $0xD, v0;
	v21 =	vld.idx.msk [tilespmem:v8+s17+$0x0], $0xffff  }
0x14e: {  	v22 =	vadd.f32 v14, v15;
	v14 =	vor.u32 $0xE, v0;
	v23 =	vld.idx.msk [tilespmem:v9+s17+$0x0], $0xffff  }
0x14f: {  	v15 =	vor.u32 $0xF, v0;
	v24 =	vld.idx.msk [tilespmem:v10+s17+$0x0], $0xffff  }
0x150: {  	v16 =	vadd.f32 v16, v22;
	v22 =	vld.idx.msk [tilespmem:v11+s17+$0x0], $0xffff  }
0x151: {  	v25 =	vld.idx.msk [tilespmem:v12+s17+$0x0], $0xffff  }
0x152: {  	v16 =	vadd.f32 v17, v16;
	v17 =	vld.idx.msk [tilespmem:v13+s17+$0x0], $0xffff  }
0x153: {  	v26 =	vld.idx.msk [tilespmem:v14+s17+$0x0], $0xffff  }
0x154: {  	v16 =	vadd.f32 v18, v16;
	v18 =	vld.idx.msk [tilespmem:v15+s17+$0x0], $0xffff;
	_ =	sdelay $0x1  }
0x155: {  	v16 =	vadd.f32 v19, v16;
	_ =	sdelay $0x1  }
0x156: {  	v16 =	vadd.f32 v20, v16;
	_ =	sdelay $0x1  }
0x157: {  	v16 =	vadd.f32 v21, v16;
	_ =	sdelay $0x1  }
0x158: {  	v16 =	vadd.f32 v23, v16;
	_ =	sdelay $0x1  }
0x159: {  	v16 =	vadd.f32 v24, v16;
	_ =	sdelay $0x1  }
0x15a: {  	v16 =	vadd.f32 v22, v16;
	_ =	sdelay $0x1  }
0x15b: {  	v16 =	vadd.f32 v25, v16;
	_ =	sdelay $0x1  }
0x15c: {  	v16 =	vadd.f32 v17, v16;
	_ =	sdelay $0x1  }
0x15d: {  	v16 =	vadd.f32 v26, v16;
	_ =	sdelay $0x1  }
0x15e: {  	v16 =	vadd.f32 v18, v16;
	_ =	sdelay $0x1  }
0x15f: {  	s24 =	sshra.s32 s29, $0x2;
	[tilespmem:s25+$0x0] =	vst v16;
	s25 =	smov.u32 s28  }
0x160: {  	v16 =	vld [tilespmem:s24+$0x8450]  }
0x161: {  	v17 =	vld [tilespmem:s24+$0x400]  }
0x162: {  	v18 =	vld [tilespmem:s24+$0x410]  }
0x163: {  	v19 =	vld [tilespmem:s24+$0x8440]  }
0x164: {  	v20 =	vld [tilespmem:s24+$0x8460]  }
0x165: {  	v21 =	vld [tilespmem:s24+$0x420]  }
0x166: {  	v22 =	vld [tilespmem:s24+$0x8470]  }
0x167: {  	v16 =	vmul.f32 v16, v18;
	v18 =	vld [tilespmem:s24+$0x430]  }
0x168: {  	v17 =	vmul.f32 v19, v17;
	_ =	sdelay $0x1  }
0x169: {  	v16 =	vadd.f32 v16, v17;
	v17 =	vmul.f32 v20, v21;
	_ =	sdelay $0x1  }
0x16a: {  	v16 =	vadd.f32 v17, v16;
	v17 =	vmul.f32 v22, v18;
	_ =	sdelay $0x1  }
0x16b: {  	v16 =	vadd.f32 v17, v16;
	_ =	sdelay $0x1  }
0x16c: {  	[tilespmem:$0x10400] =	vst v16  }
0x16d: {  	v16 =	vld [tilespmem:s24+$0x480]  }
0x16e: {  	v17 =	vld [tilespmem:s24+$0x84C0]  }
0x16f: {  	v18 =	vld [tilespmem:s24+$0x490]  }
0x170: {  	v19 =	vld [tilespmem:s24+$0x84D0]  }
0x171: {  	v20 =	vld [tilespmem:s24+$0x84E0]  }
0x172: {  	v21 =	vld [tilespmem:s24+$0x4A0]  }
0x173: {  	v16 =	vmul.f32 v17, v16;
	v17 =	vld [tilespmem:s24+$0x84F0]  }
0x174: {  	v22 =	vld [tilespmem:s24+$0x4B0]  }
0x175: {  	v18 =	vmul.f32 v19, v18;
	_ =	sdelay $0x1  }
0x176: {  	v16 =	vadd.f32 v18, v16;
	v18 =	vmul.f32 v20, v21;
	_ =	sdelay $0x1  }
0x177: {  	v16 =	vadd.f32 v18, v16;
	v17 =	vmul.f32 v17, v22;
	_ =	sdelay $0x1  }
0x178: {  	v16 =	vadd.f32 v17, v16;
	_ =	sdelay $0x1  }
0x179: {  	[tilespmem:$0x10410] =	vst v16  }
0x17a: {  	v16 =	vld [tilespmem:s24+$0x8550]  }
0x17b: {  	v17 =	vld [tilespmem:s24+$0x500]  }
0x17c: {  	v18 =	vld [tilespmem:s24+$0x8540]  }
0x17d: {  	v19 =	vld [tilespmem:s24+$0x510]  }
0x17e: {  	v20 =	vld [tilespmem:s24+$0x8560]  }
0x17f: {  	v21 =	vld [tilespmem:s24+$0x520]  }
0x180: {  	v22 =	vld [tilespmem:s24+$0x8570]  }
0x181: {  	v17 =	vmul.f32 v18, v17;
	v18 =	vld [tilespmem:s24+$0x530]  }
0x182: {  	v16 =	vmul.f32 v16, v19;
	_ =	sdelay $0x1  }
0x183: {  	v16 =	vadd.f32 v16, v17;
	v17 =	vmul.f32 v20, v21;
	_ =	sdelay $0x1  }
0x184: {  	v16 =	vadd.f32 v17, v16;
	v17 =	vmul.f32 v22, v18;
	_ =	sdelay $0x1  }
0x185: {  	v16 =	vadd.f32 v17, v16;
	_ =	sdelay $0x1  }
0x186: {  	[tilespmem:$0x10420] =	vst v16  }
0x187: {  	v16 =	vld [tilespmem:s24+$0x85D0]  }
0x188: {  	v17 =	vld [tilespmem:s24+$0x580]  }
0x189: {  	v18 =	vld [tilespmem:s24+$0x85C0]  }
0x18a: {  	v19 =	vld [tilespmem:s24+$0x590]  }
0x18b: {  	v20 =	vld [tilespmem:s24+$0x5A0]  }
0x18c: {  	v21 =	vld [tilespmem:s24+$0x85E0]  }
0x18d: {  	v22 =	vld [tilespmem:s24+$0x85F0]  }
0x18e: {  	v17 =	vmul.f32 v18, v17;
	v18 =	vld [tilespmem:s24+$0x5B0]  }
0x18f: {  	v16 =	vmul.f32 v16, v19;
	_ =	sdelay $0x1  }
0x190: {  	v16 =	vadd.f32 v16, v17;
	v17 =	vmul.f32 v21, v20;
	_ =	sdelay $0x1  }
0x191: {  	v16 =	vadd.f32 v17, v16;
	v17 =	vmul.f32 v22, v18;
	_ =	sdelay $0x1  }
0x192: {  	v16 =	vadd.f32 v17, v16;
	_ =	sdelay $0x1  }
0x193: {  	[tilespmem:$0x10430] =	vst v16  }
0x194: {  	v16 =	vld [tilespmem:s24+$0x8640]  }
0x195: {  	v17 =	vld [tilespmem:s24+$0x8650]  }
0x196: {  	v18 =	vld [tilespmem:s24+$0x600]  }
0x197: {  	v19 =	vld [tilespmem:s24+$0x610]  }
0x198: {  	v20 =	vld [tilespmem:s24+$0x620]  }
0x199: {  	v21 =	vld [tilespmem:s24+$0x8660]  }
0x19a: {  	v22 =	vld [tilespmem:s24+$0x8670]  }
0x19b: {  	v16 =	vmul.f32 v16, v18;
	v18 =	vld [tilespmem:s24+$0x630]  }
0x19c: {  	v17 =	vmul.f32 v17, v19;
	_ =	sdelay $0x1  }
0x19d: {  	v16 =	vadd.f32 v17, v16;
	v17 =	vmul.f32 v21, v20;
	_ =	sdelay $0x1  }
0x19e: {  	v16 =	vadd.f32 v17, v16;
	v17 =	vmul.f32 v22, v18;
	_ =	sdelay $0x1  }
0x19f: {  	v16 =	vadd.f32 v17, v16;
	_ =	sdelay $0x1  }
0x1a0: {  	[tilespmem:$0x10440] =	vst v16  }
0x1a1: {  	v16 =	vld [tilespmem:s24+$0x86C0]  }
0x1a2: {  	v17 =	vld [tilespmem:s24+$0x86D0]  }
0x1a3: {  	v18 =	vld [tilespmem:s24+$0x680]  }
0x1a4: {  	v19 =	vld [tilespmem:s24+$0x690]  }
0x1a5: {  	v20 =	vld [tilespmem:s24+$0x6A0]  }
0x1a6: {  	v21 =	vld [tilespmem:s24+$0x86E0]  }
0x1a7: {  	v22 =	vld [tilespmem:s24+$0x86F0]  }
0x1a8: {  	v16 =	vmul.f32 v16, v18;
	v18 =	vld [tilespmem:s24+$0x6B0]  }
0x1a9: {  	v17 =	vmul.f32 v17, v19;
	_ =	sdelay $0x1  }
0x1aa: {  	v16 =	vadd.f32 v17, v16;
	v17 =	vmul.f32 v21, v20;
	_ =	sdelay $0x1  }
0x1ab: {  	v16 =	vadd.f32 v17, v16;
	v17 =	vmul.f32 v22, v18;
	_ =	sdelay $0x1  }
0x1ac: {  	v16 =	vadd.f32 v17, v16;
	_ =	sdelay $0x1  }
0x1ad: {  	[tilespmem:$0x10450] =	vst v16  }
0x1ae: {  	v16 =	vld [tilespmem:s24+$0x8740]  }
0x1af: {  	v17 =	vld [tilespmem:s24+$0x8750]  }
0x1b0: {  	v18 =	vld [tilespmem:s24+$0x710]  }
0x1b1: {  	v19 =	vld [tilespmem:s24+$0x700]  }
0x1b2: {  	v20 =	vld [tilespmem:s24+$0x720]  }
0x1b3: {  	v21 =	vld [tilespmem:s24+$0x8760]  }
0x1b4: {  	v22 =	vld [tilespmem:s24+$0x8770]  }
0x1b5: {  	v17 =	vmul.f32 v17, v18;
	v18 =	vld [tilespmem:s24+$0x730]  }
0x1b6: {  	v16 =	vmul.f32 v16, v19;
	_ =	sdelay $0x1  }
0x1b7: {  	v16 =	vadd.f32 v17, v16;
	v17 =	vmul.f32 v21, v20;
	_ =	sdelay $0x1  }
0x1b8: {  	v16 =	vadd.f32 v17, v16;
	v17 =	vmul.f32 v22, v18;
	_ =	sdelay $0x1  }
0x1b9: {  	v16 =	vadd.f32 v17, v16;
	_ =	sdelay $0x1  }
0x1ba: {  	[tilespmem:$0x10460] =	vst v16  }
0x1bb: {  	v16 =	vld [tilespmem:s24+$0x780]  }
0x1bc: {  	v17 =	vld [tilespmem:s24+$0x87C0]  }
0x1bd: {  	v18 =	vld [tilespmem:s24+$0x87D0]  }
0x1be: {  	v19 =	vld [tilespmem:s24+$0x790]  }
0x1bf: {  	v20 =	vld [tilespmem:s24+$0x7A0]  }
0x1c0: {  	v21 =	vld [tilespmem:s24+$0x87E0]  }
0x1c1: {  	v16 =	vmul.f32 v17, v16;
	v17 =	vld [tilespmem:s24+$0x87F0]  }
0x1c2: {  	v22 =	vld [tilespmem:s24+$0x7B0]  }
0x1c3: {  	v18 =	vmul.f32 v18, v19;
	_ =	sdelay $0x1  }
0x1c4: {  	v16 =	vadd.f32 v18, v16;
	v18 =	vmul.f32 v21, v20;
	_ =	sdelay $0x1  }
0x1c5: {  	v16 =	vadd.f32 v18, v16;
	v17 =	vmul.f32 v17, v22;
	_ =	sdelay $0x1  }
0x1c6: {  	v16 =	vadd.f32 v17, v16;
	_ =	sdelay $0x1  }
0x1c7: {  	[tilespmem:$0x10470] =	vst v16  }
0x1c8: {  	v16 =	vld [tilespmem:s24+$0x8840]  }
0x1c9: {  	v17 =	vld [tilespmem:s24+$0x8850]  }
0x1ca: {  	v18 =	vld [tilespmem:s24+$0x800]  }
0x1cb: {  	v19 =	vld [tilespmem:s24+$0x810]  }
0x1cc: {  	v20 =	vld [tilespmem:s24+$0x820]  }
0x1cd: {  	v21 =	vld [tilespmem:s24+$0x8860]  }
0x1ce: {  	v22 =	vld [tilespmem:s24+$0x8870]  }
0x1cf: {  	v16 =	vmul.f32 v16, v18;
	v18 =	vld [tilespmem:s24+$0x830]  }
0x1d0: {  	v17 =	vmul.f32 v17, v19;
	_ =	sdelay $0x1  }
0x1d1: {  	v16 =	vadd.f32 v17, v16;
	v17 =	vmul.f32 v21, v20;
	_ =	sdelay $0x1  }
0x1d2: {  	v16 =	vadd.f32 v17, v16;
	v17 =	vmul.f32 v22, v18;
	_ =	sdelay $0x1  }
0x1d3: {  	v16 =	vadd.f32 v17, v16;
	_ =	sdelay $0x1  }
0x1d4: {  	[tilespmem:$0x10480] =	vst v16  }
0x1d5: {  	v16 =	vld [tilespmem:s24+$0x88C0]  }
0x1d6: {  	v17 =	vld [tilespmem:s24+$0x88D0]  }
0x1d7: {  	v18 =	vld [tilespmem:s24+$0x890]  }
0x1d8: {  	v19 =	vld [tilespmem:s24+$0x880]  }
0x1d9: {  	v20 =	vld [tilespmem:s24+$0x8A0]  }
0x1da: {  	v21 =	vld [tilespmem:s24+$0x88E0]  }
0x1db: {  	v22 =	vld [tilespmem:s24+$0x8B0]  }
0x1dc: {  	v17 =	vmul.f32 v17, v18;
	v18 =	vld [tilespmem:s24+$0x88F0]  }
0x1dd: {  	v16 =	vmul.f32 v16, v19;
	_ =	sdelay $0x1  }
0x1de: {  	v16 =	vadd.f32 v17, v16;
	v17 =	vmul.f32 v21, v20;
	_ =	sdelay $0x1  }
0x1df: {  	v16 =	vadd.f32 v17, v16;
	v17 =	vmul.f32 v18, v22;
	_ =	sdelay $0x1  }
0x1e0: {  	v16 =	vadd.f32 v17, v16;
	_ =	sdelay $0x1  }
0x1e1: {  	[tilespmem:$0x10490] =	vst v16  }
0x1e2: {  	v16 =	vld [tilespmem:s24+$0x900]  }
0x1e3: {  	v17 =	vld [tilespmem:s24+$0x8940]  }
0x1e4: {  	v18 =	vld [tilespmem:s24+$0x8950]  }
0x1e5: {  	v19 =	vld [tilespmem:s24+$0x910]  }
0x1e6: {  	v20 =	vld [tilespmem:s24+$0x920]  }
0x1e7: {  	v21 =	vld [tilespmem:s24+$0x8960]  }
0x1e8: {  	v16 =	vmul.f32 v17, v16;
	v17 =	vld [tilespmem:s24+$0x930]  }
0x1e9: {  	v22 =	vld [tilespmem:s24+$0x8970]  }
0x1ea: {  	v18 =	vmul.f32 v18, v19;
	_ =	sdelay $0x1  }
0x1eb: {  	v16 =	vadd.f32 v18, v16;
	v18 =	vmul.f32 v21, v20;
	_ =	sdelay $0x1  }
0x1ec: {  	v16 =	vadd.f32 v18, v16;
	v17 =	vmul.f32 v22, v17;
	_ =	sdelay $0x1  }
0x1ed: {  	v16 =	vadd.f32 v17, v16;
	_ =	sdelay $0x1  }
0x1ee: {  	[tilespmem:$0x104A0] =	vst v16  }
0x1ef: {  	v16 =	vld [tilespmem:s24+$0x89C0]  }
0x1f0: {  	v17 =	vld [tilespmem:s24+$0x89D0]  }
0x1f1: {  	v18 =	vld [tilespmem:s24+$0x980]  }
0x1f2: {  	v19 =	vld [tilespmem:s24+$0x990]  }
0x1f3: {  	v20 =	vld [tilespmem:s24+$0x9A0]  }
0x1f4: {  	v21 =	vld [tilespmem:s24+$0x89E0]  }
0x1f5: {  	v22 =	vld [tilespmem:s24+$0x9B0]  }
0x1f6: {  	v16 =	vmul.f32 v16, v18;
	v18 =	vld [tilespmem:s24+$0x89F0]  }
0x1f7: {  	v17 =	vmul.f32 v17, v19;
	_ =	sdelay $0x1  }
0x1f8: {  	v16 =	vadd.f32 v17, v16;
	v17 =	vmul.f32 v21, v20;
	_ =	sdelay $0x1  }
0x1f9: {  	v16 =	vadd.f32 v17, v16;
	v17 =	vmul.f32 v18, v22;
	_ =	sdelay $0x1  }
0x1fa: {  	v16 =	vadd.f32 v17, v16;
	_ =	sdelay $0x1  }
0x1fb: {  	[tilespmem:$0x104B0] =	vst v16  }
0x1fc: {  	v16 =	vld [tilespmem:s24+$0x8A40]  }
0x1fd: {  	v17 =	vld [tilespmem:s24+$0x8A50]  }
0x1fe: {  	v18 =	vld [tilespmem:s24+$0xA00]  }
0x1ff: {  	v19 =	vld [tilespmem:s24+$0xA10]  }
0x200: {  	v20 =	vld [tilespmem:s24+$0xA20]  }
0x201: {  	v21 =	vld [tilespmem:s24+$0x8A60]  }
0x202: {  	v22 =	vld [tilespmem:s24+$0xA30]  }
0x203: {  	v16 =	vmul.f32 v16, v18;
	v18 =	vld [tilespmem:s24+$0x8A70]  }
0x204: {  	v17 =	vmul.f32 v17, v19;
	_ =	sdelay $0x1  }
0x205: {  	v16 =	vadd.f32 v17, v16;
	v17 =	vmul.f32 v21, v20;
	_ =	sdelay $0x1  }
0x206: {  	v16 =	vadd.f32 v17, v16;
	v17 =	vmul.f32 v18, v22;
	_ =	sdelay $0x1  }
0x207: {  	v16 =	vadd.f32 v17, v16;
	_ =	sdelay $0x1  }
0x208: {  	[tilespmem:$0x104C0] =	vst v16  }
0x209: {  	v16 =	vld [tilespmem:s24+$0x8AC0]  }
0x20a: {  	v17 =	vld [tilespmem:s24+$0x8AD0]  }
0x20b: {  	v18 =	vld [tilespmem:s24+$0xA80]  }
0x20c: {  	v19 =	vld [tilespmem:s24+$0xA90]  }
0x20d: {  	v20 =	vld [tilespmem:s24+$0xAA0]  }
0x20e: {  	v21 =	vld [tilespmem:s24+$0x8AE0]  }
0x20f: {  	v22 =	vld [tilespmem:s24+$0xAB0]  }
0x210: {  	v16 =	vmul.f32 v16, v18;
	v18 =	vld [tilespmem:s24+$0x8AF0]  }
0x211: {  	v17 =	vmul.f32 v17, v19;
	_ =	sdelay $0x1  }
0x212: {  	v16 =	vadd.f32 v17, v16;
	v17 =	vmul.f32 v21, v20;
	_ =	sdelay $0x1  }
0x213: {  	v16 =	vadd.f32 v17, v16;
	v17 =	vmul.f32 v18, v22;
	_ =	sdelay $0x1  }
0x214: {  	v16 =	vadd.f32 v17, v16;
	_ =	sdelay $0x1  }
0x215: {  	[tilespmem:$0x104D0] =	vst v16  }
0x216: {  	v16 =	vld [tilespmem:s24+$0x8B40]  }
0x217: {  	v17 =	vld [tilespmem:s24+$0x8B50]  }
0x218: {  	v18 =	vld [tilespmem:s24+$0xB00]  }
0x219: {  	v19 =	vld [tilespmem:s24+$0xB10]  }
0x21a: {  	v20 =	vld [tilespmem:s24+$0xB20]  }
0x21b: {  	v21 =	vld [tilespmem:s24+$0x8B60]  }
0x21c: {  	v22 =	vld [tilespmem:s24+$0xB30]  }
0x21d: {  	v16 =	vmul.f32 v16, v18;
	v18 =	vld [tilespmem:s24+$0x8B70]  }
0x21e: {  	v17 =	vmul.f32 v17, v19;
	_ =	sdelay $0x1  }
0x21f: {  	v16 =	vadd.f32 v17, v16;
	v17 =	vmul.f32 v21, v20;
	_ =	sdelay $0x1  }
0x220: {  	v16 =	vadd.f32 v17, v16;
	v17 =	vmul.f32 v18, v22;
	_ =	sdelay $0x1  }
0x221: {  	v16 =	vadd.f32 v17, v16;
	_ =	sdelay $0x1  }
0x222: {  	[tilespmem:$0x104E0] =	vst v16  }
.Ltmp0:
0x223: {  	v16 =	vld [tilespmem:s24+$0x8BC0];
	(pc) =	sbr.rel @p0 .LBB2_2-.Ltmp0, $4  }
0x224: {  	v19 =	vld [tilespmem:s24+$0xB80]  }
0x225: {  	v17 =	vld [tilespmem:s24+$0x8BD0]  }
0x226: {  	v20 =	vld [tilespmem:s24+$0xB90]  }
0x227: {  	v18 =	vld [tilespmem:s24+$0xBA0]  }
0x228: {  	v21 =	vld [tilespmem:s24+$0x8BE0]  }
0x229: {  	v22 =	vld [tilespmem:s24+$0xBB0]  }
0x22a: {  	v23 =	vld [tilespmem:s24+$0x8BF0]  }
0x22b: {  	v16 =	vmul.f32 v16, v19;
	v17 =	vmul.f32 v17, v20;
	_ =	sdelay $0x1  }
0x22c: {  	v16 =	vadd.f32 v17, v16;
	v17 =	vmul.f32 v21, v18;
	_ =	sdelay $0x1  }
0x22d: {  	v16 =	vadd.f32 v17, v16;
	v17 =	vmul.f32 v23, v22;
	_ =	sdelay $0x1  }
0x22e: {  	v16 =	vadd.f32 v17, v16;
	_ =	sdelay $0x1  }
0x22f: {  	[tilespmem:$0x104F0] =	vst v16  }
0x230: {  	v16 =	vld.idx.msk [tilespmem:v0+s17+$0x0], $0xffff  }
0x231: {  	v17 =	vld.idx.msk [tilespmem:v1+s17+$0x0], $0xffff;
	_ =	sdelay $0x1  }
0x232: {  	v18 =	vld.idx.msk [tilespmem:v2+s17+$0x0], $0xffff;
	_ =	sdelay $0x1  }
0x233: {  	v19 =	vld.idx.msk [tilespmem:v3+s17+$0x0], $0xffff  }
0x234: {  	v16 =	vadd.f32 v17, v16  }
0x235: {  	v17 =	vld.idx.msk [tilespmem:v4+s17+$0x0], $0xffff  }
0x236: {  	v16 =	vadd.f32 v18, v16  }
0x237: {  	v18 =	vld.idx.msk [tilespmem:v5+s17+$0x0], $0xffff  }
0x238: {  	v16 =	vadd.f32 v19, v16  }
0x239: {  	v19 =	vld.idx.msk [tilespmem:v6+s17+$0x0], $0xffff  }
0x23a: {  	v16 =	vadd.f32 v17, v16  }
0x23b: {  	v17 =	vld.idx.msk [tilespmem:v7+s17+$0x0], $0xffff  }
0x23c: {  	v16 =	vadd.f32 v18, v16  }
0x23d: {  	v18 =	vld.idx.msk [tilespmem:v8+s17+$0x0], $0xffff  }
0x23e: {  	v16 =	vadd.f32 v19, v16  }
0x23f: {  	v19 =	vld.idx.msk [tilespmem:v9+s17+$0x0], $0xffff  }
0x240: {  	v16 =	vadd.f32 v17, v16  }
0x241: {  	v17 =	vld.idx.msk [tilespmem:v10+s17+$0x0], $0xffff  }
0x242: {  	v16 =	vadd.f32 v18, v16  }
0x243: {  	v18 =	vld.idx.msk [tilespmem:v11+s17+$0x0], $0xffff  }
0x244: {  	v16 =	vadd.f32 v19, v16  }
0x245: {  	v19 =	vld.idx.msk [tilespmem:v12+s17+$0x0], $0xffff  }
0x246: {  	v16 =	vadd.f32 v17, v16  }
0x247: {  	v17 =	vld.idx.msk [tilespmem:v13+s17+$0x0], $0xffff  }
0x248: {  	v16 =	vadd.f32 v18, v16  }
0x249: {  	v18 =	vld.idx.msk [tilespmem:v14+s17+$0x0], $0xffff  }
0x24a: {  	v16 =	vadd.f32 v19, v16  }
0x24b: {  	v19 =	vld.idx.msk [tilespmem:v15+s17+$0x0], $0xffff  }
0x24c: {  	v16 =	vadd.f32 v17, v16;
	_ =	sdelay $0x1  }
0x24d: {  	v16 =	vadd.f32 v18, v16;
	_ =	sdelay $0x1  }
0x24e: {  	v16 =	vadd.f32 v19, v16;
	_ =	sdelay $0x1  }
0x24f: {  	[tilespmem:s25+$0x0] =	vst v16  }
0x250: {  	[tilespmem:s11], [sflag:$0x1] =	stream.indirect.gather [hbm4b:s3+s10], $0x80, s18, s10, $0xb8;
	[tilespmem:$0x10700] =	vst v63  }
0x251: {  	_ = 	snop  }
0x252: {  	[tilespmem:s12], [sflag:$0x1] =	stream.indirect.gather [hbm4b:s3+s10], $0x80, s19, s10, $0xb8;
	[tilespmem:$0x10700] =	vst v63  }
0x253: {  	_ = 	snop  }
0x254: {  	[tilespmem:s13], [sflag:$0x1] =	stream.indirect.gather [hbm4b:s3+s10], $0x80, s20, s10, $0xb8;
	[tilespmem:$0x10700] =	vst v63  }
0x255: {  	_ = 	snop  }
0x256: {  	[tilespmem:s15], [sflag:$0x1] =	stream.indirect.gather [hbm4b:s3+s10], $0x80, s21, s10, $0xb8;
	[tilespmem:$0x10700] =	vst v63  }
0x257: {  	_ =	swait.ge [sflag:s16], $0x4000  }
0x258: {  	[sflag:s16] =	ssyncset.done $0x0  }
0x259: {  	[sflag:s16] =	ssyncadd.s32 $0xFFFFC000  }
0x25a: {  	_ =	swait.ge [sflag:s16], $0x4000  }
0x25b: {  	[sflag:s16] =	ssyncset.done $0x0  }
0x25c: {  	[sflag:s16] =	ssyncadd.s32 $0xFFFFC000  }
0x25d: {  	_ =	swait.ge [sflag:s16], $0x4000  }
0x25e: {  	[sflag:s16] =	ssyncset.done $0x0  }
0x25f: {  	[sflag:s16] =	ssyncadd.s32 $0xFFFFC000  }
0x260: {  	_ =	swait.ge [sflag:s16], $0x4000  }
0x261: {  	[sflag:s16] =	ssyncset.done $0x0  }
0x262: {  	s24 =	simm.s32 $0x800;
	[sflag:s16] =	ssyncadd.s32 $0xFFFFC000  }
0x263: {  	s25 =	simm.s32 $0x8840;
	v16 =	vld [tilespmem:s24+$0xFFFFFC00]  }
0x264: {  	v17 =	vld [tilespmem:s25+$0xFFFFFC10]  }
0x265: {  	v18 =	vld [tilespmem:s24+$0xFFFFFC10]  }
0x266: {  	v19 =	vld [tilespmem:s25+$0xFFFFFC00]  }
0x267: {  	v20 =	vld [tilespmem:s25+$0xFFFFFC20]  }
0x268: {  	v21 =	vld [tilespmem:s24+$0xFFFFFC20]  }
0x269: {  	v22 =	vld [tilespmem:s25+$0xFFFFFC30]  }
0x26a: {  	v23 =	vld [tilespmem:s24+$0xFFFFFC30]  }
0x26b: {  	v17 =	vmul.f32 v17, v18;
	v16 =	vmul.f32 v19, v16;
	_ =	sdelay $0x1  }
0x26c: {  	v16 =	vadd.f32 v17, v16;
	v17 =	vmul.f32 v20, v21;
	_ =	sdelay $0x1  }
0x26d: {  	v16 =	vadd.f32 v17, v16;
	v17 =	vmul.f32 v22, v23;
	_ =	sdelay $0x1  }
0x26e: {  	v16 =	vadd.f32 v17, v16;
	_ =	sdelay $0x1  }
0x26f: {  	[tilespmem:$0x10400] =	vst v16  }
0x270: {  	v16 =	vld [tilespmem:s25+$0xFFFFFC90]  }
0x271: {  	v17 =	vld [tilespmem:s24+$0xFFFFFC80]  }
0x272: {  	v18 =	vld [tilespmem:s24+$0xFFFFFC90]  }
0x273: {  	v19 =	vld [tilespmem:s25+$0xFFFFFC80]  }
0x274: {  	v20 =	vld [tilespmem:s25+$0xFFFFFCA0]  }
0x275: {  	v21 =	vld [tilespmem:s24+$0xFFFFFCA0]  }
0x276: {  	v22 =	vld [tilespmem:s25+$0xFFFFFCB0]  }
0x277: {  	v23 =	vld [tilespmem:s24+$0xFFFFFCB0]  }
0x278: {  	v16 =	vmul.f32 v16, v18;
	v17 =	vmul.f32 v19, v17;
	_ =	sdelay $0x1  }
0x279: {  	v16 =	vadd.f32 v16, v17;
	v17 =	vmul.f32 v20, v21;
	_ =	sdelay $0x1  }
0x27a: {  	v16 =	vadd.f32 v17, v16;
	v17 =	vmul.f32 v22, v23;
	_ =	sdelay $0x1  }
0x27b: {  	v16 =	vadd.f32 v17, v16;
	_ =	sdelay $0x1  }
0x27c: {  	[tilespmem:$0x10410] =	vst v16  }
0x27d: {  	v16 =	vld [tilespmem:s24+$0xFFFFFD00]  }
0x27e: {  	v17 =	vld [tilespmem:s25+$0xFFFFFD00]  }
0x27f: {  	v18 =	vld [tilespmem:s25+$0xFFFFFD10]  }
0x280: {  	v19 =	vld [tilespmem:s24+$0xFFFFFD10]  }
0x281: {  	v20 =	vld [tilespmem:s25+$0xFFFFFD20]  }
0x282: {  	v21 =	vld [tilespmem:s24+$0xFFFFFD20]  }
0x283: {  	v22 =	vld [tilespmem:s25+$0xFFFFFD30]  }
0x284: {  	v23 =	vld [tilespmem:s24+$0xFFFFFD30]  }
0x285: {  	v16 =	vmul.f32 v17, v16;
	v17 =	vmul.f32 v18, v19;
	_ =	sdelay $0x1  }
0x286: {  	v16 =	vadd.f32 v17, v16;
	v17 =	vmul.f32 v20, v21;
	_ =	sdelay $0x1  }
0x287: {  	v16 =	vadd.f32 v17, v16;
	v17 =	vmul.f32 v22, v23;
	_ =	sdelay $0x1  }
0x288: {  	v16 =	vadd.f32 v17, v16;
	_ =	sdelay $0x1  }
0x289: {  	[tilespmem:$0x10420] =	vst v16  }
0x28a: {  	v16 =	vld [tilespmem:s25+$0xFFFFFD80]  }
0x28b: {  	v17 =	vld [tilespmem:s24+$0xFFFFFD80]  }
0x28c: {  	v18 =	vld [tilespmem:s24+$0xFFFFFD90]  }
0x28d: {  	v19 =	vld [tilespmem:s25+$0xFFFFFD90]  }
0x28e: {  	v20 =	vld [tilespmem:s25+$0xFFFFFDA0]  }
0x28f: {  	v21 =	vld [tilespmem:s24+$0xFFFFFDA0]  }
0x290: {  	v22 =	vld [tilespmem:s25+$0xFFFFFDB0]  }
0x291: {  	v23 =	vld [tilespmem:s24+$0xFFFFFDB0]  }
0x292: {  	v16 =	vmul.f32 v16, v17;
	v17 =	vmul.f32 v19, v18;
	_ =	sdelay $0x1  }
0x293: {  	v16 =	vadd.f32 v17, v16;
	v17 =	vmul.f32 v20, v21;
	_ =	sdelay $0x1  }
0x294: {  	v16 =	vadd.f32 v17, v16;
	v17 =	vmul.f32 v22, v23;
	_ =	sdelay $0x1  }
0x295: {  	v16 =	vadd.f32 v17, v16;
	_ =	sdelay $0x1  }
0x296: {  	[tilespmem:$0x10430] =	vst v16  }
0x297: {  	v16 =	vld [tilespmem:s25+$0xFFFFFE10]  }
0x298: {  	v17 =	vld [tilespmem:s24+$0xFFFFFE00]  }
0x299: {  	v18 =	vld [tilespmem:s25+$0xFFFFFE00]  }
0x29a: {  	v19 =	vld [tilespmem:s24+$0xFFFFFE10]  }
0x29b: {  	v20 =	vld [tilespmem:s25+$0xFFFFFE20]  }
0x29c: {  	v21 =	vld [tilespmem:s24+$0xFFFFFE20]  }
0x29d: {  	v22 =	vld [tilespmem:s25+$0xFFFFFE30]  }
0x29e: {  	v23 =	vld [tilespmem:s24+$0xFFFFFE30]  }
0x29f: {  	v17 =	vmul.f32 v18, v17;
	v16 =	vmul.f32 v16, v19;
	_ =	sdelay $0x1  }
0x2a0: {  	v16 =	vadd.f32 v16, v17;
	v17 =	vmul.f32 v20, v21;
	_ =	sdelay $0x1  }
0x2a1: {  	v16 =	vadd.f32 v17, v16;
	v17 =	vmul.f32 v22, v23;
	_ =	sdelay $0x1  }
0x2a2: {  	v16 =	vadd.f32 v17, v16;
	_ =	sdelay $0x1  }
0x2a3: {  	[tilespmem:$0x10440] =	vst v16  }
0x2a4: {  	v16 =	vld [tilespmem:s25+$0xFFFFFE90]  }
0x2a5: {  	v17 =	vld [tilespmem:s24+$0xFFFFFE80]  }
0x2a6: {  	v18 =	vld [tilespmem:s25+$0xFFFFFE80]  }
0x2a7: {  	v19 =	vld [tilespmem:s24+$0xFFFFFE90]  }
0x2a8: {  	v20 =	vld [tilespmem:s25+$0xFFFFFEA0]  }
0x2a9: {  	v21 =	vld [tilespmem:s24+$0xFFFFFEA0]  }
0x2aa: {  	v22 =	vld [tilespmem:s25+$0xFFFFFEB0]  }
0x2ab: {  	v23 =	vld [tilespmem:s24+$0xFFFFFEB0]  }
0x2ac: {  	v17 =	vmul.f32 v18, v17;
	v16 =	vmul.f32 v16, v19;
	_ =	sdelay $0x1  }
0x2ad: {  	v16 =	vadd.f32 v16, v17;
	v17 =	vmul.f32 v20, v21;
	_ =	sdelay $0x1  }
0x2ae: {  	v16 =	vadd.f32 v17, v16;
	v17 =	vmul.f32 v22, v23;
	_ =	sdelay $0x1  }
0x2af: {  	v16 =	vadd.f32 v17, v16;
	_ =	sdelay $0x1  }
0x2b0: {  	[tilespmem:$0x10450] =	vst v16  }
0x2b1: {  	v16 =	vld [tilespmem:s25+$0xFFFFFF00]  }
0x2b2: {  	v17 =	vld [tilespmem:s25+$0xFFFFFF10]  }
0x2b3: {  	v18 =	vld [tilespmem:s24+$0xFFFFFF10]  }
0x2b4: {  	v19 =	vld [tilespmem:s24+$0xFFFFFF00]  }
0x2b5: {  	v20 =	vld [tilespmem:s25+$0xFFFFFF20]  }
0x2b6: {  	v21 =	vld [tilespmem:s24+$0xFFFFFF20]  }
0x2b7: {  	v22 =	vld [tilespmem:s25+$0xFFFFFF30]  }
0x2b8: {  	v23 =	vld [tilespmem:s24+$0xFFFFFF30]  }
0x2b9: {  	v17 =	vmul.f32 v17, v18;
	v16 =	vmul.f32 v16, v19;
	_ =	sdelay $0x1  }
0x2ba: {  	v16 =	vadd.f32 v17, v16;
	v17 =	vmul.f32 v20, v21;
	_ =	sdelay $0x1  }
0x2bb: {  	v16 =	vadd.f32 v17, v16;
	v17 =	vmul.f32 v22, v23;
	_ =	sdelay $0x1  }
0x2bc: {  	v16 =	vadd.f32 v17, v16;
	_ =	sdelay $0x1  }
0x2bd: {  	[tilespmem:$0x10460] =	vst v16  }
0x2be: {  	v16 =	vld [tilespmem:s25+$0xFFFFFF90]  }
0x2bf: {  	v17 =	vld [tilespmem:s25+$0xFFFFFF80]  }
0x2c0: {  	v18 =	vld [tilespmem:s24+$0xFFFFFF80]  }
0x2c1: {  	v19 =	vld [tilespmem:s24+$0xFFFFFF90]  }
0x2c2: {  	v20 =	vld [tilespmem:s25+$0xFFFFFFA0]  }
0x2c3: {  	v21 =	vld [tilespmem:s24+$0xFFFFFFA0]  }
0x2c4: {  	v22 =	vld [tilespmem:s25+$0xFFFFFFB0]  }
0x2c5: {  	v23 =	vld [tilespmem:s24+$0xFFFFFFB0]  }
0x2c6: {  	v17 =	vmul.f32 v17, v18;
	v16 =	vmul.f32 v16, v19;
	_ =	sdelay $0x1  }
0x2c7: {  	v16 =	vadd.f32 v16, v17;
	v17 =	vmul.f32 v20, v21;
	_ =	sdelay $0x1  }
0x2c8: {  	v16 =	vadd.f32 v17, v16;
	v17 =	vmul.f32 v22, v23;
	_ =	sdelay $0x1  }
0x2c9: {  	v16 =	vadd.f32 v17, v16;
	_ =	sdelay $0x1  }
0x2ca: {  	[tilespmem:$0x10470] =	vst v16  }
0x2cb: {  	v16 =	vld [tilespmem:s25+$0x0]  }
0x2cc: {  	v17 =	vld [tilespmem:s25+$0x10]  }
0x2cd: {  	v18 =	vld [tilespmem:s24+$0x0]  }
0x2ce: {  	v19 =	vld [tilespmem:s24+$0x10]  }
0x2cf: {  	v20 =	vld [tilespmem:s25+$0x20]  }
0x2d0: {  	v21 =	vld [tilespmem:s24+$0x20]  }
0x2d1: {  	v22 =	vld [tilespmem:s25+$0x30]  }
0x2d2: {  	v23 =	vld [tilespmem:s24+$0x30]  }
0x2d3: {  	v16 =	vmul.f32 v16, v18;
	v17 =	vmul.f32 v17, v19;
	_ =	sdelay $0x1  }
0x2d4: {  	v16 =	vadd.f32 v17, v16;
	v17 =	vmul.f32 v20, v21;
	_ =	sdelay $0x1  }
0x2d5: {  	v16 =	vadd.f32 v17, v16;
	v17 =	vmul.f32 v22, v23;
	_ =	sdelay $0x1  }
0x2d6: {  	v16 =	vadd.f32 v17, v16;
	_ =	sdelay $0x1  }
0x2d7: {  	[tilespmem:$0x10480] =	vst v16  }
0x2d8: {  	v16 =	vld [tilespmem:s25+$0x80]  }
0x2d9: {  	v17 =	vld [tilespmem:s25+$0x90]  }
0x2da: {  	v18 =	vld [tilespmem:s24+$0x80]  }
0x2db: {  	v19 =	vld [tilespmem:s24+$0x90]  }
0x2dc: {  	v20 =	vld [tilespmem:s24+$0xA0]  }
0x2dd: {  	v21 =	vld [tilespmem:s25+$0xA0]  }
0x2de: {  	v22 =	vld [tilespmem:s24+$0xB0]  }
0x2df: {  	v23 =	vld [tilespmem:s25+$0xB0]  }
0x2e0: {  	v16 =	vmul.f32 v16, v18;
	v17 =	vmul.f32 v17, v19;
	_ =	sdelay $0x1  }
0x2e1: {  	v16 =	vadd.f32 v17, v16;
	v17 =	vmul.f32 v21, v20;
	_ =	sdelay $0x1  }
0x2e2: {  	v16 =	vadd.f32 v17, v16;
	v17 =	vmul.f32 v23, v22;
	_ =	sdelay $0x1  }
0x2e3: {  	v16 =	vadd.f32 v17, v16;
	_ =	sdelay $0x1  }
0x2e4: {  	[tilespmem:$0x10490] =	vst v16  }
0x2e5: {  	v16 =	vld [tilespmem:s25+$0x100]  }
0x2e6: {  	v17 =	vld [tilespmem:s25+$0x110]  }
0x2e7: {  	v18 =	vld [tilespmem:s24+$0x100]  }
0x2e8: {  	v19 =	vld [tilespmem:s24+$0x110]  }
0x2e9: {  	v20 =	vld [tilespmem:s24+$0x120]  }
0x2ea: {  	v21 =	vld [tilespmem:s25+$0x120]  }
0x2eb: {  	v22 =	vld [tilespmem:s24+$0x130]  }
0x2ec: {  	v23 =	vld [tilespmem:s25+$0x130]  }
0x2ed: {  	v16 =	vmul.f32 v16, v18;
	v17 =	vmul.f32 v17, v19;
	_ =	sdelay $0x1  }
0x2ee: {  	v16 =	vadd.f32 v17, v16;
	v17 =	vmul.f32 v21, v20;
	_ =	sdelay $0x1  }
0x2ef: {  	v16 =	vadd.f32 v17, v16;
	v17 =	vmul.f32 v23, v22;
	_ =	sdelay $0x1  }
0x2f0: {  	v16 =	vadd.f32 v17, v16;
	_ =	sdelay $0x1  }
0x2f1: {  	[tilespmem:$0x104A0] =	vst v16  }
0x2f2: {  	v16 =	vld [tilespmem:s25+$0x180]  }
0x2f3: {  	v17 =	vld [tilespmem:s25+$0x190]  }
0x2f4: {  	v18 =	vld [tilespmem:s24+$0x180]  }
0x2f5: {  	v19 =	vld [tilespmem:s24+$0x190]  }
0x2f6: {  	v20 =	vld [tilespmem:s24+$0x1A0]  }
0x2f7: {  	v21 =	vld [tilespmem:s25+$0x1A0]  }
0x2f8: {  	v22 =	vld [tilespmem:s24+$0x1B0]  }
0x2f9: {  	v23 =	vld [tilespmem:s25+$0x1B0]  }
0x2fa: {  	v16 =	vmul.f32 v16, v18;
	v17 =	vmul.f32 v17, v19;
	_ =	sdelay $0x1  }
0x2fb: {  	v16 =	vadd.f32 v17, v16;
	v17 =	vmul.f32 v21, v20;
	_ =	sdelay $0x1  }
0x2fc: {  	v16 =	vadd.f32 v17, v16;
	v17 =	vmul.f32 v23, v22;
	_ =	sdelay $0x1  }
0x2fd: {  	v16 =	vadd.f32 v17, v16;
	_ =	sdelay $0x1  }
0x2fe: {  	[tilespmem:$0x104B0] =	vst v16  }
0x2ff: {  	v16 =	vld [tilespmem:s25+$0x200]  }
0x300: {  	v17 =	vld [tilespmem:s25+$0x210]  }
0x301: {  	v18 =	vld [tilespmem:s24+$0x200]  }
0x302: {  	v19 =	vld [tilespmem:s24+$0x210]  }
0x303: {  	v20 =	vld [tilespmem:s24+$0x220]  }
0x304: {  	v21 =	vld [tilespmem:s25+$0x220]  }
0x305: {  	v22 =	vld [tilespmem:s24+$0x230]  }
0x306: {  	v23 =	vld [tilespmem:s25+$0x230]  }
0x307: {  	v16 =	vmul.f32 v16, v18;
	v17 =	vmul.f32 v17, v19;
	_ =	sdelay $0x1  }
0x308: {  	v16 =	vadd.f32 v17, v16;
	v17 =	vmul.f32 v21, v20;
	_ =	sdelay $0x1  }
0x309: {  	v16 =	vadd.f32 v17, v16;
	v17 =	vmul.f32 v23, v22;
	_ =	sdelay $0x1  }
0x30a: {  	v16 =	vadd.f32 v17, v16;
	_ =	sdelay $0x1  }
0x30b: {  	[tilespmem:$0x104C0] =	vst v16  }
0x30c: {  	v16 =	vld [tilespmem:s25+$0x280]  }
0x30d: {  	v17 =	vld [tilespmem:s25+$0x290]  }
0x30e: {  	v18 =	vld [tilespmem:s24+$0x280]  }
0x30f: {  	v19 =	vld [tilespmem:s24+$0x290]  }
0x310: {  	v20 =	vld [tilespmem:s24+$0x2A0]  }
0x311: {  	v21 =	vld [tilespmem:s25+$0x2A0]  }
0x312: {  	v22 =	vld [tilespmem:s24+$0x2B0]  }
0x313: {  	v23 =	vld [tilespmem:s25+$0x2B0]  }
0x314: {  	v16 =	vmul.f32 v16, v18;
	v17 =	vmul.f32 v17, v19;
	_ =	sdelay $0x1  }
0x315: {  	v16 =	vadd.f32 v17, v16;
	v17 =	vmul.f32 v21, v20;
	_ =	sdelay $0x1  }
0x316: {  	v16 =	vadd.f32 v17, v16;
	v17 =	vmul.f32 v23, v22;
	_ =	sdelay $0x1  }
0x317: {  	v16 =	vadd.f32 v17, v16;
	_ =	sdelay $0x1  }
0x318: {  	[tilespmem:$0x104D0] =	vst v16  }
0x319: {  	v16 =	vld [tilespmem:s25+$0x300]  }
0x31a: {  	v17 =	vld [tilespmem:s25+$0x310]  }
0x31b: {  	v18 =	vld [tilespmem:s24+$0x310]  }
0x31c: {  	v19 =	vld [tilespmem:s24+$0x300]  }
0x31d: {  	v20 =	vld [tilespmem:s24+$0x320]  }
0x31e: {  	v21 =	vld [tilespmem:s25+$0x320]  }
0x31f: {  	v22 =	vld [tilespmem:s24+$0x330]  }
0x320: {  	v23 =	vld [tilespmem:s25+$0x330]  }
0x321: {  	v17 =	vmul.f32 v17, v18;
	v16 =	vmul.f32 v16, v19;
	_ =	sdelay $0x1  }
0x322: {  	v16 =	vadd.f32 v17, v16;
	v17 =	vmul.f32 v21, v20;
	_ =	sdelay $0x1  }
0x323: {  	v16 =	vadd.f32 v17, v16;
	v17 =	vmul.f32 v23, v22;
	_ =	sdelay $0x1  }
0x324: {  	v16 =	vadd.f32 v17, v16;
	_ =	sdelay $0x1  }
0x325: {  	[tilespmem:$0x104E0] =	vst v16  }
0x326: {  	v21 =	vld [tilespmem:s24+$0x380]  }
0x327: {  	v22 =	vld [tilespmem:s25+$0x380]  }
0x328: {  	v19 =	vld [tilespmem:s25+$0x390]  }
0x329: {  	v20 =	vld [tilespmem:s24+$0x390]  }
0x32a: {  	v16 =	vld [tilespmem:s24+$0x3A0]  }
0x32b: {  	v18 =	vld [tilespmem:s25+$0x3A0]  }
0x32c: {  	v17 =	vld [tilespmem:s24+$0x3B0]  }
0x32d: {  	s26 =	simm.s32 $0x0;
	s28 =	simm.s32 $0x10;
	v22 =	vmul.f32 v22, v21;
	v21 =	vld [tilespmem:s25+$0x3B0]  }
.LBB2_4:
0x32e: {  	p0 =	sne.s32 s28, $0xF0;
	v19 =	vmul.f32 v19, v20;
	s24 =	sadd.s32 $0x800, s24;
	s25 =	sadd.s32 $0x800, s25  }
0x32f: {  	s29 =	smov.u32 s28;
	s28 =	sadd.s32 $0x10, s28  }
0x330: {  	v19 =	vadd.f32 v19, v22;
	v16 =	vmul.f32 v18, v16;
	_ =	sdelay $0x1  }
0x331: {  	v16 =	vadd.f32 v16, v19;
	v17 =	vmul.f32 v21, v17;
	_ =	sdelay $0x1  }
0x332: {  	v16 =	vadd.f32 v17, v16;
	_ =	sdelay $0x1  }
0x333: {  	[tilespmem:$0x104F0] =	vst v16  }
0x334: {  	v16 =	vld.idx.msk [tilespmem:v0+s17+$0x0], $0xffff  }
0x335: {  	v17 =	vld.idx.msk [tilespmem:v1+s17+$0x0], $0xffff  }
0x336: {  	v18 =	vld.idx.msk [tilespmem:v2+s17+$0x0], $0xffff  }
0x337: {  	v19 =	vld.idx.msk [tilespmem:v3+s17+$0x0], $0xffff  }
0x338: {  	v20 =	vld.idx.msk [tilespmem:v4+s17+$0x0], $0xffff  }
0x339: {  	v21 =	vld.idx.msk [tilespmem:v5+s17+$0x0], $0xffff  }
0x33a: {  	v22 =	vld.idx.msk [tilespmem:v6+s17+$0x0], $0xffff  }
0x33b: {  	v16 =	vadd.f32 v17, v16;
	v17 =	vld.idx.msk [tilespmem:v7+s17+$0x0], $0xffff  }
0x33c: {  	v23 =	vld.idx.msk [tilespmem:v8+s17+$0x0], $0xffff  }
0x33d: {  	v16 =	vadd.f32 v18, v16;
	v18 =	vld.idx.msk [tilespmem:v9+s17+$0x0], $0xffff  }
0x33e: {  	v24 =	vld.idx.msk [tilespmem:v10+s17+$0x0], $0xffff  }
0x33f: {  	v16 =	vadd.f32 v19, v16;
	v19 =	vld.idx.msk [tilespmem:v11+s17+$0x0], $0xffff  }
0x340: {  	v25 =	vld.idx.msk [tilespmem:v12+s17+$0x0], $0xffff  }
0x341: {  	v16 =	vadd.f32 v20, v16;
	v20 =	vld.idx.msk [tilespmem:v13+s17+$0x0], $0xffff  }
0x342: {  	v26 =	vld.idx.msk [tilespmem:v14+s17+$0x0], $0xffff  }
0x343: {  	v16 =	vadd.f32 v21, v16;
	v21 =	vld.idx.msk [tilespmem:v15+s17+$0x0], $0xffff;
	_ =	sdelay $0x1  }
0x344: {  	v16 =	vadd.f32 v22, v16;
	_ =	sdelay $0x1  }
0x345: {  	v16 =	vadd.f32 v17, v16;
	_ =	sdelay $0x1  }
0x346: {  	v16 =	vadd.f32 v23, v16;
	_ =	sdelay $0x1  }
0x347: {  	v16 =	vadd.f32 v18, v16;
	_ =	sdelay $0x1  }
0x348: {  	v16 =	vadd.f32 v24, v16;
	_ =	sdelay $0x1  }
0x349: {  	v16 =	vadd.f32 v19, v16;
	_ =	sdelay $0x1  }
0x34a: {  	v16 =	vadd.f32 v25, v16;
	_ =	sdelay $0x1  }
0x34b: {  	v16 =	vadd.f32 v20, v16;
	_ =	sdelay $0x1  }
0x34c: {  	v16 =	vadd.f32 v26, v16;
	_ =	sdelay $0x1  }
0x34d: {  	s30 =	sand.u32 $0xF0, s26;
	s26 =	smov.u32 s29;
	v16 =	vadd.f32 v21, v16;
	_ =	sdelay $0x1  }
0x34e: {  	[tilespmem:s30+$0x10600] =	vst v16  }
0x34f: {  	v16 =	vld [tilespmem:s24+$0xFFFFFC00]  }
0x350: {  	v17 =	vld [tilespmem:s25+$0xFFFFFC10]  }
0x351: {  	v18 =	vld [tilespmem:s24+$0xFFFFFC10]  }
0x352: {  	v19 =	vld [tilespmem:s25+$0xFFFFFC00]  }
0x353: {  	v20 =	vld [tilespmem:s25+$0xFFFFFC20]  }
0x354: {  	v21 =	vld [tilespmem:s24+$0xFFFFFC20]  }
0x355: {  	v22 =	vld [tilespmem:s25+$0xFFFFFC30]  }
0x356: {  	v17 =	vmul.f32 v17, v18;
	v18 =	vld [tilespmem:s24+$0xFFFFFC30]  }
0x357: {  	v16 =	vmul.f32 v19, v16;
	_ =	sdelay $0x1  }
0x358: {  	v16 =	vadd.f32 v17, v16;
	v17 =	vmul.f32 v20, v21;
	_ =	sdelay $0x1  }
0x359: {  	v16 =	vadd.f32 v17, v16;
	v17 =	vmul.f32 v22, v18;
	_ =	sdelay $0x1  }
0x35a: {  	v16 =	vadd.f32 v17, v16;
	_ =	sdelay $0x1  }
0x35b: {  	[tilespmem:$0x10400] =	vst v16  }
0x35c: {  	v16 =	vld [tilespmem:s25+$0xFFFFFC90]  }
0x35d: {  	v17 =	vld [tilespmem:s24+$0xFFFFFC80]  }
0x35e: {  	v18 =	vld [tilespmem:s24+$0xFFFFFC90]  }
0x35f: {  	v19 =	vld [tilespmem:s25+$0xFFFFFC80]  }
0x360: {  	v20 =	vld [tilespmem:s25+$0xFFFFFCA0]  }
0x361: {  	v21 =	vld [tilespmem:s24+$0xFFFFFCA0]  }
0x362: {  	v22 =	vld [tilespmem:s25+$0xFFFFFCB0]  }
0x363: {  	v16 =	vmul.f32 v16, v18;
	v18 =	vld [tilespmem:s24+$0xFFFFFCB0]  }
0x364: {  	v17 =	vmul.f32 v19, v17;
	_ =	sdelay $0x1  }
0x365: {  	v16 =	vadd.f32 v16, v17;
	v17 =	vmul.f32 v20, v21;
	_ =	sdelay $0x1  }
0x366: {  	v16 =	vadd.f32 v17, v16;
	v17 =	vmul.f32 v22, v18;
	_ =	sdelay $0x1  }
0x367: {  	v16 =	vadd.f32 v17, v16;
	_ =	sdelay $0x1  }
0x368: {  	[tilespmem:$0x10410] =	vst v16  }
0x369: {  	v16 =	vld [tilespmem:s24+$0xFFFFFD00]  }
0x36a: {  	v17 =	vld [tilespmem:s25+$0xFFFFFD00]  }
0x36b: {  	v18 =	vld [tilespmem:s25+$0xFFFFFD10]  }
0x36c: {  	v19 =	vld [tilespmem:s24+$0xFFFFFD10]  }
0x36d: {  	v20 =	vld [tilespmem:s25+$0xFFFFFD20]  }
0x36e: {  	v21 =	vld [tilespmem:s24+$0xFFFFFD20]  }
0x36f: {  	v16 =	vmul.f32 v17, v16;
	v17 =	vld [tilespmem:s25+$0xFFFFFD30]  }
0x370: {  	v22 =	vld [tilespmem:s24+$0xFFFFFD30]  }
0x371: {  	v18 =	vmul.f32 v18, v19;
	_ =	sdelay $0x1  }
0x372: {  	v16 =	vadd.f32 v18, v16;
	v18 =	vmul.f32 v20, v21;
	_ =	sdelay $0x1  }
0x373: {  	v16 =	vadd.f32 v18, v16;
	v17 =	vmul.f32 v17, v22;
	_ =	sdelay $0x1  }
0x374: {  	v16 =	vadd.f32 v17, v16;
	_ =	sdelay $0x1  }
0x375: {  	[tilespmem:$0x10420] =	vst v16  }
0x376: {  	v16 =	vld [tilespmem:s25+$0xFFFFFD80]  }
0x377: {  	v17 =	vld [tilespmem:s24+$0xFFFFFD80]  }
0x378: {  	v18 =	vld [tilespmem:s24+$0xFFFFFD90]  }
0x379: {  	v19 =	vld [tilespmem:s25+$0xFFFFFD90]  }
0x37a: {  	v20 =	vld [tilespmem:s25+$0xFFFFFDA0]  }
0x37b: {  	v21 =	vld [tilespmem:s24+$0xFFFFFDA0]  }
0x37c: {  	v16 =	vmul.f32 v16, v17;
	v17 =	vld [tilespmem:s25+$0xFFFFFDB0]  }
0x37d: {  	v22 =	vld [tilespmem:s24+$0xFFFFFDB0]  }
0x37e: {  	v18 =	vmul.f32 v19, v18;
	_ =	sdelay $0x1  }
0x37f: {  	v16 =	vadd.f32 v18, v16;
	v18 =	vmul.f32 v20, v21;
	_ =	sdelay $0x1  }
0x380: {  	v16 =	vadd.f32 v18, v16;
	v17 =	vmul.f32 v17, v22;
	_ =	sdelay $0x1  }
0x381: {  	v16 =	vadd.f32 v17, v16;
	_ =	sdelay $0x1  }
0x382: {  	[tilespmem:$0x10430] =	vst v16  }
0x383: {  	v16 =	vld [tilespmem:s25+$0xFFFFFE10]  }
0x384: {  	v17 =	vld [tilespmem:s24+$0xFFFFFE00]  }
0x385: {  	v18 =	vld [tilespmem:s25+$0xFFFFFE00]  }
0x386: {  	v19 =	vld [tilespmem:s24+$0xFFFFFE10]  }
0x387: {  	v20 =	vld [tilespmem:s25+$0xFFFFFE20]  }
0x388: {  	v21 =	vld [tilespmem:s24+$0xFFFFFE20]  }
0x389: {  	v22 =	vld [tilespmem:s25+$0xFFFFFE30]  }
0x38a: {  	v17 =	vmul.f32 v18, v17;
	v18 =	vld [tilespmem:s24+$0xFFFFFE30]  }
0x38b: {  	v16 =	vmul.f32 v16, v19;
	_ =	sdelay $0x1  }
0x38c: {  	v16 =	vadd.f32 v16, v17;
	v17 =	vmul.f32 v20, v21;
	_ =	sdelay $0x1  }
0x38d: {  	v16 =	vadd.f32 v17, v16;
	v17 =	vmul.f32 v22, v18;
	_ =	sdelay $0x1  }
0x38e: {  	v16 =	vadd.f32 v17, v16;
	_ =	sdelay $0x1  }
0x38f: {  	[tilespmem:$0x10440] =	vst v16  }
0x390: {  	v16 =	vld [tilespmem:s25+$0xFFFFFE90]  }
0x391: {  	v17 =	vld [tilespmem:s24+$0xFFFFFE80]  }
0x392: {  	v18 =	vld [tilespmem:s25+$0xFFFFFE80]  }
0x393: {  	v19 =	vld [tilespmem:s24+$0xFFFFFE90]  }
0x394: {  	v20 =	vld [tilespmem:s25+$0xFFFFFEA0]  }
0x395: {  	v21 =	vld [tilespmem:s24+$0xFFFFFEA0]  }
0x396: {  	v22 =	vld [tilespmem:s25+$0xFFFFFEB0]  }
0x397: {  	v17 =	vmul.f32 v18, v17;
	v18 =	vld [tilespmem:s24+$0xFFFFFEB0]  }
0x398: {  	v16 =	vmul.f32 v16, v19;
	_ =	sdelay $0x1  }
0x399: {  	v16 =	vadd.f32 v16, v17;
	v17 =	vmul.f32 v20, v21;
	_ =	sdelay $0x1  }
0x39a: {  	v16 =	vadd.f32 v17, v16;
	v17 =	vmul.f32 v22, v18;
	_ =	sdelay $0x1  }
0x39b: {  	v16 =	vadd.f32 v17, v16;
	_ =	sdelay $0x1  }
0x39c: {  	[tilespmem:$0x10450] =	vst v16  }
0x39d: {  	v16 =	vld [tilespmem:s25+$0xFFFFFF00]  }
0x39e: {  	v17 =	vld [tilespmem:s25+$0xFFFFFF10]  }
0x39f: {  	v18 =	vld [tilespmem:s24+$0xFFFFFF10]  }
0x3a0: {  	v19 =	vld [tilespmem:s24+$0xFFFFFF00]  }
0x3a1: {  	v20 =	vld [tilespmem:s25+$0xFFFFFF20]  }
0x3a2: {  	v21 =	vld [tilespmem:s24+$0xFFFFFF20]  }
0x3a3: {  	v22 =	vld [tilespmem:s25+$0xFFFFFF30]  }
0x3a4: {  	v17 =	vmul.f32 v17, v18;
	v18 =	vld [tilespmem:s24+$0xFFFFFF30]  }
0x3a5: {  	v16 =	vmul.f32 v16, v19;
	_ =	sdelay $0x1  }
0x3a6: {  	v16 =	vadd.f32 v17, v16;
	v17 =	vmul.f32 v20, v21;
	_ =	sdelay $0x1  }
0x3a7: {  	v16 =	vadd.f32 v17, v16;
	v17 =	vmul.f32 v22, v18;
	_ =	sdelay $0x1  }
0x3a8: {  	v16 =	vadd.f32 v17, v16;
	_ =	sdelay $0x1  }
0x3a9: {  	[tilespmem:$0x10460] =	vst v16  }
0x3aa: {  	v16 =	vld [tilespmem:s25+$0xFFFFFF90]  }
0x3ab: {  	v17 =	vld [tilespmem:s25+$0xFFFFFF80]  }
0x3ac: {  	v18 =	vld [tilespmem:s24+$0xFFFFFF80]  }
0x3ad: {  	v19 =	vld [tilespmem:s24+$0xFFFFFF90]  }
0x3ae: {  	v20 =	vld [tilespmem:s25+$0xFFFFFFA0]  }
0x3af: {  	v21 =	vld [tilespmem:s24+$0xFFFFFFA0]  }
0x3b0: {  	v22 =	vld [tilespmem:s25+$0xFFFFFFB0]  }
0x3b1: {  	v17 =	vmul.f32 v17, v18;
	v18 =	vld [tilespmem:s24+$0xFFFFFFB0]  }
0x3b2: {  	v16 =	vmul.f32 v16, v19;
	_ =	sdelay $0x1  }
0x3b3: {  	v16 =	vadd.f32 v16, v17;
	v17 =	vmul.f32 v20, v21;
	_ =	sdelay $0x1  }
0x3b4: {  	v16 =	vadd.f32 v17, v16;
	v17 =	vmul.f32 v22, v18;
	_ =	sdelay $0x1  }
0x3b5: {  	v16 =	vadd.f32 v17, v16;
	_ =	sdelay $0x1  }
0x3b6: {  	[tilespmem:$0x10470] =	vst v16  }
0x3b7: {  	v16 =	vld [tilespmem:s25+$0x0]  }
0x3b8: {  	v17 =	vld [tilespmem:s25+$0x10]  }
0x3b9: {  	v18 =	vld [tilespmem:s24+$0x0]  }
0x3ba: {  	v19 =	vld [tilespmem:s24+$0x10]  }
0x3bb: {  	v20 =	vld [tilespmem:s25+$0x20]  }
0x3bc: {  	v21 =	vld [tilespmem:s24+$0x20]  }
0x3bd: {  	v22 =	vld [tilespmem:s25+$0x30]  }
0x3be: {  	v16 =	vmul.f32 v16, v18;
	v18 =	vld [tilespmem:s24+$0x30]  }
0x3bf: {  	v17 =	vmul.f32 v17, v19;
	_ =	sdelay $0x1  }
0x3c0: {  	v16 =	vadd.f32 v17, v16;
	v17 =	vmul.f32 v20, v21;
	_ =	sdelay $0x1  }
0x3c1: {  	v16 =	vadd.f32 v17, v16;
	v17 =	vmul.f32 v22, v18;
	_ =	sdelay $0x1  }
0x3c2: {  	v16 =	vadd.f32 v17, v16;
	_ =	sdelay $0x1  }
0x3c3: {  	[tilespmem:$0x10480] =	vst v16  }
0x3c4: {  	v16 =	vld [tilespmem:s25+$0x80]  }
0x3c5: {  	v17 =	vld [tilespmem:s25+$0x90]  }
0x3c6: {  	v18 =	vld [tilespmem:s24+$0x80]  }
0x3c7: {  	v19 =	vld [tilespmem:s24+$0x90]  }
0x3c8: {  	v20 =	vld [tilespmem:s24+$0xA0]  }
0x3c9: {  	v21 =	vld [tilespmem:s25+$0xA0]  }
0x3ca: {  	v22 =	vld [tilespmem:s24+$0xB0]  }
0x3cb: {  	v16 =	vmul.f32 v16, v18;
	v18 =	vld [tilespmem:s25+$0xB0]  }
0x3cc: {  	v17 =	vmul.f32 v17, v19;
	_ =	sdelay $0x1  }
0x3cd: {  	v16 =	vadd.f32 v17, v16;
	v17 =	vmul.f32 v21, v20;
	_ =	sdelay $0x1  }
0x3ce: {  	v16 =	vadd.f32 v17, v16;
	v17 =	vmul.f32 v18, v22;
	_ =	sdelay $0x1  }
0x3cf: {  	v16 =	vadd.f32 v17, v16;
	_ =	sdelay $0x1  }
0x3d0: {  	[tilespmem:$0x10490] =	vst v16  }
0x3d1: {  	v16 =	vld [tilespmem:s25+$0x100]  }
0x3d2: {  	v17 =	vld [tilespmem:s25+$0x110]  }
0x3d3: {  	v18 =	vld [tilespmem:s24+$0x100]  }
0x3d4: {  	v19 =	vld [tilespmem:s24+$0x110]  }
0x3d5: {  	v20 =	vld [tilespmem:s24+$0x120]  }
0x3d6: {  	v21 =	vld [tilespmem:s25+$0x120]  }
0x3d7: {  	v22 =	vld [tilespmem:s24+$0x130]  }
0x3d8: {  	v16 =	vmul.f32 v16, v18;
	v18 =	vld [tilespmem:s25+$0x130]  }
0x3d9: {  	v17 =	vmul.f32 v17, v19;
	_ =	sdelay $0x1  }
0x3da: {  	v16 =	vadd.f32 v17, v16;
	v17 =	vmul.f32 v21, v20;
	_ =	sdelay $0x1  }
0x3db: {  	v16 =	vadd.f32 v17, v16;
	v17 =	vmul.f32 v18, v22;
	_ =	sdelay $0x1  }
0x3dc: {  	v16 =	vadd.f32 v17, v16;
	_ =	sdelay $0x1  }
0x3dd: {  	[tilespmem:$0x104A0] =	vst v16  }
0x3de: {  	v16 =	vld [tilespmem:s25+$0x180]  }
0x3df: {  	v17 =	vld [tilespmem:s25+$0x190]  }
0x3e0: {  	v18 =	vld [tilespmem:s24+$0x180]  }
0x3e1: {  	v19 =	vld [tilespmem:s24+$0x190]  }
0x3e2: {  	v20 =	vld [tilespmem:s24+$0x1A0]  }
0x3e3: {  	v21 =	vld [tilespmem:s25+$0x1A0]  }
0x3e4: {  	v22 =	vld [tilespmem:s24+$0x1B0]  }
0x3e5: {  	v16 =	vmul.f32 v16, v18;
	v18 =	vld [tilespmem:s25+$0x1B0]  }
0x3e6: {  	v17 =	vmul.f32 v17, v19;
	_ =	sdelay $0x1  }
0x3e7: {  	v16 =	vadd.f32 v17, v16;
	v17 =	vmul.f32 v21, v20;
	_ =	sdelay $0x1  }
0x3e8: {  	v16 =	vadd.f32 v17, v16;
	v17 =	vmul.f32 v18, v22;
	_ =	sdelay $0x1  }
0x3e9: {  	v16 =	vadd.f32 v17, v16;
	_ =	sdelay $0x1  }
0x3ea: {  	[tilespmem:$0x104B0] =	vst v16  }
0x3eb: {  	v16 =	vld [tilespmem:s25+$0x200]  }
0x3ec: {  	v17 =	vld [tilespmem:s25+$0x210]  }
0x3ed: {  	v18 =	vld [tilespmem:s24+$0x200]  }
0x3ee: {  	v19 =	vld [tilespmem:s24+$0x210]  }
0x3ef: {  	v20 =	vld [tilespmem:s24+$0x220]  }
0x3f0: {  	v21 =	vld [tilespmem:s25+$0x220]  }
0x3f1: {  	v22 =	vld [tilespmem:s24+$0x230]  }
0x3f2: {  	v16 =	vmul.f32 v16, v18;
	v18 =	vld [tilespmem:s25+$0x230]  }
0x3f3: {  	v17 =	vmul.f32 v17, v19;
	_ =	sdelay $0x1  }
0x3f4: {  	v16 =	vadd.f32 v17, v16;
	v17 =	vmul.f32 v21, v20;
	_ =	sdelay $0x1  }
0x3f5: {  	v16 =	vadd.f32 v17, v16;
	v17 =	vmul.f32 v18, v22;
	_ =	sdelay $0x1  }
0x3f6: {  	v16 =	vadd.f32 v17, v16;
	_ =	sdelay $0x1  }
0x3f7: {  	[tilespmem:$0x104C0] =	vst v16  }
0x3f8: {  	v16 =	vld [tilespmem:s25+$0x280]  }
0x3f9: {  	v17 =	vld [tilespmem:s25+$0x290]  }
0x3fa: {  	v18 =	vld [tilespmem:s24+$0x280]  }
0x3fb: {  	v19 =	vld [tilespmem:s24+$0x290]  }
0x3fc: {  	v20 =	vld [tilespmem:s24+$0x2A0]  }
0x3fd: {  	v21 =	vld [tilespmem:s25+$0x2A0]  }
0x3fe: {  	v22 =	vld [tilespmem:s24+$0x2B0]  }
0x3ff: {  	v16 =	vmul.f32 v16, v18;
	v18 =	vld [tilespmem:s25+$0x2B0]  }
0x400: {  	v17 =	vmul.f32 v17, v19;
	_ =	sdelay $0x1  }
0x401: {  	v16 =	vadd.f32 v17, v16;
	v17 =	vmul.f32 v21, v20;
	_ =	sdelay $0x1  }
0x402: {  	v16 =	vadd.f32 v17, v16;
	v17 =	vmul.f32 v18, v22;
	_ =	sdelay $0x1  }
0x403: {  	v16 =	vadd.f32 v17, v16;
	_ =	sdelay $0x1  }
0x404: {  	[tilespmem:$0x104D0] =	vst v16  }
0x405: {  	v16 =	vld [tilespmem:s25+$0x300]  }
0x406: {  	v17 =	vld [tilespmem:s25+$0x310]  }
0x407: {  	v18 =	vld [tilespmem:s24+$0x310]  }
0x408: {  	v19 =	vld [tilespmem:s24+$0x300]  }
0x409: {  	v20 =	vld [tilespmem:s24+$0x320]  }
0x40a: {  	v21 =	vld [tilespmem:s25+$0x320]  }
0x40b: {  	v22 =	vld [tilespmem:s24+$0x330]  }
0x40c: {  	v17 =	vmul.f32 v17, v18;
	v18 =	vld [tilespmem:s25+$0x330]  }
0x40d: {  	v16 =	vmul.f32 v16, v19;
	_ =	sdelay $0x1  }
0x40e: {  	v16 =	vadd.f32 v17, v16;
	v17 =	vmul.f32 v21, v20;
	_ =	sdelay $0x1  }
0x40f: {  	v16 =	vadd.f32 v17, v16;
	v17 =	vmul.f32 v18, v22;
	_ =	sdelay $0x1  }
0x410: {  	v16 =	vadd.f32 v17, v16;
	_ =	sdelay $0x1  }
0x411: {  	[tilespmem:$0x104E0] =	vst v16  }
0x412: {  	v17 =	vld [tilespmem:s24+$0x380]  }
0x413: {  	v21 =	vld [tilespmem:s25+$0x380]  }
0x414: {  	v19 =	vld [tilespmem:s25+$0x390]  }
.Ltmp1:
0x415: {  	v20 =	vld [tilespmem:s24+$0x390];
	(pc) =	sbr.rel @p0 .LBB2_4-.Ltmp1, $4  }
0x416: {  	v16 =	vld [tilespmem:s24+$0x3A0]  }
0x417: {  	v18 =	vld [tilespmem:s25+$0x3A0]  }
0x418: {  	v22 =	vmul.f32 v21, v17;
	v17 =	vld [tilespmem:s24+$0x3B0]  }
0x419: {  	v21 =	vld [tilespmem:s25+$0x3B0]  }
0x41a: {  	v19 =	vmul.f32 v19, v20;
	_ =	sdelay $0x1  }
0x41b: {  	v19 =	vadd.f32 v19, v22;
	v16 =	vmul.f32 v18, v16;
	_ =	sdelay $0x1  }
0x41c: {  	v16 =	vadd.f32 v16, v19;
	v17 =	vmul.f32 v21, v17;
	_ =	sdelay $0x1  }
0x41d: {  	v16 =	vadd.f32 v17, v16;
	_ =	sdelay $0x1  }
0x41e: {  	[tilespmem:$0x104F0] =	vst v16  }
0x41f: {  	v16 =	vld.idx.msk [tilespmem:v0+s17+$0x0], $0xffff  }
0x420: {  	v1 =	vld.idx.msk [tilespmem:v1+s17+$0x0], $0xffff;
	_ =	sdelay $0x1  }
0x421: {  	v2 =	vld.idx.msk [tilespmem:v2+s17+$0x0], $0xffff;
	_ =	sdelay $0x1  }
0x422: {  	v3 =	vld.idx.msk [tilespmem:v3+s17+$0x0], $0xffff  }
0x423: {  	v1 =	vadd.f32 v1, v16  }
0x424: {  	v4 =	vld.idx.msk [tilespmem:v4+s17+$0x0], $0xffff  }
0x425: {  	v1 =	vadd.f32 v2, v1  }
0x426: {  	v2 =	vld.idx.msk [tilespmem:v5+s17+$0x0], $0xffff  }
0x427: {  	v1 =	vadd.f32 v3, v1  }
0x428: {  	v3 =	vld.idx.msk [tilespmem:v6+s17+$0x0], $0xffff  }
0x429: {  	v1 =	vadd.f32 v4, v1  }
0x42a: {  	v61 =	vld.idx.msk [tilespmem:v7+s17+$0x0], $0xffff  }
0x42b: {  	v1 =	vadd.f32 v2, v1  }
0x42c: {  	v2 =	vld.idx.msk [tilespmem:v8+s17+$0x0], $0xffff  }
0x42d: {  	v1 =	vadd.f32 v3, v1  }
0x42e: {  	v3 =	vld.idx.msk [tilespmem:v9+s17+$0x0], $0xffff  }
0x42f: {  	v1 =	vadd.f32 v61, v1  }
0x430: {  	v62 =	vld.idx.msk [tilespmem:v10+s17+$0x0], $0xffff  }
0x431: {  	v1 =	vadd.f32 v2, v1  }
0x432: {  	v2 =	vld.idx.msk [tilespmem:v11+s17+$0x0], $0xffff  }
0x433: {  	v1 =	vadd.f32 v3, v1  }
0x434: {  	v3 =	vld.idx.msk [tilespmem:v12+s17+$0x0], $0xffff  }
0x435: {  	v1 =	vadd.f32 v62, v1  }
0x436: {  	v63 =	vld.idx.msk [tilespmem:v13+s17+$0x0], $0xffff  }
0x437: {  	v1 =	vadd.f32 v2, v1  }
0x438: {  	v2 =	vld.idx.msk [tilespmem:v14+s17+$0x0], $0xffff  }
0x439: {  	v1 =	vadd.f32 v3, v1  }
0x43a: {  	v3 =	vld.idx.msk [tilespmem:v15+s17+$0x0], $0xffff  }
0x43b: {  	v1 =	vadd.f32 v63, v1;
	_ =	sdelay $0x1  }
0x43c: {  	v1 =	vadd.f32 v2, v1;
	_ =	sdelay $0x1  }
0x43d: {  	s23 =	sadd.s32 $0x1, s23;
	v1 =	vadd.f32 v3, v1  }
0x43e: {  	s24 =	sand.u32 $0xF0, s26;
	p0 =	sne.s32 s23, s7  }
.Ltmp2:
0x43f: {  	[tilespmem:s24+$0x10600] =	vst v1;
	(pc) =	sbr.rel @p0 .LBB2_1-.Ltmp2, $4  }
0x440: {  	[hbm4b:s6+s1] =	stream.linear.scatter [tilespmem:s22], [sflag:$0x2], $0x200, $0x38;
	[tilespmem:$0x10700] =	vst v63  }
0x441: {  	_ =	swait.ge [sflag:s8], $0x200  }
0x442: {  	[sflag:s8] =	ssyncset.done $0x0  }
0x443: {  	[sflag:s8] =	ssyncadd.s32 $0xFFFFFE00  }
0x444: {  	_ =	sfence.sel $0x180000  }
0x445: {  	[bflag:$0x0] =	sbarrier.arrive $0xFFFF  }
0x446: {  	p0 =	sne.s32 s2, $0x0;
	_ =	strace $0x90000047  }
0x447: {  	s0 =	sadd.s32 @!p0 $0x100000, s0;
	[bflag:$0x2] =	sbarrier.arrive $0xFFFF  }
0x448: {  	[sflag:s0] =	ssyncadd.tile.s32 @!p0 $0x1;
	_ =	shalt  }
.Lfunc_end2:
_tile_overlayer_lowered:
.L_overlay_start_2:
0x449: {  	(tag) =	ssettag $0x2  }
0x44a: {  	s0 =	rddreg [dreg:$0x0];
	s2 =	stileid.u32  }
0x44b: {  	s1 =	rddreg [dreg:$0x1];
	p0 =	sne.s32 s2, $0x0  }
0x44c: {  	s3 =	rddreg [dreg:$0x2];
	[bflag:$0x3] =	sbarrier.arrive $0xFFFF;
	s2 =	simm.s32 @!p0 $0x1C02  }
0x44d: {  	[timem:s3], [sflag:s2] =	dma.local @!p0 [hbm:s0], s1  }
0x44e: {  	s0 =	simm.s32 @!p0 $0x2  }
0x44f: {  	_ =	swait.ge @!p0 [sflag:s0], s1  }
0x450: {  	s1 =	ssub.s32 @!p0 $0x0, s1;
	[sflag:s0] =	ssyncset.done @!p0 $0x0  }
0x451: {  	[sflag:s0] =	ssyncadd.s32 @!p0 s1  }
0x452: {  	[bflag:$0x3] =	sbarrier.arrive $0xFFFF  }
0x453: {  	_ =	shalt  }

</sc_bundles>
